<compile_context>
chip_gen: v7x
topology: tpu7x:2x2x1
jax: 0.10.2.dev20260603
libtpu: 0.0.44.dev20260713+nightly
codegen_flags: <defaults>
</compile_context>

<pallas_src>
import jax
import jax.numpy as jnp
from jax import lax
from jax.experimental import pallas as pl
from jax.experimental.pallas import tpu as pltpu
from jax.experimental.pallas import tpu_sc as plsc

_NEG = -1e30
_LN2 = 0.6931471805599453
_T = 513
_TF = 257
_RENORM = 8
_NBLK = 32

_GATHER_DNUMS = lax.GatherDimensionNumbers(
    offset_dims=(), collapsed_slice_dims=(0,), start_index_map=(0,))


def _bc(x, idx):
    return lax.gather(x, idx[:, None], _GATHER_DNUMS, (1,),
                      mode=lax.GatherScatterMode.PROMISE_IN_BOUNDS)


def _sc_body(fwd_hbm, bwd_hbm, out_hbm, scores_v, stage_v, peer_v, shared,
             out_v, sem):
    sid = lax.axis_index("s")

    iota = lax.iota(jnp.int32, 16)
    perms = [iota ^ (1 << j) for j in range(4)]
    lane_mask = [((iota >> j) & 1).astype(jnp.float32) for j in range(4)]
    fulls = [jnp.full((16,), j, jnp.int32) for j in range(16)]

    @pl.when(sid == 0)
    def _():
        pltpu.sync_copy(fwd_hbm, scores_v)

    @pl.when(sid == 1)
    def _():
        pltpu.sync_copy(bwd_hbm, scores_v.at[pl.ds(0, _T - _TF)])

    def advance(a, srow):
        w = jnp.exp(srow)
        wj = [_bc(w, fulls[j]) for j in range(8)]
        wm = [wj[j] * lane_mask[j] for j in range(4)]
        new = []
        for r in range(16):
            acc = a[r]
            for j in range(4):
                acc = acc + wm[j] * _bc(a[r], perms[j])
            for j in range(4):
                if (r >> j) & 1:
                    acc = acc + wj[4 + j] * a[r ^ (1 << j)]
            new.append(acc)
        return new

    def rescale(a, k_acc):
        vm = a[0]
        for r in range(1, 16):
            vm = jnp.maximum(vm, a[r])
        for j in range(4):
            vm = jnp.maximum(vm, _bc(vm, perms[j]))
        e = (plsc.bitcast(vm, jnp.int32) >> 23) & 255
        scale = plsc.bitcast((254 - e) << 23, jnp.float32)
        return [x * scale for x in a], e - 127 + k_acc

    @pl.when(sid < 2)
    def _():
        def quad(q, carry):
            a = list(carry[:16])
            for u in range(4):
                a = advance(a, scores_v[4 * q + u])
            return tuple(a)

        def block(b, carry):
            a = lax.fori_loop(b * (_RENORM // 4), (b + 1) * (_RENORM // 4),
                              quad, carry[:16])
            a, k_acc = rescale(list(a), carry[16])
            return (*a, k_acc)

        init = [(iota == 0).astype(jnp.float32)] + \
               [jnp.zeros((16,), jnp.float32)] * 15
        fin = lax.fori_loop(0, _NBLK, block,
                            (*init, jnp.zeros((16,), jnp.int32)))
        a = list(fin[:16])
        k_acc = fin[16]

        @pl.when(sid == 0)
        def _():
            for r, x in enumerate(advance(a, scores_v[_TF - 1])):
                stage_v[r] = x
            stage_v[16] = plsc.bitcast(k_acc, jnp.float32)

        @pl.when(sid == 1)
        def _():
            for r in range(16):
                stage_v[r] = a[r]
            stage_v[16] = plsc.bitcast(k_acc, jnp.float32)

    @pl.when(sid == 1)
    def _():
        pltpu.sync_copy(stage_v, shared)

    plsc.subcore_barrier()

    @pl.when(sid == 0)
    def _():
        pltpu.sync_copy(shared, peer_v)
        rev = iota ^ 15
        dot = stage_v[0] * _bc(peer_v[15], rev)
        for r in range(1, 16):
            dot = dot + stage_v[r] * _bc(peer_v[15 - r], rev)
        for j in range(4):
            dot = dot + _bc(dot, perms[j])
        k_tot = (plsc.bitcast(stage_v[16], jnp.int32)
                 + plsc.bitcast(peer_v[16], jnp.int32))
        x = dot
        xe = (plsc.bitcast(x, jnp.int32) >> 23) & 255
        mant = x * plsc.bitcast((254 - xe) << 23, jnp.float32)
        t = (mant - 1.0) / (mant + 1.0)
        y = 2.0 * t + (2.0 / 3.0) * t * t * t
        y = y + mant * jnp.exp(-y) - 1.0
        y = y + mant * jnp.exp(-y) - 1.0
        res = y + (xe - 127 + k_tot).astype(jnp.float32) * _LN2
        out_v[...] = res
        pltpu.sync_copy(out_v, out_hbm)


@jax.jit
def _sc_forward(fwd, bwd):
    run = pl.kernel(
        _sc_body,
        mesh=plsc.VectorSubcoreMesh(core_axis_name="c", subcore_axis_name="s",
                                    num_cores=1),
        out_type=jax.ShapeDtypeStruct((16,), jnp.float32),
        scratch_types=[
            pltpu.VMEM((_TF, 16), jnp.float32),
            pltpu.VMEM((17, 16), jnp.float32),
            pltpu.VMEM((17, 16), jnp.float32),
            pltpu.VMEM_SHARED((17, 16), jnp.float32),
            pltpu.VMEM((16,), jnp.float32),
            pltpu.SemaphoreType.DMA,
        ],
        compiler_params=pltpu.CompilerParams(needs_layout_passes=False),
    )
    return run(fwd, bwd)


def kernel(scores, num_slot, num_tokens):
    sp = jnp.pad(scores.T, ((0, 0), (0, 8)), constant_values=_NEG)
    fwd = sp[:_TF]
    bwd = sp[:_TF - 1:-1]
    return _sc_forward(fwd, bwd)[0]

# --- scband reference (transcript-rebuilt; emitter-appended) ---
"""Pipeline reference for scband-lattice-23063974379522 (READ-ONLY COPY).

The authoritative reference and input builder live on the scoring server;
editing this copy changes nothing except your own understanding.
"""

import jax, jax.numpy as jnp
import numpy as np

NUM_SLOT = 8
NUM_TOKENS = 512
NEG = -1e30


def _lse(x, axis):
    m = jnp.max(x, axis=axis, keepdims=True)
    out = m + jnp.log(jnp.sum(jnp.exp(x - m), axis=axis, keepdims=True))
    return jnp.squeeze(out, axis=axis)


def _forward_alg(scores, num_slot, num_tokens):
    # Dense reformulation of Lattice._forward_alg for the all-'Column'-slot case:
    # lattice_weight[(j, 'Column')] maps every token id i in [0, num_tokens] to scores[j, i].
    # alpha state vector over 2^num_slot uniqueness bitmasks; NaN sentinel in the
    # original code is represented by NEG (= -1e30, acts as log(0)).
    J = scores.shape[0]
    S = 2 ** J
    scores = scores + jnp.asarray(num_slot + num_tokens, scores.dtype) * 0
    states = jnp.arange(S)
    js = jnp.arange(J)
    bits = (states[:, None] >> js[None, :]) & 1            # [S, J] bit j of state m
    src = states[:, None] ^ (1 << js)[None, :]             # [S, J] predecessor state m ^ 2^j
    alpha0 = jnp.full((S,), NEG, dtype=scores.dtype).at[0].set(0.0)

    def step(alpha, score_i):
        # transition: from state (m - 2^j) assign slot j at this token -> state m
        cand = jnp.where(bits == 1, alpha[src] + score_i[None, :], NEG)   # [S, J]
        all_cand = jnp.concatenate([cand, alpha[:, None]], axis=1)        # include 'stay' path
        new_alpha = _lse(all_cand, 1)
        return new_alpha, None

    alpha_final, _ = jax.lax.scan(step, alpha0, scores.T)  # iterate i = 0..num_tokens
    # partition score: all slots consumed (state 2^num_slot - 1)
    return alpha_final[S - 1]


def setup_inputs(seed: int = 0):
    key = jax.random.key(seed)
    scores = jax.random.normal(key, (NUM_SLOT, NUM_TOKENS + 1), dtype=jnp.float32)
    return {"scores": scores, "num_slot": NUM_SLOT, "num_tokens": NUM_TOKENS}


def reference(scores, num_slot, num_tokens):
    return _forward_alg(scores, num_slot, num_tokens)

if __name__ == "__main__":
    import jax
    _d = setup_inputs()
    print(jax.jit(kernel)(*tuple(_d.values())))

</pallas_src>

<mosaic_0001>
#map = affine_map<(d0, d1) -> (0, 0)>
#map1 = affine_map<(d0, d1) -> (0)>
module attributes {stable_mosaic.version = 14 : i64} {
  func.func @_sc_body(%arg0: i32, %arg1: i32, %arg2: memref<257x16xf32, #tpu.memory_space<hbm>>, %arg3: memref<256x16xf32, #tpu.memory_space<hbm>>, %arg4: memref<16xf32, #tpu.memory_space<hbm>>, %arg5: memref<257x16xf32, #tpu.memory_space<vmem>>, %arg6: memref<17x16xf32, #tpu.memory_space<vmem>>, %arg7: memref<17x16xf32, #tpu.memory_space<vmem>>, %arg8: memref<17x16xf32, #tpu.memory_space<vmem_shared>>, %arg9: memref<16xf32, #tpu.memory_space<vmem>>, %arg10: memref<!tpu.dma_semaphore, #tpu.memory_space<semaphore_mem>>) attributes {dimension_semantics = [#tpu.dimension_semantics<core_parallel>, #tpu.dimension_semantics<subcore_parallel>], iteration_bounds = array<i64: 1, 16>, scalar_prefetch = 0 : i64, scratch_operands = 6 : i64, tpu.core_type = #tpu.core_type<sc_vector_subcore>, window_params = [{transform_indices = #map}, {transform_indices = #map}, {transform_indices = #map1}]} {
    %iota3A = tpu.iota {dimensions = array<i32: 0>} : vector<16xi32>
    %xor3A = arith.constant 1 : i32
    %xor3A_0 = vector.broadcast %xor3A : i32 to vector<16xi32>
    %xor3A_1 = arith.xori %iota3A, %xor3A_0 : vector<16xi32>
    %xor3A_2 = arith.constant 2 : i32
    %xor3A_3 = vector.broadcast %xor3A_2 : i32 to vector<16xi32>
    %xor3A_4 = arith.xori %iota3A, %xor3A_3 : vector<16xi32>
    %xor3A_5 = arith.constant 4 : i32
    %xor3A_6 = vector.broadcast %xor3A_5 : i32 to vector<16xi32>
    %xor3A_7 = arith.xori %iota3A, %xor3A_6 : vector<16xi32>
    %xor3A_8 = arith.constant 8 : i32
    %xor3A_9 = vector.broadcast %xor3A_8 : i32 to vector<16xi32>
    %xor3A_10 = arith.xori %iota3A, %xor3A_9 : vector<16xi32>
    %shift_right_arithmetic3A = arith.constant 0 : i32
    %shift_right_arithmetic3A_11 = vector.broadcast %shift_right_arithmetic3A : i32 to vector<16xi32>
    %shift_right_arithmetic3A_12 = arith.shrsi %iota3A, %shift_right_arithmetic3A_11 : vector<16xi32>
    %and3A = arith.constant 1 : i32
    %and3A_13 = vector.broadcast %and3A : i32 to vector<16xi32>
    %and3A_14 = arith.andi %shift_right_arithmetic3A_12, %and3A_13 : vector<16xi32>
    %convert_element_type3A = arith.sitofp %and3A_14 : vector<16xi32> to vector<16xf32>
    %shift_right_arithmetic3A_15 = arith.constant 1 : i32
    %shift_right_arithmetic3A_16 = vector.broadcast %shift_right_arithmetic3A_15 : i32 to vector<16xi32>
    %shift_right_arithmetic3A_17 = arith.shrsi %iota3A, %shift_right_arithmetic3A_16 : vector<16xi32>
    %and3A_18 = arith.constant 1 : i32
    %and3A_19 = vector.broadcast %and3A_18 : i32 to vector<16xi32>
    %and3A_20 = arith.andi %shift_right_arithmetic3A_17, %and3A_19 : vector<16xi32>
    %convert_element_type3A_21 = arith.sitofp %and3A_20 : vector<16xi32> to vector<16xf32>
    %shift_right_arithmetic3A_22 = arith.constant 2 : i32
    %shift_right_arithmetic3A_23 = vector.broadcast %shift_right_arithmetic3A_22 : i32 to vector<16xi32>
    %shift_right_arithmetic3A_24 = arith.shrsi %iota3A, %shift_right_arithmetic3A_23 : vector<16xi32>
    %and3A_25 = arith.constant 1 : i32
    %and3A_26 = vector.broadcast %and3A_25 : i32 to vector<16xi32>
    %and3A_27 = arith.andi %shift_right_arithmetic3A_24, %and3A_26 : vector<16xi32>
    %convert_element_type3A_28 = arith.sitofp %and3A_27 : vector<16xi32> to vector<16xf32>
    %shift_right_arithmetic3A_29 = arith.constant 3 : i32
    %shift_right_arithmetic3A_30 = vector.broadcast %shift_right_arithmetic3A_29 : i32 to vector<16xi32>
    %shift_right_arithmetic3A_31 = arith.shrsi %iota3A, %shift_right_arithmetic3A_30 : vector<16xi32>
    %and3A_32 = arith.constant 1 : i32
    %and3A_33 = vector.broadcast %and3A_32 : i32 to vector<16xi32>
    %and3A_34 = arith.andi %shift_right_arithmetic3A_31, %and3A_33 : vector<16xi32>
    %convert_element_type3A_35 = arith.sitofp %and3A_34 : vector<16xi32> to vector<16xf32>
    %broadcast_in_dim3A = arith.constant 0 : i32
    %broadcast_in_dim3A_36 = vector.broadcast %broadcast_in_dim3A : i32 to vector<16xi32>
    %broadcast_in_dim3A_37 = arith.constant 1 : i32
    %broadcast_in_dim3A_38 = vector.broadcast %broadcast_in_dim3A_37 : i32 to vector<16xi32>
    %broadcast_in_dim3A_39 = arith.constant 2 : i32
    %broadcast_in_dim3A_40 = vector.broadcast %broadcast_in_dim3A_39 : i32 to vector<16xi32>
    %broadcast_in_dim3A_41 = arith.constant 3 : i32
    %broadcast_in_dim3A_42 = vector.broadcast %broadcast_in_dim3A_41 : i32 to vector<16xi32>
    %broadcast_in_dim3A_43 = arith.constant 4 : i32
    %broadcast_in_dim3A_44 = vector.broadcast %broadcast_in_dim3A_43 : i32 to vector<16xi32>
    %broadcast_in_dim3A_45 = arith.constant 5 : i32
    %broadcast_in_dim3A_46 = vector.broadcast %broadcast_in_dim3A_45 : i32 to vector<16xi32>
    %broadcast_in_dim3A_47 = arith.constant 6 : i32
    %broadcast_in_dim3A_48 = vector.broadcast %broadcast_in_dim3A_47 : i32 to vector<16xi32>
    %broadcast_in_dim3A_49 = arith.constant 7 : i32
    %broadcast_in_dim3A_50 = vector.broadcast %broadcast_in_dim3A_49 : i32 to vector<16xi32>
    %broadcast_in_dim3A_51 = arith.constant 8 : i32
    %broadcast_in_dim3A_52 = vector.broadcast %broadcast_in_dim3A_51 : i32 to vector<16xi32>
    %broadcast_in_dim3A_53 = arith.constant 9 : i32
    %broadcast_in_dim3A_54 = vector.broadcast %broadcast_in_dim3A_53 : i32 to vector<16xi32>
    %broadcast_in_dim3A_55 = arith.constant 10 : i32
    %broadcast_in_dim3A_56 = vector.broadcast %broadcast_in_dim3A_55 : i32 to vector<16xi32>
    %broadcast_in_dim3A_57 = arith.constant 11 : i32
    %broadcast_in_dim3A_58 = vector.broadcast %broadcast_in_dim3A_57 : i32 to vector<16xi32>
    %broadcast_in_dim3A_59 = arith.constant 12 : i32
    %broadcast_in_dim3A_60 = vector.broadcast %broadcast_in_dim3A_59 : i32 to vector<16xi32>
    %broadcast_in_dim3A_61 = arith.constant 13 : i32
    %broadcast_in_dim3A_62 = vector.broadcast %broadcast_in_dim3A_61 : i32 to vector<16xi32>
    %broadcast_in_dim3A_63 = arith.constant 14 : i32
    %broadcast_in_dim3A_64 = vector.broadcast %broadcast_in_dim3A_63 : i32 to vector<16xi32>
    %broadcast_in_dim3A_65 = arith.constant 15 : i32
    %broadcast_in_dim3A_66 = vector.broadcast %broadcast_in_dim3A_65 : i32 to vector<16xi32>
    %eq3A = arith.constant 0 : i32
    %eq3A_67 = arith.cmpi eq, %arg1, %eq3A : i32
    %convert_element_type3A_68 = arith.extui %eq3A_67 : i1 to i32
    %cond3A = arith.constant 0 : i32
    %cond3A_69 = arith.cmpi ne, %convert_element_type3A_68, %cond3A : i32
    scf.if %cond3A_69 {
      "tpu.region"() ({
        %run_scoped3A = tpu.sem_alloc : memref<!tpu.dma_semaphore, #tpu.memory_space<semaphore_mem>>
        tpu.enqueue_dma source(%arg2 : memref<257x16xf32, #tpu.memory_space<hbm>>) target(%arg5 : memref<257x16xf32, #tpu.memory_space<vmem>>) target_semaphore(%run_scoped3A : memref<!tpu.dma_semaphore, #tpu.memory_space<semaphore_mem>>)
        tpu.wait_dma2 semaphore(%run_scoped3A : memref<!tpu.dma_semaphore, #tpu.memory_space<semaphore_mem>>) src(%arg2 : memref<257x16xf32, #tpu.memory_space<hbm>>) dst(%arg5 : memref<257x16xf32, #tpu.memory_space<vmem>>)
        tpu.yield
      }) : () -> ()
    } else {
    }
    %eq3A_70 = arith.constant 1 : i32
    %eq3A_71 = arith.cmpi eq, %arg1, %eq3A_70 : i32
    %convert_element_type3A_72 = arith.extui %eq3A_71 : i1 to i32
    %cond3A_73 = arith.constant 0 : i32
    %cond3A_74 = arith.cmpi ne, %convert_element_type3A_72, %cond3A_73 : i32
    scf.if %cond3A_74 {
      "tpu.region"() ({
        %run_scoped3A = tpu.sem_alloc : memref<!tpu.dma_semaphore, #tpu.memory_space<semaphore_mem>>
        %dma_start3A = arith.constant 0 : i32
        %dma_start3A_89 = arith.constant 0 : i32
        %dma_start3A_90 = tpu.memref_slice %arg5[%dma_start3A, %dma_start3A_89] : memref<257x16xf32, #tpu.memory_space<vmem>> -> memref<256x16xf32, #tpu.memory_space<vmem>>
        %dma_start3A_91 = arith.constant 0 : i32
        %dma_start3A_92 = arith.constant 0 : i32
        %dma_start3A_93 = tpu.memref_slice %arg5[%dma_start3A_91, %dma_start3A_92] : memref<257x16xf32, #tpu.memory_space<vmem>> -> memref<256x16xf32, #tpu.memory_space<vmem>>
        tpu.enqueue_dma source(%arg3 : memref<256x16xf32, #tpu.memory_space<hbm>>) target(%dma_start3A_93 : memref<256x16xf32, #tpu.memory_space<vmem>>) target_semaphore(%run_scoped3A : memref<!tpu.dma_semaphore, #tpu.memory_space<semaphore_mem>>)
        %dma_wait3A = arith.constant 0 : i32
        %dma_wait3A_94 = arith.constant 0 : i32
        %dma_wait3A_95 = tpu.memref_slice %arg5[%dma_wait3A, %dma_wait3A_94] : memref<257x16xf32, #tpu.memory_space<vmem>> -> memref<256x16xf32, #tpu.memory_space<vmem>>
        %dma_wait3A_96 = arith.constant 0 : i32
        %dma_wait3A_97 = arith.constant 0 : i32
        %dma_wait3A_98 = tpu.memref_slice %arg5[%dma_wait3A_96, %dma_wait3A_97] : memref<257x16xf32, #tpu.memory_space<vmem>> -> memref<256x16xf32, #tpu.memory_space<vmem>>
        tpu.wait_dma2 semaphore(%run_scoped3A : memref<!tpu.dma_semaphore, #tpu.memory_space<semaphore_mem>>) src(%arg3 : memref<256x16xf32, #tpu.memory_space<hbm>>) dst(%dma_wait3A_98 : memref<256x16xf32, #tpu.memory_space<vmem>>)
        tpu.yield
      }) : () -> ()
    } else {
    }
    %lt3A = arith.constant 2 : i32
    %lt3A_75 = arith.cmpi slt, %arg1, %lt3A : i32
    %convert_element_type3A_76 = arith.extui %lt3A_75 : i1 to i32
    %cond3A_77 = arith.constant 0 : i32
    %cond3A_78 = arith.cmpi ne, %convert_element_type3A_76, %cond3A_77 : i32
    scf.if %cond3A_78 {
      %eq3A_89 = arith.constant 0 : i32
      %eq3A_90 = vector.broadcast %eq3A_89 : i32 to vector<16xi32>
      %eq3A_91 = arith.cmpi eq, %iota3A, %eq3A_90 : vector<16xi32>
      %convert_element_type3A_92 = arith.extui %eq3A_91 : vector<16xi1> to vector<16xi32>
      %convert_element_type3A_93 = arith.sitofp %convert_element_type3A_92 : vector<16xi32> to vector<16xf32>
      %broadcast_in_dim3A_94 = arith.constant 0.000000e+00 : f32
      %broadcast_in_dim3A_95 = vector.broadcast %broadcast_in_dim3A_94 : f32 to vector<16xf32>
      %broadcast_in_dim3A_96 = arith.constant 0 : i32
      %broadcast_in_dim3A_97 = vector.broadcast %broadcast_in_dim3A_96 : i32 to vector<16xi32>
      %scan3A = arith.constant 0 : i32
      %scan3A_98 = arith.constant 32 : i32
      %scan3A_99 = arith.addi %scan3A, %scan3A_98 : i32
      %scan3A_100 = arith.constant 1 : i32
      %scan3A_101:17 = scf.for %scan3A_113 = %scan3A to %scan3A_99 step %scan3A_100 iter_args(%scan3A_114 = %convert_element_type3A_93, %scan3A_115 = %broadcast_in_dim3A_95, %scan3A_116 = %broadcast_in_dim3A_95, %scan3A_117 = %broadcast_in_dim3A_95, %scan3A_118 = %broadcast_in_dim3A_95, %scan3A_119 = %broadcast_in_dim3A_95, %scan3A_120 = %broadcast_in_dim3A_95, %scan3A_121 = %broadcast_in_dim3A_95, %scan3A_122 = %broadcast_in_dim3A_95, %scan3A_123 = %broadcast_in_dim3A_95, %scan3A_124 = %broadcast_in_dim3A_95, %scan3A_125 = %broadcast_in_dim3A_95, %scan3A_126 = %broadcast_in_dim3A_95, %scan3A_127 = %broadcast_in_dim3A_95, %scan3A_128 = %broadcast_in_dim3A_95, %scan3A_129 = %broadcast_in_dim3A_95, %scan3A_130 = %broadcast_in_dim3A_97) -> (vector<16xf32>, vector<16xf32>, vector<16xf32>, vector<16xf32>, vector<16xf32>, vector<16xf32>, vector<16xf32>, vector<16xf32>, vector<16xf32>, vector<16xf32>, vector<16xf32>, vector<16xf32>, vector<16xf32>, vector<16xf32>, vector<16xf32>, vector<16xf32>, vector<16xi32>)  : i32 {
        %mul3A = arith.constant 2 : i32
        %mul3A_131 = arith.muli %scan3A_113, %mul3A : i32
        %add3A = arith.constant 1 : i32
        %add3A_132 = arith.addi %scan3A_113, %add3A : i32
        %mul3A_133 = arith.constant 2 : i32
        %mul3A_134 = arith.muli %add3A_132, %mul3A_133 : i32
        %while3A = arith.subi %mul3A_134, %mul3A_131 : i32
        %while3A_135 = arith.addi %mul3A_131, %while3A : i32
        %while3A_136 = arith.constant 1 : i32
        %while3A_137 = arith.divsi %while3A, %while3A_136 : i32
        %while3A_138 = arith.muli %while3A_137, %while3A_136 : i32
        %while3A_139 = arith.addi %mul3A_131, %while3A_138 : i32
        %while3A_140 = arith.constant 1 : i32
        %while3A_141:16 = scf.for %while3A_204 = %mul3A_131 to %while3A_139 step %while3A_140 iter_args(%while3A_205 = %scan3A_114, %while3A_206 = %scan3A_115, %while3A_207 = %scan3A_116, %while3A_208 = %scan3A_117, %while3A_209 = %scan3A_118, %while3A_210 = %scan3A_119, %while3A_211 = %scan3A_120, %while3A_212 = %scan3A_121, %while3A_213 = %scan3A_122, %while3A_214 = %scan3A_123, %while3A_215 = %scan3A_124, %while3A_216 = %scan3A_125, %while3A_217 = %scan3A_126, %while3A_218 = %scan3A_127, %while3A_219 = %scan3A_128, %while3A_220 = %scan3A_129) -> (vector<16xf32>, vector<16xf32>, vector<16xf32>, vector<16xf32>, vector<16xf32>, vector<16xf32>, vector<16xf32>, vector<16xf32>, vector<16xf32>, vector<16xf32>, vector<16xf32>, vector<16xf32>, vector<16xf32>, vector<16xf32>, vector<16xf32>, vector<16xf32>)  : i32 {
          %mul3A_221 = arith.constant 4 : i32
          %mul3A_222 = arith.muli %mul3A_221, %while3A_204 : i32
          %add3A_223 = arith.constant 0 : i32
          %add3A_224 = arith.addi %mul3A_222, %add3A_223 : i32
          %get3A = arith.index_cast %add3A_224 : i32 to index
          %get3A_225 = arith.constant 0 : index
          %get3A_226 = tpu.vector_load %arg5[%get3A, %get3A_225] {strides = array<i32>} : memref<257x16xf32, #tpu.memory_space<vmem>>, vector<16xf32>,
          %exp3A = math.exp %get3A_226 : vector<16xf32>
          %broadcast_in_dim3A_227 = vector.shape_cast %broadcast_in_dim3A_36 : vector<16xi32> to vector<16x1xi32>
          %gather3A_228 = vector.shape_cast %broadcast_in_dim3A_227 : vector<16x1xi32> to vector<16xi32>
          %gather3A_229 = tpu.dynamic_gather %exp3A[%gather3A_228] in [0] : vector<16xf32>, vector<16xi32> -> vector<16xf32>
          %broadcast_in_dim3A_230 = vector.shape_cast %broadcast_in_dim3A_38 : vector<16xi32> to vector<16x1xi32>
          %gather3A_231 = vector.shape_cast %broadcast_in_dim3A_230 : vector<16x1xi32> to vector<16xi32>
          %gather3A_232 = tpu.dynamic_gather %exp3A[%gather3A_231] in [0] : vector<16xf32>, vector<16xi32> -> vector<16xf32>
          %broadcast_in_dim3A_233 = vector.shape_cast %broadcast_in_dim3A_40 : vector<16xi32> to vector<16x1xi32>
          %gather3A_234 = vector.shape_cast %broadcast_in_dim3A_233 : vector<16x1xi32> to vector<16xi32>
          %gather3A_235 = tpu.dynamic_gather %exp3A[%gather3A_234] in [0] : vector<16xf32>, vector<16xi32> -> vector<16xf32>
          %broadcast_in_dim3A_236 = vector.shape_cast %broadcast_in_dim3A_42 : vector<16xi32> to vector<16x1xi32>
          %gather3A_237 = vector.shape_cast %broadcast_in_dim3A_236 : vector<16x1xi32> to vector<16xi32>
          %gather3A_238 = tpu.dynamic_gather %exp3A[%gather3A_237] in [0] : vector<16xf32>, vector<16xi32> -> vector<16xf32>
          %broadcast_in_dim3A_239 = vector.shape_cast %broadcast_in_dim3A_44 : vector<16xi32> to vector<16x1xi32>
          %gather3A_240 = vector.shape_cast %broadcast_in_dim3A_239 : vector<16x1xi32> to vector<16xi32>
          %gather3A_241 = tpu.dynamic_gather %exp3A[%gather3A_240] in [0] : vector<16xf32>, vector<16xi32> -> vector<16xf32>
          %broadcast_in_dim3A_242 = vector.shape_cast %broadcast_in_dim3A_46 : vector<16xi32> to vector<16x1xi32>
          %gather3A_243 = vector.shape_cast %broadcast_in_dim3A_242 : vector<16x1xi32> to vector<16xi32>
          %gather3A_244 = tpu.dynamic_gather %exp3A[%gather3A_243] in [0] : vector<16xf32>, vector<16xi32> -> vector<16xf32>
          %broadcast_in_dim3A_245 = vector.shape_cast %broadcast_in_dim3A_48 : vector<16xi32> to vector<16x1xi32>
          %gather3A_246 = vector.shape_cast %broadcast_in_dim3A_245 : vector<16x1xi32> to vector<16xi32>
          %gather3A_247 = tpu.dynamic_gather %exp3A[%gather3A_246] in [0] : vector<16xf32>, vector<16xi32> -> vector<16xf32>
          %broadcast_in_dim3A_248 = vector.shape_cast %broadcast_in_dim3A_50 : vector<16xi32> to vector<16x1xi32>
          %gather3A_249 = vector.shape_cast %broadcast_in_dim3A_248 : vector<16x1xi32> to vector<16xi32>
          %gather3A_250 = tpu.dynamic_gather %exp3A[%gather3A_249] in [0] : vector<16xf32>, vector<16xi32> -> vector<16xf32>
          %mul3A_251 = arith.mulf %gather3A_229, %convert_element_type3A : vector<16xf32>
          %mul3A_252 = arith.mulf %gather3A_232, %convert_element_type3A_21 : vector<16xf32>
          %mul3A_253 = arith.mulf %gather3A_235, %convert_element_type3A_28 : vector<16xf32>
          %mul3A_254 = arith.mulf %gather3A_238, %convert_element_type3A_35 : vector<16xf32>
          %broadcast_in_dim3A_255 = vector.shape_cast %xor3A_1 : vector<16xi32> to vector<16x1xi32>
          %gather3A_256 = vector.shape_cast %broadcast_in_dim3A_255 : vector<16x1xi32> to vector<16xi32>
          %gather3A_257 = tpu.dynamic_gather %while3A_205[%gather3A_256] in [0] : vector<16xf32>, vector<16xi32> -> vector<16xf32>
          %mul3A_258 = arith.mulf %mul3A_251, %gather3A_257 : vector<16xf32>
          %add3A_259 = arith.addf %while3A_205, %mul3A_258 : vector<16xf32>
          %broadcast_in_dim3A_260 = vector.shape_cast %xor3A_4 : vector<16xi32> to vector<16x1xi32>
          %gather3A_261 = vector.shape_cast %broadcast_in_dim3A_260 : vector<16x1xi32> to vector<16xi32>
          %gather3A_262 = tpu.dynamic_gather %while3A_205[%gather3A_261] in [0] : vector<16xf32>, vector<16xi32> -> vector<16xf32>
          %mul3A_263 = arith.mulf %mul3A_252, %gather3A_262 : vector<16xf32>
          %add3A_264 = arith.addf %add3A_259, %mul3A_263 : vector<16xf32>
          %broadcast_in_dim3A_265 = vector.shape_cast %xor3A_7 : vector<16xi32> to vector<16x1xi32>
          %gather3A_266 = vector.shape_cast %broadcast_in_dim3A_265 : vector<16x1xi32> to vector<16xi32>
          %gather3A_267 = tpu.dynamic_gather %while3A_205[%gather3A_266] in [0] : vector<16xf32>, vector<16xi32> -> vector<16xf32>
          %mul3A_268 = arith.mulf %mul3A_253, %gather3A_267 : vector<16xf32>
          %add3A_269 = arith.addf %add3A_264, %mul3A_268 : vector<16xf32>
          %broadcast_in_dim3A_270 = vector.shape_cast %xor3A_10 : vector<16xi32> to vector<16x1xi32>
          %gather3A_271 = vector.shape_cast %broadcast_in_dim3A_270 : vector<16x1xi32> to vector<16xi32>
          %gather3A_272 = tpu.dynamic_gather %while3A_205[%gather3A_271] in [0] : vector<16xf32>, vector<16xi32> -> vector<16xf32>
          %mul3A_273 = arith.mulf %mul3A_254, %gather3A_272 : vector<16xf32>
          %add3A_274 = arith.addf %add3A_269, %mul3A_273 : vector<16xf32>
          %broadcast_in_dim3A_275 = vector.shape_cast %xor3A_1 : vector<16xi32> to vector<16x1xi32>
          %gather3A_276 = vector.shape_cast %broadcast_in_dim3A_275 : vector<16x1xi32> to vector<16xi32>
          %gather3A_277 = tpu.dynamic_gather %while3A_206[%gather3A_276] in [0] : vector<16xf32>, vector<16xi32> -> vector<16xf32>
          %mul3A_278 = arith.mulf %mul3A_251, %gather3A_277 : vector<16xf32>
          %add3A_279 = arith.addf %while3A_206, %mul3A_278 : vector<16xf32>
          %broadcast_in_dim3A_280 = vector.shape_cast %xor3A_4 : vector<16xi32> to vector<16x1xi32>
          %gather3A_281 = vector.shape_cast %broadcast_in_dim3A_280 : vector<16x1xi32> to vector<16xi32>
          %gather3A_282 = tpu.dynamic_gather %while3A_206[%gather3A_281] in [0] : vector<16xf32>, vector<16xi32> -> vector<16xf32>
          %mul3A_283 = arith.mulf %mul3A_252, %gather3A_282 : vector<16xf32>
          %add3A_284 = arith.addf %add3A_279, %mul3A_283 : vector<16xf32>
          %broadcast_in_dim3A_285 = vector.shape_cast %xor3A_7 : vector<16xi32> to vector<16x1xi32>
          %gather3A_286 = vector.shape_cast %broadcast_in_dim3A_285 : vector<16x1xi32> to vector<16xi32>
          %gather3A_287 = tpu.dynamic_gather %while3A_206[%gather3A_286] in [0] : vector<16xf32>, vector<16xi32> -> vector<16xf32>
          %mul3A_288 = arith.mulf %mul3A_253, %gather3A_287 : vector<16xf32>
          %add3A_289 = arith.addf %add3A_284, %mul3A_288 : vector<16xf32>
          %broadcast_in_dim3A_290 = vector.shape_cast %xor3A_10 : vector<16xi32> to vector<16x1xi32>
          %gather3A_291 = vector.shape_cast %broadcast_in_dim3A_290 : vector<16x1xi32> to vector<16xi32>
          %gather3A_292 = tpu.dynamic_gather %while3A_206[%gather3A_291] in [0] : vector<16xf32>, vector<16xi32> -> vector<16xf32>
          %mul3A_293 = arith.mulf %mul3A_254, %gather3A_292 : vector<16xf32>
          %add3A_294 = arith.addf %add3A_289, %mul3A_293 : vector<16xf32>
          %mul3A_295 = arith.mulf %gather3A_241, %while3A_205 : vector<16xf32>
          %add3A_296 = arith.addf %add3A_294, %mul3A_295 : vector<16xf32>
          %broadcast_in_dim3A_297 = vector.shape_cast %xor3A_1 : vector<16xi32> to vector<16x1xi32>
          %gather3A_298 = vector.shape_cast %broadcast_in_dim3A_297 : vector<16x1xi32> to vector<16xi32>
          %gather3A_299 = tpu.dynamic_gather %while3A_207[%gather3A_298] in [0] : vector<16xf32>, vector<16xi32> -> vector<16xf32>
          %mul3A_300 = arith.mulf %mul3A_251, %gather3A_299 : vector<16xf32>
          %add3A_301 = arith.addf %while3A_207, %mul3A_300 : vector<16xf32>
          %broadcast_in_dim3A_302 = vector.shape_cast %xor3A_4 : vector<16xi32> to vector<16x1xi32>
          %gather3A_303 = vector.shape_cast %broadcast_in_dim3A_302 : vector<16x1xi32> to vector<16xi32>
          %gather3A_304 = tpu.dynamic_gather %while3A_207[%gather3A_303] in [0] : vector<16xf32>, vector<16xi32> -> vector<16xf32>
          %mul3A_305 = arith.mulf %mul3A_252, %gather3A_304 : vector<16xf32>
          %add3A_306 = arith.addf %add3A_301, %mul3A_305 : vector<16xf32>
          %broadcast_in_dim3A_307 = vector.shape_cast %xor3A_7 : vector<16xi32> to vector<16x1xi32>
          %gather3A_308 = vector.shape_cast %broadcast_in_dim3A_307 : vector<16x1xi32> to vector<16xi32>
          %gather3A_309 = tpu.dynamic_gather %while3A_207[%gather3A_308] in [0] : vector<16xf32>, vector<16xi32> -> vector<16xf32>
          %mul3A_310 = arith.mulf %mul3A_253, %gather3A_309 : vector<16xf32>
          %add3A_311 = arith.addf %add3A_306, %mul3A_310 : vector<16xf32>
          %broadcast_in_dim3A_312 = vector.shape_cast %xor3A_10 : vector<16xi32> to vector<16x1xi32>
          %gather3A_313 = vector.shape_cast %broadcast_in_dim3A_312 : vector<16x1xi32> to vector<16xi32>
          %gather3A_314 = tpu.dynamic_gather %while3A_207[%gather3A_313] in [0] : vector<16xf32>, vector<16xi32> -> vector<16xf32>
          %mul3A_315 = arith.mulf %mul3A_254, %gather3A_314 : vector<16xf32>
          %add3A_316 = arith.addf %add3A_311, %mul3A_315 : vector<16xf32>
          %mul3A_317 = arith.mulf %gather3A_244, %while3A_205 : vector<16xf32>
          %add3A_318 = arith.addf %add3A_316, %mul3A_317 : vector<16xf32>
          %broadcast_in_dim3A_319 = vector.shape_cast %xor3A_1 : vector<16xi32> to vector<16x1xi32>
          %gather3A_320 = vector.shape_cast %broadcast_in_dim3A_319 : vector<16x1xi32> to vector<16xi32>
          %gather3A_321 = tpu.dynamic_gather %while3A_208[%gather3A_320] in [0] : vector<16xf32>, vector<16xi32> -> vector<16xf32>
          %mul3A_322 = arith.mulf %mul3A_251, %gather3A_321 : vector<16xf32>
          %add3A_323 = arith.addf %while3A_208, %mul3A_322 : vector<16xf32>
          %broadcast_in_dim3A_324 = vector.shape_cast %xor3A_4 : vector<16xi32> to vector<16x1xi32>
          %gather3A_325 = vector.shape_cast %broadcast_in_dim3A_324 : vector<16x1xi32> to vector<16xi32>
          %gather3A_326 = tpu.dynamic_gather %while3A_208[%gather3A_325] in [0] : vector<16xf32>, vector<16xi32> -> vector<16xf32>
          %mul3A_327 = arith.mulf %mul3A_252, %gather3A_326 : vector<16xf32>
          %add3A_328 = arith.addf %add3A_323, %mul3A_327 : vector<16xf32>
          %broadcast_in_dim3A_329 = vector.shape_cast %xor3A_7 : vector<16xi32> to vector<16x1xi32>
          %gather3A_330 = vector.shape_cast %broadcast_in_dim3A_329 : vector<16x1xi32> to vector<16xi32>
          %gather3A_331 = tpu.dynamic_gather %while3A_208[%gather3A_330] in [0] : vector<16xf32>, vector<16xi32> -> vector<16xf32>
          %mul3A_332 = arith.mulf %mul3A_253, %gather3A_331 : vector<16xf32>
          %add3A_333 = arith.addf %add3A_328, %mul3A_332 : vector<16xf32>
          %broadcast_in_dim3A_334 = vector.shape_cast %xor3A_10 : vector<16xi32> to vector<16x1xi32>
          %gather3A_335 = vector.shape_cast %broadcast_in_dim3A_334 : vector<16x1xi32> to vector<16xi32>
          %gather3A_336 = tpu.dynamic_gather %while3A_208[%gather3A_335] in [0] : vector<16xf32>, vector<16xi32> -> vector<16xf32>
          %mul3A_337 = arith.mulf %mul3A_254, %gather3A_336 : vector<16xf32>
          %add3A_338 = arith.addf %add3A_333, %mul3A_337 : vector<16xf32>
          %mul3A_339 = arith.mulf %gather3A_241, %while3A_207 : vector<16xf32>
          %add3A_340 = arith.addf %add3A_338, %mul3A_339 : vector<16xf32>
          %mul3A_341 = arith.mulf %gather3A_244, %while3A_206 : vector<16xf32>
          %add3A_342 = arith.addf %add3A_340, %mul3A_341 : vector<16xf32>
          %broadcast_in_dim3A_343 = vector.shape_cast %xor3A_1 : vector<16xi32> to vector<16x1xi32>
          %gather3A_344 = vector.shape_cast %broadcast_in_dim3A_343 : vector<16x1xi32> to vector<16xi32>
          %gather3A_345 = tpu.dynamic_gather %while3A_209[%gather3A_344] in [0] : vector<16xf32>, vector<16xi32> -> vector<16xf32>
          %mul3A_346 = arith.mulf %mul3A_251, %gather3A_345 : vector<16xf32>
          %add3A_347 = arith.addf %while3A_209, %mul3A_346 : vector<16xf32>
          %broadcast_in_dim3A_348 = vector.shape_cast %xor3A_4 : vector<16xi32> to vector<16x1xi32>
          %gather3A_349 = vector.shape_cast %broadcast_in_dim3A_348 : vector<16x1xi32> to vector<16xi32>
          %gather3A_350 = tpu.dynamic_gather %while3A_209[%gather3A_349] in [0] : vector<16xf32>, vector<16xi32> -> vector<16xf32>
          %mul3A_351 = arith.mulf %mul3A_252, %gather3A_350 : vector<16xf32>
          %add3A_352 = arith.addf %add3A_347, %mul3A_351 : vector<16xf32>
          %broadcast_in_dim3A_353 = vector.shape_cast %xor3A_7 : vector<16xi32> to vector<16x1xi32>
          %gather3A_354 = vector.shape_cast %broadcast_in_dim3A_353 : vector<16x1xi32> to vector<16xi32>
          %gather3A_355 = tpu.dynamic_gather %while3A_209[%gather3A_354] in [0] : vector<16xf32>, vector<16xi32> -> vector<16xf32>
          %mul3A_356 = arith.mulf %mul3A_253, %gather3A_355 : vector<16xf32>
          %add3A_357 = arith.addf %add3A_352, %mul3A_356 : vector<16xf32>
          %broadcast_in_dim3A_358 = vector.shape_cast %xor3A_10 : vector<16xi32> to vector<16x1xi32>
          %gather3A_359 = vector.shape_cast %broadcast_in_dim3A_358 : vector<16x1xi32> to vector<16xi32>
          %gather3A_360 = tpu.dynamic_gather %while3A_209[%gather3A_359] in [0] : vector<16xf32>, vector<16xi32> -> vector<16xf32>
          %mul3A_361 = arith.mulf %mul3A_254, %gather3A_360 : vector<16xf32>
          %add3A_362 = arith.addf %add3A_357, %mul3A_361 : vector<16xf32>
          %mul3A_363 = arith.mulf %gather3A_247, %while3A_205 : vector<16xf32>
          %add3A_364 = arith.addf %add3A_362, %mul3A_363 : vector<16xf32>
          %broadcast_in_dim3A_365 = vector.shape_cast %xor3A_1 : vector<16xi32> to vector<16x1xi32>
          %gather3A_366 = vector.shape_cast %broadcast_in_dim3A_365 : vector<16x1xi32> to vector<16xi32>
          %gather3A_367 = tpu.dynamic_gather %while3A_210[%gather3A_366] in [0] : vector<16xf32>, vector<16xi32> -> vector<16xf32>
          %mul3A_368 = arith.mulf %mul3A_251, %gather3A_367 : vector<16xf32>
          %add3A_369 = arith.addf %while3A_210, %mul3A_368 : vector<16xf32>
          %broadcast_in_dim3A_370 = vector.shape_cast %xor3A_4 : vector<16xi32> to vector<16x1xi32>
          %gather3A_371 = vector.shape_cast %broadcast_in_dim3A_370 : vector<16x1xi32> to vector<16xi32>
          %gather3A_372 = tpu.dynamic_gather %while3A_210[%gather3A_371] in [0] : vector<16xf32>, vector<16xi32> -> vector<16xf32>
          %mul3A_373 = arith.mulf %mul3A_252, %gather3A_372 : vector<16xf32>
          %add3A_374 = arith.addf %add3A_369, %mul3A_373 : vector<16xf32>
          %broadcast_in_dim3A_375 = vector.shape_cast %xor3A_7 : vector<16xi32> to vector<16x1xi32>
          %gather3A_376 = vector.shape_cast %broadcast_in_dim3A_375 : vector<16x1xi32> to vector<16xi32>
          %gather3A_377 = tpu.dynamic_gather %while3A_210[%gather3A_376] in [0] : vector<16xf32>, vector<16xi32> -> vector<16xf32>
          %mul3A_378 = arith.mulf %mul3A_253, %gather3A_377 : vector<16xf32>
          %add3A_379 = arith.addf %add3A_374, %mul3A_378 : vector<16xf32>
          %broadcast_in_dim3A_380 = vector.shape_cast %xor3A_10 : vector<16xi32> to vector<16x1xi32>
          %gather3A_381 = vector.shape_cast %broadcast_in_dim3A_380 : vector<16x1xi32> to vector<16xi32>
          %gather3A_382 = tpu.dynamic_gather %while3A_210[%gather3A_381] in [0] : vector<16xf32>, vector<16xi32> -> vector<16xf32>
          %mul3A_383 = arith.mulf %mul3A_254, %gather3A_382 : vector<16xf32>
          %add3A_384 = arith.addf %add3A_379, %mul3A_383 : vector<16xf32>
          %mul3A_385 = arith.mulf %gather3A_241, %while3A_209 : vector<16xf32>
          %add3A_386 = arith.addf %add3A_384, %mul3A_385 : vector<16xf32>
          %mul3A_387 = arith.mulf %gather3A_247, %while3A_206 : vector<16xf32>
          %add3A_388 = arith.addf %add3A_386, %mul3A_387 : vector<16xf32>
          %broadcast_in_dim3A_389 = vector.shape_cast %xor3A_1 : vector<16xi32> to vector<16x1xi32>
          %gather3A_390 = vector.shape_cast %broadcast_in_dim3A_389 : vector<16x1xi32> to vector<16xi32>
          %gather3A_391 = tpu.dynamic_gather %while3A_211[%gather3A_390] in [0] : vector<16xf32>, vector<16xi32> -> vector<16xf32>
          %mul3A_392 = arith.mulf %mul3A_251, %gather3A_391 : vector<16xf32>
          %add3A_393 = arith.addf %while3A_211, %mul3A_392 : vector<16xf32>
          %broadcast_in_dim3A_394 = vector.shape_cast %xor3A_4 : vector<16xi32> to vector<16x1xi32>
          %gather3A_395 = vector.shape_cast %broadcast_in_dim3A_394 : vector<16x1xi32> to vector<16xi32>
          %gather3A_396 = tpu.dynamic_gather %while3A_211[%gather3A_395] in [0] : vector<16xf32>, vector<16xi32> -> vector<16xf32>
          %mul3A_397 = arith.mulf %mul3A_252, %gather3A_396 : vector<16xf32>
          %add3A_398 = arith.addf %add3A_393, %mul3A_397 : vector<16xf32>
          %broadcast_in_dim3A_399 = vector.shape_cast %xor3A_7 : vector<16xi32> to vector<16x1xi32>
          %gather3A_400 = vector.shape_cast %broadcast_in_dim3A_399 : vector<16x1xi32> to vector<16xi32>
          %gather3A_401 = tpu.dynamic_gather %while3A_211[%gather3A_400] in [0] : vector<16xf32>, vector<16xi32> -> vector<16xf32>
          %mul3A_402 = arith.mulf %mul3A_253, %gather3A_401 : vector<16xf32>
          %add3A_403 = arith.addf %add3A_398, %mul3A_402 : vector<16xf32>
          %broadcast_in_dim3A_404 = vector.shape_cast %xor3A_10 : vector<16xi32> to vector<16x1xi32>
          %gather3A_405 = vector.shape_cast %broadcast_in_dim3A_404 : vector<16x1xi32> to vector<16xi32>
          %gather3A_406 = tpu.dynamic_gather %while3A_211[%gather3A_405] in [0] : vector<16xf32>, vector<16xi32> -> vector<16xf32>
          %mul3A_407 = arith.mulf %mul3A_254, %gather3A_406 : vector<16xf32>
          %add3A_408 = arith.addf %add3A_403, %mul3A_407 : vector<16xf32>
          %mul3A_409 = arith.mulf %gather3A_244, %while3A_209 : vector<16xf32>
          %add3A_410 = arith.addf %add3A_408, %mul3A_409 : vector<16xf32>
          %mul3A_411 = arith.mulf %gather3A_247, %while3A_207 : vector<16xf32>
          %add3A_412 = arith.addf %add3A_410, %mul3A_411 : vector<16xf32>
          %broadcast_in_dim3A_413 = vector.shape_cast %xor3A_1 : vector<16xi32> to vector<16x1xi32>
          %gather3A_414 = vector.shape_cast %broadcast_in_dim3A_413 : vector<16x1xi32> to vector<16xi32>
          %gather3A_415 = tpu.dynamic_gather %while3A_212[%gather3A_414] in [0] : vector<16xf32>, vector<16xi32> -> vector<16xf32>
          %mul3A_416 = arith.mulf %mul3A_251, %gather3A_415 : vector<16xf32>
          %add3A_417 = arith.addf %while3A_212, %mul3A_416 : vector<16xf32>
          %broadcast_in_dim3A_418 = vector.shape_cast %xor3A_4 : vector<16xi32> to vector<16x1xi32>
          %gather3A_419 = vector.shape_cast %broadcast_in_dim3A_418 : vector<16x1xi32> to vector<16xi32>
          %gather3A_420 = tpu.dynamic_gather %while3A_212[%gather3A_419] in [0] : vector<16xf32>, vector<16xi32> -> vector<16xf32>
          %mul3A_421 = arith.mulf %mul3A_252, %gather3A_420 : vector<16xf32>
          %add3A_422 = arith.addf %add3A_417, %mul3A_421 : vector<16xf32>
          %broadcast_in_dim3A_423 = vector.shape_cast %xor3A_7 : vector<16xi32> to vector<16x1xi32>
          %gather3A_424 = vector.shape_cast %broadcast_in_dim3A_423 : vector<16x1xi32> to vector<16xi32>
          %gather3A_425 = tpu.dynamic_gather %while3A_212[%gather3A_424] in [0] : vector<16xf32>, vector<16xi32> -> vector<16xf32>
          %mul3A_426 = arith.mulf %mul3A_253, %gather3A_425 : vector<16xf32>
          %add3A_427 = arith.addf %add3A_422, %mul3A_426 : vector<16xf32>
          %broadcast_in_dim3A_428 = vector.shape_cast %xor3A_10 : vector<16xi32> to vector<16x1xi32>
          %gather3A_429 = vector.shape_cast %broadcast_in_dim3A_428 : vector<16x1xi32> to vector<16xi32>
          %gather3A_430 = tpu.dynamic_gather %while3A_212[%gather3A_429] in [0] : vector<16xf32>, vector<16xi32> -> vector<16xf32>
          %mul3A_431 = arith.mulf %mul3A_254, %gather3A_430 : vector<16xf32>
          %add3A_432 = arith.addf %add3A_427, %mul3A_431 : vector<16xf32>
          %mul3A_433 = arith.mulf %gather3A_241, %while3A_211 : vector<16xf32>
          %add3A_434 = arith.addf %add3A_432, %mul3A_433 : vector<16xf32>
          %mul3A_435 = arith.mulf %gather3A_244, %while3A_210 : vector<16xf32>
          %add3A_436 = arith.addf %add3A_434, %mul3A_435 : vector<16xf32>
          %mul3A_437 = arith.mulf %gather3A_247, %while3A_208 : vector<16xf32>
          %add3A_438 = arith.addf %add3A_436, %mul3A_437 : vector<16xf32>
          %broadcast_in_dim3A_439 = vector.shape_cast %xor3A_1 : vector<16xi32> to vector<16x1xi32>
          %gather3A_440 = vector.shape_cast %broadcast_in_dim3A_439 : vector<16x1xi32> to vector<16xi32>
          %gather3A_441 = tpu.dynamic_gather %while3A_213[%gather3A_440] in [0] : vector<16xf32>, vector<16xi32> -> vector<16xf32>
          %mul3A_442 = arith.mulf %mul3A_251, %gather3A_441 : vector<16xf32>
          %add3A_443 = arith.addf %while3A_213, %mul3A_442 : vector<16xf32>
          %broadcast_in_dim3A_444 = vector.shape_cast %xor3A_4 : vector<16xi32> to vector<16x1xi32>
          %gather3A_445 = vector.shape_cast %broadcast_in_dim3A_444 : vector<16x1xi32> to vector<16xi32>
          %gather3A_446 = tpu.dynamic_gather %while3A_213[%gather3A_445] in [0] : vector<16xf32>, vector<16xi32> -> vector<16xf32>
          %mul3A_447 = arith.mulf %mul3A_252, %gather3A_446 : vector<16xf32>
          %add3A_448 = arith.addf %add3A_443, %mul3A_447 : vector<16xf32>
          %broadcast_in_dim3A_449 = vector.shape_cast %xor3A_7 : vector<16xi32> to vector<16x1xi32>
          %gather3A_450 = vector.shape_cast %broadcast_in_dim3A_449 : vector<16x1xi32> to vector<16xi32>
          %gather3A_451 = tpu.dynamic_gather %while3A_213[%gather3A_450] in [0] : vector<16xf32>, vector<16xi32> -> vector<16xf32>
          %mul3A_452 = arith.mulf %mul3A_253, %gather3A_451 : vector<16xf32>
          %add3A_453 = arith.addf %add3A_448, %mul3A_452 : vector<16xf32>
          %broadcast_in_dim3A_454 = vector.shape_cast %xor3A_10 : vector<16xi32> to vector<16x1xi32>
          %gather3A_455 = vector.shape_cast %broadcast_in_dim3A_454 : vector<16x1xi32> to vector<16xi32>
          %gather3A_456 = tpu.dynamic_gather %while3A_213[%gather3A_455] in [0] : vector<16xf32>, vector<16xi32> -> vector<16xf32>
          %mul3A_457 = arith.mulf %mul3A_254, %gather3A_456 : vector<16xf32>
          %add3A_458 = arith.addf %add3A_453, %mul3A_457 : vector<16xf32>
          %mul3A_459 = arith.mulf %gather3A_250, %while3A_205 : vector<16xf32>
          %add3A_460 = arith.addf %add3A_458, %mul3A_459 : vector<16xf32>
          %broadcast_in_dim3A_461 = vector.shape_cast %xor3A_1 : vector<16xi32> to vector<16x1xi32>
          %gather3A_462 = vector.shape_cast %broadcast_in_dim3A_461 : vector<16x1xi32> to vector<16xi32>
          %gather3A_463 = tpu.dynamic_gather %while3A_214[%gather3A_462] in [0] : vector<16xf32>, vector<16xi32> -> vector<16xf32>
          %mul3A_464 = arith.mulf %mul3A_251, %gather3A_463 : vector<16xf32>
          %add3A_465 = arith.addf %while3A_214, %mul3A_464 : vector<16xf32>
          %broadcast_in_dim3A_466 = vector.shape_cast %xor3A_4 : vector<16xi32> to vector<16x1xi32>
          %gather3A_467 = vector.shape_cast %broadcast_in_dim3A_466 : vector<16x1xi32> to vector<16xi32>
          %gather3A_468 = tpu.dynamic_gather %while3A_214[%gather3A_467] in [0] : vector<16xf32>, vector<16xi32> -> vector<16xf32>
          %mul3A_469 = arith.mulf %mul3A_252, %gather3A_468 : vector<16xf32>
          %add3A_470 = arith.addf %add3A_465, %mul3A_469 : vector<16xf32>
          %broadcast_in_dim3A_471 = vector.shape_cast %xor3A_7 : vector<16xi32> to vector<16x1xi32>
          %gather3A_472 = vector.shape_cast %broadcast_in_dim3A_471 : vector<16x1xi32> to vector<16xi32>
          %gather3A_473 = tpu.dynamic_gather %while3A_214[%gather3A_472] in [0] : vector<16xf32>, vector<16xi32> -> vector<16xf32>
          %mul3A_474 = arith.mulf %mul3A_253, %gather3A_473 : vector<16xf32>
          %add3A_475 = arith.addf %add3A_470, %mul3A_474 : vector<16xf32>
          %broadcast_in_dim3A_476 = vector.shape_cast %xor3A_10 : vector<16xi32> to vector<16x1xi32>
          %gather3A_477 = vector.shape_cast %broadcast_in_dim3A_476 : vector<16x1xi32> to vector<16xi32>
          %gather3A_478 = tpu.dynamic_gather %while3A_214[%gather3A_477] in [0] : vector<16xf32>, vector<16xi32> -> vector<16xf32>
          %mul3A_479 = arith.mulf %mul3A_254, %gather3A_478 : vector<16xf32>
          %add3A_480 = arith.addf %add3A_475, %mul3A_479 : vector<16xf32>
          %mul3A_481 = arith.mulf %gather3A_241, %while3A_213 : vector<16xf32>
          %add3A_482 = arith.addf %add3A_480, %mul3A_481 : vector<16xf32>
          %mul3A_483 = arith.mulf %gather3A_250, %while3A_206 : vector<16xf32>
          %add3A_484 = arith.addf %add3A_482, %mul3A_483 : vector<16xf32>
          %broadcast_in_dim3A_485 = vector.shape_cast %xor3A_1 : vector<16xi32> to vector<16x1xi32>
          %gather3A_486 = vector.shape_cast %broadcast_in_dim3A_485 : vector<16x1xi32> to vector<16xi32>
          %gather3A_487 = tpu.dynamic_gather %while3A_215[%gather3A_486] in [0] : vector<16xf32>, vector<16xi32> -> vector<16xf32>
          %mul3A_488 = arith.mulf %mul3A_251, %gather3A_487 : vector<16xf32>
          %add3A_489 = arith.addf %while3A_215, %mul3A_488 : vector<16xf32>
          %broadcast_in_dim3A_490 = vector.shape_cast %xor3A_4 : vector<16xi32> to vector<16x1xi32>
          %gather3A_491 = vector.shape_cast %broadcast_in_dim3A_490 : vector<16x1xi32> to vector<16xi32>
          %gather3A_492 = tpu.dynamic_gather %while3A_215[%gather3A_491] in [0] : vector<16xf32>, vector<16xi32> -> vector<16xf32>
          %mul3A_493 = arith.mulf %mul3A_252, %gather3A_492 : vector<16xf32>
          %add3A_494 = arith.addf %add3A_489, %mul3A_493 : vector<16xf32>
          %broadcast_in_dim3A_495 = vector.shape_cast %xor3A_7 : vector<16xi32> to vector<16x1xi32>
          %gather3A_496 = vector.shape_cast %broadcast_in_dim3A_495 : vector<16x1xi32> to vector<16xi32>
          %gather3A_497 = tpu.dynamic_gather %while3A_215[%gather3A_496] in [0] : vector<16xf32>, vector<16xi32> -> vector<16xf32>
          %mul3A_498 = arith.mulf %mul3A_253, %gather3A_497 : vector<16xf32>
          %add3A_499 = arith.addf %add3A_494, %mul3A_498 : vector<16xf32>
          %broadcast_in_dim3A_500 = vector.shape_cast %xor3A_10 : vector<16xi32> to vector<16x1xi32>
          %gather3A_501 = vector.shape_cast %broadcast_in_dim3A_500 : vector<16x1xi32> to vector<16xi32>
          %gather3A_502 = tpu.dynamic_gather %while3A_215[%gather3A_501] in [0] : vector<16xf32>, vector<16xi32> -> vector<16xf32>
          %mul3A_503 = arith.mulf %mul3A_254, %gather3A_502 : vector<16xf32>
          %add3A_504 = arith.addf %add3A_499, %mul3A_503 : vector<16xf32>
          %mul3A_505 = arith.mulf %gather3A_244, %while3A_213 : vector<16xf32>
          %add3A_506 = arith.addf %add3A_504, %mul3A_505 : vector<16xf32>
          %mul3A_507 = arith.mulf %gather3A_250, %while3A_207 : vector<16xf32>
          %add3A_508 = arith.addf %add3A_506, %mul3A_507 : vector<16xf32>
          %broadcast_in_dim3A_509 = vector.shape_cast %xor3A_1 : vector<16xi32> to vector<16x1xi32>
          %gather3A_510 = vector.shape_cast %broadcast_in_dim3A_509 : vector<16x1xi32> to vector<16xi32>
          %gather3A_511 = tpu.dynamic_gather %while3A_216[%gather3A_510] in [0] : vector<16xf32>, vector<16xi32> -> vector<16xf32>
          %mul3A_512 = arith.mulf %mul3A_251, %gather3A_511 : vector<16xf32>
          %add3A_513 = arith.addf %while3A_216, %mul3A_512 : vector<16xf32>
          %broadcast_in_dim3A_514 = vector.shape_cast %xor3A_4 : vector<16xi32> to vector<16x1xi32>
          %gather3A_515 = vector.shape_cast %broadcast_in_dim3A_514 : vector<16x1xi32> to vector<16xi32>
          %gather3A_516 = tpu.dynamic_gather %while3A_216[%gather3A_515] in [0] : vector<16xf32>, vector<16xi32> -> vector<16xf32>
          %mul3A_517 = arith.mulf %mul3A_252, %gather3A_516 : vector<16xf32>
          %add3A_518 = arith.addf %add3A_513, %mul3A_517 : vector<16xf32>
          %broadcast_in_dim3A_519 = vector.shape_cast %xor3A_7 : vector<16xi32> to vector<16x1xi32>
          %gather3A_520 = vector.shape_cast %broadcast_in_dim3A_519 : vector<16x1xi32> to vector<16xi32>
          %gather3A_521 = tpu.dynamic_gather %while3A_216[%gather3A_520] in [0] : vector<16xf32>, vector<16xi32> -> vector<16xf32>
          %mul3A_522 = arith.mulf %mul3A_253, %gather3A_521 : vector<16xf32>
          %add3A_523 = arith.addf %add3A_518, %mul3A_522 : vector<16xf32>
          %broadcast_in_dim3A_524 = vector.shape_cast %xor3A_10 : vector<16xi32> to vector<16x1xi32>
          %gather3A_525 = vector.shape_cast %broadcast_in_dim3A_524 : vector<16x1xi32> to vector<16xi32>
          %gather3A_526 = tpu.dynamic_gather %while3A_216[%gather3A_525] in [0] : vector<16xf32>, vector<16xi32> -> vector<16xf32>
          %mul3A_527 = arith.mulf %mul3A_254, %gather3A_526 : vector<16xf32>
          %add3A_528 = arith.addf %add3A_523, %mul3A_527 : vector<16xf32>
          %mul3A_529 = arith.mulf %gather3A_241, %while3A_215 : vector<16xf32>
          %add3A_530 = arith.addf %add3A_528, %mul3A_529 : vector<16xf32>
          %mul3A_531 = arith.mulf %gather3A_244, %while3A_214 : vector<16xf32>
          %add3A_532 = arith.addf %add3A_530, %mul3A_531 : vector<16xf32>
          %mul3A_533 = arith.mulf %gather3A_250, %while3A_208 : vector<16xf32>
          %add3A_534 = arith.addf %add3A_532, %mul3A_533 : vector<16xf32>
          %broadcast_in_dim3A_535 = vector.shape_cast %xor3A_1 : vector<16xi32> to vector<16x1xi32>
          %gather3A_536 = vector.shape_cast %broadcast_in_dim3A_535 : vector<16x1xi32> to vector<16xi32>
          %gather3A_537 = tpu.dynamic_gather %while3A_217[%gather3A_536] in [0] : vector<16xf32>, vector<16xi32> -> vector<16xf32>
          %mul3A_538 = arith.mulf %mul3A_251, %gather3A_537 : vector<16xf32>
          %add3A_539 = arith.addf %while3A_217, %mul3A_538 : vector<16xf32>
          %broadcast_in_dim3A_540 = vector.shape_cast %xor3A_4 : vector<16xi32> to vector<16x1xi32>
          %gather3A_541 = vector.shape_cast %broadcast_in_dim3A_540 : vector<16x1xi32> to vector<16xi32>
          %gather3A_542 = tpu.dynamic_gather %while3A_217[%gather3A_541] in [0] : vector<16xf32>, vector<16xi32> -> vector<16xf32>
          %mul3A_543 = arith.mulf %mul3A_252, %gather3A_542 : vector<16xf32>
          %add3A_544 = arith.addf %add3A_539, %mul3A_543 : vector<16xf32>
          %broadcast_in_dim3A_545 = vector.shape_cast %xor3A_7 : vector<16xi32> to vector<16x1xi32>
          %gather3A_546 = vector.shape_cast %broadcast_in_dim3A_545 : vector<16x1xi32> to vector<16xi32>
          %gather3A_547 = tpu.dynamic_gather %while3A_217[%gather3A_546] in [0] : vector<16xf32>, vector<16xi32> -> vector<16xf32>
          %mul3A_548 = arith.mulf %mul3A_253, %gather3A_547 : vector<16xf32>
          %add3A_549 = arith.addf %add3A_544, %mul3A_548 : vector<16xf32>
          %broadcast_in_dim3A_550 = vector.shape_cast %xor3A_10 : vector<16xi32> to vector<16x1xi32>
          %gather3A_551 = vector.shape_cast %broadcast_in_dim3A_550 : vector<16x1xi32> to vector<16xi32>
          %gather3A_552 = tpu.dynamic_gather %while3A_217[%gather3A_551] in [0] : vector<16xf32>, vector<16xi32> -> vector<16xf32>
          %mul3A_553 = arith.mulf %mul3A_254, %gather3A_552 : vector<16xf32>
          %add3A_554 = arith.addf %add3A_549, %mul3A_553 : vector<16xf32>
          %mul3A_555 = arith.mulf %gather3A_247, %while3A_213 : vector<16xf32>
          %add3A_556 = arith.addf %add3A_554, %mul3A_555 : vector<16xf32>
          %mul3A_557 = arith.mulf %gather3A_250, %while3A_209 : vector<16xf32>
          %add3A_558 = arith.addf %add3A_556, %mul3A_557 : vector<16xf32>
          %broadcast_in_dim3A_559 = vector.shape_cast %xor3A_1 : vector<16xi32> to vector<16x1xi32>
          %gather3A_560 = vector.shape_cast %broadcast_in_dim3A_559 : vector<16x1xi32> to vector<16xi32>
          %gather3A_561 = tpu.dynamic_gather %while3A_218[%gather3A_560] in [0] : vector<16xf32>, vector<16xi32> -> vector<16xf32>
          %mul3A_562 = arith.mulf %mul3A_251, %gather3A_561 : vector<16xf32>
          %add3A_563 = arith.addf %while3A_218, %mul3A_562 : vector<16xf32>
          %broadcast_in_dim3A_564 = vector.shape_cast %xor3A_4 : vector<16xi32> to vector<16x1xi32>
          %gather3A_565 = vector.shape_cast %broadcast_in_dim3A_564 : vector<16x1xi32> to vector<16xi32>
          %gather3A_566 = tpu.dynamic_gather %while3A_218[%gather3A_565] in [0] : vector<16xf32>, vector<16xi32> -> vector<16xf32>
          %mul3A_567 = arith.mulf %mul3A_252, %gather3A_566 : vector<16xf32>
          %add3A_568 = arith.addf %add3A_563, %mul3A_567 : vector<16xf32>
          %broadcast_in_dim3A_569 = vector.shape_cast %xor3A_7 : vector<16xi32> to vector<16x1xi32>
          %gather3A_570 = vector.shape_cast %broadcast_in_dim3A_569 : vector<16x1xi32> to vector<16xi32>
          %gather3A_571 = tpu.dynamic_gather %while3A_218[%gather3A_570] in [0] : vector<16xf32>, vector<16xi32> -> vector<16xf32>
          %mul3A_572 = arith.mulf %mul3A_253, %gather3A_571 : vector<16xf32>
          %add3A_573 = arith.addf %add3A_568, %mul3A_572 : vector<16xf32>
          %broadcast_in_dim3A_574 = vector.shape_cast %xor3A_10 : vector<16xi32> to vector<16x1xi32>
          %gather3A_575 = vector.shape_cast %broadcast_in_dim3A_574 : vector<16x1xi32> to vector<16xi32>
          %gather3A_576 = tpu.dynamic_gather %while3A_218[%gather3A_575] in [0] : vector<16xf32>, vector<16xi32> -> vector<16xf32>
          %mul3A_577 = arith.mulf %mul3A_254, %gather3A_576 : vector<16xf32>
          %add3A_578 = arith.addf %add3A_573, %mul3A_577 : vector<16xf32>
          %mul3A_579 = arith.mulf %gather3A_241, %while3A_217 : vector<16xf32>
          %add3A_580 = arith.addf %add3A_578, %mul3A_579 : vector<16xf32>
          %mul3A_581 = arith.mulf %gather3A_247, %while3A_214 : vector<16xf32>
          %add3A_582 = arith.addf %add3A_580, %mul3A_581 : vector<16xf32>
          %mul3A_583 = arith.mulf %gather3A_250, %while3A_210 : vector<16xf32>
          %add3A_584 = arith.addf %add3A_582, %mul3A_583 : vector<16xf32>
          %broadcast_in_dim3A_585 = vector.shape_cast %xor3A_1 : vector<16xi32> to vector<16x1xi32>
          %gather3A_586 = vector.shape_cast %broadcast_in_dim3A_585 : vector<16x1xi32> to vector<16xi32>
          %gather3A_587 = tpu.dynamic_gather %while3A_219[%gather3A_586] in [0] : vector<16xf32>, vector<16xi32> -> vector<16xf32>
          %mul3A_588 = arith.mulf %mul3A_251, %gather3A_587 : vector<16xf32>
          %add3A_589 = arith.addf %while3A_219, %mul3A_588 : vector<16xf32>
          %broadcast_in_dim3A_590 = vector.shape_cast %xor3A_4 : vector<16xi32> to vector<16x1xi32>
          %gather3A_591 = vector.shape_cast %broadcast_in_dim3A_590 : vector<16x1xi32> to vector<16xi32>
          %gather3A_592 = tpu.dynamic_gather %while3A_219[%gather3A_591] in [0] : vector<16xf32>, vector<16xi32> -> vector<16xf32>
          %mul3A_593 = arith.mulf %mul3A_252, %gather3A_592 : vector<16xf32>
          %add3A_594 = arith.addf %add3A_589, %mul3A_593 : vector<16xf32>
          %broadcast_in_dim3A_595 = vector.shape_cast %xor3A_7 : vector<16xi32> to vector<16x1xi32>
          %gather3A_596 = vector.shape_cast %broadcast_in_dim3A_595 : vector<16x1xi32> to vector<16xi32>
          %gather3A_597 = tpu.dynamic_gather %while3A_219[%gather3A_596] in [0] : vector<16xf32>, vector<16xi32> -> vector<16xf32>
          %mul3A_598 = arith.mulf %mul3A_253, %gather3A_597 : vector<16xf32>
          %add3A_599 = arith.addf %add3A_594, %mul3A_598 : vector<16xf32>
          %broadcast_in_dim3A_600 = vector.shape_cast %xor3A_10 : vector<16xi32> to vector<16x1xi32>
          %gather3A_601 = vector.shape_cast %broadcast_in_dim3A_600 : vector<16x1xi32> to vector<16xi32>
          %gather3A_602 = tpu.dynamic_gather %while3A_219[%gather3A_601] in [0] : vector<16xf32>, vector<16xi32> -> vector<16xf32>
          %mul3A_603 = arith.mulf %mul3A_254, %gather3A_602 : vector<16xf32>
          %add3A_604 = arith.addf %add3A_599, %mul3A_603 : vector<16xf32>
          %mul3A_605 = arith.mulf %gather3A_244, %while3A_217 : vector<16xf32>
          %add3A_606 = arith.addf %add3A_604, %mul3A_605 : vector<16xf32>
          %mul3A_607 = arith.mulf %gather3A_247, %while3A_215 : vector<16xf32>
          %add3A_608 = arith.addf %add3A_606, %mul3A_607 : vector<16xf32>
          %mul3A_609 = arith.mulf %gather3A_250, %while3A_211 : vector<16xf32>
          %add3A_610 = arith.addf %add3A_608, %mul3A_609 : vector<16xf32>
          %broadcast_in_dim3A_611 = vector.shape_cast %xor3A_1 : vector<16xi32> to vector<16x1xi32>
          %gather3A_612 = vector.shape_cast %broadcast_in_dim3A_611 : vector<16x1xi32> to vector<16xi32>
          %gather3A_613 = tpu.dynamic_gather %while3A_220[%gather3A_612] in [0] : vector<16xf32>, vector<16xi32> -> vector<16xf32>
          %mul3A_614 = arith.mulf %mul3A_251, %gather3A_613 : vector<16xf32>
          %add3A_615 = arith.addf %while3A_220, %mul3A_614 : vector<16xf32>
          %broadcast_in_dim3A_616 = vector.shape_cast %xor3A_4 : vector<16xi32> to vector<16x1xi32>
          %gather3A_617 = vector.shape_cast %broadcast_in_dim3A_616 : vector<16x1xi32> to vector<16xi32>
          %gather3A_618 = tpu.dynamic_gather %while3A_220[%gather3A_617] in [0] : vector<16xf32>, vector<16xi32> -> vector<16xf32>
          %mul3A_619 = arith.mulf %mul3A_252, %gather3A_618 : vector<16xf32>
          %add3A_620 = arith.addf %add3A_615, %mul3A_619 : vector<16xf32>
          %broadcast_in_dim3A_621 = vector.shape_cast %xor3A_7 : vector<16xi32> to vector<16x1xi32>
          %gather3A_622 = vector.shape_cast %broadcast_in_dim3A_621 : vector<16x1xi32> to vector<16xi32>
          %gather3A_623 = tpu.dynamic_gather %while3A_220[%gather3A_622] in [0] : vector<16xf32>, vector<16xi32> -> vector<16xf32>
          %mul3A_624 = arith.mulf %mul3A_253, %gather3A_623 : vector<16xf32>
          %add3A_625 = arith.addf %add3A_620, %mul3A_624 : vector<16xf32>
          %broadcast_in_dim3A_626 = vector.shape_cast %xor3A_10 : vector<16xi32> to vector<16x1xi32>
          %gather3A_627 = vector.shape_cast %broadcast_in_dim3A_626 : vector<16x1xi32> to vector<16xi32>
          %gather3A_628 = tpu.dynamic_gather %while3A_220[%gather3A_627] in [0] : vector<16xf32>, vector<16xi32> -> vector<16xf32>
          %mul3A_629 = arith.mulf %mul3A_254, %gather3A_628 : vector<16xf32>
          %add3A_630 = arith.addf %add3A_625, %mul3A_629 : vector<16xf32>
          %mul3A_631 = arith.mulf %gather3A_241, %while3A_219 : vector<16xf32>
          %add3A_632 = arith.addf %add3A_630, %mul3A_631 : vector<16xf32>
          %mul3A_633 = arith.mulf %gather3A_244, %while3A_218 : vector<16xf32>
          %add3A_634 = arith.addf %add3A_632, %mul3A_633 : vector<16xf32>
          %mul3A_635 = arith.mulf %gather3A_247, %while3A_216 : vector<16xf32>
          %add3A_636 = arith.addf %add3A_634, %mul3A_635 : vector<16xf32>
          %mul3A_637 = arith.mulf %gather3A_250, %while3A_212 : vector<16xf32>
          %add3A_638 = arith.addf %add3A_636, %mul3A_637 : vector<16xf32>
          %mul3A_639 = arith.constant 4 : i32
          %mul3A_640 = arith.muli %mul3A_639, %while3A_204 : i32
          %add3A_641 = arith.constant 1 : i32
          %add3A_642 = arith.addi %mul3A_640, %add3A_641 : i32
          %get3A_643 = arith.index_cast %add3A_642 : i32 to index
          %get3A_644 = arith.constant 0 : index
          %get3A_645 = tpu.vector_load %arg5[%get3A_643, %get3A_644] {strides = array<i32>} : memref<257x16xf32, #tpu.memory_space<vmem>>, vector<16xf32>,
          %exp3A_646 = math.exp %get3A_645 : vector<16xf32>
          %broadcast_in_dim3A_647 = vector.shape_cast %broadcast_in_dim3A_36 : vector<16xi32> to vector<16x1xi32>
          %gather3A_648 = vector.shape_cast %broadcast_in_dim3A_647 : vector<16x1xi32> to vector<16xi32>
          %gather3A_649 = tpu.dynamic_gather %exp3A_646[%gather3A_648] in [0] : vector<16xf32>, vector<16xi32> -> vector<16xf32>
          %broadcast_in_dim3A_650 = vector.shape_cast %broadcast_in_dim3A_38 : vector<16xi32> to vector<16x1xi32>
          %gather3A_651 = vector.shape_cast %broadcast_in_dim3A_650 : vector<16x1xi32> to vector<16xi32>
          %gather3A_652 = tpu.dynamic_gather %exp3A_646[%gather3A_651] in [0] : vector<16xf32>, vector<16xi32> -> vector<16xf32>
          %broadcast_in_dim3A_653 = vector.shape_cast %broadcast_in_dim3A_40 : vector<16xi32> to vector<16x1xi32>
          %gather3A_654 = vector.shape_cast %broadcast_in_dim3A_653 : vector<16x1xi32> to vector<16xi32>
          %gather3A_655 = tpu.dynamic_gather %exp3A_646[%gather3A_654] in [0] : vector<16xf32>, vector<16xi32> -> vector<16xf32>
          %broadcast_in_dim3A_656 = vector.shape_cast %broadcast_in_dim3A_42 : vector<16xi32> to vector<16x1xi32>
          %gather3A_657 = vector.shape_cast %broadcast_in_dim3A_656 : vector<16x1xi32> to vector<16xi32>
          %gather3A_658 = tpu.dynamic_gather %exp3A_646[%gather3A_657] in [0] : vector<16xf32>, vector<16xi32> -> vector<16xf32>
          %broadcast_in_dim3A_659 = vector.shape_cast %broadcast_in_dim3A_44 : vector<16xi32> to vector<16x1xi32>
          %gather3A_660 = vector.shape_cast %broadcast_in_dim3A_659 : vector<16x1xi32> to vector<16xi32>
          %gather3A_661 = tpu.dynamic_gather %exp3A_646[%gather3A_660] in [0] : vector<16xf32>, vector<16xi32> -> vector<16xf32>
          %broadcast_in_dim3A_662 = vector.shape_cast %broadcast_in_dim3A_46 : vector<16xi32> to vector<16x1xi32>
          %gather3A_663 = vector.shape_cast %broadcast_in_dim3A_662 : vector<16x1xi32> to vector<16xi32>
          %gather3A_664 = tpu.dynamic_gather %exp3A_646[%gather3A_663] in [0] : vector<16xf32>, vector<16xi32> -> vector<16xf32>
          %broadcast_in_dim3A_665 = vector.shape_cast %broadcast_in_dim3A_48 : vector<16xi32> to vector<16x1xi32>
          %gather3A_666 = vector.shape_cast %broadcast_in_dim3A_665 : vector<16x1xi32> to vector<16xi32>
          %gather3A_667 = tpu.dynamic_gather %exp3A_646[%gather3A_666] in [0] : vector<16xf32>, vector<16xi32> -> vector<16xf32>
          %broadcast_in_dim3A_668 = vector.shape_cast %broadcast_in_dim3A_50 : vector<16xi32> to vector<16x1xi32>
          %gather3A_669 = vector.shape_cast %broadcast_in_dim3A_668 : vector<16x1xi32> to vector<16xi32>
          %gather3A_670 = tpu.dynamic_gather %exp3A_646[%gather3A_669] in [0] : vector<16xf32>, vector<16xi32> -> vector<16xf32>
          %mul3A_671 = arith.mulf %gather3A_649, %convert_element_type3A : vector<16xf32>
          %mul3A_672 = arith.mulf %gather3A_652, %convert_element_type3A_21 : vector<16xf32>
          %mul3A_673 = arith.mulf %gather3A_655, %convert_element_type3A_28 : vector<16xf32>
          %mul3A_674 = arith.mulf %gather3A_658, %convert_element_type3A_35 : vector<16xf32>
          %broadcast_in_dim3A_675 = vector.shape_cast %xor3A_1 : vector<16xi32> to vector<16x1xi32>
          %gather3A_676 = vector.shape_cast %broadcast_in_dim3A_675 : vector<16x1xi32> to vector<16xi32>
          %gather3A_677 = tpu.dynamic_gather %add3A_274[%gather3A_676] in [0] : vector<16xf32>, vector<16xi32> -> vector<16xf32>
          %mul3A_678 = arith.mulf %mul3A_671, %gather3A_677 : vector<16xf32>
          %add3A_679 = arith.addf %add3A_274, %mul3A_678 : vector<16xf32>
          %broadcast_in_dim3A_680 = vector.shape_cast %xor3A_4 : vector<16xi32> to vector<16x1xi32>
          %gather3A_681 = vector.shape_cast %broadcast_in_dim3A_680 : vector<16x1xi32> to vector<16xi32>
          %gather3A_682 = tpu.dynamic_gather %add3A_274[%gather3A_681] in [0] : vector<16xf32>, vector<16xi32> -> vector<16xf32>
          %mul3A_683 = arith.mulf %mul3A_672, %gather3A_682 : vector<16xf32>
          %add3A_684 = arith.addf %add3A_679, %mul3A_683 : vector<16xf32>
          %broadcast_in_dim3A_685 = vector.shape_cast %xor3A_7 : vector<16xi32> to vector<16x1xi32>
          %gather3A_686 = vector.shape_cast %broadcast_in_dim3A_685 : vector<16x1xi32> to vector<16xi32>
          %gather3A_687 = tpu.dynamic_gather %add3A_274[%gather3A_686] in [0] : vector<16xf32>, vector<16xi32> -> vector<16xf32>
          %mul3A_688 = arith.mulf %mul3A_673, %gather3A_687 : vector<16xf32>
          %add3A_689 = arith.addf %add3A_684, %mul3A_688 : vector<16xf32>
          %broadcast_in_dim3A_690 = vector.shape_cast %xor3A_10 : vector<16xi32> to vector<16x1xi32>
          %gather3A_691 = vector.shape_cast %broadcast_in_dim3A_690 : vector<16x1xi32> to vector<16xi32>
          %gather3A_692 = tpu.dynamic_gather %add3A_274[%gather3A_691] in [0] : vector<16xf32>, vector<16xi32> -> vector<16xf32>
          %mul3A_693 = arith.mulf %mul3A_674, %gather3A_692 : vector<16xf32>
          %add3A_694 = arith.addf %add3A_689, %mul3A_693 : vector<16xf32>
          %broadcast_in_dim3A_695 = vector.shape_cast %xor3A_1 : vector<16xi32> to vector<16x1xi32>
          %gather3A_696 = vector.shape_cast %broadcast_in_dim3A_695 : vector<16x1xi32> to vector<16xi32>
          %gather3A_697 = tpu.dynamic_gather %add3A_296[%gather3A_696] in [0] : vector<16xf32>, vector<16xi32> -> vector<16xf32>
          %mul3A_698 = arith.mulf %mul3A_671, %gather3A_697 : vector<16xf32>
          %add3A_699 = arith.addf %add3A_296, %mul3A_698 : vector<16xf32>
          %broadcast_in_dim3A_700 = vector.shape_cast %xor3A_4 : vector<16xi32> to vector<16x1xi32>
          %gather3A_701 = vector.shape_cast %broadcast_in_dim3A_700 : vector<16x1xi32> to vector<16xi32>
          %gather3A_702 = tpu.dynamic_gather %add3A_296[%gather3A_701] in [0] : vector<16xf32>, vector<16xi32> -> vector<16xf32>
          %mul3A_703 = arith.mulf %mul3A_672, %gather3A_702 : vector<16xf32>
          %add3A_704 = arith.addf %add3A_699, %mul3A_703 : vector<16xf32>
          %broadcast_in_dim3A_705 = vector.shape_cast %xor3A_7 : vector<16xi32> to vector<16x1xi32>
          %gather3A_706 = vector.shape_cast %broadcast_in_dim3A_705 : vector<16x1xi32> to vector<16xi32>
          %gather3A_707 = tpu.dynamic_gather %add3A_296[%gather3A_706] in [0] : vector<16xf32>, vector<16xi32> -> vector<16xf32>
          %mul3A_708 = arith.mulf %mul3A_673, %gather3A_707 : vector<16xf32>
          %add3A_709 = arith.addf %add3A_704, %mul3A_708 : vector<16xf32>
          %broadcast_in_dim3A_710 = vector.shape_cast %xor3A_10 : vector<16xi32> to vector<16x1xi32>
          %gather3A_711 = vector.shape_cast %broadcast_in_dim3A_710 : vector<16x1xi32> to vector<16xi32>
          %gather3A_712 = tpu.dynamic_gather %add3A_296[%gather3A_711] in [0] : vector<16xf32>, vector<16xi32> -> vector<16xf32>
          %mul3A_713 = arith.mulf %mul3A_674, %gather3A_712 : vector<16xf32>
          %add3A_714 = arith.addf %add3A_709, %mul3A_713 : vector<16xf32>
          %mul3A_715 = arith.mulf %gather3A_661, %add3A_274 : vector<16xf32>
          %add3A_716 = arith.addf %add3A_714, %mul3A_715 : vector<16xf32>
          %broadcast_in_dim3A_717 = vector.shape_cast %xor3A_1 : vector<16xi32> to vector<16x1xi32>
          %gather3A_718 = vector.shape_cast %broadcast_in_dim3A_717 : vector<16x1xi32> to vector<16xi32>
          %gather3A_719 = tpu.dynamic_gather %add3A_318[%gather3A_718] in [0] : vector<16xf32>, vector<16xi32> -> vector<16xf32>
          %mul3A_720 = arith.mulf %mul3A_671, %gather3A_719 : vector<16xf32>
          %add3A_721 = arith.addf %add3A_318, %mul3A_720 : vector<16xf32>
          %broadcast_in_dim3A_722 = vector.shape_cast %xor3A_4 : vector<16xi32> to vector<16x1xi32>
          %gather3A_723 = vector.shape_cast %broadcast_in_dim3A_722 : vector<16x1xi32> to vector<16xi32>
          %gather3A_724 = tpu.dynamic_gather %add3A_318[%gather3A_723] in [0] : vector<16xf32>, vector<16xi32> -> vector<16xf32>
          %mul3A_725 = arith.mulf %mul3A_672, %gather3A_724 : vector<16xf32>
          %add3A_726 = arith.addf %add3A_721, %mul3A_725 : vector<16xf32>
          %broadcast_in_dim3A_727 = vector.shape_cast %xor3A_7 : vector<16xi32> to vector<16x1xi32>
          %gather3A_728 = vector.shape_cast %broadcast_in_dim3A_727 : vector<16x1xi32> to vector<16xi32>
          %gather3A_729 = tpu.dynamic_gather %add3A_318[%gather3A_728] in [0] : vector<16xf32>, vector<16xi32> -> vector<16xf32>
          %mul3A_730 = arith.mulf %mul3A_673, %gather3A_729 : vector<16xf32>
          %add3A_731 = arith.addf %add3A_726, %mul3A_730 : vector<16xf32>
          %broadcast_in_dim3A_732 = vector.shape_cast %xor3A_10 : vector<16xi32> to vector<16x1xi32>
          %gather3A_733 = vector.shape_cast %broadcast_in_dim3A_732 : vector<16x1xi32> to vector<16xi32>
          %gather3A_734 = tpu.dynamic_gather %add3A_318[%gather3A_733] in [0] : vector<16xf32>, vector<16xi32> -> vector<16xf32>
          %mul3A_735 = arith.mulf %mul3A_674, %gather3A_734 : vector<16xf32>
          %add3A_736 = arith.addf %add3A_731, %mul3A_735 : vector<16xf32>
          %mul3A_737 = arith.mulf %gather3A_664, %add3A_274 : vector<16xf32>
          %add3A_738 = arith.addf %add3A_736, %mul3A_737 : vector<16xf32>
          %broadcast_in_dim3A_739 = vector.shape_cast %xor3A_1 : vector<16xi32> to vector<16x1xi32>
          %gather3A_740 = vector.shape_cast %broadcast_in_dim3A_739 : vector<16x1xi32> to vector<16xi32>
          %gather3A_741 = tpu.dynamic_gather %add3A_342[%gather3A_740] in [0] : vector<16xf32>, vector<16xi32> -> vector<16xf32>
          %mul3A_742 = arith.mulf %mul3A_671, %gather3A_741 : vector<16xf32>
          %add3A_743 = arith.addf %add3A_342, %mul3A_742 : vector<16xf32>
          %broadcast_in_dim3A_744 = vector.shape_cast %xor3A_4 : vector<16xi32> to vector<16x1xi32>
          %gather3A_745 = vector.shape_cast %broadcast_in_dim3A_744 : vector<16x1xi32> to vector<16xi32>
          %gather3A_746 = tpu.dynamic_gather %add3A_342[%gather3A_745] in [0] : vector<16xf32>, vector<16xi32> -> vector<16xf32>
          %mul3A_747 = arith.mulf %mul3A_672, %gather3A_746 : vector<16xf32>
          %add3A_748 = arith.addf %add3A_743, %mul3A_747 : vector<16xf32>
          %broadcast_in_dim3A_749 = vector.shape_cast %xor3A_7 : vector<16xi32> to vector<16x1xi32>
          %gather3A_750 = vector.shape_cast %broadcast_in_dim3A_749 : vector<16x1xi32> to vector<16xi32>
          %gather3A_751 = tpu.dynamic_gather %add3A_342[%gather3A_750] in [0] : vector<16xf32>, vector<16xi32> -> vector<16xf32>
          %mul3A_752 = arith.mulf %mul3A_673, %gather3A_751 : vector<16xf32>
          %add3A_753 = arith.addf %add3A_748, %mul3A_752 : vector<16xf32>
          %broadcast_in_dim3A_754 = vector.shape_cast %xor3A_10 : vector<16xi32> to vector<16x1xi32>
          %gather3A_755 = vector.shape_cast %broadcast_in_dim3A_754 : vector<16x1xi32> to vector<16xi32>
          %gather3A_756 = tpu.dynamic_gather %add3A_342[%gather3A_755] in [0] : vector<16xf32>, vector<16xi32> -> vector<16xf32>
          %mul3A_757 = arith.mulf %mul3A_674, %gather3A_756 : vector<16xf32>
          %add3A_758 = arith.addf %add3A_753, %mul3A_757 : vector<16xf32>
          %mul3A_759 = arith.mulf %gather3A_661, %add3A_318 : vector<16xf32>
          %add3A_760 = arith.addf %add3A_758, %mul3A_759 : vector<16xf32>
          %mul3A_761 = arith.mulf %gather3A_664, %add3A_296 : vector<16xf32>
          %add3A_762 = arith.addf %add3A_760, %mul3A_761 : vector<16xf32>
          %broadcast_in_dim3A_763 = vector.shape_cast %xor3A_1 : vector<16xi32> to vector<16x1xi32>
          %gather3A_764 = vector.shape_cast %broadcast_in_dim3A_763 : vector<16x1xi32> to vector<16xi32>
          %gather3A_765 = tpu.dynamic_gather %add3A_364[%gather3A_764] in [0] : vector<16xf32>, vector<16xi32> -> vector<16xf32>
          %mul3A_766 = arith.mulf %mul3A_671, %gather3A_765 : vector<16xf32>
          %add3A_767 = arith.addf %add3A_364, %mul3A_766 : vector<16xf32>
          %broadcast_in_dim3A_768 = vector.shape_cast %xor3A_4 : vector<16xi32> to vector<16x1xi32>
          %gather3A_769 = vector.shape_cast %broadcast_in_dim3A_768 : vector<16x1xi32> to vector<16xi32>
          %gather3A_770 = tpu.dynamic_gather %add3A_364[%gather3A_769] in [0] : vector<16xf32>, vector<16xi32> -> vector<16xf32>
          %mul3A_771 = arith.mulf %mul3A_672, %gather3A_770 : vector<16xf32>
          %add3A_772 = arith.addf %add3A_767, %mul3A_771 : vector<16xf32>
          %broadcast_in_dim3A_773 = vector.shape_cast %xor3A_7 : vector<16xi32> to vector<16x1xi32>
          %gather3A_774 = vector.shape_cast %broadcast_in_dim3A_773 : vector<16x1xi32> to vector<16xi32>
          %gather3A_775 = tpu.dynamic_gather %add3A_364[%gather3A_774] in [0] : vector<16xf32>, vector<16xi32> -> vector<16xf32>
          %mul3A_776 = arith.mulf %mul3A_673, %gather3A_775 : vector<16xf32>
          %add3A_777 = arith.addf %add3A_772, %mul3A_776 : vector<16xf32>
          %broadcast_in_dim3A_778 = vector.shape_cast %xor3A_10 : vector<16xi32> to vector<16x1xi32>
          %gather3A_779 = vector.shape_cast %broadcast_in_dim3A_778 : vector<16x1xi32> to vector<16xi32>
          %gather3A_780 = tpu.dynamic_gather %add3A_364[%gather3A_779] in [0] : vector<16xf32>, vector<16xi32> -> vector<16xf32>
          %mul3A_781 = arith.mulf %mul3A_674, %gather3A_780 : vector<16xf32>
          %add3A_782 = arith.addf %add3A_777, %mul3A_781 : vector<16xf32>
          %mul3A_783 = arith.mulf %gather3A_667, %add3A_274 : vector<16xf32>
          %add3A_784 = arith.addf %add3A_782, %mul3A_783 : vector<16xf32>
          %broadcast_in_dim3A_785 = vector.shape_cast %xor3A_1 : vector<16xi32> to vector<16x1xi32>
          %gather3A_786 = vector.shape_cast %broadcast_in_dim3A_785 : vector<16x1xi32> to vector<16xi32>
          %gather3A_787 = tpu.dynamic_gather %add3A_388[%gather3A_786] in [0] : vector<16xf32>, vector<16xi32> -> vector<16xf32>
          %mul3A_788 = arith.mulf %mul3A_671, %gather3A_787 : vector<16xf32>
          %add3A_789 = arith.addf %add3A_388, %mul3A_788 : vector<16xf32>
          %broadcast_in_dim3A_790 = vector.shape_cast %xor3A_4 : vector<16xi32> to vector<16x1xi32>
          %gather3A_791 = vector.shape_cast %broadcast_in_dim3A_790 : vector<16x1xi32> to vector<16xi32>
          %gather3A_792 = tpu.dynamic_gather %add3A_388[%gather3A_791] in [0] : vector<16xf32>, vector<16xi32> -> vector<16xf32>
          %mul3A_793 = arith.mulf %mul3A_672, %gather3A_792 : vector<16xf32>
          %add3A_794 = arith.addf %add3A_789, %mul3A_793 : vector<16xf32>
          %broadcast_in_dim3A_795 = vector.shape_cast %xor3A_7 : vector<16xi32> to vector<16x1xi32>
          %gather3A_796 = vector.shape_cast %broadcast_in_dim3A_795 : vector<16x1xi32> to vector<16xi32>
          %gather3A_797 = tpu.dynamic_gather %add3A_388[%gather3A_796] in [0] : vector<16xf32>, vector<16xi32> -> vector<16xf32>
          %mul3A_798 = arith.mulf %mul3A_673, %gather3A_797 : vector<16xf32>
          %add3A_799 = arith.addf %add3A_794, %mul3A_798 : vector<16xf32>
          %broadcast_in_dim3A_800 = vector.shape_cast %xor3A_10 : vector<16xi32> to vector<16x1xi32>
          %gather3A_801 = vector.shape_cast %broadcast_in_dim3A_800 : vector<16x1xi32> to vector<16xi32>
          %gather3A_802 = tpu.dynamic_gather %add3A_388[%gather3A_801] in [0] : vector<16xf32>, vector<16xi32> -> vector<16xf32>
          %mul3A_803 = arith.mulf %mul3A_674, %gather3A_802 : vector<16xf32>
          %add3A_804 = arith.addf %add3A_799, %mul3A_803 : vector<16xf32>
          %mul3A_805 = arith.mulf %gather3A_661, %add3A_364 : vector<16xf32>
          %add3A_806 = arith.addf %add3A_804, %mul3A_805 : vector<16xf32>
          %mul3A_807 = arith.mulf %gather3A_667, %add3A_296 : vector<16xf32>
          %add3A_808 = arith.addf %add3A_806, %mul3A_807 : vector<16xf32>
          %broadcast_in_dim3A_809 = vector.shape_cast %xor3A_1 : vector<16xi32> to vector<16x1xi32>
          %gather3A_810 = vector.shape_cast %broadcast_in_dim3A_809 : vector<16x1xi32> to vector<16xi32>
          %gather3A_811 = tpu.dynamic_gather %add3A_412[%gather3A_810] in [0] : vector<16xf32>, vector<16xi32> -> vector<16xf32>
          %mul3A_812 = arith.mulf %mul3A_671, %gather3A_811 : vector<16xf32>
          %add3A_813 = arith.addf %add3A_412, %mul3A_812 : vector<16xf32>
          %broadcast_in_dim3A_814 = vector.shape_cast %xor3A_4 : vector<16xi32> to vector<16x1xi32>
          %gather3A_815 = vector.shape_cast %broadcast_in_dim3A_814 : vector<16x1xi32> to vector<16xi32>
          %gather3A_816 = tpu.dynamic_gather %add3A_412[%gather3A_815] in [0] : vector<16xf32>, vector<16xi32> -> vector<16xf32>
          %mul3A_817 = arith.mulf %mul3A_672, %gather3A_816 : vector<16xf32>
          %add3A_818 = arith.addf %add3A_813, %mul3A_817 : vector<16xf32>
          %broadcast_in_dim3A_819 = vector.shape_cast %xor3A_7 : vector<16xi32> to vector<16x1xi32>
          %gather3A_820 = vector.shape_cast %broadcast_in_dim3A_819 : vector<16x1xi32> to vector<16xi32>
          %gather3A_821 = tpu.dynamic_gather %add3A_412[%gather3A_820] in [0] : vector<16xf32>, vector<16xi32> -> vector<16xf32>
          %mul3A_822 = arith.mulf %mul3A_673, %gather3A_821 : vector<16xf32>
          %add3A_823 = arith.addf %add3A_818, %mul3A_822 : vector<16xf32>
          %broadcast_in_dim3A_824 = vector.shape_cast %xor3A_10 : vector<16xi32> to vector<16x1xi32>
          %gather3A_825 = vector.shape_cast %broadcast_in_dim3A_824 : vector<16x1xi32> to vector<16xi32>
          %gather3A_826 = tpu.dynamic_gather %add3A_412[%gather3A_825] in [0] : vector<16xf32>, vector<16xi32> -> vector<16xf32>
          %mul3A_827 = arith.mulf %mul3A_674, %gather3A_826 : vector<16xf32>
          %add3A_828 = arith.addf %add3A_823, %mul3A_827 : vector<16xf32>
          %mul3A_829 = arith.mulf %gather3A_664, %add3A_364 : vector<16xf32>
          %add3A_830 = arith.addf %add3A_828, %mul3A_829 : vector<16xf32>
          %mul3A_831 = arith.mulf %gather3A_667, %add3A_318 : vector<16xf32>
          %add3A_832 = arith.addf %add3A_830, %mul3A_831 : vector<16xf32>
          %broadcast_in_dim3A_833 = vector.shape_cast %xor3A_1 : vector<16xi32> to vector<16x1xi32>
          %gather3A_834 = vector.shape_cast %broadcast_in_dim3A_833 : vector<16x1xi32> to vector<16xi32>
          %gather3A_835 = tpu.dynamic_gather %add3A_438[%gather3A_834] in [0] : vector<16xf32>, vector<16xi32> -> vector<16xf32>
          %mul3A_836 = arith.mulf %mul3A_671, %gather3A_835 : vector<16xf32>
          %add3A_837 = arith.addf %add3A_438, %mul3A_836 : vector<16xf32>
          %broadcast_in_dim3A_838 = vector.shape_cast %xor3A_4 : vector<16xi32> to vector<16x1xi32>
          %gather3A_839 = vector.shape_cast %broadcast_in_dim3A_838 : vector<16x1xi32> to vector<16xi32>
          %gather3A_840 = tpu.dynamic_gather %add3A_438[%gather3A_839] in [0] : vector<16xf32>, vector<16xi32> -> vector<16xf32>
          %mul3A_841 = arith.mulf %mul3A_672, %gather3A_840 : vector<16xf32>
          %add3A_842 = arith.addf %add3A_837, %mul3A_841 : vector<16xf32>
          %broadcast_in_dim3A_843 = vector.shape_cast %xor3A_7 : vector<16xi32> to vector<16x1xi32>
          %gather3A_844 = vector.shape_cast %broadcast_in_dim3A_843 : vector<16x1xi32> to vector<16xi32>
          %gather3A_845 = tpu.dynamic_gather %add3A_438[%gather3A_844] in [0] : vector<16xf32>, vector<16xi32> -> vector<16xf32>
          %mul3A_846 = arith.mulf %mul3A_673, %gather3A_845 : vector<16xf32>
          %add3A_847 = arith.addf %add3A_842, %mul3A_846 : vector<16xf32>
          %broadcast_in_dim3A_848 = vector.shape_cast %xor3A_10 : vector<16xi32> to vector<16x1xi32>
          %gather3A_849 = vector.shape_cast %broadcast_in_dim3A_848 : vector<16x1xi32> to vector<16xi32>
          %gather3A_850 = tpu.dynamic_gather %add3A_438[%gather3A_849] in [0] : vector<16xf32>, vector<16xi32> -> vector<16xf32>
          %mul3A_851 = arith.mulf %mul3A_674, %gather3A_850 : vector<16xf32>
          %add3A_852 = arith.addf %add3A_847, %mul3A_851 : vector<16xf32>
          %mul3A_853 = arith.mulf %gather3A_661, %add3A_412 : vector<16xf32>
          %add3A_854 = arith.addf %add3A_852, %mul3A_853 : vector<16xf32>
          %mul3A_855 = arith.mulf %gather3A_664, %add3A_388 : vector<16xf32>
          %add3A_856 = arith.addf %add3A_854, %mul3A_855 : vector<16xf32>
          %mul3A_857 = arith.mulf %gather3A_667, %add3A_342 : vector<16xf32>
          %add3A_858 = arith.addf %add3A_856, %mul3A_857 : vector<16xf32>
          %broadcast_in_dim3A_859 = vector.shape_cast %xor3A_1 : vector<16xi32> to vector<16x1xi32>
          %gather3A_860 = vector.shape_cast %broadcast_in_dim3A_859 : vector<16x1xi32> to vector<16xi32>
          %gather3A_861 = tpu.dynamic_gather %add3A_460[%gather3A_860] in [0] : vector<16xf32>, vector<16xi32> -> vector<16xf32>
          %mul3A_862 = arith.mulf %mul3A_671, %gather3A_861 : vector<16xf32>
          %add3A_863 = arith.addf %add3A_460, %mul3A_862 : vector<16xf32>
          %broadcast_in_dim3A_864 = vector.shape_cast %xor3A_4 : vector<16xi32> to vector<16x1xi32>
          %gather3A_865 = vector.shape_cast %broadcast_in_dim3A_864 : vector<16x1xi32> to vector<16xi32>
          %gather3A_866 = tpu.dynamic_gather %add3A_460[%gather3A_865] in [0] : vector<16xf32>, vector<16xi32> -> vector<16xf32>
          %mul3A_867 = arith.mulf %mul3A_672, %gather3A_866 : vector<16xf32>
          %add3A_868 = arith.addf %add3A_863, %mul3A_867 : vector<16xf32>
          %broadcast_in_dim3A_869 = vector.shape_cast %xor3A_7 : vector<16xi32> to vector<16x1xi32>
          %gather3A_870 = vector.shape_cast %broadcast_in_dim3A_869 : vector<16x1xi32> to vector<16xi32>
          %gather3A_871 = tpu.dynamic_gather %add3A_460[%gather3A_870] in [0] : vector<16xf32>, vector<16xi32> -> vector<16xf32>
          %mul3A_872 = arith.mulf %mul3A_673, %gather3A_871 : vector<16xf32>
          %add3A_873 = arith.addf %add3A_868, %mul3A_872 : vector<16xf32>
          %broadcast_in_dim3A_874 = vector.shape_cast %xor3A_10 : vector<16xi32> to vector<16x1xi32>
          %gather3A_875 = vector.shape_cast %broadcast_in_dim3A_874 : vector<16x1xi32> to vector<16xi32>
          %gather3A_876 = tpu.dynamic_gather %add3A_460[%gather3A_875] in [0] : vector<16xf32>, vector<16xi32> -> vector<16xf32>
          %mul3A_877 = arith.mulf %mul3A_674, %gather3A_876 : vector<16xf32>
          %add3A_878 = arith.addf %add3A_873, %mul3A_877 : vector<16xf32>
          %mul3A_879 = arith.mulf %gather3A_670, %add3A_274 : vector<16xf32>
          %add3A_880 = arith.addf %add3A_878, %mul3A_879 : vector<16xf32>
          %broadcast_in_dim3A_881 = vector.shape_cast %xor3A_1 : vector<16xi32> to vector<16x1xi32>
          %gather3A_882 = vector.shape_cast %broadcast_in_dim3A_881 : vector<16x1xi32> to vector<16xi32>
          %gather3A_883 = tpu.dynamic_gather %add3A_484[%gather3A_882] in [0] : vector<16xf32>, vector<16xi32> -> vector<16xf32>
          %mul3A_884 = arith.mulf %mul3A_671, %gather3A_883 : vector<16xf32>
          %add3A_885 = arith.addf %add3A_484, %mul3A_884 : vector<16xf32>
          %broadcast_in_dim3A_886 = vector.shape_cast %xor3A_4 : vector<16xi32> to vector<16x1xi32>
          %gather3A_887 = vector.shape_cast %broadcast_in_dim3A_886 : vector<16x1xi32> to vector<16xi32>
          %gather3A_888 = tpu.dynamic_gather %add3A_484[%gather3A_887] in [0] : vector<16xf32>, vector<16xi32> -> vector<16xf32>
          %mul3A_889 = arith.mulf %mul3A_672, %gather3A_888 : vector<16xf32>
          %add3A_890 = arith.addf %add3A_885, %mul3A_889 : vector<16xf32>
          %broadcast_in_dim3A_891 = vector.shape_cast %xor3A_7 : vector<16xi32> to vector<16x1xi32>
          %gather3A_892 = vector.shape_cast %broadcast_in_dim3A_891 : vector<16x1xi32> to vector<16xi32>
          %gather3A_893 = tpu.dynamic_gather %add3A_484[%gather3A_892] in [0] : vector<16xf32>, vector<16xi32> -> vector<16xf32>
          %mul3A_894 = arith.mulf %mul3A_673, %gather3A_893 : vector<16xf32>
          %add3A_895 = arith.addf %add3A_890, %mul3A_894 : vector<16xf32>
          %broadcast_in_dim3A_896 = vector.shape_cast %xor3A_10 : vector<16xi32> to vector<16x1xi32>
          %gather3A_897 = vector.shape_cast %broadcast_in_dim3A_896 : vector<16x1xi32> to vector<16xi32>
          %gather3A_898 = tpu.dynamic_gather %add3A_484[%gather3A_897] in [0] : vector<16xf32>, vector<16xi32> -> vector<16xf32>
          %mul3A_899 = arith.mulf %mul3A_674, %gather3A_898 : vector<16xf32>
          %add3A_900 = arith.addf %add3A_895, %mul3A_899 : vector<16xf32>
          %mul3A_901 = arith.mulf %gather3A_661, %add3A_460 : vector<16xf32>
          %add3A_902 = arith.addf %add3A_900, %mul3A_901 : vector<16xf32>
          %mul3A_903 = arith.mulf %gather3A_670, %add3A_296 : vector<16xf32>
          %add3A_904 = arith.addf %add3A_902, %mul3A_903 : vector<16xf32>
          %broadcast_in_dim3A_905 = vector.shape_cast %xor3A_1 : vector<16xi32> to vector<16x1xi32>
          %gather3A_906 = vector.shape_cast %broadcast_in_dim3A_905 : vector<16x1xi32> to vector<16xi32>
          %gather3A_907 = tpu.dynamic_gather %add3A_508[%gather3A_906] in [0] : vector<16xf32>, vector<16xi32> -> vector<16xf32>
          %mul3A_908 = arith.mulf %mul3A_671, %gather3A_907 : vector<16xf32>
          %add3A_909 = arith.addf %add3A_508, %mul3A_908 : vector<16xf32>
          %broadcast_in_dim3A_910 = vector.shape_cast %xor3A_4 : vector<16xi32> to vector<16x1xi32>
          %gather3A_911 = vector.shape_cast %broadcast_in_dim3A_910 : vector<16x1xi32> to vector<16xi32>
          %gather3A_912 = tpu.dynamic_gather %add3A_508[%gather3A_911] in [0] : vector<16xf32>, vector<16xi32> -> vector<16xf32>
          %mul3A_913 = arith.mulf %mul3A_672, %gather3A_912 : vector<16xf32>
          %add3A_914 = arith.addf %add3A_909, %mul3A_913 : vector<16xf32>
          %broadcast_in_dim3A_915 = vector.shape_cast %xor3A_7 : vector<16xi32> to vector<16x1xi32>
          %gather3A_916 = vector.shape_cast %broadcast_in_dim3A_915 : vector<16x1xi32> to vector<16xi32>
          %gather3A_917 = tpu.dynamic_gather %add3A_508[%gather3A_916] in [0] : vector<16xf32>, vector<16xi32> -> vector<16xf32>
          %mul3A_918 = arith.mulf %mul3A_673, %gather3A_917 : vector<16xf32>
          %add3A_919 = arith.addf %add3A_914, %mul3A_918 : vector<16xf32>
          %broadcast_in_dim3A_920 = vector.shape_cast %xor3A_10 : vector<16xi32> to vector<16x1xi32>
          %gather3A_921 = vector.shape_cast %broadcast_in_dim3A_920 : vector<16x1xi32> to vector<16xi32>
          %gather3A_922 = tpu.dynamic_gather %add3A_508[%gather3A_921] in [0] : vector<16xf32>, vector<16xi32> -> vector<16xf32>
          %mul3A_923 = arith.mulf %mul3A_674, %gather3A_922 : vector<16xf32>
          %add3A_924 = arith.addf %add3A_919, %mul3A_923 : vector<16xf32>
          %mul3A_925 = arith.mulf %gather3A_664, %add3A_460 : vector<16xf32>
          %add3A_926 = arith.addf %add3A_924, %mul3A_925 : vector<16xf32>
          %mul3A_927 = arith.mulf %gather3A_670, %add3A_318 : vector<16xf32>
          %add3A_928 = arith.addf %add3A_926, %mul3A_927 : vector<16xf32>
          %broadcast_in_dim3A_929 = vector.shape_cast %xor3A_1 : vector<16xi32> to vector<16x1xi32>
          %gather3A_930 = vector.shape_cast %broadcast_in_dim3A_929 : vector<16x1xi32> to vector<16xi32>
          %gather3A_931 = tpu.dynamic_gather %add3A_534[%gather3A_930] in [0] : vector<16xf32>, vector<16xi32> -> vector<16xf32>
          %mul3A_932 = arith.mulf %mul3A_671, %gather3A_931 : vector<16xf32>
          %add3A_933 = arith.addf %add3A_534, %mul3A_932 : vector<16xf32>
          %broadcast_in_dim3A_934 = vector.shape_cast %xor3A_4 : vector<16xi32> to vector<16x1xi32>
          %gather3A_935 = vector.shape_cast %broadcast_in_dim3A_934 : vector<16x1xi32> to vector<16xi32>
          %gather3A_936 = tpu.dynamic_gather %add3A_534[%gather3A_935] in [0] : vector<16xf32>, vector<16xi32> -> vector<16xf32>
          %mul3A_937 = arith.mulf %mul3A_672, %gather3A_936 : vector<16xf32>
          %add3A_938 = arith.addf %add3A_933, %mul3A_937 : vector<16xf32>
          %broadcast_in_dim3A_939 = vector.shape_cast %xor3A_7 : vector<16xi32> to vector<16x1xi32>
          %gather3A_940 = vector.shape_cast %broadcast_in_dim3A_939 : vector<16x1xi32> to vector<16xi32>
          %gather3A_941 = tpu.dynamic_gather %add3A_534[%gather3A_940] in [0] : vector<16xf32>, vector<16xi32> -> vector<16xf32>
          %mul3A_942 = arith.mulf %mul3A_673, %gather3A_941 : vector<16xf32>
          %add3A_943 = arith.addf %add3A_938, %mul3A_942 : vector<16xf32>
          %broadcast_in_dim3A_944 = vector.shape_cast %xor3A_10 : vector<16xi32> to vector<16x1xi32>
          %gather3A_945 = vector.shape_cast %broadcast_in_dim3A_944 : vector<16x1xi32> to vector<16xi32>
          %gather3A_946 = tpu.dynamic_gather %add3A_534[%gather3A_945] in [0] : vector<16xf32>, vector<16xi32> -> vector<16xf32>
          %mul3A_947 = arith.mulf %mul3A_674, %gather3A_946 : vector<16xf32>
          %add3A_948 = arith.addf %add3A_943, %mul3A_947 : vector<16xf32>
          %mul3A_949 = arith.mulf %gather3A_661, %add3A_508 : vector<16xf32>
          %add3A_950 = arith.addf %add3A_948, %mul3A_949 : vector<16xf32>
          %mul3A_951 = arith.mulf %gather3A_664, %add3A_484 : vector<16xf32>
          %add3A_952 = arith.addf %add3A_950, %mul3A_951 : vector<16xf32>
          %mul3A_953 = arith.mulf %gather3A_670, %add3A_342 : vector<16xf32>
          %add3A_954 = arith.addf %add3A_952, %mul3A_953 : vector<16xf32>
          %broadcast_in_dim3A_955 = vector.shape_cast %xor3A_1 : vector<16xi32> to vector<16x1xi32>
          %gather3A_956 = vector.shape_cast %broadcast_in_dim3A_955 : vector<16x1xi32> to vector<16xi32>
          %gather3A_957 = tpu.dynamic_gather %add3A_558[%gather3A_956] in [0] : vector<16xf32>, vector<16xi32> -> vector<16xf32>
          %mul3A_958 = arith.mulf %mul3A_671, %gather3A_957 : vector<16xf32>
          %add3A_959 = arith.addf %add3A_558, %mul3A_958 : vector<16xf32>
          %broadcast_in_dim3A_960 = vector.shape_cast %xor3A_4 : vector<16xi32> to vector<16x1xi32>
          %gather3A_961 = vector.shape_cast %broadcast_in_dim3A_960 : vector<16x1xi32> to vector<16xi32>
          %gather3A_962 = tpu.dynamic_gather %add3A_558[%gather3A_961] in [0] : vector<16xf32>, vector<16xi32> -> vector<16xf32>
          %mul3A_963 = arith.mulf %mul3A_672, %gather3A_962 : vector<16xf32>
          %add3A_964 = arith.addf %add3A_959, %mul3A_963 : vector<16xf32>
          %broadcast_in_dim3A_965 = vector.shape_cast %xor3A_7 : vector<16xi32> to vector<16x1xi32>
          %gather3A_966 = vector.shape_cast %broadcast_in_dim3A_965 : vector<16x1xi32> to vector<16xi32>
          %gather3A_967 = tpu.dynamic_gather %add3A_558[%gather3A_966] in [0] : vector<16xf32>, vector<16xi32> -> vector<16xf32>
          %mul3A_968 = arith.mulf %mul3A_673, %gather3A_967 : vector<16xf32>
          %add3A_969 = arith.addf %add3A_964, %mul3A_968 : vector<16xf32>
          %broadcast_in_dim3A_970 = vector.shape_cast %xor3A_10 : vector<16xi32> to vector<16x1xi32>
          %gather3A_971 = vector.shape_cast %broadcast_in_dim3A_970 : vector<16x1xi32> to vector<16xi32>
          %gather3A_972 = tpu.dynamic_gather %add3A_558[%gather3A_971] in [0] : vector<16xf32>, vector<16xi32> -> vector<16xf32>
          %mul3A_973 = arith.mulf %mul3A_674, %gather3A_972 : vector<16xf32>
          %add3A_974 = arith.addf %add3A_969, %mul3A_973 : vector<16xf32>
          %mul3A_975 = arith.mulf %gather3A_667, %add3A_460 : vector<16xf32>
          %add3A_976 = arith.addf %add3A_974, %mul3A_975 : vector<16xf32>
          %mul3A_977 = arith.mulf %gather3A_670, %add3A_364 : vector<16xf32>
          %add3A_978 = arith.addf %add3A_976, %mul3A_977 : vector<16xf32>
          %broadcast_in_dim3A_979 = vector.shape_cast %xor3A_1 : vector<16xi32> to vector<16x1xi32>
          %gather3A_980 = vector.shape_cast %broadcast_in_dim3A_979 : vector<16x1xi32> to vector<16xi32>
          %gather3A_981 = tpu.dynamic_gather %add3A_584[%gather3A_980] in [0] : vector<16xf32>, vector<16xi32> -> vector<16xf32>
          %mul3A_982 = arith.mulf %mul3A_671, %gather3A_981 : vector<16xf32>
          %add3A_983 = arith.addf %add3A_584, %mul3A_982 : vector<16xf32>
          %broadcast_in_dim3A_984 = vector.shape_cast %xor3A_4 : vector<16xi32> to vector<16x1xi32>
          %gather3A_985 = vector.shape_cast %broadcast_in_dim3A_984 : vector<16x1xi32> to vector<16xi32>
          %gather3A_986 = tpu.dynamic_gather %add3A_584[%gather3A_985] in [0] : vector<16xf32>, vector<16xi32> -> vector<16xf32>
          %mul3A_987 = arith.mulf %mul3A_672, %gather3A_986 : vector<16xf32>
          %add3A_988 = arith.addf %add3A_983, %mul3A_987 : vector<16xf32>
          %broadcast_in_dim3A_989 = vector.shape_cast %xor3A_7 : vector<16xi32> to vector<16x1xi32>
          %gather3A_990 = vector.shape_cast %broadcast_in_dim3A_989 : vector<16x1xi32> to vector<16xi32>
          %gather3A_991 = tpu.dynamic_gather %add3A_584[%gather3A_990] in [0] : vector<16xf32>, vector<16xi32> -> vector<16xf32>
          %mul3A_992 = arith.mulf %mul3A_673, %gather3A_991 : vector<16xf32>
          %add3A_993 = arith.addf %add3A_988, %mul3A_992 : vector<16xf32>
          %broadcast_in_dim3A_994 = vector.shape_cast %xor3A_10 : vector<16xi32> to vector<16x1xi32>
          %gather3A_995 = vector.shape_cast %broadcast_in_dim3A_994 : vector<16x1xi32> to vector<16xi32>
          %gather3A_996 = tpu.dynamic_gather %add3A_584[%gather3A_995] in [0] : vector<16xf32>, vector<16xi32> -> vector<16xf32>
          %mul3A_997 = arith.mulf %mul3A_674, %gather3A_996 : vector<16xf32>
          %add3A_998 = arith.addf %add3A_993, %mul3A_997 : vector<16xf32>
          %mul3A_999 = arith.mulf %gather3A_661, %add3A_558 : vector<16xf32>
          %add3A_1000 = arith.addf %add3A_998, %mul3A_999 : vector<16xf32>
          %mul3A_1001 = arith.mulf %gather3A_667, %add3A_484 : vector<16xf32>
          %add3A_1002 = arith.addf %add3A_1000, %mul3A_1001 : vector<16xf32>
          %mul3A_1003 = arith.mulf %gather3A_670, %add3A_388 : vector<16xf32>
          %add3A_1004 = arith.addf %add3A_1002, %mul3A_1003 : vector<16xf32>
          %broadcast_in_dim3A_1005 = vector.shape_cast %xor3A_1 : vector<16xi32> to vector<16x1xi32>
          %gather3A_1006 = vector.shape_cast %broadcast_in_dim3A_1005 : vector<16x1xi32> to vector<16xi32>
          %gather3A_1007 = tpu.dynamic_gather %add3A_610[%gather3A_1006] in [0] : vector<16xf32>, vector<16xi32> -> vector<16xf32>
          %mul3A_1008 = arith.mulf %mul3A_671, %gather3A_1007 : vector<16xf32>
          %add3A_1009 = arith.addf %add3A_610, %mul3A_1008 : vector<16xf32>
          %broadcast_in_dim3A_1010 = vector.shape_cast %xor3A_4 : vector<16xi32> to vector<16x1xi32>
          %gather3A_1011 = vector.shape_cast %broadcast_in_dim3A_1010 : vector<16x1xi32> to vector<16xi32>
          %gather3A_1012 = tpu.dynamic_gather %add3A_610[%gather3A_1011] in [0] : vector<16xf32>, vector<16xi32> -> vector<16xf32>
          %mul3A_1013 = arith.mulf %mul3A_672, %gather3A_1012 : vector<16xf32>
          %add3A_1014 = arith.addf %add3A_1009, %mul3A_1013 : vector<16xf32>
          %broadcast_in_dim3A_1015 = vector.shape_cast %xor3A_7 : vector<16xi32> to vector<16x1xi32>
          %gather3A_1016 = vector.shape_cast %broadcast_in_dim3A_1015 : vector<16x1xi32> to vector<16xi32>
          %gather3A_1017 = tpu.dynamic_gather %add3A_610[%gather3A_1016] in [0] : vector<16xf32>, vector<16xi32> -> vector<16xf32>
          %mul3A_1018 = arith.mulf %mul3A_673, %gather3A_1017 : vector<16xf32>
          %add3A_1019 = arith.addf %add3A_1014, %mul3A_1018 : vector<16xf32>
          %broadcast_in_dim3A_1020 = vector.shape_cast %xor3A_10 : vector<16xi32> to vector<16x1xi32>
          %gather3A_1021 = vector.shape_cast %broadcast_in_dim3A_1020 : vector<16x1xi32> to vector<16xi32>
          %gather3A_1022 = tpu.dynamic_gather %add3A_610[%gather3A_1021] in [0] : vector<16xf32>, vector<16xi32> -> vector<16xf32>
          %mul3A_1023 = arith.mulf %mul3A_674, %gather3A_1022 : vector<16xf32>
          %add3A_1024 = arith.addf %add3A_1019, %mul3A_1023 : vector<16xf32>
          %mul3A_1025 = arith.mulf %gather3A_664, %add3A_558 : vector<16xf32>
          %add3A_1026 = arith.addf %add3A_1024, %mul3A_1025 : vector<16xf32>
          %mul3A_1027 = arith.mulf %gather3A_667, %add3A_508 : vector<16xf32>
          %add3A_1028 = arith.addf %add3A_1026, %mul3A_1027 : vector<16xf32>
          %mul3A_1029 = arith.mulf %gather3A_670, %add3A_412 : vector<16xf32>
          %add3A_1030 = arith.addf %add3A_1028, %mul3A_1029 : vector<16xf32>
          %broadcast_in_dim3A_1031 = vector.shape_cast %xor3A_1 : vector<16xi32> to vector<16x1xi32>
          %gather3A_1032 = vector.shape_cast %broadcast_in_dim3A_1031 : vector<16x1xi32> to vector<16xi32>
          %gather3A_1033 = tpu.dynamic_gather %add3A_638[%gather3A_1032] in [0] : vector<16xf32>, vector<16xi32> -> vector<16xf32>
          %mul3A_1034 = arith.mulf %mul3A_671, %gather3A_1033 : vector<16xf32>
          %add3A_1035 = arith.addf %add3A_638, %mul3A_1034 : vector<16xf32>
          %broadcast_in_dim3A_1036 = vector.shape_cast %xor3A_4 : vector<16xi32> to vector<16x1xi32>
          %gather3A_1037 = vector.shape_cast %broadcast_in_dim3A_1036 : vector<16x1xi32> to vector<16xi32>
          %gather3A_1038 = tpu.dynamic_gather %add3A_638[%gather3A_1037] in [0] : vector<16xf32>, vector<16xi32> -> vector<16xf32>
          %mul3A_1039 = arith.mulf %mul3A_672, %gather3A_1038 : vector<16xf32>
          %add3A_1040 = arith.addf %add3A_1035, %mul3A_1039 : vector<16xf32>
          %broadcast_in_dim3A_1041 = vector.shape_cast %xor3A_7 : vector<16xi32> to vector<16x1xi32>
          %gather3A_1042 = vector.shape_cast %broadcast_in_dim3A_1041 : vector<16x1xi32> to vector<16xi32>
          %gather3A_1043 = tpu.dynamic_gather %add3A_638[%gather3A_1042] in [0] : vector<16xf32>, vector<16xi32> -> vector<16xf32>
          %mul3A_1044 = arith.mulf %mul3A_673, %gather3A_1043 : vector<16xf32>
          %add3A_1045 = arith.addf %add3A_1040, %mul3A_1044 : vector<16xf32>
          %broadcast_in_dim3A_1046 = vector.shape_cast %xor3A_10 : vector<16xi32> to vector<16x1xi32>
          %gather3A_1047 = vector.shape_cast %broadcast_in_dim3A_1046 : vector<16x1xi32> to vector<16xi32>
          %gather3A_1048 = tpu.dynamic_gather %add3A_638[%gather3A_1047] in [0] : vector<16xf32>, vector<16xi32> -> vector<16xf32>
          %mul3A_1049 = arith.mulf %mul3A_674, %gather3A_1048 : vector<16xf32>
          %add3A_1050 = arith.addf %add3A_1045, %mul3A_1049 : vector<16xf32>
          %mul3A_1051 = arith.mulf %gather3A_661, %add3A_610 : vector<16xf32>
          %add3A_1052 = arith.addf %add3A_1050, %mul3A_1051 : vector<16xf32>
          %mul3A_1053 = arith.mulf %gather3A_664, %add3A_584 : vector<16xf32>
          %add3A_1054 = arith.addf %add3A_1052, %mul3A_1053 : vector<16xf32>
          %mul3A_1055 = arith.mulf %gather3A_667, %add3A_534 : vector<16xf32>
          %add3A_1056 = arith.addf %add3A_1054, %mul3A_1055 : vector<16xf32>
          %mul3A_1057 = arith.mulf %gather3A_670, %add3A_438 : vector<16xf32>
          %add3A_1058 = arith.addf %add3A_1056, %mul3A_1057 : vector<16xf32>
          %mul3A_1059 = arith.constant 4 : i32
          %mul3A_1060 = arith.muli %mul3A_1059, %while3A_204 : i32
          %add3A_1061 = arith.constant 2 : i32
          %add3A_1062 = arith.addi %mul3A_1060, %add3A_1061 : i32
          %get3A_1063 = arith.index_cast %add3A_1062 : i32 to index
          %get3A_1064 = arith.constant 0 : index
          %get3A_1065 = tpu.vector_load %arg5[%get3A_1063, %get3A_1064] {strides = array<i32>} : memref<257x16xf32, #tpu.memory_space<vmem>>, vector<16xf32>,
          %exp3A_1066 = math.exp %get3A_1065 : vector<16xf32>
          %broadcast_in_dim3A_1067 = vector.shape_cast %broadcast_in_dim3A_36 : vector<16xi32> to vector<16x1xi32>
          %gather3A_1068 = vector.shape_cast %broadcast_in_dim3A_1067 : vector<16x1xi32> to vector<16xi32>
          %gather3A_1069 = tpu.dynamic_gather %exp3A_1066[%gather3A_1068] in [0] : vector<16xf32>, vector<16xi32> -> vector<16xf32>
          %broadcast_in_dim3A_1070 = vector.shape_cast %broadcast_in_dim3A_38 : vector<16xi32> to vector<16x1xi32>
          %gather3A_1071 = vector.shape_cast %broadcast_in_dim3A_1070 : vector<16x1xi32> to vector<16xi32>
          %gather3A_1072 = tpu.dynamic_gather %exp3A_1066[%gather3A_1071] in [0] : vector<16xf32>, vector<16xi32> -> vector<16xf32>
          %broadcast_in_dim3A_1073 = vector.shape_cast %broadcast_in_dim3A_40 : vector<16xi32> to vector<16x1xi32>
          %gather3A_1074 = vector.shape_cast %broadcast_in_dim3A_1073 : vector<16x1xi32> to vector<16xi32>
          %gather3A_1075 = tpu.dynamic_gather %exp3A_1066[%gather3A_1074] in [0] : vector<16xf32>, vector<16xi32> -> vector<16xf32>
          %broadcast_in_dim3A_1076 = vector.shape_cast %broadcast_in_dim3A_42 : vector<16xi32> to vector<16x1xi32>
          %gather3A_1077 = vector.shape_cast %broadcast_in_dim3A_1076 : vector<16x1xi32> to vector<16xi32>
          %gather3A_1078 = tpu.dynamic_gather %exp3A_1066[%gather3A_1077] in [0] : vector<16xf32>, vector<16xi32> -> vector<16xf32>
          %broadcast_in_dim3A_1079 = vector.shape_cast %broadcast_in_dim3A_44 : vector<16xi32> to vector<16x1xi32>
          %gather3A_1080 = vector.shape_cast %broadcast_in_dim3A_1079 : vector<16x1xi32> to vector<16xi32>
          %gather3A_1081 = tpu.dynamic_gather %exp3A_1066[%gather3A_1080] in [0] : vector<16xf32>, vector<16xi32> -> vector<16xf32>
          %broadcast_in_dim3A_1082 = vector.shape_cast %broadcast_in_dim3A_46 : vector<16xi32> to vector<16x1xi32>
          %gather3A_1083 = vector.shape_cast %broadcast_in_dim3A_1082 : vector<16x1xi32> to vector<16xi32>
          %gather3A_1084 = tpu.dynamic_gather %exp3A_1066[%gather3A_1083] in [0] : vector<16xf32>, vector<16xi32> -> vector<16xf32>
          %broadcast_in_dim3A_1085 = vector.shape_cast %broadcast_in_dim3A_48 : vector<16xi32> to vector<16x1xi32>
          %gather3A_1086 = vector.shape_cast %broadcast_in_dim3A_1085 : vector<16x1xi32> to vector<16xi32>
          %gather3A_1087 = tpu.dynamic_gather %exp3A_1066[%gather3A_1086] in [0] : vector<16xf32>, vector<16xi32> -> vector<16xf32>
          %broadcast_in_dim3A_1088 = vector.shape_cast %broadcast_in_dim3A_50 : vector<16xi32> to vector<16x1xi32>
          %gather3A_1089 = vector.shape_cast %broadcast_in_dim3A_1088 : vector<16x1xi32> to vector<16xi32>
          %gather3A_1090 = tpu.dynamic_gather %exp3A_1066[%gather3A_1089] in [0] : vector<16xf32>, vector<16xi32> -> vector<16xf32>
          %mul3A_1091 = arith.mulf %gather3A_1069, %convert_element_type3A : vector<16xf32>
          %mul3A_1092 = arith.mulf %gather3A_1072, %convert_element_type3A_21 : vector<16xf32>
          %mul3A_1093 = arith.mulf %gather3A_1075, %convert_element_type3A_28 : vector<16xf32>
          %mul3A_1094 = arith.mulf %gather3A_1078, %convert_element_type3A_35 : vector<16xf32>
          %broadcast_in_dim3A_1095 = vector.shape_cast %xor3A_1 : vector<16xi32> to vector<16x1xi32>
          %gather3A_1096 = vector.shape_cast %broadcast_in_dim3A_1095 : vector<16x1xi32> to vector<16xi32>
          %gather3A_1097 = tpu.dynamic_gather %add3A_694[%gather3A_1096] in [0] : vector<16xf32>, vector<16xi32> -> vector<16xf32>
          %mul3A_1098 = arith.mulf %mul3A_1091, %gather3A_1097 : vector<16xf32>
          %add3A_1099 = arith.addf %add3A_694, %mul3A_1098 : vector<16xf32>
          %broadcast_in_dim3A_1100 = vector.shape_cast %xor3A_4 : vector<16xi32> to vector<16x1xi32>
          %gather3A_1101 = vector.shape_cast %broadcast_in_dim3A_1100 : vector<16x1xi32> to vector<16xi32>
          %gather3A_1102 = tpu.dynamic_gather %add3A_694[%gather3A_1101] in [0] : vector<16xf32>, vector<16xi32> -> vector<16xf32>
          %mul3A_1103 = arith.mulf %mul3A_1092, %gather3A_1102 : vector<16xf32>
          %add3A_1104 = arith.addf %add3A_1099, %mul3A_1103 : vector<16xf32>
          %broadcast_in_dim3A_1105 = vector.shape_cast %xor3A_7 : vector<16xi32> to vector<16x1xi32>
          %gather3A_1106 = vector.shape_cast %broadcast_in_dim3A_1105 : vector<16x1xi32> to vector<16xi32>
          %gather3A_1107 = tpu.dynamic_gather %add3A_694[%gather3A_1106] in [0] : vector<16xf32>, vector<16xi32> -> vector<16xf32>
          %mul3A_1108 = arith.mulf %mul3A_1093, %gather3A_1107 : vector<16xf32>
          %add3A_1109 = arith.addf %add3A_1104, %mul3A_1108 : vector<16xf32>
          %broadcast_in_dim3A_1110 = vector.shape_cast %xor3A_10 : vector<16xi32> to vector<16x1xi32>
          %gather3A_1111 = vector.shape_cast %broadcast_in_dim3A_1110 : vector<16x1xi32> to vector<16xi32>
          %gather3A_1112 = tpu.dynamic_gather %add3A_694[%gather3A_1111] in [0] : vector<16xf32>, vector<16xi32> -> vector<16xf32>
          %mul3A_1113 = arith.mulf %mul3A_1094, %gather3A_1112 : vector<16xf32>
          %add3A_1114 = arith.addf %add3A_1109, %mul3A_1113 : vector<16xf32>
          %broadcast_in_dim3A_1115 = vector.shape_cast %xor3A_1 : vector<16xi32> to vector<16x1xi32>
          %gather3A_1116 = vector.shape_cast %broadcast_in_dim3A_1115 : vector<16x1xi32> to vector<16xi32>
          %gather3A_1117 = tpu.dynamic_gather %add3A_716[%gather3A_1116] in [0] : vector<16xf32>, vector<16xi32> -> vector<16xf32>
          %mul3A_1118 = arith.mulf %mul3A_1091, %gather3A_1117 : vector<16xf32>
          %add3A_1119 = arith.addf %add3A_716, %mul3A_1118 : vector<16xf32>
          %broadcast_in_dim3A_1120 = vector.shape_cast %xor3A_4 : vector<16xi32> to vector<16x1xi32>
          %gather3A_1121 = vector.shape_cast %broadcast_in_dim3A_1120 : vector<16x1xi32> to vector<16xi32>
          %gather3A_1122 = tpu.dynamic_gather %add3A_716[%gather3A_1121] in [0] : vector<16xf32>, vector<16xi32> -> vector<16xf32>
          %mul3A_1123 = arith.mulf %mul3A_1092, %gather3A_1122 : vector<16xf32>
          %add3A_1124 = arith.addf %add3A_1119, %mul3A_1123 : vector<16xf32>
          %broadcast_in_dim3A_1125 = vector.shape_cast %xor3A_7 : vector<16xi32> to vector<16x1xi32>
          %gather3A_1126 = vector.shape_cast %broadcast_in_dim3A_1125 : vector<16x1xi32> to vector<16xi32>
          %gather3A_1127 = tpu.dynamic_gather %add3A_716[%gather3A_1126] in [0] : vector<16xf32>, vector<16xi32> -> vector<16xf32>
          %mul3A_1128 = arith.mulf %mul3A_1093, %gather3A_1127 : vector<16xf32>
          %add3A_1129 = arith.addf %add3A_1124, %mul3A_1128 : vector<16xf32>
          %broadcast_in_dim3A_1130 = vector.shape_cast %xor3A_10 : vector<16xi32> to vector<16x1xi32>
          %gather3A_1131 = vector.shape_cast %broadcast_in_dim3A_1130 : vector<16x1xi32> to vector<16xi32>
          %gather3A_1132 = tpu.dynamic_gather %add3A_716[%gather3A_1131] in [0] : vector<16xf32>, vector<16xi32> -> vector<16xf32>
          %mul3A_1133 = arith.mulf %mul3A_1094, %gather3A_1132 : vector<16xf32>
          %add3A_1134 = arith.addf %add3A_1129, %mul3A_1133 : vector<16xf32>
          %mul3A_1135 = arith.mulf %gather3A_1081, %add3A_694 : vector<16xf32>
          %add3A_1136 = arith.addf %add3A_1134, %mul3A_1135 : vector<16xf32>
          %broadcast_in_dim3A_1137 = vector.shape_cast %xor3A_1 : vector<16xi32> to vector<16x1xi32>
          %gather3A_1138 = vector.shape_cast %broadcast_in_dim3A_1137 : vector<16x1xi32> to vector<16xi32>
          %gather3A_1139 = tpu.dynamic_gather %add3A_738[%gather3A_1138] in [0] : vector<16xf32>, vector<16xi32> -> vector<16xf32>
          %mul3A_1140 = arith.mulf %mul3A_1091, %gather3A_1139 : vector<16xf32>
          %add3A_1141 = arith.addf %add3A_738, %mul3A_1140 : vector<16xf32>
          %broadcast_in_dim3A_1142 = vector.shape_cast %xor3A_4 : vector<16xi32> to vector<16x1xi32>
          %gather3A_1143 = vector.shape_cast %broadcast_in_dim3A_1142 : vector<16x1xi32> to vector<16xi32>
          %gather3A_1144 = tpu.dynamic_gather %add3A_738[%gather3A_1143] in [0] : vector<16xf32>, vector<16xi32> -> vector<16xf32>
          %mul3A_1145 = arith.mulf %mul3A_1092, %gather3A_1144 : vector<16xf32>
          %add3A_1146 = arith.addf %add3A_1141, %mul3A_1145 : vector<16xf32>
          %broadcast_in_dim3A_1147 = vector.shape_cast %xor3A_7 : vector<16xi32> to vector<16x1xi32>
          %gather3A_1148 = vector.shape_cast %broadcast_in_dim3A_1147 : vector<16x1xi32> to vector<16xi32>
          %gather3A_1149 = tpu.dynamic_gather %add3A_738[%gather3A_1148] in [0] : vector<16xf32>, vector<16xi32> -> vector<16xf32>
          %mul3A_1150 = arith.mulf %mul3A_1093, %gather3A_1149 : vector<16xf32>
          %add3A_1151 = arith.addf %add3A_1146, %mul3A_1150 : vector<16xf32>
          %broadcast_in_dim3A_1152 = vector.shape_cast %xor3A_10 : vector<16xi32> to vector<16x1xi32>
          %gather3A_1153 = vector.shape_cast %broadcast_in_dim3A_1152 : vector<16x1xi32> to vector<16xi32>
          %gather3A_1154 = tpu.dynamic_gather %add3A_738[%gather3A_1153] in [0] : vector<16xf32>, vector<16xi32> -> vector<16xf32>
          %mul3A_1155 = arith.mulf %mul3A_1094, %gather3A_1154 : vector<16xf32>
          %add3A_1156 = arith.addf %add3A_1151, %mul3A_1155 : vector<16xf32>
          %mul3A_1157 = arith.mulf %gather3A_1084, %add3A_694 : vector<16xf32>
          %add3A_1158 = arith.addf %add3A_1156, %mul3A_1157 : vector<16xf32>
          %broadcast_in_dim3A_1159 = vector.shape_cast %xor3A_1 : vector<16xi32> to vector<16x1xi32>
          %gather3A_1160 = vector.shape_cast %broadcast_in_dim3A_1159 : vector<16x1xi32> to vector<16xi32>
          %gather3A_1161 = tpu.dynamic_gather %add3A_762[%gather3A_1160] in [0] : vector<16xf32>, vector<16xi32> -> vector<16xf32>
          %mul3A_1162 = arith.mulf %mul3A_1091, %gather3A_1161 : vector<16xf32>
          %add3A_1163 = arith.addf %add3A_762, %mul3A_1162 : vector<16xf32>
          %broadcast_in_dim3A_1164 = vector.shape_cast %xor3A_4 : vector<16xi32> to vector<16x1xi32>
          %gather3A_1165 = vector.shape_cast %broadcast_in_dim3A_1164 : vector<16x1xi32> to vector<16xi32>
          %gather3A_1166 = tpu.dynamic_gather %add3A_762[%gather3A_1165] in [0] : vector<16xf32>, vector<16xi32> -> vector<16xf32>
          %mul3A_1167 = arith.mulf %mul3A_1092, %gather3A_1166 : vector<16xf32>
          %add3A_1168 = arith.addf %add3A_1163, %mul3A_1167 : vector<16xf32>
          %broadcast_in_dim3A_1169 = vector.shape_cast %xor3A_7 : vector<16xi32> to vector<16x1xi32>
          %gather3A_1170 = vector.shape_cast %broadcast_in_dim3A_1169 : vector<16x1xi32> to vector<16xi32>
          %gather3A_1171 = tpu.dynamic_gather %add3A_762[%gather3A_1170] in [0] : vector<16xf32>, vector<16xi32> -> vector<16xf32>
          %mul3A_1172 = arith.mulf %mul3A_1093, %gather3A_1171 : vector<16xf32>
          %add3A_1173 = arith.addf %add3A_1168, %mul3A_1172 : vector<16xf32>
          %broadcast_in_dim3A_1174 = vector.shape_cast %xor3A_10 : vector<16xi32> to vector<16x1xi32>
          %gather3A_1175 = vector.shape_cast %broadcast_in_dim3A_1174 : vector<16x1xi32> to vector<16xi32>
          %gather3A_1176 = tpu.dynamic_gather %add3A_762[%gather3A_1175] in [0] : vector<16xf32>, vector<16xi32> -> vector<16xf32>
          %mul3A_1177 = arith.mulf %mul3A_1094, %gather3A_1176 : vector<16xf32>
          %add3A_1178 = arith.addf %add3A_1173, %mul3A_1177 : vector<16xf32>
          %mul3A_1179 = arith.mulf %gather3A_1081, %add3A_738 : vector<16xf32>
          %add3A_1180 = arith.addf %add3A_1178, %mul3A_1179 : vector<16xf32>
          %mul3A_1181 = arith.mulf %gather3A_1084, %add3A_716 : vector<16xf32>
          %add3A_1182 = arith.addf %add3A_1180, %mul3A_1181 : vector<16xf32>
          %broadcast_in_dim3A_1183 = vector.shape_cast %xor3A_1 : vector<16xi32> to vector<16x1xi32>
          %gather3A_1184 = vector.shape_cast %broadcast_in_dim3A_1183 : vector<16x1xi32> to vector<16xi32>
          %gather3A_1185 = tpu.dynamic_gather %add3A_784[%gather3A_1184] in [0] : vector<16xf32>, vector<16xi32> -> vector<16xf32>
          %mul3A_1186 = arith.mulf %mul3A_1091, %gather3A_1185 : vector<16xf32>
          %add3A_1187 = arith.addf %add3A_784, %mul3A_1186 : vector<16xf32>
          %broadcast_in_dim3A_1188 = vector.shape_cast %xor3A_4 : vector<16xi32> to vector<16x1xi32>
          %gather3A_1189 = vector.shape_cast %broadcast_in_dim3A_1188 : vector<16x1xi32> to vector<16xi32>
          %gather3A_1190 = tpu.dynamic_gather %add3A_784[%gather3A_1189] in [0] : vector<16xf32>, vector<16xi32> -> vector<16xf32>
          %mul3A_1191 = arith.mulf %mul3A_1092, %gather3A_1190 : vector<16xf32>
          %add3A_1192 = arith.addf %add3A_1187, %mul3A_1191 : vector<16xf32>
          %broadcast_in_dim3A_1193 = vector.shape_cast %xor3A_7 : vector<16xi32> to vector<16x1xi32>
          %gather3A_1194 = vector.shape_cast %broadcast_in_dim3A_1193 : vector<16x1xi32> to vector<16xi32>
          %gather3A_1195 = tpu.dynamic_gather %add3A_784[%gather3A_1194] in [0] : vector<16xf32>, vector<16xi32> -> vector<16xf32>
          %mul3A_1196 = arith.mulf %mul3A_1093, %gather3A_1195 : vector<16xf32>
          %add3A_1197 = arith.addf %add3A_1192, %mul3A_1196 : vector<16xf32>
          %broadcast_in_dim3A_1198 = vector.shape_cast %xor3A_10 : vector<16xi32> to vector<16x1xi32>
          %gather3A_1199 = vector.shape_cast %broadcast_in_dim3A_1198 : vector<16x1xi32> to vector<16xi32>
          %gather3A_1200 = tpu.dynamic_gather %add3A_784[%gather3A_1199] in [0] : vector<16xf32>, vector<16xi32> -> vector<16xf32>
          %mul3A_1201 = arith.mulf %mul3A_1094, %gather3A_1200 : vector<16xf32>
          %add3A_1202 = arith.addf %add3A_1197, %mul3A_1201 : vector<16xf32>
          %mul3A_1203 = arith.mulf %gather3A_1087, %add3A_694 : vector<16xf32>
          %add3A_1204 = arith.addf %add3A_1202, %mul3A_1203 : vector<16xf32>
          %broadcast_in_dim3A_1205 = vector.shape_cast %xor3A_1 : vector<16xi32> to vector<16x1xi32>
          %gather3A_1206 = vector.shape_cast %broadcast_in_dim3A_1205 : vector<16x1xi32> to vector<16xi32>
          %gather3A_1207 = tpu.dynamic_gather %add3A_808[%gather3A_1206] in [0] : vector<16xf32>, vector<16xi32> -> vector<16xf32>
          %mul3A_1208 = arith.mulf %mul3A_1091, %gather3A_1207 : vector<16xf32>
          %add3A_1209 = arith.addf %add3A_808, %mul3A_1208 : vector<16xf32>
          %broadcast_in_dim3A_1210 = vector.shape_cast %xor3A_4 : vector<16xi32> to vector<16x1xi32>
          %gather3A_1211 = vector.shape_cast %broadcast_in_dim3A_1210 : vector<16x1xi32> to vector<16xi32>
          %gather3A_1212 = tpu.dynamic_gather %add3A_808[%gather3A_1211] in [0] : vector<16xf32>, vector<16xi32> -> vector<16xf32>
          %mul3A_1213 = arith.mulf %mul3A_1092, %gather3A_1212 : vector<16xf32>
          %add3A_1214 = arith.addf %add3A_1209, %mul3A_1213 : vector<16xf32>
          %broadcast_in_dim3A_1215 = vector.shape_cast %xor3A_7 : vector<16xi32> to vector<16x1xi32>
          %gather3A_1216 = vector.shape_cast %broadcast_in_dim3A_1215 : vector<16x1xi32> to vector<16xi32>
          %gather3A_1217 = tpu.dynamic_gather %add3A_808[%gather3A_1216] in [0] : vector<16xf32>, vector<16xi32> -> vector<16xf32>
          %mul3A_1218 = arith.mulf %mul3A_1093, %gather3A_1217 : vector<16xf32>
          %add3A_1219 = arith.addf %add3A_1214, %mul3A_1218 : vector<16xf32>
          %broadcast_in_dim3A_1220 = vector.shape_cast %xor3A_10 : vector<16xi32> to vector<16x1xi32>
          %gather3A_1221 = vector.shape_cast %broadcast_in_dim3A_1220 : vector<16x1xi32> to vector<16xi32>
          %gather3A_1222 = tpu.dynamic_gather %add3A_808[%gather3A_1221] in [0] : vector<16xf32>, vector<16xi32> -> vector<16xf32>
          %mul3A_1223 = arith.mulf %mul3A_1094, %gather3A_1222 : vector<16xf32>
          %add3A_1224 = arith.addf %add3A_1219, %mul3A_1223 : vector<16xf32>
          %mul3A_1225 = arith.mulf %gather3A_1081, %add3A_784 : vector<16xf32>
          %add3A_1226 = arith.addf %add3A_1224, %mul3A_1225 : vector<16xf32>
          %mul3A_1227 = arith.mulf %gather3A_1087, %add3A_716 : vector<16xf32>
          %add3A_1228 = arith.addf %add3A_1226, %mul3A_1227 : vector<16xf32>
          %broadcast_in_dim3A_1229 = vector.shape_cast %xor3A_1 : vector<16xi32> to vector<16x1xi32>
          %gather3A_1230 = vector.shape_cast %broadcast_in_dim3A_1229 : vector<16x1xi32> to vector<16xi32>
          %gather3A_1231 = tpu.dynamic_gather %add3A_832[%gather3A_1230] in [0] : vector<16xf32>, vector<16xi32> -> vector<16xf32>
          %mul3A_1232 = arith.mulf %mul3A_1091, %gather3A_1231 : vector<16xf32>
          %add3A_1233 = arith.addf %add3A_832, %mul3A_1232 : vector<16xf32>
          %broadcast_in_dim3A_1234 = vector.shape_cast %xor3A_4 : vector<16xi32> to vector<16x1xi32>
          %gather3A_1235 = vector.shape_cast %broadcast_in_dim3A_1234 : vector<16x1xi32> to vector<16xi32>
          %gather3A_1236 = tpu.dynamic_gather %add3A_832[%gather3A_1235] in [0] : vector<16xf32>, vector<16xi32> -> vector<16xf32>
          %mul3A_1237 = arith.mulf %mul3A_1092, %gather3A_1236 : vector<16xf32>
          %add3A_1238 = arith.addf %add3A_1233, %mul3A_1237 : vector<16xf32>
          %broadcast_in_dim3A_1239 = vector.shape_cast %xor3A_7 : vector<16xi32> to vector<16x1xi32>
          %gather3A_1240 = vector.shape_cast %broadcast_in_dim3A_1239 : vector<16x1xi32> to vector<16xi32>
          %gather3A_1241 = tpu.dynamic_gather %add3A_832[%gather3A_1240] in [0] : vector<16xf32>, vector<16xi32> -> vector<16xf32>
          %mul3A_1242 = arith.mulf %mul3A_1093, %gather3A_1241 : vector<16xf32>
          %add3A_1243 = arith.addf %add3A_1238, %mul3A_1242 : vector<16xf32>
          %broadcast_in_dim3A_1244 = vector.shape_cast %xor3A_10 : vector<16xi32> to vector<16x1xi32>
          %gather3A_1245 = vector.shape_cast %broadcast_in_dim3A_1244 : vector<16x1xi32> to vector<16xi32>
          %gather3A_1246 = tpu.dynamic_gather %add3A_832[%gather3A_1245] in [0] : vector<16xf32>, vector<16xi32> -> vector<16xf32>
          %mul3A_1247 = arith.mulf %mul3A_1094, %gather3A_1246 : vector<16xf32>
          %add3A_1248 = arith.addf %add3A_1243, %mul3A_1247 : vector<16xf32>
          %mul3A_1249 = arith.mulf %gather3A_1084, %add3A_784 : vector<16xf32>
          %add3A_1250 = arith.addf %add3A_1248, %mul3A_1249 : vector<16xf32>
          %mul3A_1251 = arith.mulf %gather3A_1087, %add3A_738 : vector<16xf32>
          %add3A_1252 = arith.addf %add3A_1250, %mul3A_1251 : vector<16xf32>
          %broadcast_in_dim3A_1253 = vector.shape_cast %xor3A_1 : vector<16xi32> to vector<16x1xi32>
          %gather3A_1254 = vector.shape_cast %broadcast_in_dim3A_1253 : vector<16x1xi32> to vector<16xi32>
          %gather3A_1255 = tpu.dynamic_gather %add3A_858[%gather3A_1254] in [0] : vector<16xf32>, vector<16xi32> -> vector<16xf32>
          %mul3A_1256 = arith.mulf %mul3A_1091, %gather3A_1255 : vector<16xf32>
          %add3A_1257 = arith.addf %add3A_858, %mul3A_1256 : vector<16xf32>
          %broadcast_in_dim3A_1258 = vector.shape_cast %xor3A_4 : vector<16xi32> to vector<16x1xi32>
          %gather3A_1259 = vector.shape_cast %broadcast_in_dim3A_1258 : vector<16x1xi32> to vector<16xi32>
          %gather3A_1260 = tpu.dynamic_gather %add3A_858[%gather3A_1259] in [0] : vector<16xf32>, vector<16xi32> -> vector<16xf32>
          %mul3A_1261 = arith.mulf %mul3A_1092, %gather3A_1260 : vector<16xf32>
          %add3A_1262 = arith.addf %add3A_1257, %mul3A_1261 : vector<16xf32>
          %broadcast_in_dim3A_1263 = vector.shape_cast %xor3A_7 : vector<16xi32> to vector<16x1xi32>
          %gather3A_1264 = vector.shape_cast %broadcast_in_dim3A_1263 : vector<16x1xi32> to vector<16xi32>
          %gather3A_1265 = tpu.dynamic_gather %add3A_858[%gather3A_1264] in [0] : vector<16xf32>, vector<16xi32> -> vector<16xf32>
          %mul3A_1266 = arith.mulf %mul3A_1093, %gather3A_1265 : vector<16xf32>
          %add3A_1267 = arith.addf %add3A_1262, %mul3A_1266 : vector<16xf32>
          %broadcast_in_dim3A_1268 = vector.shape_cast %xor3A_10 : vector<16xi32> to vector<16x1xi32>
          %gather3A_1269 = vector.shape_cast %broadcast_in_dim3A_1268 : vector<16x1xi32> to vector<16xi32>
          %gather3A_1270 = tpu.dynamic_gather %add3A_858[%gather3A_1269] in [0] : vector<16xf32>, vector<16xi32> -> vector<16xf32>
          %mul3A_1271 = arith.mulf %mul3A_1094, %gather3A_1270 : vector<16xf32>
          %add3A_1272 = arith.addf %add3A_1267, %mul3A_1271 : vector<16xf32>
          %mul3A_1273 = arith.mulf %gather3A_1081, %add3A_832 : vector<16xf32>
          %add3A_1274 = arith.addf %add3A_1272, %mul3A_1273 : vector<16xf32>
          %mul3A_1275 = arith.mulf %gather3A_1084, %add3A_808 : vector<16xf32>
          %add3A_1276 = arith.addf %add3A_1274, %mul3A_1275 : vector<16xf32>
          %mul3A_1277 = arith.mulf %gather3A_1087, %add3A_762 : vector<16xf32>
          %add3A_1278 = arith.addf %add3A_1276, %mul3A_1277 : vector<16xf32>
          %broadcast_in_dim3A_1279 = vector.shape_cast %xor3A_1 : vector<16xi32> to vector<16x1xi32>
          %gather3A_1280 = vector.shape_cast %broadcast_in_dim3A_1279 : vector<16x1xi32> to vector<16xi32>
          %gather3A_1281 = tpu.dynamic_gather %add3A_880[%gather3A_1280] in [0] : vector<16xf32>, vector<16xi32> -> vector<16xf32>
          %mul3A_1282 = arith.mulf %mul3A_1091, %gather3A_1281 : vector<16xf32>
          %add3A_1283 = arith.addf %add3A_880, %mul3A_1282 : vector<16xf32>
          %broadcast_in_dim3A_1284 = vector.shape_cast %xor3A_4 : vector<16xi32> to vector<16x1xi32>
          %gather3A_1285 = vector.shape_cast %broadcast_in_dim3A_1284 : vector<16x1xi32> to vector<16xi32>
          %gather3A_1286 = tpu.dynamic_gather %add3A_880[%gather3A_1285] in [0] : vector<16xf32>, vector<16xi32> -> vector<16xf32>
          %mul3A_1287 = arith.mulf %mul3A_1092, %gather3A_1286 : vector<16xf32>
          %add3A_1288 = arith.addf %add3A_1283, %mul3A_1287 : vector<16xf32>
          %broadcast_in_dim3A_1289 = vector.shape_cast %xor3A_7 : vector<16xi32> to vector<16x1xi32>
          %gather3A_1290 = vector.shape_cast %broadcast_in_dim3A_1289 : vector<16x1xi32> to vector<16xi32>
          %gather3A_1291 = tpu.dynamic_gather %add3A_880[%gather3A_1290] in [0] : vector<16xf32>, vector<16xi32> -> vector<16xf32>
          %mul3A_1292 = arith.mulf %mul3A_1093, %gather3A_1291 : vector<16xf32>
          %add3A_1293 = arith.addf %add3A_1288, %mul3A_1292 : vector<16xf32>
          %broadcast_in_dim3A_1294 = vector.shape_cast %xor3A_10 : vector<16xi32> to vector<16x1xi32>
          %gather3A_1295 = vector.shape_cast %broadcast_in_dim3A_1294 : vector<16x1xi32> to vector<16xi32>
          %gather3A_1296 = tpu.dynamic_gather %add3A_880[%gather3A_1295] in [0] : vector<16xf32>, vector<16xi32> -> vector<16xf32>
          %mul3A_1297 = arith.mulf %mul3A_1094, %gather3A_1296 : vector<16xf32>
          %add3A_1298 = arith.addf %add3A_1293, %mul3A_1297 : vector<16xf32>
          %mul3A_1299 = arith.mulf %gather3A_1090, %add3A_694 : vector<16xf32>
          %add3A_1300 = arith.addf %add3A_1298, %mul3A_1299 : vector<16xf32>
          %broadcast_in_dim3A_1301 = vector.shape_cast %xor3A_1 : vector<16xi32> to vector<16x1xi32>
          %gather3A_1302 = vector.shape_cast %broadcast_in_dim3A_1301 : vector<16x1xi32> to vector<16xi32>
          %gather3A_1303 = tpu.dynamic_gather %add3A_904[%gather3A_1302] in [0] : vector<16xf32>, vector<16xi32> -> vector<16xf32>
          %mul3A_1304 = arith.mulf %mul3A_1091, %gather3A_1303 : vector<16xf32>
          %add3A_1305 = arith.addf %add3A_904, %mul3A_1304 : vector<16xf32>
          %broadcast_in_dim3A_1306 = vector.shape_cast %xor3A_4 : vector<16xi32> to vector<16x1xi32>
          %gather3A_1307 = vector.shape_cast %broadcast_in_dim3A_1306 : vector<16x1xi32> to vector<16xi32>
          %gather3A_1308 = tpu.dynamic_gather %add3A_904[%gather3A_1307] in [0] : vector<16xf32>, vector<16xi32> -> vector<16xf32>
          %mul3A_1309 = arith.mulf %mul3A_1092, %gather3A_1308 : vector<16xf32>
          %add3A_1310 = arith.addf %add3A_1305, %mul3A_1309 : vector<16xf32>
          %broadcast_in_dim3A_1311 = vector.shape_cast %xor3A_7 : vector<16xi32> to vector<16x1xi32>
          %gather3A_1312 = vector.shape_cast %broadcast_in_dim3A_1311 : vector<16x1xi32> to vector<16xi32>
          %gather3A_1313 = tpu.dynamic_gather %add3A_904[%gather3A_1312] in [0] : vector<16xf32>, vector<16xi32> -> vector<16xf32>
          %mul3A_1314 = arith.mulf %mul3A_1093, %gather3A_1313 : vector<16xf32>
          %add3A_1315 = arith.addf %add3A_1310, %mul3A_1314 : vector<16xf32>
          %broadcast_in_dim3A_1316 = vector.shape_cast %xor3A_10 : vector<16xi32> to vector<16x1xi32>
          %gather3A_1317 = vector.shape_cast %broadcast_in_dim3A_1316 : vector<16x1xi32> to vector<16xi32>
          %gather3A_1318 = tpu.dynamic_gather %add3A_904[%gather3A_1317] in [0] : vector<16xf32>, vector<16xi32> -> vector<16xf32>
          %mul3A_1319 = arith.mulf %mul3A_1094, %gather3A_1318 : vector<16xf32>
          %add3A_1320 = arith.addf %add3A_1315, %mul3A_1319 : vector<16xf32>
          %mul3A_1321 = arith.mulf %gather3A_1081, %add3A_880 : vector<16xf32>
          %add3A_1322 = arith.addf %add3A_1320, %mul3A_1321 : vector<16xf32>
          %mul3A_1323 = arith.mulf %gather3A_1090, %add3A_716 : vector<16xf32>
          %add3A_1324 = arith.addf %add3A_1322, %mul3A_1323 : vector<16xf32>
          %broadcast_in_dim3A_1325 = vector.shape_cast %xor3A_1 : vector<16xi32> to vector<16x1xi32>
          %gather3A_1326 = vector.shape_cast %broadcast_in_dim3A_1325 : vector<16x1xi32> to vector<16xi32>
          %gather3A_1327 = tpu.dynamic_gather %add3A_928[%gather3A_1326] in [0] : vector<16xf32>, vector<16xi32> -> vector<16xf32>
          %mul3A_1328 = arith.mulf %mul3A_1091, %gather3A_1327 : vector<16xf32>
          %add3A_1329 = arith.addf %add3A_928, %mul3A_1328 : vector<16xf32>
          %broadcast_in_dim3A_1330 = vector.shape_cast %xor3A_4 : vector<16xi32> to vector<16x1xi32>
          %gather3A_1331 = vector.shape_cast %broadcast_in_dim3A_1330 : vector<16x1xi32> to vector<16xi32>
          %gather3A_1332 = tpu.dynamic_gather %add3A_928[%gather3A_1331] in [0] : vector<16xf32>, vector<16xi32> -> vector<16xf32>
          %mul3A_1333 = arith.mulf %mul3A_1092, %gather3A_1332 : vector<16xf32>
          %add3A_1334 = arith.addf %add3A_1329, %mul3A_1333 : vector<16xf32>
          %broadcast_in_dim3A_1335 = vector.shape_cast %xor3A_7 : vector<16xi32> to vector<16x1xi32>
          %gather3A_1336 = vector.shape_cast %broadcast_in_dim3A_1335 : vector<16x1xi32> to vector<16xi32>
          %gather3A_1337 = tpu.dynamic_gather %add3A_928[%gather3A_1336] in [0] : vector<16xf32>, vector<16xi32> -> vector<16xf32>
          %mul3A_1338 = arith.mulf %mul3A_1093, %gather3A_1337 : vector<16xf32>
          %add3A_1339 = arith.addf %add3A_1334, %mul3A_1338 : vector<16xf32>
          %broadcast_in_dim3A_1340 = vector.shape_cast %xor3A_10 : vector<16xi32> to vector<16x1xi32>
          %gather3A_1341 = vector.shape_cast %broadcast_in_dim3A_1340 : vector<16x1xi32> to vector<16xi32>
          %gather3A_1342 = tpu.dynamic_gather %add3A_928[%gather3A_1341] in [0] : vector<16xf32>, vector<16xi32> -> vector<16xf32>
          %mul3A_1343 = arith.mulf %mul3A_1094, %gather3A_1342 : vector<16xf32>
          %add3A_1344 = arith.addf %add3A_1339, %mul3A_1343 : vector<16xf32>
          %mul3A_1345 = arith.mulf %gather3A_1084, %add3A_880 : vector<16xf32>
          %add3A_1346 = arith.addf %add3A_1344, %mul3A_1345 : vector<16xf32>
          %mul3A_1347 = arith.mulf %gather3A_1090, %add3A_738 : vector<16xf32>
          %add3A_1348 = arith.addf %add3A_1346, %mul3A_1347 : vector<16xf32>
          %broadcast_in_dim3A_1349 = vector.shape_cast %xor3A_1 : vector<16xi32> to vector<16x1xi32>
          %gather3A_1350 = vector.shape_cast %broadcast_in_dim3A_1349 : vector<16x1xi32> to vector<16xi32>
          %gather3A_1351 = tpu.dynamic_gather %add3A_954[%gather3A_1350] in [0] : vector<16xf32>, vector<16xi32> -> vector<16xf32>
          %mul3A_1352 = arith.mulf %mul3A_1091, %gather3A_1351 : vector<16xf32>
          %add3A_1353 = arith.addf %add3A_954, %mul3A_1352 : vector<16xf32>
          %broadcast_in_dim3A_1354 = vector.shape_cast %xor3A_4 : vector<16xi32> to vector<16x1xi32>
          %gather3A_1355 = vector.shape_cast %broadcast_in_dim3A_1354 : vector<16x1xi32> to vector<16xi32>
          %gather3A_1356 = tpu.dynamic_gather %add3A_954[%gather3A_1355] in [0] : vector<16xf32>, vector<16xi32> -> vector<16xf32>
          %mul3A_1357 = arith.mulf %mul3A_1092, %gather3A_1356 : vector<16xf32>
          %add3A_1358 = arith.addf %add3A_1353, %mul3A_1357 : vector<16xf32>
          %broadcast_in_dim3A_1359 = vector.shape_cast %xor3A_7 : vector<16xi32> to vector<16x1xi32>
          %gather3A_1360 = vector.shape_cast %broadcast_in_dim3A_1359 : vector<16x1xi32> to vector<16xi32>
          %gather3A_1361 = tpu.dynamic_gather %add3A_954[%gather3A_1360] in [0] : vector<16xf32>, vector<16xi32> -> vector<16xf32>
          %mul3A_1362 = arith.mulf %mul3A_1093, %gather3A_1361 : vector<16xf32>
          %add3A_1363 = arith.addf %add3A_1358, %mul3A_1362 : vector<16xf32>
          %broadcast_in_dim3A_1364 = vector.shape_cast %xor3A_10 : vector<16xi32> to vector<16x1xi32>
          %gather3A_1365 = vector.shape_cast %broadcast_in_dim3A_1364 : vector<16x1xi32> to vector<16xi32>
          %gather3A_1366 = tpu.dynamic_gather %add3A_954[%gather3A_1365] in [0] : vector<16xf32>, vector<16xi32> -> vector<16xf32>
          %mul3A_1367 = arith.mulf %mul3A_1094, %gather3A_1366 : vector<16xf32>
          %add3A_1368 = arith.addf %add3A_1363, %mul3A_1367 : vector<16xf32>
          %mul3A_1369 = arith.mulf %gather3A_1081, %add3A_928 : vector<16xf32>
          %add3A_1370 = arith.addf %add3A_1368, %mul3A_1369 : vector<16xf32>
          %mul3A_1371 = arith.mulf %gather3A_1084, %add3A_904 : vector<16xf32>
          %add3A_1372 = arith.addf %add3A_1370, %mul3A_1371 : vector<16xf32>
          %mul3A_1373 = arith.mulf %gather3A_1090, %add3A_762 : vector<16xf32>
          %add3A_1374 = arith.addf %add3A_1372, %mul3A_1373 : vector<16xf32>
          %broadcast_in_dim3A_1375 = vector.shape_cast %xor3A_1 : vector<16xi32> to vector<16x1xi32>
          %gather3A_1376 = vector.shape_cast %broadcast_in_dim3A_1375 : vector<16x1xi32> to vector<16xi32>
          %gather3A_1377 = tpu.dynamic_gather %add3A_978[%gather3A_1376] in [0] : vector<16xf32>, vector<16xi32> -> vector<16xf32>
          %mul3A_1378 = arith.mulf %mul3A_1091, %gather3A_1377 : vector<16xf32>
          %add3A_1379 = arith.addf %add3A_978, %mul3A_1378 : vector<16xf32>
          %broadcast_in_dim3A_1380 = vector.shape_cast %xor3A_4 : vector<16xi32> to vector<16x1xi32>
          %gather3A_1381 = vector.shape_cast %broadcast_in_dim3A_1380 : vector<16x1xi32> to vector<16xi32>
          %gather3A_1382 = tpu.dynamic_gather %add3A_978[%gather3A_1381] in [0] : vector<16xf32>, vector<16xi32> -> vector<16xf32>
          %mul3A_1383 = arith.mulf %mul3A_1092, %gather3A_1382 : vector<16xf32>
          %add3A_1384 = arith.addf %add3A_1379, %mul3A_1383 : vector<16xf32>
          %broadcast_in_dim3A_1385 = vector.shape_cast %xor3A_7 : vector<16xi32> to vector<16x1xi32>
          %gather3A_1386 = vector.shape_cast %broadcast_in_dim3A_1385 : vector<16x1xi32> to vector<16xi32>
          %gather3A_1387 = tpu.dynamic_gather %add3A_978[%gather3A_1386] in [0] : vector<16xf32>, vector<16xi32> -> vector<16xf32>
          %mul3A_1388 = arith.mulf %mul3A_1093, %gather3A_1387 : vector<16xf32>
          %add3A_1389 = arith.addf %add3A_1384, %mul3A_1388 : vector<16xf32>
          %broadcast_in_dim3A_1390 = vector.shape_cast %xor3A_10 : vector<16xi32> to vector<16x1xi32>
          %gather3A_1391 = vector.shape_cast %broadcast_in_dim3A_1390 : vector<16x1xi32> to vector<16xi32>
          %gather3A_1392 = tpu.dynamic_gather %add3A_978[%gather3A_1391] in [0] : vector<16xf32>, vector<16xi32> -> vector<16xf32>
          %mul3A_1393 = arith.mulf %mul3A_1094, %gather3A_1392 : vector<16xf32>
          %add3A_1394 = arith.addf %add3A_1389, %mul3A_1393 : vector<16xf32>
          %mul3A_1395 = arith.mulf %gather3A_1087, %add3A_880 : vector<16xf32>
          %add3A_1396 = arith.addf %add3A_1394, %mul3A_1395 : vector<16xf32>
          %mul3A_1397 = arith.mulf %gather3A_1090, %add3A_784 : vector<16xf32>
          %add3A_1398 = arith.addf %add3A_1396, %mul3A_1397 : vector<16xf32>
          %broadcast_in_dim3A_1399 = vector.shape_cast %xor3A_1 : vector<16xi32> to vector<16x1xi32>
          %gather3A_1400 = vector.shape_cast %broadcast_in_dim3A_1399 : vector<16x1xi32> to vector<16xi32>
          %gather3A_1401 = tpu.dynamic_gather %add3A_1004[%gather3A_1400] in [0] : vector<16xf32>, vector<16xi32> -> vector<16xf32>
          %mul3A_1402 = arith.mulf %mul3A_1091, %gather3A_1401 : vector<16xf32>
          %add3A_1403 = arith.addf %add3A_1004, %mul3A_1402 : vector<16xf32>
          %broadcast_in_dim3A_1404 = vector.shape_cast %xor3A_4 : vector<16xi32> to vector<16x1xi32>
          %gather3A_1405 = vector.shape_cast %broadcast_in_dim3A_1404 : vector<16x1xi32> to vector<16xi32>
          %gather3A_1406 = tpu.dynamic_gather %add3A_1004[%gather3A_1405] in [0] : vector<16xf32>, vector<16xi32> -> vector<16xf32>
          %mul3A_1407 = arith.mulf %mul3A_1092, %gather3A_1406 : vector<16xf32>
          %add3A_1408 = arith.addf %add3A_1403, %mul3A_1407 : vector<16xf32>
          %broadcast_in_dim3A_1409 = vector.shape_cast %xor3A_7 : vector<16xi32> to vector<16x1xi32>
          %gather3A_1410 = vector.shape_cast %broadcast_in_dim3A_1409 : vector<16x1xi32> to vector<16xi32>
          %gather3A_1411 = tpu.dynamic_gather %add3A_1004[%gather3A_1410] in [0] : vector<16xf32>, vector<16xi32> -> vector<16xf32>
          %mul3A_1412 = arith.mulf %mul3A_1093, %gather3A_1411 : vector<16xf32>
          %add3A_1413 = arith.addf %add3A_1408, %mul3A_1412 : vector<16xf32>
          %broadcast_in_dim3A_1414 = vector.shape_cast %xor3A_10 : vector<16xi32> to vector<16x1xi32>
          %gather3A_1415 = vector.shape_cast %broadcast_in_dim3A_1414 : vector<16x1xi32> to vector<16xi32>
          %gather3A_1416 = tpu.dynamic_gather %add3A_1004[%gather3A_1415] in [0] : vector<16xf32>, vector<16xi32> -> vector<16xf32>
          %mul3A_1417 = arith.mulf %mul3A_1094, %gather3A_1416 : vector<16xf32>
          %add3A_1418 = arith.addf %add3A_1413, %mul3A_1417 : vector<16xf32>
          %mul3A_1419 = arith.mulf %gather3A_1081, %add3A_978 : vector<16xf32>
          %add3A_1420 = arith.addf %add3A_1418, %mul3A_1419 : vector<16xf32>
          %mul3A_1421 = arith.mulf %gather3A_1087, %add3A_904 : vector<16xf32>
          %add3A_1422 = arith.addf %add3A_1420, %mul3A_1421 : vector<16xf32>
          %mul3A_1423 = arith.mulf %gather3A_1090, %add3A_808 : vector<16xf32>
          %add3A_1424 = arith.addf %add3A_1422, %mul3A_1423 : vector<16xf32>
          %broadcast_in_dim3A_1425 = vector.shape_cast %xor3A_1 : vector<16xi32> to vector<16x1xi32>
          %gather3A_1426 = vector.shape_cast %broadcast_in_dim3A_1425 : vector<16x1xi32> to vector<16xi32>
          %gather3A_1427 = tpu.dynamic_gather %add3A_1030[%gather3A_1426] in [0] : vector<16xf32>, vector<16xi32> -> vector<16xf32>
          %mul3A_1428 = arith.mulf %mul3A_1091, %gather3A_1427 : vector<16xf32>
          %add3A_1429 = arith.addf %add3A_1030, %mul3A_1428 : vector<16xf32>
          %broadcast_in_dim3A_1430 = vector.shape_cast %xor3A_4 : vector<16xi32> to vector<16x1xi32>
          %gather3A_1431 = vector.shape_cast %broadcast_in_dim3A_1430 : vector<16x1xi32> to vector<16xi32>
          %gather3A_1432 = tpu.dynamic_gather %add3A_1030[%gather3A_1431] in [0] : vector<16xf32>, vector<16xi32> -> vector<16xf32>
          %mul3A_1433 = arith.mulf %mul3A_1092, %gather3A_1432 : vector<16xf32>
          %add3A_1434 = arith.addf %add3A_1429, %mul3A_1433 : vector<16xf32>
          %broadcast_in_dim3A_1435 = vector.shape_cast %xor3A_7 : vector<16xi32> to vector<16x1xi32>
          %gather3A_1436 = vector.shape_cast %broadcast_in_dim3A_1435 : vector<16x1xi32> to vector<16xi32>
          %gather3A_1437 = tpu.dynamic_gather %add3A_1030[%gather3A_1436] in [0] : vector<16xf32>, vector<16xi32> -> vector<16xf32>
          %mul3A_1438 = arith.mulf %mul3A_1093, %gather3A_1437 : vector<16xf32>
          %add3A_1439 = arith.addf %add3A_1434, %mul3A_1438 : vector<16xf32>
          %broadcast_in_dim3A_1440 = vector.shape_cast %xor3A_10 : vector<16xi32> to vector<16x1xi32>
          %gather3A_1441 = vector.shape_cast %broadcast_in_dim3A_1440 : vector<16x1xi32> to vector<16xi32>
          %gather3A_1442 = tpu.dynamic_gather %add3A_1030[%gather3A_1441] in [0] : vector<16xf32>, vector<16xi32> -> vector<16xf32>
          %mul3A_1443 = arith.mulf %mul3A_1094, %gather3A_1442 : vector<16xf32>
          %add3A_1444 = arith.addf %add3A_1439, %mul3A_1443 : vector<16xf32>
          %mul3A_1445 = arith.mulf %gather3A_1084, %add3A_978 : vector<16xf32>
          %add3A_1446 = arith.addf %add3A_1444, %mul3A_1445 : vector<16xf32>
          %mul3A_1447 = arith.mulf %gather3A_1087, %add3A_928 : vector<16xf32>
          %add3A_1448 = arith.addf %add3A_1446, %mul3A_1447 : vector<16xf32>
          %mul3A_1449 = arith.mulf %gather3A_1090, %add3A_832 : vector<16xf32>
          %add3A_1450 = arith.addf %add3A_1448, %mul3A_1449 : vector<16xf32>
          %broadcast_in_dim3A_1451 = vector.shape_cast %xor3A_1 : vector<16xi32> to vector<16x1xi32>
          %gather3A_1452 = vector.shape_cast %broadcast_in_dim3A_1451 : vector<16x1xi32> to vector<16xi32>
          %gather3A_1453 = tpu.dynamic_gather %add3A_1058[%gather3A_1452] in [0] : vector<16xf32>, vector<16xi32> -> vector<16xf32>
          %mul3A_1454 = arith.mulf %mul3A_1091, %gather3A_1453 : vector<16xf32>
          %add3A_1455 = arith.addf %add3A_1058, %mul3A_1454 : vector<16xf32>
          %broadcast_in_dim3A_1456 = vector.shape_cast %xor3A_4 : vector<16xi32> to vector<16x1xi32>
          %gather3A_1457 = vector.shape_cast %broadcast_in_dim3A_1456 : vector<16x1xi32> to vector<16xi32>
          %gather3A_1458 = tpu.dynamic_gather %add3A_1058[%gather3A_1457] in [0] : vector<16xf32>, vector<16xi32> -> vector<16xf32>
          %mul3A_1459 = arith.mulf %mul3A_1092, %gather3A_1458 : vector<16xf32>
          %add3A_1460 = arith.addf %add3A_1455, %mul3A_1459 : vector<16xf32>
          %broadcast_in_dim3A_1461 = vector.shape_cast %xor3A_7 : vector<16xi32> to vector<16x1xi32>
          %gather3A_1462 = vector.shape_cast %broadcast_in_dim3A_1461 : vector<16x1xi32> to vector<16xi32>
          %gather3A_1463 = tpu.dynamic_gather %add3A_1058[%gather3A_1462] in [0] : vector<16xf32>, vector<16xi32> -> vector<16xf32>
          %mul3A_1464 = arith.mulf %mul3A_1093, %gather3A_1463 : vector<16xf32>
          %add3A_1465 = arith.addf %add3A_1460, %mul3A_1464 : vector<16xf32>
          %broadcast_in_dim3A_1466 = vector.shape_cast %xor3A_10 : vector<16xi32> to vector<16x1xi32>
          %gather3A_1467 = vector.shape_cast %broadcast_in_dim3A_1466 : vector<16x1xi32> to vector<16xi32>
          %gather3A_1468 = tpu.dynamic_gather %add3A_1058[%gather3A_1467] in [0] : vector<16xf32>, vector<16xi32> -> vector<16xf32>
          %mul3A_1469 = arith.mulf %mul3A_1094, %gather3A_1468 : vector<16xf32>
          %add3A_1470 = arith.addf %add3A_1465, %mul3A_1469 : vector<16xf32>
          %mul3A_1471 = arith.mulf %gather3A_1081, %add3A_1030 : vector<16xf32>
          %add3A_1472 = arith.addf %add3A_1470, %mul3A_1471 : vector<16xf32>
          %mul3A_1473 = arith.mulf %gather3A_1084, %add3A_1004 : vector<16xf32>
          %add3A_1474 = arith.addf %add3A_1472, %mul3A_1473 : vector<16xf32>
          %mul3A_1475 = arith.mulf %gather3A_1087, %add3A_954 : vector<16xf32>
          %add3A_1476 = arith.addf %add3A_1474, %mul3A_1475 : vector<16xf32>
          %mul3A_1477 = arith.mulf %gather3A_1090, %add3A_858 : vector<16xf32>
          %add3A_1478 = arith.addf %add3A_1476, %mul3A_1477 : vector<16xf32>
          %mul3A_1479 = arith.constant 4 : i32
          %mul3A_1480 = arith.muli %mul3A_1479, %while3A_204 : i32
          %add3A_1481 = arith.constant 3 : i32
          %add3A_1482 = arith.addi %mul3A_1480, %add3A_1481 : i32
          %get3A_1483 = arith.index_cast %add3A_1482 : i32 to index
          %get3A_1484 = arith.constant 0 : index
          %get3A_1485 = tpu.vector_load %arg5[%get3A_1483, %get3A_1484] {strides = array<i32>} : memref<257x16xf32, #tpu.memory_space<vmem>>, vector<16xf32>,
          %exp3A_1486 = math.exp %get3A_1485 : vector<16xf32>
          %broadcast_in_dim3A_1487 = vector.shape_cast %broadcast_in_dim3A_36 : vector<16xi32> to vector<16x1xi32>
          %gather3A_1488 = vector.shape_cast %broadcast_in_dim3A_1487 : vector<16x1xi32> to vector<16xi32>
          %gather3A_1489 = tpu.dynamic_gather %exp3A_1486[%gather3A_1488] in [0] : vector<16xf32>, vector<16xi32> -> vector<16xf32>
          %broadcast_in_dim3A_1490 = vector.shape_cast %broadcast_in_dim3A_38 : vector<16xi32> to vector<16x1xi32>
          %gather3A_1491 = vector.shape_cast %broadcast_in_dim3A_1490 : vector<16x1xi32> to vector<16xi32>
          %gather3A_1492 = tpu.dynamic_gather %exp3A_1486[%gather3A_1491] in [0] : vector<16xf32>, vector<16xi32> -> vector<16xf32>
          %broadcast_in_dim3A_1493 = vector.shape_cast %broadcast_in_dim3A_40 : vector<16xi32> to vector<16x1xi32>
          %gather3A_1494 = vector.shape_cast %broadcast_in_dim3A_1493 : vector<16x1xi32> to vector<16xi32>
          %gather3A_1495 = tpu.dynamic_gather %exp3A_1486[%gather3A_1494] in [0] : vector<16xf32>, vector<16xi32> -> vector<16xf32>
          %broadcast_in_dim3A_1496 = vector.shape_cast %broadcast_in_dim3A_42 : vector<16xi32> to vector<16x1xi32>
          %gather3A_1497 = vector.shape_cast %broadcast_in_dim3A_1496 : vector<16x1xi32> to vector<16xi32>
          %gather3A_1498 = tpu.dynamic_gather %exp3A_1486[%gather3A_1497] in [0] : vector<16xf32>, vector<16xi32> -> vector<16xf32>
          %broadcast_in_dim3A_1499 = vector.shape_cast %broadcast_in_dim3A_44 : vector<16xi32> to vector<16x1xi32>
          %gather3A_1500 = vector.shape_cast %broadcast_in_dim3A_1499 : vector<16x1xi32> to vector<16xi32>
          %gather3A_1501 = tpu.dynamic_gather %exp3A_1486[%gather3A_1500] in [0] : vector<16xf32>, vector<16xi32> -> vector<16xf32>
          %broadcast_in_dim3A_1502 = vector.shape_cast %broadcast_in_dim3A_46 : vector<16xi32> to vector<16x1xi32>
          %gather3A_1503 = vector.shape_cast %broadcast_in_dim3A_1502 : vector<16x1xi32> to vector<16xi32>
          %gather3A_1504 = tpu.dynamic_gather %exp3A_1486[%gather3A_1503] in [0] : vector<16xf32>, vector<16xi32> -> vector<16xf32>
          %broadcast_in_dim3A_1505 = vector.shape_cast %broadcast_in_dim3A_48 : vector<16xi32> to vector<16x1xi32>
          %gather3A_1506 = vector.shape_cast %broadcast_in_dim3A_1505 : vector<16x1xi32> to vector<16xi32>
          %gather3A_1507 = tpu.dynamic_gather %exp3A_1486[%gather3A_1506] in [0] : vector<16xf32>, vector<16xi32> -> vector<16xf32>
          %broadcast_in_dim3A_1508 = vector.shape_cast %broadcast_in_dim3A_50 : vector<16xi32> to vector<16x1xi32>
          %gather3A_1509 = vector.shape_cast %broadcast_in_dim3A_1508 : vector<16x1xi32> to vector<16xi32>
          %gather3A_1510 = tpu.dynamic_gather %exp3A_1486[%gather3A_1509] in [0] : vector<16xf32>, vector<16xi32> -> vector<16xf32>
          %mul3A_1511 = arith.mulf %gather3A_1489, %convert_element_type3A : vector<16xf32>
          %mul3A_1512 = arith.mulf %gather3A_1492, %convert_element_type3A_21 : vector<16xf32>
          %mul3A_1513 = arith.mulf %gather3A_1495, %convert_element_type3A_28 : vector<16xf32>
          %mul3A_1514 = arith.mulf %gather3A_1498, %convert_element_type3A_35 : vector<16xf32>
          %broadcast_in_dim3A_1515 = vector.shape_cast %xor3A_1 : vector<16xi32> to vector<16x1xi32>
          %gather3A_1516 = vector.shape_cast %broadcast_in_dim3A_1515 : vector<16x1xi32> to vector<16xi32>
          %gather3A_1517 = tpu.dynamic_gather %add3A_1114[%gather3A_1516] in [0] : vector<16xf32>, vector<16xi32> -> vector<16xf32>
          %mul3A_1518 = arith.mulf %mul3A_1511, %gather3A_1517 : vector<16xf32>
          %add3A_1519 = arith.addf %add3A_1114, %mul3A_1518 : vector<16xf32>
          %broadcast_in_dim3A_1520 = vector.shape_cast %xor3A_4 : vector<16xi32> to vector<16x1xi32>
          %gather3A_1521 = vector.shape_cast %broadcast_in_dim3A_1520 : vector<16x1xi32> to vector<16xi32>
          %gather3A_1522 = tpu.dynamic_gather %add3A_1114[%gather3A_1521] in [0] : vector<16xf32>, vector<16xi32> -> vector<16xf32>
          %mul3A_1523 = arith.mulf %mul3A_1512, %gather3A_1522 : vector<16xf32>
          %add3A_1524 = arith.addf %add3A_1519, %mul3A_1523 : vector<16xf32>
          %broadcast_in_dim3A_1525 = vector.shape_cast %xor3A_7 : vector<16xi32> to vector<16x1xi32>
          %gather3A_1526 = vector.shape_cast %broadcast_in_dim3A_1525 : vector<16x1xi32> to vector<16xi32>
          %gather3A_1527 = tpu.dynamic_gather %add3A_1114[%gather3A_1526] in [0] : vector<16xf32>, vector<16xi32> -> vector<16xf32>
          %mul3A_1528 = arith.mulf %mul3A_1513, %gather3A_1527 : vector<16xf32>
          %add3A_1529 = arith.addf %add3A_1524, %mul3A_1528 : vector<16xf32>
          %broadcast_in_dim3A_1530 = vector.shape_cast %xor3A_10 : vector<16xi32> to vector<16x1xi32>
          %gather3A_1531 = vector.shape_cast %broadcast_in_dim3A_1530 : vector<16x1xi32> to vector<16xi32>
          %gather3A_1532 = tpu.dynamic_gather %add3A_1114[%gather3A_1531] in [0] : vector<16xf32>, vector<16xi32> -> vector<16xf32>
          %mul3A_1533 = arith.mulf %mul3A_1514, %gather3A_1532 : vector<16xf32>
          %add3A_1534 = arith.addf %add3A_1529, %mul3A_1533 : vector<16xf32>
          %broadcast_in_dim3A_1535 = vector.shape_cast %xor3A_1 : vector<16xi32> to vector<16x1xi32>
          %gather3A_1536 = vector.shape_cast %broadcast_in_dim3A_1535 : vector<16x1xi32> to vector<16xi32>
          %gather3A_1537 = tpu.dynamic_gather %add3A_1136[%gather3A_1536] in [0] : vector<16xf32>, vector<16xi32> -> vector<16xf32>
          %mul3A_1538 = arith.mulf %mul3A_1511, %gather3A_1537 : vector<16xf32>
          %add3A_1539 = arith.addf %add3A_1136, %mul3A_1538 : vector<16xf32>
          %broadcast_in_dim3A_1540 = vector.shape_cast %xor3A_4 : vector<16xi32> to vector<16x1xi32>
          %gather3A_1541 = vector.shape_cast %broadcast_in_dim3A_1540 : vector<16x1xi32> to vector<16xi32>
          %gather3A_1542 = tpu.dynamic_gather %add3A_1136[%gather3A_1541] in [0] : vector<16xf32>, vector<16xi32> -> vector<16xf32>
          %mul3A_1543 = arith.mulf %mul3A_1512, %gather3A_1542 : vector<16xf32>
          %add3A_1544 = arith.addf %add3A_1539, %mul3A_1543 : vector<16xf32>
          %broadcast_in_dim3A_1545 = vector.shape_cast %xor3A_7 : vector<16xi32> to vector<16x1xi32>
          %gather3A_1546 = vector.shape_cast %broadcast_in_dim3A_1545 : vector<16x1xi32> to vector<16xi32>
          %gather3A_1547 = tpu.dynamic_gather %add3A_1136[%gather3A_1546] in [0] : vector<16xf32>, vector<16xi32> -> vector<16xf32>
          %mul3A_1548 = arith.mulf %mul3A_1513, %gather3A_1547 : vector<16xf32>
          %add3A_1549 = arith.addf %add3A_1544, %mul3A_1548 : vector<16xf32>
          %broadcast_in_dim3A_1550 = vector.shape_cast %xor3A_10 : vector<16xi32> to vector<16x1xi32>
          %gather3A_1551 = vector.shape_cast %broadcast_in_dim3A_1550 : vector<16x1xi32> to vector<16xi32>
          %gather3A_1552 = tpu.dynamic_gather %add3A_1136[%gather3A_1551] in [0] : vector<16xf32>, vector<16xi32> -> vector<16xf32>
          %mul3A_1553 = arith.mulf %mul3A_1514, %gather3A_1552 : vector<16xf32>
          %add3A_1554 = arith.addf %add3A_1549, %mul3A_1553 : vector<16xf32>
          %mul3A_1555 = arith.mulf %gather3A_1501, %add3A_1114 : vector<16xf32>
          %add3A_1556 = arith.addf %add3A_1554, %mul3A_1555 : vector<16xf32>
          %broadcast_in_dim3A_1557 = vector.shape_cast %xor3A_1 : vector<16xi32> to vector<16x1xi32>
          %gather3A_1558 = vector.shape_cast %broadcast_in_dim3A_1557 : vector<16x1xi32> to vector<16xi32>
          %gather3A_1559 = tpu.dynamic_gather %add3A_1158[%gather3A_1558] in [0] : vector<16xf32>, vector<16xi32> -> vector<16xf32>
          %mul3A_1560 = arith.mulf %mul3A_1511, %gather3A_1559 : vector<16xf32>
          %add3A_1561 = arith.addf %add3A_1158, %mul3A_1560 : vector<16xf32>
          %broadcast_in_dim3A_1562 = vector.shape_cast %xor3A_4 : vector<16xi32> to vector<16x1xi32>
          %gather3A_1563 = vector.shape_cast %broadcast_in_dim3A_1562 : vector<16x1xi32> to vector<16xi32>
          %gather3A_1564 = tpu.dynamic_gather %add3A_1158[%gather3A_1563] in [0] : vector<16xf32>, vector<16xi32> -> vector<16xf32>
          %mul3A_1565 = arith.mulf %mul3A_1512, %gather3A_1564 : vector<16xf32>
          %add3A_1566 = arith.addf %add3A_1561, %mul3A_1565 : vector<16xf32>
          %broadcast_in_dim3A_1567 = vector.shape_cast %xor3A_7 : vector<16xi32> to vector<16x1xi32>
          %gather3A_1568 = vector.shape_cast %broadcast_in_dim3A_1567 : vector<16x1xi32> to vector<16xi32>
          %gather3A_1569 = tpu.dynamic_gather %add3A_1158[%gather3A_1568] in [0] : vector<16xf32>, vector<16xi32> -> vector<16xf32>
          %mul3A_1570 = arith.mulf %mul3A_1513, %gather3A_1569 : vector<16xf32>
          %add3A_1571 = arith.addf %add3A_1566, %mul3A_1570 : vector<16xf32>
          %broadcast_in_dim3A_1572 = vector.shape_cast %xor3A_10 : vector<16xi32> to vector<16x1xi32>
          %gather3A_1573 = vector.shape_cast %broadcast_in_dim3A_1572 : vector<16x1xi32> to vector<16xi32>
          %gather3A_1574 = tpu.dynamic_gather %add3A_1158[%gather3A_1573] in [0] : vector<16xf32>, vector<16xi32> -> vector<16xf32>
          %mul3A_1575 = arith.mulf %mul3A_1514, %gather3A_1574 : vector<16xf32>
          %add3A_1576 = arith.addf %add3A_1571, %mul3A_1575 : vector<16xf32>
          %mul3A_1577 = arith.mulf %gather3A_1504, %add3A_1114 : vector<16xf32>
          %add3A_1578 = arith.addf %add3A_1576, %mul3A_1577 : vector<16xf32>
          %broadcast_in_dim3A_1579 = vector.shape_cast %xor3A_1 : vector<16xi32> to vector<16x1xi32>
          %gather3A_1580 = vector.shape_cast %broadcast_in_dim3A_1579 : vector<16x1xi32> to vector<16xi32>
          %gather3A_1581 = tpu.dynamic_gather %add3A_1182[%gather3A_1580] in [0] : vector<16xf32>, vector<16xi32> -> vector<16xf32>
          %mul3A_1582 = arith.mulf %mul3A_1511, %gather3A_1581 : vector<16xf32>
          %add3A_1583 = arith.addf %add3A_1182, %mul3A_1582 : vector<16xf32>
          %broadcast_in_dim3A_1584 = vector.shape_cast %xor3A_4 : vector<16xi32> to vector<16x1xi32>
          %gather3A_1585 = vector.shape_cast %broadcast_in_dim3A_1584 : vector<16x1xi32> to vector<16xi32>
          %gather3A_1586 = tpu.dynamic_gather %add3A_1182[%gather3A_1585] in [0] : vector<16xf32>, vector<16xi32> -> vector<16xf32>
          %mul3A_1587 = arith.mulf %mul3A_1512, %gather3A_1586 : vector<16xf32>
          %add3A_1588 = arith.addf %add3A_1583, %mul3A_1587 : vector<16xf32>
          %broadcast_in_dim3A_1589 = vector.shape_cast %xor3A_7 : vector<16xi32> to vector<16x1xi32>
          %gather3A_1590 = vector.shape_cast %broadcast_in_dim3A_1589 : vector<16x1xi32> to vector<16xi32>
          %gather3A_1591 = tpu.dynamic_gather %add3A_1182[%gather3A_1590] in [0] : vector<16xf32>, vector<16xi32> -> vector<16xf32>
          %mul3A_1592 = arith.mulf %mul3A_1513, %gather3A_1591 : vector<16xf32>
          %add3A_1593 = arith.addf %add3A_1588, %mul3A_1592 : vector<16xf32>
          %broadcast_in_dim3A_1594 = vector.shape_cast %xor3A_10 : vector<16xi32> to vector<16x1xi32>
          %gather3A_1595 = vector.shape_cast %broadcast_in_dim3A_1594 : vector<16x1xi32> to vector<16xi32>
          %gather3A_1596 = tpu.dynamic_gather %add3A_1182[%gather3A_1595] in [0] : vector<16xf32>, vector<16xi32> -> vector<16xf32>
          %mul3A_1597 = arith.mulf %mul3A_1514, %gather3A_1596 : vector<16xf32>
          %add3A_1598 = arith.addf %add3A_1593, %mul3A_1597 : vector<16xf32>
          %mul3A_1599 = arith.mulf %gather3A_1501, %add3A_1158 : vector<16xf32>
          %add3A_1600 = arith.addf %add3A_1598, %mul3A_1599 : vector<16xf32>
          %mul3A_1601 = arith.mulf %gather3A_1504, %add3A_1136 : vector<16xf32>
          %add3A_1602 = arith.addf %add3A_1600, %mul3A_1601 : vector<16xf32>
          %broadcast_in_dim3A_1603 = vector.shape_cast %xor3A_1 : vector<16xi32> to vector<16x1xi32>
          %gather3A_1604 = vector.shape_cast %broadcast_in_dim3A_1603 : vector<16x1xi32> to vector<16xi32>
          %gather3A_1605 = tpu.dynamic_gather %add3A_1204[%gather3A_1604] in [0] : vector<16xf32>, vector<16xi32> -> vector<16xf32>
          %mul3A_1606 = arith.mulf %mul3A_1511, %gather3A_1605 : vector<16xf32>
          %add3A_1607 = arith.addf %add3A_1204, %mul3A_1606 : vector<16xf32>
          %broadcast_in_dim3A_1608 = vector.shape_cast %xor3A_4 : vector<16xi32> to vector<16x1xi32>
          %gather3A_1609 = vector.shape_cast %broadcast_in_dim3A_1608 : vector<16x1xi32> to vector<16xi32>
          %gather3A_1610 = tpu.dynamic_gather %add3A_1204[%gather3A_1609] in [0] : vector<16xf32>, vector<16xi32> -> vector<16xf32>
          %mul3A_1611 = arith.mulf %mul3A_1512, %gather3A_1610 : vector<16xf32>
          %add3A_1612 = arith.addf %add3A_1607, %mul3A_1611 : vector<16xf32>
          %broadcast_in_dim3A_1613 = vector.shape_cast %xor3A_7 : vector<16xi32> to vector<16x1xi32>
          %gather3A_1614 = vector.shape_cast %broadcast_in_dim3A_1613 : vector<16x1xi32> to vector<16xi32>
          %gather3A_1615 = tpu.dynamic_gather %add3A_1204[%gather3A_1614] in [0] : vector<16xf32>, vector<16xi32> -> vector<16xf32>
          %mul3A_1616 = arith.mulf %mul3A_1513, %gather3A_1615 : vector<16xf32>
          %add3A_1617 = arith.addf %add3A_1612, %mul3A_1616 : vector<16xf32>
          %broadcast_in_dim3A_1618 = vector.shape_cast %xor3A_10 : vector<16xi32> to vector<16x1xi32>
          %gather3A_1619 = vector.shape_cast %broadcast_in_dim3A_1618 : vector<16x1xi32> to vector<16xi32>
          %gather3A_1620 = tpu.dynamic_gather %add3A_1204[%gather3A_1619] in [0] : vector<16xf32>, vector<16xi32> -> vector<16xf32>
          %mul3A_1621 = arith.mulf %mul3A_1514, %gather3A_1620 : vector<16xf32>
          %add3A_1622 = arith.addf %add3A_1617, %mul3A_1621 : vector<16xf32>
          %mul3A_1623 = arith.mulf %gather3A_1507, %add3A_1114 : vector<16xf32>
          %add3A_1624 = arith.addf %add3A_1622, %mul3A_1623 : vector<16xf32>
          %broadcast_in_dim3A_1625 = vector.shape_cast %xor3A_1 : vector<16xi32> to vector<16x1xi32>
          %gather3A_1626 = vector.shape_cast %broadcast_in_dim3A_1625 : vector<16x1xi32> to vector<16xi32>
          %gather3A_1627 = tpu.dynamic_gather %add3A_1228[%gather3A_1626] in [0] : vector<16xf32>, vector<16xi32> -> vector<16xf32>
          %mul3A_1628 = arith.mulf %mul3A_1511, %gather3A_1627 : vector<16xf32>
          %add3A_1629 = arith.addf %add3A_1228, %mul3A_1628 : vector<16xf32>
          %broadcast_in_dim3A_1630 = vector.shape_cast %xor3A_4 : vector<16xi32> to vector<16x1xi32>
          %gather3A_1631 = vector.shape_cast %broadcast_in_dim3A_1630 : vector<16x1xi32> to vector<16xi32>
          %gather3A_1632 = tpu.dynamic_gather %add3A_1228[%gather3A_1631] in [0] : vector<16xf32>, vector<16xi32> -> vector<16xf32>
          %mul3A_1633 = arith.mulf %mul3A_1512, %gather3A_1632 : vector<16xf32>
          %add3A_1634 = arith.addf %add3A_1629, %mul3A_1633 : vector<16xf32>
          %broadcast_in_dim3A_1635 = vector.shape_cast %xor3A_7 : vector<16xi32> to vector<16x1xi32>
          %gather3A_1636 = vector.shape_cast %broadcast_in_dim3A_1635 : vector<16x1xi32> to vector<16xi32>
          %gather3A_1637 = tpu.dynamic_gather %add3A_1228[%gather3A_1636] in [0] : vector<16xf32>, vector<16xi32> -> vector<16xf32>
          %mul3A_1638 = arith.mulf %mul3A_1513, %gather3A_1637 : vector<16xf32>
          %add3A_1639 = arith.addf %add3A_1634, %mul3A_1638 : vector<16xf32>
          %broadcast_in_dim3A_1640 = vector.shape_cast %xor3A_10 : vector<16xi32> to vector<16x1xi32>
          %gather3A_1641 = vector.shape_cast %broadcast_in_dim3A_1640 : vector<16x1xi32> to vector<16xi32>
          %gather3A_1642 = tpu.dynamic_gather %add3A_1228[%gather3A_1641] in [0] : vector<16xf32>, vector<16xi32> -> vector<16xf32>
          %mul3A_1643 = arith.mulf %mul3A_1514, %gather3A_1642 : vector<16xf32>
          %add3A_1644 = arith.addf %add3A_1639, %mul3A_1643 : vector<16xf32>
          %mul3A_1645 = arith.mulf %gather3A_1501, %add3A_1204 : vector<16xf32>
          %add3A_1646 = arith.addf %add3A_1644, %mul3A_1645 : vector<16xf32>
          %mul3A_1647 = arith.mulf %gather3A_1507, %add3A_1136 : vector<16xf32>
          %add3A_1648 = arith.addf %add3A_1646, %mul3A_1647 : vector<16xf32>
          %broadcast_in_dim3A_1649 = vector.shape_cast %xor3A_1 : vector<16xi32> to vector<16x1xi32>
          %gather3A_1650 = vector.shape_cast %broadcast_in_dim3A_1649 : vector<16x1xi32> to vector<16xi32>
          %gather3A_1651 = tpu.dynamic_gather %add3A_1252[%gather3A_1650] in [0] : vector<16xf32>, vector<16xi32> -> vector<16xf32>
          %mul3A_1652 = arith.mulf %mul3A_1511, %gather3A_1651 : vector<16xf32>
          %add3A_1653 = arith.addf %add3A_1252, %mul3A_1652 : vector<16xf32>
          %broadcast_in_dim3A_1654 = vector.shape_cast %xor3A_4 : vector<16xi32> to vector<16x1xi32>
          %gather3A_1655 = vector.shape_cast %broadcast_in_dim3A_1654 : vector<16x1xi32> to vector<16xi32>
          %gather3A_1656 = tpu.dynamic_gather %add3A_1252[%gather3A_1655] in [0] : vector<16xf32>, vector<16xi32> -> vector<16xf32>
          %mul3A_1657 = arith.mulf %mul3A_1512, %gather3A_1656 : vector<16xf32>
          %add3A_1658 = arith.addf %add3A_1653, %mul3A_1657 : vector<16xf32>
          %broadcast_in_dim3A_1659 = vector.shape_cast %xor3A_7 : vector<16xi32> to vector<16x1xi32>
          %gather3A_1660 = vector.shape_cast %broadcast_in_dim3A_1659 : vector<16x1xi32> to vector<16xi32>
          %gather3A_1661 = tpu.dynamic_gather %add3A_1252[%gather3A_1660] in [0] : vector<16xf32>, vector<16xi32> -> vector<16xf32>
          %mul3A_1662 = arith.mulf %mul3A_1513, %gather3A_1661 : vector<16xf32>
          %add3A_1663 = arith.addf %add3A_1658, %mul3A_1662 : vector<16xf32>
          %broadcast_in_dim3A_1664 = vector.shape_cast %xor3A_10 : vector<16xi32> to vector<16x1xi32>
          %gather3A_1665 = vector.shape_cast %broadcast_in_dim3A_1664 : vector<16x1xi32> to vector<16xi32>
          %gather3A_1666 = tpu.dynamic_gather %add3A_1252[%gather3A_1665] in [0] : vector<16xf32>, vector<16xi32> -> vector<16xf32>
          %mul3A_1667 = arith.mulf %mul3A_1514, %gather3A_1666 : vector<16xf32>
          %add3A_1668 = arith.addf %add3A_1663, %mul3A_1667 : vector<16xf32>
          %mul3A_1669 = arith.mulf %gather3A_1504, %add3A_1204 : vector<16xf32>
          %add3A_1670 = arith.addf %add3A_1668, %mul3A_1669 : vector<16xf32>
          %mul3A_1671 = arith.mulf %gather3A_1507, %add3A_1158 : vector<16xf32>
          %add3A_1672 = arith.addf %add3A_1670, %mul3A_1671 : vector<16xf32>
          %broadcast_in_dim3A_1673 = vector.shape_cast %xor3A_1 : vector<16xi32> to vector<16x1xi32>
          %gather3A_1674 = vector.shape_cast %broadcast_in_dim3A_1673 : vector<16x1xi32> to vector<16xi32>
          %gather3A_1675 = tpu.dynamic_gather %add3A_1278[%gather3A_1674] in [0] : vector<16xf32>, vector<16xi32> -> vector<16xf32>
          %mul3A_1676 = arith.mulf %mul3A_1511, %gather3A_1675 : vector<16xf32>
          %add3A_1677 = arith.addf %add3A_1278, %mul3A_1676 : vector<16xf32>
          %broadcast_in_dim3A_1678 = vector.shape_cast %xor3A_4 : vector<16xi32> to vector<16x1xi32>
          %gather3A_1679 = vector.shape_cast %broadcast_in_dim3A_1678 : vector<16x1xi32> to vector<16xi32>
          %gather3A_1680 = tpu.dynamic_gather %add3A_1278[%gather3A_1679] in [0] : vector<16xf32>, vector<16xi32> -> vector<16xf32>
          %mul3A_1681 = arith.mulf %mul3A_1512, %gather3A_1680 : vector<16xf32>
          %add3A_1682 = arith.addf %add3A_1677, %mul3A_1681 : vector<16xf32>
          %broadcast_in_dim3A_1683 = vector.shape_cast %xor3A_7 : vector<16xi32> to vector<16x1xi32>
          %gather3A_1684 = vector.shape_cast %broadcast_in_dim3A_1683 : vector<16x1xi32> to vector<16xi32>
          %gather3A_1685 = tpu.dynamic_gather %add3A_1278[%gather3A_1684] in [0] : vector<16xf32>, vector<16xi32> -> vector<16xf32>
          %mul3A_1686 = arith.mulf %mul3A_1513, %gather3A_1685 : vector<16xf32>
          %add3A_1687 = arith.addf %add3A_1682, %mul3A_1686 : vector<16xf32>
          %broadcast_in_dim3A_1688 = vector.shape_cast %xor3A_10 : vector<16xi32> to vector<16x1xi32>
          %gather3A_1689 = vector.shape_cast %broadcast_in_dim3A_1688 : vector<16x1xi32> to vector<16xi32>
          %gather3A_1690 = tpu.dynamic_gather %add3A_1278[%gather3A_1689] in [0] : vector<16xf32>, vector<16xi32> -> vector<16xf32>
          %mul3A_1691 = arith.mulf %mul3A_1514, %gather3A_1690 : vector<16xf32>
          %add3A_1692 = arith.addf %add3A_1687, %mul3A_1691 : vector<16xf32>
          %mul3A_1693 = arith.mulf %gather3A_1501, %add3A_1252 : vector<16xf32>
          %add3A_1694 = arith.addf %add3A_1692, %mul3A_1693 : vector<16xf32>
          %mul3A_1695 = arith.mulf %gather3A_1504, %add3A_1228 : vector<16xf32>
          %add3A_1696 = arith.addf %add3A_1694, %mul3A_1695 : vector<16xf32>
          %mul3A_1697 = arith.mulf %gather3A_1507, %add3A_1182 : vector<16xf32>
          %add3A_1698 = arith.addf %add3A_1696, %mul3A_1697 : vector<16xf32>
          %broadcast_in_dim3A_1699 = vector.shape_cast %xor3A_1 : vector<16xi32> to vector<16x1xi32>
          %gather3A_1700 = vector.shape_cast %broadcast_in_dim3A_1699 : vector<16x1xi32> to vector<16xi32>
          %gather3A_1701 = tpu.dynamic_gather %add3A_1300[%gather3A_1700] in [0] : vector<16xf32>, vector<16xi32> -> vector<16xf32>
          %mul3A_1702 = arith.mulf %mul3A_1511, %gather3A_1701 : vector<16xf32>
          %add3A_1703 = arith.addf %add3A_1300, %mul3A_1702 : vector<16xf32>
          %broadcast_in_dim3A_1704 = vector.shape_cast %xor3A_4 : vector<16xi32> to vector<16x1xi32>
          %gather3A_1705 = vector.shape_cast %broadcast_in_dim3A_1704 : vector<16x1xi32> to vector<16xi32>
          %gather3A_1706 = tpu.dynamic_gather %add3A_1300[%gather3A_1705] in [0] : vector<16xf32>, vector<16xi32> -> vector<16xf32>
          %mul3A_1707 = arith.mulf %mul3A_1512, %gather3A_1706 : vector<16xf32>
          %add3A_1708 = arith.addf %add3A_1703, %mul3A_1707 : vector<16xf32>
          %broadcast_in_dim3A_1709 = vector.shape_cast %xor3A_7 : vector<16xi32> to vector<16x1xi32>
          %gather3A_1710 = vector.shape_cast %broadcast_in_dim3A_1709 : vector<16x1xi32> to vector<16xi32>
          %gather3A_1711 = tpu.dynamic_gather %add3A_1300[%gather3A_1710] in [0] : vector<16xf32>, vector<16xi32> -> vector<16xf32>
          %mul3A_1712 = arith.mulf %mul3A_1513, %gather3A_1711 : vector<16xf32>
          %add3A_1713 = arith.addf %add3A_1708, %mul3A_1712 : vector<16xf32>
          %broadcast_in_dim3A_1714 = vector.shape_cast %xor3A_10 : vector<16xi32> to vector<16x1xi32>
          %gather3A_1715 = vector.shape_cast %broadcast_in_dim3A_1714 : vector<16x1xi32> to vector<16xi32>
          %gather3A_1716 = tpu.dynamic_gather %add3A_1300[%gather3A_1715] in [0] : vector<16xf32>, vector<16xi32> -> vector<16xf32>
          %mul3A_1717 = arith.mulf %mul3A_1514, %gather3A_1716 : vector<16xf32>
          %add3A_1718 = arith.addf %add3A_1713, %mul3A_1717 : vector<16xf32>
          %mul3A_1719 = arith.mulf %gather3A_1510, %add3A_1114 : vector<16xf32>
          %add3A_1720 = arith.addf %add3A_1718, %mul3A_1719 : vector<16xf32>
          %broadcast_in_dim3A_1721 = vector.shape_cast %xor3A_1 : vector<16xi32> to vector<16x1xi32>
          %gather3A_1722 = vector.shape_cast %broadcast_in_dim3A_1721 : vector<16x1xi32> to vector<16xi32>
          %gather3A_1723 = tpu.dynamic_gather %add3A_1324[%gather3A_1722] in [0] : vector<16xf32>, vector<16xi32> -> vector<16xf32>
          %mul3A_1724 = arith.mulf %mul3A_1511, %gather3A_1723 : vector<16xf32>
          %add3A_1725 = arith.addf %add3A_1324, %mul3A_1724 : vector<16xf32>
          %broadcast_in_dim3A_1726 = vector.shape_cast %xor3A_4 : vector<16xi32> to vector<16x1xi32>
          %gather3A_1727 = vector.shape_cast %broadcast_in_dim3A_1726 : vector<16x1xi32> to vector<16xi32>
          %gather3A_1728 = tpu.dynamic_gather %add3A_1324[%gather3A_1727] in [0] : vector<16xf32>, vector<16xi32> -> vector<16xf32>
          %mul3A_1729 = arith.mulf %mul3A_1512, %gather3A_1728 : vector<16xf32>
          %add3A_1730 = arith.addf %add3A_1725, %mul3A_1729 : vector<16xf32>
          %broadcast_in_dim3A_1731 = vector.shape_cast %xor3A_7 : vector<16xi32> to vector<16x1xi32>
          %gather3A_1732 = vector.shape_cast %broadcast_in_dim3A_1731 : vector<16x1xi32> to vector<16xi32>
          %gather3A_1733 = tpu.dynamic_gather %add3A_1324[%gather3A_1732] in [0] : vector<16xf32>, vector<16xi32> -> vector<16xf32>
          %mul3A_1734 = arith.mulf %mul3A_1513, %gather3A_1733 : vector<16xf32>
          %add3A_1735 = arith.addf %add3A_1730, %mul3A_1734 : vector<16xf32>
          %broadcast_in_dim3A_1736 = vector.shape_cast %xor3A_10 : vector<16xi32> to vector<16x1xi32>
          %gather3A_1737 = vector.shape_cast %broadcast_in_dim3A_1736 : vector<16x1xi32> to vector<16xi32>
          %gather3A_1738 = tpu.dynamic_gather %add3A_1324[%gather3A_1737] in [0] : vector<16xf32>, vector<16xi32> -> vector<16xf32>
          %mul3A_1739 = arith.mulf %mul3A_1514, %gather3A_1738 : vector<16xf32>
          %add3A_1740 = arith.addf %add3A_1735, %mul3A_1739 : vector<16xf32>
          %mul3A_1741 = arith.mulf %gather3A_1501, %add3A_1300 : vector<16xf32>
          %add3A_1742 = arith.addf %add3A_1740, %mul3A_1741 : vector<16xf32>
          %mul3A_1743 = arith.mulf %gather3A_1510, %add3A_1136 : vector<16xf32>
          %add3A_1744 = arith.addf %add3A_1742, %mul3A_1743 : vector<16xf32>
          %broadcast_in_dim3A_1745 = vector.shape_cast %xor3A_1 : vector<16xi32> to vector<16x1xi32>
          %gather3A_1746 = vector.shape_cast %broadcast_in_dim3A_1745 : vector<16x1xi32> to vector<16xi32>
          %gather3A_1747 = tpu.dynamic_gather %add3A_1348[%gather3A_1746] in [0] : vector<16xf32>, vector<16xi32> -> vector<16xf32>
          %mul3A_1748 = arith.mulf %mul3A_1511, %gather3A_1747 : vector<16xf32>
          %add3A_1749 = arith.addf %add3A_1348, %mul3A_1748 : vector<16xf32>
          %broadcast_in_dim3A_1750 = vector.shape_cast %xor3A_4 : vector<16xi32> to vector<16x1xi32>
          %gather3A_1751 = vector.shape_cast %broadcast_in_dim3A_1750 : vector<16x1xi32> to vector<16xi32>
          %gather3A_1752 = tpu.dynamic_gather %add3A_1348[%gather3A_1751] in [0] : vector<16xf32>, vector<16xi32> -> vector<16xf32>
          %mul3A_1753 = arith.mulf %mul3A_1512, %gather3A_1752 : vector<16xf32>
          %add3A_1754 = arith.addf %add3A_1749, %mul3A_1753 : vector<16xf32>
          %broadcast_in_dim3A_1755 = vector.shape_cast %xor3A_7 : vector<16xi32> to vector<16x1xi32>
          %gather3A_1756 = vector.shape_cast %broadcast_in_dim3A_1755 : vector<16x1xi32> to vector<16xi32>
          %gather3A_1757 = tpu.dynamic_gather %add3A_1348[%gather3A_1756] in [0] : vector<16xf32>, vector<16xi32> -> vector<16xf32>
          %mul3A_1758 = arith.mulf %mul3A_1513, %gather3A_1757 : vector<16xf32>
          %add3A_1759 = arith.addf %add3A_1754, %mul3A_1758 : vector<16xf32>
          %broadcast_in_dim3A_1760 = vector.shape_cast %xor3A_10 : vector<16xi32> to vector<16x1xi32>
          %gather3A_1761 = vector.shape_cast %broadcast_in_dim3A_1760 : vector<16x1xi32> to vector<16xi32>
          %gather3A_1762 = tpu.dynamic_gather %add3A_1348[%gather3A_1761] in [0] : vector<16xf32>, vector<16xi32> -> vector<16xf32>
          %mul3A_1763 = arith.mulf %mul3A_1514, %gather3A_1762 : vector<16xf32>
          %add3A_1764 = arith.addf %add3A_1759, %mul3A_1763 : vector<16xf32>
          %mul3A_1765 = arith.mulf %gather3A_1504, %add3A_1300 : vector<16xf32>
          %add3A_1766 = arith.addf %add3A_1764, %mul3A_1765 : vector<16xf32>
          %mul3A_1767 = arith.mulf %gather3A_1510, %add3A_1158 : vector<16xf32>
          %add3A_1768 = arith.addf %add3A_1766, %mul3A_1767 : vector<16xf32>
          %broadcast_in_dim3A_1769 = vector.shape_cast %xor3A_1 : vector<16xi32> to vector<16x1xi32>
          %gather3A_1770 = vector.shape_cast %broadcast_in_dim3A_1769 : vector<16x1xi32> to vector<16xi32>
          %gather3A_1771 = tpu.dynamic_gather %add3A_1374[%gather3A_1770] in [0] : vector<16xf32>, vector<16xi32> -> vector<16xf32>
          %mul3A_1772 = arith.mulf %mul3A_1511, %gather3A_1771 : vector<16xf32>
          %add3A_1773 = arith.addf %add3A_1374, %mul3A_1772 : vector<16xf32>
          %broadcast_in_dim3A_1774 = vector.shape_cast %xor3A_4 : vector<16xi32> to vector<16x1xi32>
          %gather3A_1775 = vector.shape_cast %broadcast_in_dim3A_1774 : vector<16x1xi32> to vector<16xi32>
          %gather3A_1776 = tpu.dynamic_gather %add3A_1374[%gather3A_1775] in [0] : vector<16xf32>, vector<16xi32> -> vector<16xf32>
          %mul3A_1777 = arith.mulf %mul3A_1512, %gather3A_1776 : vector<16xf32>
          %add3A_1778 = arith.addf %add3A_1773, %mul3A_1777 : vector<16xf32>
          %broadcast_in_dim3A_1779 = vector.shape_cast %xor3A_7 : vector<16xi32> to vector<16x1xi32>
          %gather3A_1780 = vector.shape_cast %broadcast_in_dim3A_1779 : vector<16x1xi32> to vector<16xi32>
          %gather3A_1781 = tpu.dynamic_gather %add3A_1374[%gather3A_1780] in [0] : vector<16xf32>, vector<16xi32> -> vector<16xf32>
          %mul3A_1782 = arith.mulf %mul3A_1513, %gather3A_1781 : vector<16xf32>
          %add3A_1783 = arith.addf %add3A_1778, %mul3A_1782 : vector<16xf32>
          %broadcast_in_dim3A_1784 = vector.shape_cast %xor3A_10 : vector<16xi32> to vector<16x1xi32>
          %gather3A_1785 = vector.shape_cast %broadcast_in_dim3A_1784 : vector<16x1xi32> to vector<16xi32>
          %gather3A_1786 = tpu.dynamic_gather %add3A_1374[%gather3A_1785] in [0] : vector<16xf32>, vector<16xi32> -> vector<16xf32>
          %mul3A_1787 = arith.mulf %mul3A_1514, %gather3A_1786 : vector<16xf32>
          %add3A_1788 = arith.addf %add3A_1783, %mul3A_1787 : vector<16xf32>
          %mul3A_1789 = arith.mulf %gather3A_1501, %add3A_1348 : vector<16xf32>
          %add3A_1790 = arith.addf %add3A_1788, %mul3A_1789 : vector<16xf32>
          %mul3A_1791 = arith.mulf %gather3A_1504, %add3A_1324 : vector<16xf32>
          %add3A_1792 = arith.addf %add3A_1790, %mul3A_1791 : vector<16xf32>
          %mul3A_1793 = arith.mulf %gather3A_1510, %add3A_1182 : vector<16xf32>
          %add3A_1794 = arith.addf %add3A_1792, %mul3A_1793 : vector<16xf32>
          %broadcast_in_dim3A_1795 = vector.shape_cast %xor3A_1 : vector<16xi32> to vector<16x1xi32>
          %gather3A_1796 = vector.shape_cast %broadcast_in_dim3A_1795 : vector<16x1xi32> to vector<16xi32>
          %gather3A_1797 = tpu.dynamic_gather %add3A_1398[%gather3A_1796] in [0] : vector<16xf32>, vector<16xi32> -> vector<16xf32>
          %mul3A_1798 = arith.mulf %mul3A_1511, %gather3A_1797 : vector<16xf32>
          %add3A_1799 = arith.addf %add3A_1398, %mul3A_1798 : vector<16xf32>
          %broadcast_in_dim3A_1800 = vector.shape_cast %xor3A_4 : vector<16xi32> to vector<16x1xi32>
          %gather3A_1801 = vector.shape_cast %broadcast_in_dim3A_1800 : vector<16x1xi32> to vector<16xi32>
          %gather3A_1802 = tpu.dynamic_gather %add3A_1398[%gather3A_1801] in [0] : vector<16xf32>, vector<16xi32> -> vector<16xf32>
          %mul3A_1803 = arith.mulf %mul3A_1512, %gather3A_1802 : vector<16xf32>
          %add3A_1804 = arith.addf %add3A_1799, %mul3A_1803 : vector<16xf32>
          %broadcast_in_dim3A_1805 = vector.shape_cast %xor3A_7 : vector<16xi32> to vector<16x1xi32>
          %gather3A_1806 = vector.shape_cast %broadcast_in_dim3A_1805 : vector<16x1xi32> to vector<16xi32>
          %gather3A_1807 = tpu.dynamic_gather %add3A_1398[%gather3A_1806] in [0] : vector<16xf32>, vector<16xi32> -> vector<16xf32>
          %mul3A_1808 = arith.mulf %mul3A_1513, %gather3A_1807 : vector<16xf32>
          %add3A_1809 = arith.addf %add3A_1804, %mul3A_1808 : vector<16xf32>
          %broadcast_in_dim3A_1810 = vector.shape_cast %xor3A_10 : vector<16xi32> to vector<16x1xi32>
          %gather3A_1811 = vector.shape_cast %broadcast_in_dim3A_1810 : vector<16x1xi32> to vector<16xi32>
          %gather3A_1812 = tpu.dynamic_gather %add3A_1398[%gather3A_1811] in [0] : vector<16xf32>, vector<16xi32> -> vector<16xf32>
          %mul3A_1813 = arith.mulf %mul3A_1514, %gather3A_1812 : vector<16xf32>
          %add3A_1814 = arith.addf %add3A_1809, %mul3A_1813 : vector<16xf32>
          %mul3A_1815 = arith.mulf %gather3A_1507, %add3A_1300 : vector<16xf32>
          %add3A_1816 = arith.addf %add3A_1814, %mul3A_1815 : vector<16xf32>
          %mul3A_1817 = arith.mulf %gather3A_1510, %add3A_1204 : vector<16xf32>
          %add3A_1818 = arith.addf %add3A_1816, %mul3A_1817 : vector<16xf32>
          %broadcast_in_dim3A_1819 = vector.shape_cast %xor3A_1 : vector<16xi32> to vector<16x1xi32>
          %gather3A_1820 = vector.shape_cast %broadcast_in_dim3A_1819 : vector<16x1xi32> to vector<16xi32>
          %gather3A_1821 = tpu.dynamic_gather %add3A_1424[%gather3A_1820] in [0] : vector<16xf32>, vector<16xi32> -> vector<16xf32>
          %mul3A_1822 = arith.mulf %mul3A_1511, %gather3A_1821 : vector<16xf32>
          %add3A_1823 = arith.addf %add3A_1424, %mul3A_1822 : vector<16xf32>
          %broadcast_in_dim3A_1824 = vector.shape_cast %xor3A_4 : vector<16xi32> to vector<16x1xi32>
          %gather3A_1825 = vector.shape_cast %broadcast_in_dim3A_1824 : vector<16x1xi32> to vector<16xi32>
          %gather3A_1826 = tpu.dynamic_gather %add3A_1424[%gather3A_1825] in [0] : vector<16xf32>, vector<16xi32> -> vector<16xf32>
          %mul3A_1827 = arith.mulf %mul3A_1512, %gather3A_1826 : vector<16xf32>
          %add3A_1828 = arith.addf %add3A_1823, %mul3A_1827 : vector<16xf32>
          %broadcast_in_dim3A_1829 = vector.shape_cast %xor3A_7 : vector<16xi32> to vector<16x1xi32>
          %gather3A_1830 = vector.shape_cast %broadcast_in_dim3A_1829 : vector<16x1xi32> to vector<16xi32>
          %gather3A_1831 = tpu.dynamic_gather %add3A_1424[%gather3A_1830] in [0] : vector<16xf32>, vector<16xi32> -> vector<16xf32>
          %mul3A_1832 = arith.mulf %mul3A_1513, %gather3A_1831 : vector<16xf32>
          %add3A_1833 = arith.addf %add3A_1828, %mul3A_1832 : vector<16xf32>
          %broadcast_in_dim3A_1834 = vector.shape_cast %xor3A_10 : vector<16xi32> to vector<16x1xi32>
          %gather3A_1835 = vector.shape_cast %broadcast_in_dim3A_1834 : vector<16x1xi32> to vector<16xi32>
          %gather3A_1836 = tpu.dynamic_gather %add3A_1424[%gather3A_1835] in [0] : vector<16xf32>, vector<16xi32> -> vector<16xf32>
          %mul3A_1837 = arith.mulf %mul3A_1514, %gather3A_1836 : vector<16xf32>
          %add3A_1838 = arith.addf %add3A_1833, %mul3A_1837 : vector<16xf32>
          %mul3A_1839 = arith.mulf %gather3A_1501, %add3A_1398 : vector<16xf32>
          %add3A_1840 = arith.addf %add3A_1838, %mul3A_1839 : vector<16xf32>
          %mul3A_1841 = arith.mulf %gather3A_1507, %add3A_1324 : vector<16xf32>
          %add3A_1842 = arith.addf %add3A_1840, %mul3A_1841 : vector<16xf32>
          %mul3A_1843 = arith.mulf %gather3A_1510, %add3A_1228 : vector<16xf32>
          %add3A_1844 = arith.addf %add3A_1842, %mul3A_1843 : vector<16xf32>
          %broadcast_in_dim3A_1845 = vector.shape_cast %xor3A_1 : vector<16xi32> to vector<16x1xi32>
          %gather3A_1846 = vector.shape_cast %broadcast_in_dim3A_1845 : vector<16x1xi32> to vector<16xi32>
          %gather3A_1847 = tpu.dynamic_gather %add3A_1450[%gather3A_1846] in [0] : vector<16xf32>, vector<16xi32> -> vector<16xf32>
          %mul3A_1848 = arith.mulf %mul3A_1511, %gather3A_1847 : vector<16xf32>
          %add3A_1849 = arith.addf %add3A_1450, %mul3A_1848 : vector<16xf32>
          %broadcast_in_dim3A_1850 = vector.shape_cast %xor3A_4 : vector<16xi32> to vector<16x1xi32>
          %gather3A_1851 = vector.shape_cast %broadcast_in_dim3A_1850 : vector<16x1xi32> to vector<16xi32>
          %gather3A_1852 = tpu.dynamic_gather %add3A_1450[%gather3A_1851] in [0] : vector<16xf32>, vector<16xi32> -> vector<16xf32>
          %mul3A_1853 = arith.mulf %mul3A_1512, %gather3A_1852 : vector<16xf32>
          %add3A_1854 = arith.addf %add3A_1849, %mul3A_1853 : vector<16xf32>
          %broadcast_in_dim3A_1855 = vector.shape_cast %xor3A_7 : vector<16xi32> to vector<16x1xi32>
          %gather3A_1856 = vector.shape_cast %broadcast_in_dim3A_1855 : vector<16x1xi32> to vector<16xi32>
          %gather3A_1857 = tpu.dynamic_gather %add3A_1450[%gather3A_1856] in [0] : vector<16xf32>, vector<16xi32> -> vector<16xf32>
          %mul3A_1858 = arith.mulf %mul3A_1513, %gather3A_1857 : vector<16xf32>
          %add3A_1859 = arith.addf %add3A_1854, %mul3A_1858 : vector<16xf32>
          %broadcast_in_dim3A_1860 = vector.shape_cast %xor3A_10 : vector<16xi32> to vector<16x1xi32>
          %gather3A_1861 = vector.shape_cast %broadcast_in_dim3A_1860 : vector<16x1xi32> to vector<16xi32>
          %gather3A_1862 = tpu.dynamic_gather %add3A_1450[%gather3A_1861] in [0] : vector<16xf32>, vector<16xi32> -> vector<16xf32>
          %mul3A_1863 = arith.mulf %mul3A_1514, %gather3A_1862 : vector<16xf32>
          %add3A_1864 = arith.addf %add3A_1859, %mul3A_1863 : vector<16xf32>
          %mul3A_1865 = arith.mulf %gather3A_1504, %add3A_1398 : vector<16xf32>
          %add3A_1866 = arith.addf %add3A_1864, %mul3A_1865 : vector<16xf32>
          %mul3A_1867 = arith.mulf %gather3A_1507, %add3A_1348 : vector<16xf32>
          %add3A_1868 = arith.addf %add3A_1866, %mul3A_1867 : vector<16xf32>
          %mul3A_1869 = arith.mulf %gather3A_1510, %add3A_1252 : vector<16xf32>
          %add3A_1870 = arith.addf %add3A_1868, %mul3A_1869 : vector<16xf32>
          %broadcast_in_dim3A_1871 = vector.shape_cast %xor3A_1 : vector<16xi32> to vector<16x1xi32>
          %gather3A_1872 = vector.shape_cast %broadcast_in_dim3A_1871 : vector<16x1xi32> to vector<16xi32>
          %gather3A_1873 = tpu.dynamic_gather %add3A_1478[%gather3A_1872] in [0] : vector<16xf32>, vector<16xi32> -> vector<16xf32>
          %mul3A_1874 = arith.mulf %mul3A_1511, %gather3A_1873 : vector<16xf32>
          %add3A_1875 = arith.addf %add3A_1478, %mul3A_1874 : vector<16xf32>
          %broadcast_in_dim3A_1876 = vector.shape_cast %xor3A_4 : vector<16xi32> to vector<16x1xi32>
          %gather3A_1877 = vector.shape_cast %broadcast_in_dim3A_1876 : vector<16x1xi32> to vector<16xi32>
          %gather3A_1878 = tpu.dynamic_gather %add3A_1478[%gather3A_1877] in [0] : vector<16xf32>, vector<16xi32> -> vector<16xf32>
          %mul3A_1879 = arith.mulf %mul3A_1512, %gather3A_1878 : vector<16xf32>
          %add3A_1880 = arith.addf %add3A_1875, %mul3A_1879 : vector<16xf32>
          %broadcast_in_dim3A_1881 = vector.shape_cast %xor3A_7 : vector<16xi32> to vector<16x1xi32>
          %gather3A_1882 = vector.shape_cast %broadcast_in_dim3A_1881 : vector<16x1xi32> to vector<16xi32>
          %gather3A_1883 = tpu.dynamic_gather %add3A_1478[%gather3A_1882] in [0] : vector<16xf32>, vector<16xi32> -> vector<16xf32>
          %mul3A_1884 = arith.mulf %mul3A_1513, %gather3A_1883 : vector<16xf32>
          %add3A_1885 = arith.addf %add3A_1880, %mul3A_1884 : vector<16xf32>
          %broadcast_in_dim3A_1886 = vector.shape_cast %xor3A_10 : vector<16xi32> to vector<16x1xi32>
          %gather3A_1887 = vector.shape_cast %broadcast_in_dim3A_1886 : vector<16x1xi32> to vector<16xi32>
          %gather3A_1888 = tpu.dynamic_gather %add3A_1478[%gather3A_1887] in [0] : vector<16xf32>, vector<16xi32> -> vector<16xf32>
          %mul3A_1889 = arith.mulf %mul3A_1514, %gather3A_1888 : vector<16xf32>
          %add3A_1890 = arith.addf %add3A_1885, %mul3A_1889 : vector<16xf32>
          %mul3A_1891 = arith.mulf %gather3A_1501, %add3A_1450 : vector<16xf32>
          %add3A_1892 = arith.addf %add3A_1890, %mul3A_1891 : vector<16xf32>
          %mul3A_1893 = arith.mulf %gather3A_1504, %add3A_1424 : vector<16xf32>
          %add3A_1894 = arith.addf %add3A_1892, %mul3A_1893 : vector<16xf32>
          %mul3A_1895 = arith.mulf %gather3A_1507, %add3A_1374 : vector<16xf32>
          %add3A_1896 = arith.addf %add3A_1894, %mul3A_1895 : vector<16xf32>
          %mul3A_1897 = arith.mulf %gather3A_1510, %add3A_1278 : vector<16xf32>
          %add3A_1898 = arith.addf %add3A_1896, %mul3A_1897 : vector<16xf32>
          scf.yield %add3A_1534, %add3A_1556, %add3A_1578, %add3A_1602, %add3A_1624, %add3A_1648, %add3A_1672, %add3A_1698, %add3A_1720, %add3A_1744, %add3A_1768, %add3A_1794, %add3A_1818, %add3A_1844, %add3A_1870, %add3A_1898 : vector<16xf32>, vector<16xf32>, vector<16xf32>, vector<16xf32>, vector<16xf32>, vector<16xf32>, vector<16xf32>, vector<16xf32>, vector<16xf32>, vector<16xf32>, vector<16xf32>, vector<16xf32>, vector<16xf32>, vector<16xf32>, vector<16xf32>, vector<16xf32>
        }
        %while3A_142 = arith.constant 1 : i32
        %while3A_143:16 = scf.for %while3A_204 = %while3A_139 to %while3A_135 step %while3A_142 iter_args(%while3A_205 = %while3A_141#0, %while3A_206 = %while3A_141#1, %while3A_207 = %while3A_141#2, %while3A_208 = %while3A_141#3, %while3A_209 = %while3A_141#4, %while3A_210 = %while3A_141#5, %while3A_211 = %while3A_141#6, %while3A_212 = %while3A_141#7, %while3A_213 = %while3A_141#8, %while3A_214 = %while3A_141#9, %while3A_215 = %while3A_141#10, %while3A_216 = %while3A_141#11, %while3A_217 = %while3A_141#12, %while3A_218 = %while3A_141#13, %while3A_219 = %while3A_141#14, %while3A_220 = %while3A_141#15) -> (vector<16xf32>, vector<16xf32>, vector<16xf32>, vector<16xf32>, vector<16xf32>, vector<16xf32>, vector<16xf32>, vector<16xf32>, vector<16xf32>, vector<16xf32>, vector<16xf32>, vector<16xf32>, vector<16xf32>, vector<16xf32>, vector<16xf32>, vector<16xf32>)  : i32 {
          %mul3A_221 = arith.constant 4 : i32
          %mul3A_222 = arith.muli %mul3A_221, %while3A_204 : i32
          %add3A_223 = arith.constant 0 : i32
          %add3A_224 = arith.addi %mul3A_222, %add3A_223 : i32
          %get3A = arith.index_cast %add3A_224 : i32 to index
          %get3A_225 = arith.constant 0 : index
          %get3A_226 = tpu.vector_load %arg5[%get3A, %get3A_225] {strides = array<i32>} : memref<257x16xf32, #tpu.memory_space<vmem>>, vector<16xf32>,
          %exp3A = math.exp %get3A_226 : vector<16xf32>
          %broadcast_in_dim3A_227 = vector.shape_cast %broadcast_in_dim3A_36 : vector<16xi32> to vector<16x1xi32>
          %gather3A_228 = vector.shape_cast %broadcast_in_dim3A_227 : vector<16x1xi32> to vector<16xi32>
          %gather3A_229 = tpu.dynamic_gather %exp3A[%gather3A_228] in [0] : vector<16xf32>, vector<16xi32> -> vector<16xf32>
          %broadcast_in_dim3A_230 = vector.shape_cast %broadcast_in_dim3A_38 : vector<16xi32> to vector<16x1xi32>
          %gather3A_231 = vector.shape_cast %broadcast_in_dim3A_230 : vector<16x1xi32> to vector<16xi32>
          %gather3A_232 = tpu.dynamic_gather %exp3A[%gather3A_231] in [0] : vector<16xf32>, vector<16xi32> -> vector<16xf32>
          %broadcast_in_dim3A_233 = vector.shape_cast %broadcast_in_dim3A_40 : vector<16xi32> to vector<16x1xi32>
          %gather3A_234 = vector.shape_cast %broadcast_in_dim3A_233 : vector<16x1xi32> to vector<16xi32>
          %gather3A_235 = tpu.dynamic_gather %exp3A[%gather3A_234] in [0] : vector<16xf32>, vector<16xi32> -> vector<16xf32>
          %broadcast_in_dim3A_236 = vector.shape_cast %broadcast_in_dim3A_42 : vector<16xi32> to vector<16x1xi32>
          %gather3A_237 = vector.shape_cast %broadcast_in_dim3A_236 : vector<16x1xi32> to vector<16xi32>
          %gather3A_238 = tpu.dynamic_gather %exp3A[%gather3A_237] in [0] : vector<16xf32>, vector<16xi32> -> vector<16xf32>
          %broadcast_in_dim3A_239 = vector.shape_cast %broadcast_in_dim3A_44 : vector<16xi32> to vector<16x1xi32>
          %gather3A_240 = vector.shape_cast %broadcast_in_dim3A_239 : vector<16x1xi32> to vector<16xi32>
          %gather3A_241 = tpu.dynamic_gather %exp3A[%gather3A_240] in [0] : vector<16xf32>, vector<16xi32> -> vector<16xf32>
          %broadcast_in_dim3A_242 = vector.shape_cast %broadcast_in_dim3A_46 : vector<16xi32> to vector<16x1xi32>
          %gather3A_243 = vector.shape_cast %broadcast_in_dim3A_242 : vector<16x1xi32> to vector<16xi32>
          %gather3A_244 = tpu.dynamic_gather %exp3A[%gather3A_243] in [0] : vector<16xf32>, vector<16xi32> -> vector<16xf32>
          %broadcast_in_dim3A_245 = vector.shape_cast %broadcast_in_dim3A_48 : vector<16xi32> to vector<16x1xi32>
          %gather3A_246 = vector.shape_cast %broadcast_in_dim3A_245 : vector<16x1xi32> to vector<16xi32>
          %gather3A_247 = tpu.dynamic_gather %exp3A[%gather3A_246] in [0] : vector<16xf32>, vector<16xi32> -> vector<16xf32>
          %broadcast_in_dim3A_248 = vector.shape_cast %broadcast_in_dim3A_50 : vector<16xi32> to vector<16x1xi32>
          %gather3A_249 = vector.shape_cast %broadcast_in_dim3A_248 : vector<16x1xi32> to vector<16xi32>
          %gather3A_250 = tpu.dynamic_gather %exp3A[%gather3A_249] in [0] : vector<16xf32>, vector<16xi32> -> vector<16xf32>
          %mul3A_251 = arith.mulf %gather3A_229, %convert_element_type3A : vector<16xf32>
          %mul3A_252 = arith.mulf %gather3A_232, %convert_element_type3A_21 : vector<16xf32>
          %mul3A_253 = arith.mulf %gather3A_235, %convert_element_type3A_28 : vector<16xf32>
          %mul3A_254 = arith.mulf %gather3A_238, %convert_element_type3A_35 : vector<16xf32>
          %broadcast_in_dim3A_255 = vector.shape_cast %xor3A_1 : vector<16xi32> to vector<16x1xi32>
          %gather3A_256 = vector.shape_cast %broadcast_in_dim3A_255 : vector<16x1xi32> to vector<16xi32>
          %gather3A_257 = tpu.dynamic_gather %while3A_205[%gather3A_256] in [0] : vector<16xf32>, vector<16xi32> -> vector<16xf32>
          %mul3A_258 = arith.mulf %mul3A_251, %gather3A_257 : vector<16xf32>
          %add3A_259 = arith.addf %while3A_205, %mul3A_258 : vector<16xf32>
          %broadcast_in_dim3A_260 = vector.shape_cast %xor3A_4 : vector<16xi32> to vector<16x1xi32>
          %gather3A_261 = vector.shape_cast %broadcast_in_dim3A_260 : vector<16x1xi32> to vector<16xi32>
          %gather3A_262 = tpu.dynamic_gather %while3A_205[%gather3A_261] in [0] : vector<16xf32>, vector<16xi32> -> vector<16xf32>
          %mul3A_263 = arith.mulf %mul3A_252, %gather3A_262 : vector<16xf32>
          %add3A_264 = arith.addf %add3A_259, %mul3A_263 : vector<16xf32>
          %broadcast_in_dim3A_265 = vector.shape_cast %xor3A_7 : vector<16xi32> to vector<16x1xi32>
          %gather3A_266 = vector.shape_cast %broadcast_in_dim3A_265 : vector<16x1xi32> to vector<16xi32>
          %gather3A_267 = tpu.dynamic_gather %while3A_205[%gather3A_266] in [0] : vector<16xf32>, vector<16xi32> -> vector<16xf32>
          %mul3A_268 = arith.mulf %mul3A_253, %gather3A_267 : vector<16xf32>
          %add3A_269 = arith.addf %add3A_264, %mul3A_268 : vector<16xf32>
          %broadcast_in_dim3A_270 = vector.shape_cast %xor3A_10 : vector<16xi32> to vector<16x1xi32>
          %gather3A_271 = vector.shape_cast %broadcast_in_dim3A_270 : vector<16x1xi32> to vector<16xi32>
          %gather3A_272 = tpu.dynamic_gather %while3A_205[%gather3A_271] in [0] : vector<16xf32>, vector<16xi32> -> vector<16xf32>
          %mul3A_273 = arith.mulf %mul3A_254, %gather3A_272 : vector<16xf32>
          %add3A_274 = arith.addf %add3A_269, %mul3A_273 : vector<16xf32>
          %broadcast_in_dim3A_275 = vector.shape_cast %xor3A_1 : vector<16xi32> to vector<16x1xi32>
          %gather3A_276 = vector.shape_cast %broadcast_in_dim3A_275 : vector<16x1xi32> to vector<16xi32>
          %gather3A_277 = tpu.dynamic_gather %while3A_206[%gather3A_276] in [0] : vector<16xf32>, vector<16xi32> -> vector<16xf32>
          %mul3A_278 = arith.mulf %mul3A_251, %gather3A_277 : vector<16xf32>
          %add3A_279 = arith.addf %while3A_206, %mul3A_278 : vector<16xf32>
          %broadcast_in_dim3A_280 = vector.shape_cast %xor3A_4 : vector<16xi32> to vector<16x1xi32>
          %gather3A_281 = vector.shape_cast %broadcast_in_dim3A_280 : vector<16x1xi32> to vector<16xi32>
          %gather3A_282 = tpu.dynamic_gather %while3A_206[%gather3A_281] in [0] : vector<16xf32>, vector<16xi32> -> vector<16xf32>
          %mul3A_283 = arith.mulf %mul3A_252, %gather3A_282 : vector<16xf32>
          %add3A_284 = arith.addf %add3A_279, %mul3A_283 : vector<16xf32>
          %broadcast_in_dim3A_285 = vector.shape_cast %xor3A_7 : vector<16xi32> to vector<16x1xi32>
          %gather3A_286 = vector.shape_cast %broadcast_in_dim3A_285 : vector<16x1xi32> to vector<16xi32>
          %gather3A_287 = tpu.dynamic_gather %while3A_206[%gather3A_286] in [0] : vector<16xf32>, vector<16xi32> -> vector<16xf32>
          %mul3A_288 = arith.mulf %mul3A_253, %gather3A_287 : vector<16xf32>
          %add3A_289 = arith.addf %add3A_284, %mul3A_288 : vector<16xf32>
          %broadcast_in_dim3A_290 = vector.shape_cast %xor3A_10 : vector<16xi32> to vector<16x1xi32>
          %gather3A_291 = vector.shape_cast %broadcast_in_dim3A_290 : vector<16x1xi32> to vector<16xi32>
          %gather3A_292 = tpu.dynamic_gather %while3A_206[%gather3A_291] in [0] : vector<16xf32>, vector<16xi32> -> vector<16xf32>
          %mul3A_293 = arith.mulf %mul3A_254, %gather3A_292 : vector<16xf32>
          %add3A_294 = arith.addf %add3A_289, %mul3A_293 : vector<16xf32>
          %mul3A_295 = arith.mulf %gather3A_241, %while3A_205 : vector<16xf32>
          %add3A_296 = arith.addf %add3A_294, %mul3A_295 : vector<16xf32>
          %broadcast_in_dim3A_297 = vector.shape_cast %xor3A_1 : vector<16xi32> to vector<16x1xi32>
          %gather3A_298 = vector.shape_cast %broadcast_in_dim3A_297 : vector<16x1xi32> to vector<16xi32>
          %gather3A_299 = tpu.dynamic_gather %while3A_207[%gather3A_298] in [0] : vector<16xf32>, vector<16xi32> -> vector<16xf32>
          %mul3A_300 = arith.mulf %mul3A_251, %gather3A_299 : vector<16xf32>
          %add3A_301 = arith.addf %while3A_207, %mul3A_300 : vector<16xf32>
          %broadcast_in_dim3A_302 = vector.shape_cast %xor3A_4 : vector<16xi32> to vector<16x1xi32>
          %gather3A_303 = vector.shape_cast %broadcast_in_dim3A_302 : vector<16x1xi32> to vector<16xi32>
          %gather3A_304 = tpu.dynamic_gather %while3A_207[%gather3A_303] in [0] : vector<16xf32>, vector<16xi32> -> vector<16xf32>
          %mul3A_305 = arith.mulf %mul3A_252, %gather3A_304 : vector<16xf32>
          %add3A_306 = arith.addf %add3A_301, %mul3A_305 : vector<16xf32>
          %broadcast_in_dim3A_307 = vector.shape_cast %xor3A_7 : vector<16xi32> to vector<16x1xi32>
          %gather3A_308 = vector.shape_cast %broadcast_in_dim3A_307 : vector<16x1xi32> to vector<16xi32>
          %gather3A_309 = tpu.dynamic_gather %while3A_207[%gather3A_308] in [0] : vector<16xf32>, vector<16xi32> -> vector<16xf32>
          %mul3A_310 = arith.mulf %mul3A_253, %gather3A_309 : vector<16xf32>
          %add3A_311 = arith.addf %add3A_306, %mul3A_310 : vector<16xf32>
          %broadcast_in_dim3A_312 = vector.shape_cast %xor3A_10 : vector<16xi32> to vector<16x1xi32>
          %gather3A_313 = vector.shape_cast %broadcast_in_dim3A_312 : vector<16x1xi32> to vector<16xi32>
          %gather3A_314 = tpu.dynamic_gather %while3A_207[%gather3A_313] in [0] : vector<16xf32>, vector<16xi32> -> vector<16xf32>
          %mul3A_315 = arith.mulf %mul3A_254, %gather3A_314 : vector<16xf32>
          %add3A_316 = arith.addf %add3A_311, %mul3A_315 : vector<16xf32>
          %mul3A_317 = arith.mulf %gather3A_244, %while3A_205 : vector<16xf32>
          %add3A_318 = arith.addf %add3A_316, %mul3A_317 : vector<16xf32>
          %broadcast_in_dim3A_319 = vector.shape_cast %xor3A_1 : vector<16xi32> to vector<16x1xi32>
          %gather3A_320 = vector.shape_cast %broadcast_in_dim3A_319 : vector<16x1xi32> to vector<16xi32>
          %gather3A_321 = tpu.dynamic_gather %while3A_208[%gather3A_320] in [0] : vector<16xf32>, vector<16xi32> -> vector<16xf32>
          %mul3A_322 = arith.mulf %mul3A_251, %gather3A_321 : vector<16xf32>
          %add3A_323 = arith.addf %while3A_208, %mul3A_322 : vector<16xf32>
          %broadcast_in_dim3A_324 = vector.shape_cast %xor3A_4 : vector<16xi32> to vector<16x1xi32>
          %gather3A_325 = vector.shape_cast %broadcast_in_dim3A_324 : vector<16x1xi32> to vector<16xi32>
          %gather3A_326 = tpu.dynamic_gather %while3A_208[%gather3A_325] in [0] : vector<16xf32>, vector<16xi32> -> vector<16xf32>
          %mul3A_327 = arith.mulf %mul3A_252, %gather3A_326 : vector<16xf32>
          %add3A_328 = arith.addf %add3A_323, %mul3A_327 : vector<16xf32>
          %broadcast_in_dim3A_329 = vector.shape_cast %xor3A_7 : vector<16xi32> to vector<16x1xi32>
          %gather3A_330 = vector.shape_cast %broadcast_in_dim3A_329 : vector<16x1xi32> to vector<16xi32>
          %gather3A_331 = tpu.dynamic_gather %while3A_208[%gather3A_330] in [0] : vector<16xf32>, vector<16xi32> -> vector<16xf32>
          %mul3A_332 = arith.mulf %mul3A_253, %gather3A_331 : vector<16xf32>
          %add3A_333 = arith.addf %add3A_328, %mul3A_332 : vector<16xf32>
          %broadcast_in_dim3A_334 = vector.shape_cast %xor3A_10 : vector<16xi32> to vector<16x1xi32>
          %gather3A_335 = vector.shape_cast %broadcast_in_dim3A_334 : vector<16x1xi32> to vector<16xi32>
          %gather3A_336 = tpu.dynamic_gather %while3A_208[%gather3A_335] in [0] : vector<16xf32>, vector<16xi32> -> vector<16xf32>
          %mul3A_337 = arith.mulf %mul3A_254, %gather3A_336 : vector<16xf32>
          %add3A_338 = arith.addf %add3A_333, %mul3A_337 : vector<16xf32>
          %mul3A_339 = arith.mulf %gather3A_241, %while3A_207 : vector<16xf32>
          %add3A_340 = arith.addf %add3A_338, %mul3A_339 : vector<16xf32>
          %mul3A_341 = arith.mulf %gather3A_244, %while3A_206 : vector<16xf32>
          %add3A_342 = arith.addf %add3A_340, %mul3A_341 : vector<16xf32>
          %broadcast_in_dim3A_343 = vector.shape_cast %xor3A_1 : vector<16xi32> to vector<16x1xi32>
          %gather3A_344 = vector.shape_cast %broadcast_in_dim3A_343 : vector<16x1xi32> to vector<16xi32>
          %gather3A_345 = tpu.dynamic_gather %while3A_209[%gather3A_344] in [0] : vector<16xf32>, vector<16xi32> -> vector<16xf32>
          %mul3A_346 = arith.mulf %mul3A_251, %gather3A_345 : vector<16xf32>
          %add3A_347 = arith.addf %while3A_209, %mul3A_346 : vector<16xf32>
          %broadcast_in_dim3A_348 = vector.shape_cast %xor3A_4 : vector<16xi32> to vector<16x1xi32>
          %gather3A_349 = vector.shape_cast %broadcast_in_dim3A_348 : vector<16x1xi32> to vector<16xi32>
          %gather3A_350 = tpu.dynamic_gather %while3A_209[%gather3A_349] in [0] : vector<16xf32>, vector<16xi32> -> vector<16xf32>
          %mul3A_351 = arith.mulf %mul3A_252, %gather3A_350 : vector<16xf32>
          %add3A_352 = arith.addf %add3A_347, %mul3A_351 : vector<16xf32>
          %broadcast_in_dim3A_353 = vector.shape_cast %xor3A_7 : vector<16xi32> to vector<16x1xi32>
          %gather3A_354 = vector.shape_cast %broadcast_in_dim3A_353 : vector<16x1xi32> to vector<16xi32>
          %gather3A_355 = tpu.dynamic_gather %while3A_209[%gather3A_354] in [0] : vector<16xf32>, vector<16xi32> -> vector<16xf32>
          %mul3A_356 = arith.mulf %mul3A_253, %gather3A_355 : vector<16xf32>
          %add3A_357 = arith.addf %add3A_352, %mul3A_356 : vector<16xf32>
          %broadcast_in_dim3A_358 = vector.shape_cast %xor3A_10 : vector<16xi32> to vector<16x1xi32>
          %gather3A_359 = vector.shape_cast %broadcast_in_dim3A_358 : vector<16x1xi32> to vector<16xi32>
          %gather3A_360 = tpu.dynamic_gather %while3A_209[%gather3A_359] in [0] : vector<16xf32>, vector<16xi32> -> vector<16xf32>
          %mul3A_361 = arith.mulf %mul3A_254, %gather3A_360 : vector<16xf32>
          %add3A_362 = arith.addf %add3A_357, %mul3A_361 : vector<16xf32>
          %mul3A_363 = arith.mulf %gather3A_247, %while3A_205 : vector<16xf32>
          %add3A_364 = arith.addf %add3A_362, %mul3A_363 : vector<16xf32>
          %broadcast_in_dim3A_365 = vector.shape_cast %xor3A_1 : vector<16xi32> to vector<16x1xi32>
          %gather3A_366 = vector.shape_cast %broadcast_in_dim3A_365 : vector<16x1xi32> to vector<16xi32>
          %gather3A_367 = tpu.dynamic_gather %while3A_210[%gather3A_366] in [0] : vector<16xf32>, vector<16xi32> -> vector<16xf32>
          %mul3A_368 = arith.mulf %mul3A_251, %gather3A_367 : vector<16xf32>
          %add3A_369 = arith.addf %while3A_210, %mul3A_368 : vector<16xf32>
          %broadcast_in_dim3A_370 = vector.shape_cast %xor3A_4 : vector<16xi32> to vector<16x1xi32>
          %gather3A_371 = vector.shape_cast %broadcast_in_dim3A_370 : vector<16x1xi32> to vector<16xi32>
          %gather3A_372 = tpu.dynamic_gather %while3A_210[%gather3A_371] in [0] : vector<16xf32>, vector<16xi32> -> vector<16xf32>
          %mul3A_373 = arith.mulf %mul3A_252, %gather3A_372 : vector<16xf32>
          %add3A_374 = arith.addf %add3A_369, %mul3A_373 : vector<16xf32>
          %broadcast_in_dim3A_375 = vector.shape_cast %xor3A_7 : vector<16xi32> to vector<16x1xi32>
          %gather3A_376 = vector.shape_cast %broadcast_in_dim3A_375 : vector<16x1xi32> to vector<16xi32>
          %gather3A_377 = tpu.dynamic_gather %while3A_210[%gather3A_376] in [0] : vector<16xf32>, vector<16xi32> -> vector<16xf32>
          %mul3A_378 = arith.mulf %mul3A_253, %gather3A_377 : vector<16xf32>
          %add3A_379 = arith.addf %add3A_374, %mul3A_378 : vector<16xf32>
          %broadcast_in_dim3A_380 = vector.shape_cast %xor3A_10 : vector<16xi32> to vector<16x1xi32>
          %gather3A_381 = vector.shape_cast %broadcast_in_dim3A_380 : vector<16x1xi32> to vector<16xi32>
          %gather3A_382 = tpu.dynamic_gather %while3A_210[%gather3A_381] in [0] : vector<16xf32>, vector<16xi32> -> vector<16xf32>
          %mul3A_383 = arith.mulf %mul3A_254, %gather3A_382 : vector<16xf32>
          %add3A_384 = arith.addf %add3A_379, %mul3A_383 : vector<16xf32>
          %mul3A_385 = arith.mulf %gather3A_241, %while3A_209 : vector<16xf32>
          %add3A_386 = arith.addf %add3A_384, %mul3A_385 : vector<16xf32>
          %mul3A_387 = arith.mulf %gather3A_247, %while3A_206 : vector<16xf32>
          %add3A_388 = arith.addf %add3A_386, %mul3A_387 : vector<16xf32>
          %broadcast_in_dim3A_389 = vector.shape_cast %xor3A_1 : vector<16xi32> to vector<16x1xi32>
          %gather3A_390 = vector.shape_cast %broadcast_in_dim3A_389 : vector<16x1xi32> to vector<16xi32>
          %gather3A_391 = tpu.dynamic_gather %while3A_211[%gather3A_390] in [0] : vector<16xf32>, vector<16xi32> -> vector<16xf32>
          %mul3A_392 = arith.mulf %mul3A_251, %gather3A_391 : vector<16xf32>
          %add3A_393 = arith.addf %while3A_211, %mul3A_392 : vector<16xf32>
          %broadcast_in_dim3A_394 = vector.shape_cast %xor3A_4 : vector<16xi32> to vector<16x1xi32>
          %gather3A_395 = vector.shape_cast %broadcast_in_dim3A_394 : vector<16x1xi32> to vector<16xi32>
          %gather3A_396 = tpu.dynamic_gather %while3A_211[%gather3A_395] in [0] : vector<16xf32>, vector<16xi32> -> vector<16xf32>
          %mul3A_397 = arith.mulf %mul3A_252, %gather3A_396 : vector<16xf32>
          %add3A_398 = arith.addf %add3A_393, %mul3A_397 : vector<16xf32>
          %broadcast_in_dim3A_399 = vector.shape_cast %xor3A_7 : vector<16xi32> to vector<16x1xi32>
          %gather3A_400 = vector.shape_cast %broadcast_in_dim3A_399 : vector<16x1xi32> to vector<16xi32>
          %gather3A_401 = tpu.dynamic_gather %while3A_211[%gather3A_400] in [0] : vector<16xf32>, vector<16xi32> -> vector<16xf32>
          %mul3A_402 = arith.mulf %mul3A_253, %gather3A_401 : vector<16xf32>
          %add3A_403 = arith.addf %add3A_398, %mul3A_402 : vector<16xf32>
          %broadcast_in_dim3A_404 = vector.shape_cast %xor3A_10 : vector<16xi32> to vector<16x1xi32>
          %gather3A_405 = vector.shape_cast %broadcast_in_dim3A_404 : vector<16x1xi32> to vector<16xi32>
          %gather3A_406 = tpu.dynamic_gather %while3A_211[%gather3A_405] in [0] : vector<16xf32>, vector<16xi32> -> vector<16xf32>
          %mul3A_407 = arith.mulf %mul3A_254, %gather3A_406 : vector<16xf32>
          %add3A_408 = arith.addf %add3A_403, %mul3A_407 : vector<16xf32>
          %mul3A_409 = arith.mulf %gather3A_244, %while3A_209 : vector<16xf32>
          %add3A_410 = arith.addf %add3A_408, %mul3A_409 : vector<16xf32>
          %mul3A_411 = arith.mulf %gather3A_247, %while3A_207 : vector<16xf32>
          %add3A_412 = arith.addf %add3A_410, %mul3A_411 : vector<16xf32>
          %broadcast_in_dim3A_413 = vector.shape_cast %xor3A_1 : vector<16xi32> to vector<16x1xi32>
          %gather3A_414 = vector.shape_cast %broadcast_in_dim3A_413 : vector<16x1xi32> to vector<16xi32>
          %gather3A_415 = tpu.dynamic_gather %while3A_212[%gather3A_414] in [0] : vector<16xf32>, vector<16xi32> -> vector<16xf32>
          %mul3A_416 = arith.mulf %mul3A_251, %gather3A_415 : vector<16xf32>
          %add3A_417 = arith.addf %while3A_212, %mul3A_416 : vector<16xf32>
          %broadcast_in_dim3A_418 = vector.shape_cast %xor3A_4 : vector<16xi32> to vector<16x1xi32>
          %gather3A_419 = vector.shape_cast %broadcast_in_dim3A_418 : vector<16x1xi32> to vector<16xi32>
          %gather3A_420 = tpu.dynamic_gather %while3A_212[%gather3A_419] in [0] : vector<16xf32>, vector<16xi32> -> vector<16xf32>
          %mul3A_421 = arith.mulf %mul3A_252, %gather3A_420 : vector<16xf32>
          %add3A_422 = arith.addf %add3A_417, %mul3A_421 : vector<16xf32>
          %broadcast_in_dim3A_423 = vector.shape_cast %xor3A_7 : vector<16xi32> to vector<16x1xi32>
          %gather3A_424 = vector.shape_cast %broadcast_in_dim3A_423 : vector<16x1xi32> to vector<16xi32>
          %gather3A_425 = tpu.dynamic_gather %while3A_212[%gather3A_424] in [0] : vector<16xf32>, vector<16xi32> -> vector<16xf32>
          %mul3A_426 = arith.mulf %mul3A_253, %gather3A_425 : vector<16xf32>
          %add3A_427 = arith.addf %add3A_422, %mul3A_426 : vector<16xf32>
          %broadcast_in_dim3A_428 = vector.shape_cast %xor3A_10 : vector<16xi32> to vector<16x1xi32>
          %gather3A_429 = vector.shape_cast %broadcast_in_dim3A_428 : vector<16x1xi32> to vector<16xi32>
          %gather3A_430 = tpu.dynamic_gather %while3A_212[%gather3A_429] in [0] : vector<16xf32>, vector<16xi32> -> vector<16xf32>
          %mul3A_431 = arith.mulf %mul3A_254, %gather3A_430 : vector<16xf32>
          %add3A_432 = arith.addf %add3A_427, %mul3A_431 : vector<16xf32>
          %mul3A_433 = arith.mulf %gather3A_241, %while3A_211 : vector<16xf32>
          %add3A_434 = arith.addf %add3A_432, %mul3A_433 : vector<16xf32>
          %mul3A_435 = arith.mulf %gather3A_244, %while3A_210 : vector<16xf32>
          %add3A_436 = arith.addf %add3A_434, %mul3A_435 : vector<16xf32>
          %mul3A_437 = arith.mulf %gather3A_247, %while3A_208 : vector<16xf32>
          %add3A_438 = arith.addf %add3A_436, %mul3A_437 : vector<16xf32>
          %broadcast_in_dim3A_439 = vector.shape_cast %xor3A_1 : vector<16xi32> to vector<16x1xi32>
          %gather3A_440 = vector.shape_cast %broadcast_in_dim3A_439 : vector<16x1xi32> to vector<16xi32>
          %gather3A_441 = tpu.dynamic_gather %while3A_213[%gather3A_440] in [0] : vector<16xf32>, vector<16xi32> -> vector<16xf32>
          %mul3A_442 = arith.mulf %mul3A_251, %gather3A_441 : vector<16xf32>
          %add3A_443 = arith.addf %while3A_213, %mul3A_442 : vector<16xf32>
          %broadcast_in_dim3A_444 = vector.shape_cast %xor3A_4 : vector<16xi32> to vector<16x1xi32>
          %gather3A_445 = vector.shape_cast %broadcast_in_dim3A_444 : vector<16x1xi32> to vector<16xi32>
          %gather3A_446 = tpu.dynamic_gather %while3A_213[%gather3A_445] in [0] : vector<16xf32>, vector<16xi32> -> vector<16xf32>
          %mul3A_447 = arith.mulf %mul3A_252, %gather3A_446 : vector<16xf32>
          %add3A_448 = arith.addf %add3A_443, %mul3A_447 : vector<16xf32>
          %broadcast_in_dim3A_449 = vector.shape_cast %xor3A_7 : vector<16xi32> to vector<16x1xi32>
          %gather3A_450 = vector.shape_cast %broadcast_in_dim3A_449 : vector<16x1xi32> to vector<16xi32>
          %gather3A_451 = tpu.dynamic_gather %while3A_213[%gather3A_450] in [0] : vector<16xf32>, vector<16xi32> -> vector<16xf32>
          %mul3A_452 = arith.mulf %mul3A_253, %gather3A_451 : vector<16xf32>
          %add3A_453 = arith.addf %add3A_448, %mul3A_452 : vector<16xf32>
          %broadcast_in_dim3A_454 = vector.shape_cast %xor3A_10 : vector<16xi32> to vector<16x1xi32>
          %gather3A_455 = vector.shape_cast %broadcast_in_dim3A_454 : vector<16x1xi32> to vector<16xi32>
          %gather3A_456 = tpu.dynamic_gather %while3A_213[%gather3A_455] in [0] : vector<16xf32>, vector<16xi32> -> vector<16xf32>
          %mul3A_457 = arith.mulf %mul3A_254, %gather3A_456 : vector<16xf32>
          %add3A_458 = arith.addf %add3A_453, %mul3A_457 : vector<16xf32>
          %mul3A_459 = arith.mulf %gather3A_250, %while3A_205 : vector<16xf32>
          %add3A_460 = arith.addf %add3A_458, %mul3A_459 : vector<16xf32>
          %broadcast_in_dim3A_461 = vector.shape_cast %xor3A_1 : vector<16xi32> to vector<16x1xi32>
          %gather3A_462 = vector.shape_cast %broadcast_in_dim3A_461 : vector<16x1xi32> to vector<16xi32>
          %gather3A_463 = tpu.dynamic_gather %while3A_214[%gather3A_462] in [0] : vector<16xf32>, vector<16xi32> -> vector<16xf32>
          %mul3A_464 = arith.mulf %mul3A_251, %gather3A_463 : vector<16xf32>
          %add3A_465 = arith.addf %while3A_214, %mul3A_464 : vector<16xf32>
          %broadcast_in_dim3A_466 = vector.shape_cast %xor3A_4 : vector<16xi32> to vector<16x1xi32>
          %gather3A_467 = vector.shape_cast %broadcast_in_dim3A_466 : vector<16x1xi32> to vector<16xi32>
          %gather3A_468 = tpu.dynamic_gather %while3A_214[%gather3A_467] in [0] : vector<16xf32>, vector<16xi32> -> vector<16xf32>
          %mul3A_469 = arith.mulf %mul3A_252, %gather3A_468 : vector<16xf32>
          %add3A_470 = arith.addf %add3A_465, %mul3A_469 : vector<16xf32>
          %broadcast_in_dim3A_471 = vector.shape_cast %xor3A_7 : vector<16xi32> to vector<16x1xi32>
          %gather3A_472 = vector.shape_cast %broadcast_in_dim3A_471 : vector<16x1xi32> to vector<16xi32>
          %gather3A_473 = tpu.dynamic_gather %while3A_214[%gather3A_472] in [0] : vector<16xf32>, vector<16xi32> -> vector<16xf32>
          %mul3A_474 = arith.mulf %mul3A_253, %gather3A_473 : vector<16xf32>
          %add3A_475 = arith.addf %add3A_470, %mul3A_474 : vector<16xf32>
          %broadcast_in_dim3A_476 = vector.shape_cast %xor3A_10 : vector<16xi32> to vector<16x1xi32>
          %gather3A_477 = vector.shape_cast %broadcast_in_dim3A_476 : vector<16x1xi32> to vector<16xi32>
          %gather3A_478 = tpu.dynamic_gather %while3A_214[%gather3A_477] in [0] : vector<16xf32>, vector<16xi32> -> vector<16xf32>
          %mul3A_479 = arith.mulf %mul3A_254, %gather3A_478 : vector<16xf32>
          %add3A_480 = arith.addf %add3A_475, %mul3A_479 : vector<16xf32>
          %mul3A_481 = arith.mulf %gather3A_241, %while3A_213 : vector<16xf32>
          %add3A_482 = arith.addf %add3A_480, %mul3A_481 : vector<16xf32>
          %mul3A_483 = arith.mulf %gather3A_250, %while3A_206 : vector<16xf32>
          %add3A_484 = arith.addf %add3A_482, %mul3A_483 : vector<16xf32>
          %broadcast_in_dim3A_485 = vector.shape_cast %xor3A_1 : vector<16xi32> to vector<16x1xi32>
          %gather3A_486 = vector.shape_cast %broadcast_in_dim3A_485 : vector<16x1xi32> to vector<16xi32>
          %gather3A_487 = tpu.dynamic_gather %while3A_215[%gather3A_486] in [0] : vector<16xf32>, vector<16xi32> -> vector<16xf32>
          %mul3A_488 = arith.mulf %mul3A_251, %gather3A_487 : vector<16xf32>
          %add3A_489 = arith.addf %while3A_215, %mul3A_488 : vector<16xf32>
          %broadcast_in_dim3A_490 = vector.shape_cast %xor3A_4 : vector<16xi32> to vector<16x1xi32>
          %gather3A_491 = vector.shape_cast %broadcast_in_dim3A_490 : vector<16x1xi32> to vector<16xi32>
          %gather3A_492 = tpu.dynamic_gather %while3A_215[%gather3A_491] in [0] : vector<16xf32>, vector<16xi32> -> vector<16xf32>
          %mul3A_493 = arith.mulf %mul3A_252, %gather3A_492 : vector<16xf32>
          %add3A_494 = arith.addf %add3A_489, %mul3A_493 : vector<16xf32>
          %broadcast_in_dim3A_495 = vector.shape_cast %xor3A_7 : vector<16xi32> to vector<16x1xi32>
          %gather3A_496 = vector.shape_cast %broadcast_in_dim3A_495 : vector<16x1xi32> to vector<16xi32>
          %gather3A_497 = tpu.dynamic_gather %while3A_215[%gather3A_496] in [0] : vector<16xf32>, vector<16xi32> -> vector<16xf32>
          %mul3A_498 = arith.mulf %mul3A_253, %gather3A_497 : vector<16xf32>
          %add3A_499 = arith.addf %add3A_494, %mul3A_498 : vector<16xf32>
          %broadcast_in_dim3A_500 = vector.shape_cast %xor3A_10 : vector<16xi32> to vector<16x1xi32>
          %gather3A_501 = vector.shape_cast %broadcast_in_dim3A_500 : vector<16x1xi32> to vector<16xi32>
          %gather3A_502 = tpu.dynamic_gather %while3A_215[%gather3A_501] in [0] : vector<16xf32>, vector<16xi32> -> vector<16xf32>
          %mul3A_503 = arith.mulf %mul3A_254, %gather3A_502 : vector<16xf32>
          %add3A_504 = arith.addf %add3A_499, %mul3A_503 : vector<16xf32>
          %mul3A_505 = arith.mulf %gather3A_244, %while3A_213 : vector<16xf32>
          %add3A_506 = arith.addf %add3A_504, %mul3A_505 : vector<16xf32>
          %mul3A_507 = arith.mulf %gather3A_250, %while3A_207 : vector<16xf32>
          %add3A_508 = arith.addf %add3A_506, %mul3A_507 : vector<16xf32>
          %broadcast_in_dim3A_509 = vector.shape_cast %xor3A_1 : vector<16xi32> to vector<16x1xi32>
          %gather3A_510 = vector.shape_cast %broadcast_in_dim3A_509 : vector<16x1xi32> to vector<16xi32>
          %gather3A_511 = tpu.dynamic_gather %while3A_216[%gather3A_510] in [0] : vector<16xf32>, vector<16xi32> -> vector<16xf32>
          %mul3A_512 = arith.mulf %mul3A_251, %gather3A_511 : vector<16xf32>
          %add3A_513 = arith.addf %while3A_216, %mul3A_512 : vector<16xf32>
          %broadcast_in_dim3A_514 = vector.shape_cast %xor3A_4 : vector<16xi32> to vector<16x1xi32>
          %gather3A_515 = vector.shape_cast %broadcast_in_dim3A_514 : vector<16x1xi32> to vector<16xi32>
          %gather3A_516 = tpu.dynamic_gather %while3A_216[%gather3A_515] in [0] : vector<16xf32>, vector<16xi32> -> vector<16xf32>
          %mul3A_517 = arith.mulf %mul3A_252, %gather3A_516 : vector<16xf32>
          %add3A_518 = arith.addf %add3A_513, %mul3A_517 : vector<16xf32>
          %broadcast_in_dim3A_519 = vector.shape_cast %xor3A_7 : vector<16xi32> to vector<16x1xi32>
          %gather3A_520 = vector.shape_cast %broadcast_in_dim3A_519 : vector<16x1xi32> to vector<16xi32>
          %gather3A_521 = tpu.dynamic_gather %while3A_216[%gather3A_520] in [0] : vector<16xf32>, vector<16xi32> -> vector<16xf32>
          %mul3A_522 = arith.mulf %mul3A_253, %gather3A_521 : vector<16xf32>
          %add3A_523 = arith.addf %add3A_518, %mul3A_522 : vector<16xf32>
          %broadcast_in_dim3A_524 = vector.shape_cast %xor3A_10 : vector<16xi32> to vector<16x1xi32>
          %gather3A_525 = vector.shape_cast %broadcast_in_dim3A_524 : vector<16x1xi32> to vector<16xi32>
          %gather3A_526 = tpu.dynamic_gather %while3A_216[%gather3A_525] in [0] : vector<16xf32>, vector<16xi32> -> vector<16xf32>
          %mul3A_527 = arith.mulf %mul3A_254, %gather3A_526 : vector<16xf32>
          %add3A_528 = arith.addf %add3A_523, %mul3A_527 : vector<16xf32>
          %mul3A_529 = arith.mulf %gather3A_241, %while3A_215 : vector<16xf32>
          %add3A_530 = arith.addf %add3A_528, %mul3A_529 : vector<16xf32>
          %mul3A_531 = arith.mulf %gather3A_244, %while3A_214 : vector<16xf32>
          %add3A_532 = arith.addf %add3A_530, %mul3A_531 : vector<16xf32>
          %mul3A_533 = arith.mulf %gather3A_250, %while3A_208 : vector<16xf32>
          %add3A_534 = arith.addf %add3A_532, %mul3A_533 : vector<16xf32>
          %broadcast_in_dim3A_535 = vector.shape_cast %xor3A_1 : vector<16xi32> to vector<16x1xi32>
          %gather3A_536 = vector.shape_cast %broadcast_in_dim3A_535 : vector<16x1xi32> to vector<16xi32>
          %gather3A_537 = tpu.dynamic_gather %while3A_217[%gather3A_536] in [0] : vector<16xf32>, vector<16xi32> -> vector<16xf32>
          %mul3A_538 = arith.mulf %mul3A_251, %gather3A_537 : vector<16xf32>
          %add3A_539 = arith.addf %while3A_217, %mul3A_538 : vector<16xf32>
          %broadcast_in_dim3A_540 = vector.shape_cast %xor3A_4 : vector<16xi32> to vector<16x1xi32>
          %gather3A_541 = vector.shape_cast %broadcast_in_dim3A_540 : vector<16x1xi32> to vector<16xi32>
          %gather3A_542 = tpu.dynamic_gather %while3A_217[%gather3A_541] in [0] : vector<16xf32>, vector<16xi32> -> vector<16xf32>
          %mul3A_543 = arith.mulf %mul3A_252, %gather3A_542 : vector<16xf32>
          %add3A_544 = arith.addf %add3A_539, %mul3A_543 : vector<16xf32>
          %broadcast_in_dim3A_545 = vector.shape_cast %xor3A_7 : vector<16xi32> to vector<16x1xi32>
          %gather3A_546 = vector.shape_cast %broadcast_in_dim3A_545 : vector<16x1xi32> to vector<16xi32>
          %gather3A_547 = tpu.dynamic_gather %while3A_217[%gather3A_546] in [0] : vector<16xf32>, vector<16xi32> -> vector<16xf32>
          %mul3A_548 = arith.mulf %mul3A_253, %gather3A_547 : vector<16xf32>
          %add3A_549 = arith.addf %add3A_544, %mul3A_548 : vector<16xf32>
          %broadcast_in_dim3A_550 = vector.shape_cast %xor3A_10 : vector<16xi32> to vector<16x1xi32>
          %gather3A_551 = vector.shape_cast %broadcast_in_dim3A_550 : vector<16x1xi32> to vector<16xi32>
          %gather3A_552 = tpu.dynamic_gather %while3A_217[%gather3A_551] in [0] : vector<16xf32>, vector<16xi32> -> vector<16xf32>
          %mul3A_553 = arith.mulf %mul3A_254, %gather3A_552 : vector<16xf32>
          %add3A_554 = arith.addf %add3A_549, %mul3A_553 : vector<16xf32>
          %mul3A_555 = arith.mulf %gather3A_247, %while3A_213 : vector<16xf32>
          %add3A_556 = arith.addf %add3A_554, %mul3A_555 : vector<16xf32>
          %mul3A_557 = arith.mulf %gather3A_250, %while3A_209 : vector<16xf32>
          %add3A_558 = arith.addf %add3A_556, %mul3A_557 : vector<16xf32>
          %broadcast_in_dim3A_559 = vector.shape_cast %xor3A_1 : vector<16xi32> to vector<16x1xi32>
          %gather3A_560 = vector.shape_cast %broadcast_in_dim3A_559 : vector<16x1xi32> to vector<16xi32>
          %gather3A_561 = tpu.dynamic_gather %while3A_218[%gather3A_560] in [0] : vector<16xf32>, vector<16xi32> -> vector<16xf32>
          %mul3A_562 = arith.mulf %mul3A_251, %gather3A_561 : vector<16xf32>
          %add3A_563 = arith.addf %while3A_218, %mul3A_562 : vector<16xf32>
          %broadcast_in_dim3A_564 = vector.shape_cast %xor3A_4 : vector<16xi32> to vector<16x1xi32>
          %gather3A_565 = vector.shape_cast %broadcast_in_dim3A_564 : vector<16x1xi32> to vector<16xi32>
          %gather3A_566 = tpu.dynamic_gather %while3A_218[%gather3A_565] in [0] : vector<16xf32>, vector<16xi32> -> vector<16xf32>
          %mul3A_567 = arith.mulf %mul3A_252, %gather3A_566 : vector<16xf32>
          %add3A_568 = arith.addf %add3A_563, %mul3A_567 : vector<16xf32>
          %broadcast_in_dim3A_569 = vector.shape_cast %xor3A_7 : vector<16xi32> to vector<16x1xi32>
          %gather3A_570 = vector.shape_cast %broadcast_in_dim3A_569 : vector<16x1xi32> to vector<16xi32>
          %gather3A_571 = tpu.dynamic_gather %while3A_218[%gather3A_570] in [0] : vector<16xf32>, vector<16xi32> -> vector<16xf32>
          %mul3A_572 = arith.mulf %mul3A_253, %gather3A_571 : vector<16xf32>
          %add3A_573 = arith.addf %add3A_568, %mul3A_572 : vector<16xf32>
          %broadcast_in_dim3A_574 = vector.shape_cast %xor3A_10 : vector<16xi32> to vector<16x1xi32>
          %gather3A_575 = vector.shape_cast %broadcast_in_dim3A_574 : vector<16x1xi32> to vector<16xi32>
          %gather3A_576 = tpu.dynamic_gather %while3A_218[%gather3A_575] in [0] : vector<16xf32>, vector<16xi32> -> vector<16xf32>
          %mul3A_577 = arith.mulf %mul3A_254, %gather3A_576 : vector<16xf32>
          %add3A_578 = arith.addf %add3A_573, %mul3A_577 : vector<16xf32>
          %mul3A_579 = arith.mulf %gather3A_241, %while3A_217 : vector<16xf32>
          %add3A_580 = arith.addf %add3A_578, %mul3A_579 : vector<16xf32>
          %mul3A_581 = arith.mulf %gather3A_247, %while3A_214 : vector<16xf32>
          %add3A_582 = arith.addf %add3A_580, %mul3A_581 : vector<16xf32>
          %mul3A_583 = arith.mulf %gather3A_250, %while3A_210 : vector<16xf32>
          %add3A_584 = arith.addf %add3A_582, %mul3A_583 : vector<16xf32>
          %broadcast_in_dim3A_585 = vector.shape_cast %xor3A_1 : vector<16xi32> to vector<16x1xi32>
          %gather3A_586 = vector.shape_cast %broadcast_in_dim3A_585 : vector<16x1xi32> to vector<16xi32>
          %gather3A_587 = tpu.dynamic_gather %while3A_219[%gather3A_586] in [0] : vector<16xf32>, vector<16xi32> -> vector<16xf32>
          %mul3A_588 = arith.mulf %mul3A_251, %gather3A_587 : vector<16xf32>
          %add3A_589 = arith.addf %while3A_219, %mul3A_588 : vector<16xf32>
          %broadcast_in_dim3A_590 = vector.shape_cast %xor3A_4 : vector<16xi32> to vector<16x1xi32>
          %gather3A_591 = vector.shape_cast %broadcast_in_dim3A_590 : vector<16x1xi32> to vector<16xi32>
          %gather3A_592 = tpu.dynamic_gather %while3A_219[%gather3A_591] in [0] : vector<16xf32>, vector<16xi32> -> vector<16xf32>
          %mul3A_593 = arith.mulf %mul3A_252, %gather3A_592 : vector<16xf32>
          %add3A_594 = arith.addf %add3A_589, %mul3A_593 : vector<16xf32>
          %broadcast_in_dim3A_595 = vector.shape_cast %xor3A_7 : vector<16xi32> to vector<16x1xi32>
          %gather3A_596 = vector.shape_cast %broadcast_in_dim3A_595 : vector<16x1xi32> to vector<16xi32>
          %gather3A_597 = tpu.dynamic_gather %while3A_219[%gather3A_596] in [0] : vector<16xf32>, vector<16xi32> -> vector<16xf32>
          %mul3A_598 = arith.mulf %mul3A_253, %gather3A_597 : vector<16xf32>
          %add3A_599 = arith.addf %add3A_594, %mul3A_598 : vector<16xf32>
          %broadcast_in_dim3A_600 = vector.shape_cast %xor3A_10 : vector<16xi32> to vector<16x1xi32>
          %gather3A_601 = vector.shape_cast %broadcast_in_dim3A_600 : vector<16x1xi32> to vector<16xi32>
          %gather3A_602 = tpu.dynamic_gather %while3A_219[%gather3A_601] in [0] : vector<16xf32>, vector<16xi32> -> vector<16xf32>
          %mul3A_603 = arith.mulf %mul3A_254, %gather3A_602 : vector<16xf32>
          %add3A_604 = arith.addf %add3A_599, %mul3A_603 : vector<16xf32>
          %mul3A_605 = arith.mulf %gather3A_244, %while3A_217 : vector<16xf32>
          %add3A_606 = arith.addf %add3A_604, %mul3A_605 : vector<16xf32>
          %mul3A_607 = arith.mulf %gather3A_247, %while3A_215 : vector<16xf32>
          %add3A_608 = arith.addf %add3A_606, %mul3A_607 : vector<16xf32>
          %mul3A_609 = arith.mulf %gather3A_250, %while3A_211 : vector<16xf32>
          %add3A_610 = arith.addf %add3A_608, %mul3A_609 : vector<16xf32>
          %broadcast_in_dim3A_611 = vector.shape_cast %xor3A_1 : vector<16xi32> to vector<16x1xi32>
          %gather3A_612 = vector.shape_cast %broadcast_in_dim3A_611 : vector<16x1xi32> to vector<16xi32>
          %gather3A_613 = tpu.dynamic_gather %while3A_220[%gather3A_612] in [0] : vector<16xf32>, vector<16xi32> -> vector<16xf32>
          %mul3A_614 = arith.mulf %mul3A_251, %gather3A_613 : vector<16xf32>
          %add3A_615 = arith.addf %while3A_220, %mul3A_614 : vector<16xf32>
          %broadcast_in_dim3A_616 = vector.shape_cast %xor3A_4 : vector<16xi32> to vector<16x1xi32>
          %gather3A_617 = vector.shape_cast %broadcast_in_dim3A_616 : vector<16x1xi32> to vector<16xi32>
          %gather3A_618 = tpu.dynamic_gather %while3A_220[%gather3A_617] in [0] : vector<16xf32>, vector<16xi32> -> vector<16xf32>
          %mul3A_619 = arith.mulf %mul3A_252, %gather3A_618 : vector<16xf32>
          %add3A_620 = arith.addf %add3A_615, %mul3A_619 : vector<16xf32>
          %broadcast_in_dim3A_621 = vector.shape_cast %xor3A_7 : vector<16xi32> to vector<16x1xi32>
          %gather3A_622 = vector.shape_cast %broadcast_in_dim3A_621 : vector<16x1xi32> to vector<16xi32>
          %gather3A_623 = tpu.dynamic_gather %while3A_220[%gather3A_622] in [0] : vector<16xf32>, vector<16xi32> -> vector<16xf32>
          %mul3A_624 = arith.mulf %mul3A_253, %gather3A_623 : vector<16xf32>
          %add3A_625 = arith.addf %add3A_620, %mul3A_624 : vector<16xf32>
          %broadcast_in_dim3A_626 = vector.shape_cast %xor3A_10 : vector<16xi32> to vector<16x1xi32>
          %gather3A_627 = vector.shape_cast %broadcast_in_dim3A_626 : vector<16x1xi32> to vector<16xi32>
          %gather3A_628 = tpu.dynamic_gather %while3A_220[%gather3A_627] in [0] : vector<16xf32>, vector<16xi32> -> vector<16xf32>
          %mul3A_629 = arith.mulf %mul3A_254, %gather3A_628 : vector<16xf32>
          %add3A_630 = arith.addf %add3A_625, %mul3A_629 : vector<16xf32>
          %mul3A_631 = arith.mulf %gather3A_241, %while3A_219 : vector<16xf32>
          %add3A_632 = arith.addf %add3A_630, %mul3A_631 : vector<16xf32>
          %mul3A_633 = arith.mulf %gather3A_244, %while3A_218 : vector<16xf32>
          %add3A_634 = arith.addf %add3A_632, %mul3A_633 : vector<16xf32>
          %mul3A_635 = arith.mulf %gather3A_247, %while3A_216 : vector<16xf32>
          %add3A_636 = arith.addf %add3A_634, %mul3A_635 : vector<16xf32>
          %mul3A_637 = arith.mulf %gather3A_250, %while3A_212 : vector<16xf32>
          %add3A_638 = arith.addf %add3A_636, %mul3A_637 : vector<16xf32>
          %mul3A_639 = arith.constant 4 : i32
          %mul3A_640 = arith.muli %mul3A_639, %while3A_204 : i32
          %add3A_641 = arith.constant 1 : i32
          %add3A_642 = arith.addi %mul3A_640, %add3A_641 : i32
          %get3A_643 = arith.index_cast %add3A_642 : i32 to index
          %get3A_644 = arith.constant 0 : index
          %get3A_645 = tpu.vector_load %arg5[%get3A_643, %get3A_644] {strides = array<i32>} : memref<257x16xf32, #tpu.memory_space<vmem>>, vector<16xf32>,
          %exp3A_646 = math.exp %get3A_645 : vector<16xf32>
          %broadcast_in_dim3A_647 = vector.shape_cast %broadcast_in_dim3A_36 : vector<16xi32> to vector<16x1xi32>
          %gather3A_648 = vector.shape_cast %broadcast_in_dim3A_647 : vector<16x1xi32> to vector<16xi32>
          %gather3A_649 = tpu.dynamic_gather %exp3A_646[%gather3A_648] in [0] : vector<16xf32>, vector<16xi32> -> vector<16xf32>
          %broadcast_in_dim3A_650 = vector.shape_cast %broadcast_in_dim3A_38 : vector<16xi32> to vector<16x1xi32>
          %gather3A_651 = vector.shape_cast %broadcast_in_dim3A_650 : vector<16x1xi32> to vector<16xi32>
          %gather3A_652 = tpu.dynamic_gather %exp3A_646[%gather3A_651] in [0] : vector<16xf32>, vector<16xi32> -> vector<16xf32>
          %broadcast_in_dim3A_653 = vector.shape_cast %broadcast_in_dim3A_40 : vector<16xi32> to vector<16x1xi32>
          %gather3A_654 = vector.shape_cast %broadcast_in_dim3A_653 : vector<16x1xi32> to vector<16xi32>
          %gather3A_655 = tpu.dynamic_gather %exp3A_646[%gather3A_654] in [0] : vector<16xf32>, vector<16xi32> -> vector<16xf32>
          %broadcast_in_dim3A_656 = vector.shape_cast %broadcast_in_dim3A_42 : vector<16xi32> to vector<16x1xi32>
          %gather3A_657 = vector.shape_cast %broadcast_in_dim3A_656 : vector<16x1xi32> to vector<16xi32>
          %gather3A_658 = tpu.dynamic_gather %exp3A_646[%gather3A_657] in [0] : vector<16xf32>, vector<16xi32> -> vector<16xf32>
          %broadcast_in_dim3A_659 = vector.shape_cast %broadcast_in_dim3A_44 : vector<16xi32> to vector<16x1xi32>
          %gather3A_660 = vector.shape_cast %broadcast_in_dim3A_659 : vector<16x1xi32> to vector<16xi32>
          %gather3A_661 = tpu.dynamic_gather %exp3A_646[%gather3A_660] in [0] : vector<16xf32>, vector<16xi32> -> vector<16xf32>
          %broadcast_in_dim3A_662 = vector.shape_cast %broadcast_in_dim3A_46 : vector<16xi32> to vector<16x1xi32>
          %gather3A_663 = vector.shape_cast %broadcast_in_dim3A_662 : vector<16x1xi32> to vector<16xi32>
          %gather3A_664 = tpu.dynamic_gather %exp3A_646[%gather3A_663] in [0] : vector<16xf32>, vector<16xi32> -> vector<16xf32>
          %broadcast_in_dim3A_665 = vector.shape_cast %broadcast_in_dim3A_48 : vector<16xi32> to vector<16x1xi32>
          %gather3A_666 = vector.shape_cast %broadcast_in_dim3A_665 : vector<16x1xi32> to vector<16xi32>
          %gather3A_667 = tpu.dynamic_gather %exp3A_646[%gather3A_666] in [0] : vector<16xf32>, vector<16xi32> -> vector<16xf32>
          %broadcast_in_dim3A_668 = vector.shape_cast %broadcast_in_dim3A_50 : vector<16xi32> to vector<16x1xi32>
          %gather3A_669 = vector.shape_cast %broadcast_in_dim3A_668 : vector<16x1xi32> to vector<16xi32>
          %gather3A_670 = tpu.dynamic_gather %exp3A_646[%gather3A_669] in [0] : vector<16xf32>, vector<16xi32> -> vector<16xf32>
          %mul3A_671 = arith.mulf %gather3A_649, %convert_element_type3A : vector<16xf32>
          %mul3A_672 = arith.mulf %gather3A_652, %convert_element_type3A_21 : vector<16xf32>
          %mul3A_673 = arith.mulf %gather3A_655, %convert_element_type3A_28 : vector<16xf32>
          %mul3A_674 = arith.mulf %gather3A_658, %convert_element_type3A_35 : vector<16xf32>
          %broadcast_in_dim3A_675 = vector.shape_cast %xor3A_1 : vector<16xi32> to vector<16x1xi32>
          %gather3A_676 = vector.shape_cast %broadcast_in_dim3A_675 : vector<16x1xi32> to vector<16xi32>
          %gather3A_677 = tpu.dynamic_gather %add3A_274[%gather3A_676] in [0] : vector<16xf32>, vector<16xi32> -> vector<16xf32>
          %mul3A_678 = arith.mulf %mul3A_671, %gather3A_677 : vector<16xf32>
          %add3A_679 = arith.addf %add3A_274, %mul3A_678 : vector<16xf32>
          %broadcast_in_dim3A_680 = vector.shape_cast %xor3A_4 : vector<16xi32> to vector<16x1xi32>
          %gather3A_681 = vector.shape_cast %broadcast_in_dim3A_680 : vector<16x1xi32> to vector<16xi32>
          %gather3A_682 = tpu.dynamic_gather %add3A_274[%gather3A_681] in [0] : vector<16xf32>, vector<16xi32> -> vector<16xf32>
          %mul3A_683 = arith.mulf %mul3A_672, %gather3A_682 : vector<16xf32>
          %add3A_684 = arith.addf %add3A_679, %mul3A_683 : vector<16xf32>
          %broadcast_in_dim3A_685 = vector.shape_cast %xor3A_7 : vector<16xi32> to vector<16x1xi32>
          %gather3A_686 = vector.shape_cast %broadcast_in_dim3A_685 : vector<16x1xi32> to vector<16xi32>
          %gather3A_687 = tpu.dynamic_gather %add3A_274[%gather3A_686] in [0] : vector<16xf32>, vector<16xi32> -> vector<16xf32>
          %mul3A_688 = arith.mulf %mul3A_673, %gather3A_687 : vector<16xf32>
          %add3A_689 = arith.addf %add3A_684, %mul3A_688 : vector<16xf32>
          %broadcast_in_dim3A_690 = vector.shape_cast %xor3A_10 : vector<16xi32> to vector<16x1xi32>
          %gather3A_691 = vector.shape_cast %broadcast_in_dim3A_690 : vector<16x1xi32> to vector<16xi32>
          %gather3A_692 = tpu.dynamic_gather %add3A_274[%gather3A_691] in [0] : vector<16xf32>, vector<16xi32> -> vector<16xf32>
          %mul3A_693 = arith.mulf %mul3A_674, %gather3A_692 : vector<16xf32>
          %add3A_694 = arith.addf %add3A_689, %mul3A_693 : vector<16xf32>
          %broadcast_in_dim3A_695 = vector.shape_cast %xor3A_1 : vector<16xi32> to vector<16x1xi32>
          %gather3A_696 = vector.shape_cast %broadcast_in_dim3A_695 : vector<16x1xi32> to vector<16xi32>
          %gather3A_697 = tpu.dynamic_gather %add3A_296[%gather3A_696] in [0] : vector<16xf32>, vector<16xi32> -> vector<16xf32>
          %mul3A_698 = arith.mulf %mul3A_671, %gather3A_697 : vector<16xf32>
          %add3A_699 = arith.addf %add3A_296, %mul3A_698 : vector<16xf32>
          %broadcast_in_dim3A_700 = vector.shape_cast %xor3A_4 : vector<16xi32> to vector<16x1xi32>
          %gather3A_701 = vector.shape_cast %broadcast_in_dim3A_700 : vector<16x1xi32> to vector<16xi32>
          %gather3A_702 = tpu.dynamic_gather %add3A_296[%gather3A_701] in [0] : vector<16xf32>, vector<16xi32> -> vector<16xf32>
          %mul3A_703 = arith.mulf %mul3A_672, %gather3A_702 : vector<16xf32>
          %add3A_704 = arith.addf %add3A_699, %mul3A_703 : vector<16xf32>
          %broadcast_in_dim3A_705 = vector.shape_cast %xor3A_7 : vector<16xi32> to vector<16x1xi32>
          %gather3A_706 = vector.shape_cast %broadcast_in_dim3A_705 : vector<16x1xi32> to vector<16xi32>
          %gather3A_707 = tpu.dynamic_gather %add3A_296[%gather3A_706] in [0] : vector<16xf32>, vector<16xi32> -> vector<16xf32>
          %mul3A_708 = arith.mulf %mul3A_673, %gather3A_707 : vector<16xf32>
          %add3A_709 = arith.addf %add3A_704, %mul3A_708 : vector<16xf32>
          %broadcast_in_dim3A_710 = vector.shape_cast %xor3A_10 : vector<16xi32> to vector<16x1xi32>
          %gather3A_711 = vector.shape_cast %broadcast_in_dim3A_710 : vector<16x1xi32> to vector<16xi32>
          %gather3A_712 = tpu.dynamic_gather %add3A_296[%gather3A_711] in [0] : vector<16xf32>, vector<16xi32> -> vector<16xf32>
          %mul3A_713 = arith.mulf %mul3A_674, %gather3A_712 : vector<16xf32>
          %add3A_714 = arith.addf %add3A_709, %mul3A_713 : vector<16xf32>
          %mul3A_715 = arith.mulf %gather3A_661, %add3A_274 : vector<16xf32>
          %add3A_716 = arith.addf %add3A_714, %mul3A_715 : vector<16xf32>
          %broadcast_in_dim3A_717 = vector.shape_cast %xor3A_1 : vector<16xi32> to vector<16x1xi32>
          %gather3A_718 = vector.shape_cast %broadcast_in_dim3A_717 : vector<16x1xi32> to vector<16xi32>
          %gather3A_719 = tpu.dynamic_gather %add3A_318[%gather3A_718] in [0] : vector<16xf32>, vector<16xi32> -> vector<16xf32>
          %mul3A_720 = arith.mulf %mul3A_671, %gather3A_719 : vector<16xf32>
          %add3A_721 = arith.addf %add3A_318, %mul3A_720 : vector<16xf32>
          %broadcast_in_dim3A_722 = vector.shape_cast %xor3A_4 : vector<16xi32> to vector<16x1xi32>
          %gather3A_723 = vector.shape_cast %broadcast_in_dim3A_722 : vector<16x1xi32> to vector<16xi32>
          %gather3A_724 = tpu.dynamic_gather %add3A_318[%gather3A_723] in [0] : vector<16xf32>, vector<16xi32> -> vector<16xf32>
          %mul3A_725 = arith.mulf %mul3A_672, %gather3A_724 : vector<16xf32>
          %add3A_726 = arith.addf %add3A_721, %mul3A_725 : vector<16xf32>
          %broadcast_in_dim3A_727 = vector.shape_cast %xor3A_7 : vector<16xi32> to vector<16x1xi32>
          %gather3A_728 = vector.shape_cast %broadcast_in_dim3A_727 : vector<16x1xi32> to vector<16xi32>
          %gather3A_729 = tpu.dynamic_gather %add3A_318[%gather3A_728] in [0] : vector<16xf32>, vector<16xi32> -> vector<16xf32>
          %mul3A_730 = arith.mulf %mul3A_673, %gather3A_729 : vector<16xf32>
          %add3A_731 = arith.addf %add3A_726, %mul3A_730 : vector<16xf32>
          %broadcast_in_dim3A_732 = vector.shape_cast %xor3A_10 : vector<16xi32> to vector<16x1xi32>
          %gather3A_733 = vector.shape_cast %broadcast_in_dim3A_732 : vector<16x1xi32> to vector<16xi32>
          %gather3A_734 = tpu.dynamic_gather %add3A_318[%gather3A_733] in [0] : vector<16xf32>, vector<16xi32> -> vector<16xf32>
          %mul3A_735 = arith.mulf %mul3A_674, %gather3A_734 : vector<16xf32>
          %add3A_736 = arith.addf %add3A_731, %mul3A_735 : vector<16xf32>
          %mul3A_737 = arith.mulf %gather3A_664, %add3A_274 : vector<16xf32>
          %add3A_738 = arith.addf %add3A_736, %mul3A_737 : vector<16xf32>
          %broadcast_in_dim3A_739 = vector.shape_cast %xor3A_1 : vector<16xi32> to vector<16x1xi32>
          %gather3A_740 = vector.shape_cast %broadcast_in_dim3A_739 : vector<16x1xi32> to vector<16xi32>
          %gather3A_741 = tpu.dynamic_gather %add3A_342[%gather3A_740] in [0] : vector<16xf32>, vector<16xi32> -> vector<16xf32>
          %mul3A_742 = arith.mulf %mul3A_671, %gather3A_741 : vector<16xf32>
          %add3A_743 = arith.addf %add3A_342, %mul3A_742 : vector<16xf32>
          %broadcast_in_dim3A_744 = vector.shape_cast %xor3A_4 : vector<16xi32> to vector<16x1xi32>
          %gather3A_745 = vector.shape_cast %broadcast_in_dim3A_744 : vector<16x1xi32> to vector<16xi32>
          %gather3A_746 = tpu.dynamic_gather %add3A_342[%gather3A_745] in [0] : vector<16xf32>, vector<16xi32> -> vector<16xf32>
          %mul3A_747 = arith.mulf %mul3A_672, %gather3A_746 : vector<16xf32>
          %add3A_748 = arith.addf %add3A_743, %mul3A_747 : vector<16xf32>
          %broadcast_in_dim3A_749 = vector.shape_cast %xor3A_7 : vector<16xi32> to vector<16x1xi32>
          %gather3A_750 = vector.shape_cast %broadcast_in_dim3A_749 : vector<16x1xi32> to vector<16xi32>
          %gather3A_751 = tpu.dynamic_gather %add3A_342[%gather3A_750] in [0] : vector<16xf32>, vector<16xi32> -> vector<16xf32>
          %mul3A_752 = arith.mulf %mul3A_673, %gather3A_751 : vector<16xf32>
          %add3A_753 = arith.addf %add3A_748, %mul3A_752 : vector<16xf32>
          %broadcast_in_dim3A_754 = vector.shape_cast %xor3A_10 : vector<16xi32> to vector<16x1xi32>
          %gather3A_755 = vector.shape_cast %broadcast_in_dim3A_754 : vector<16x1xi32> to vector<16xi32>
          %gather3A_756 = tpu.dynamic_gather %add3A_342[%gather3A_755] in [0] : vector<16xf32>, vector<16xi32> -> vector<16xf32>
          %mul3A_757 = arith.mulf %mul3A_674, %gather3A_756 : vector<16xf32>
          %add3A_758 = arith.addf %add3A_753, %mul3A_757 : vector<16xf32>
          %mul3A_759 = arith.mulf %gather3A_661, %add3A_318 : vector<16xf32>
          %add3A_760 = arith.addf %add3A_758, %mul3A_759 : vector<16xf32>
          %mul3A_761 = arith.mulf %gather3A_664, %add3A_296 : vector<16xf32>
          %add3A_762 = arith.addf %add3A_760, %mul3A_761 : vector<16xf32>
          %broadcast_in_dim3A_763 = vector.shape_cast %xor3A_1 : vector<16xi32> to vector<16x1xi32>
          %gather3A_764 = vector.shape_cast %broadcast_in_dim3A_763 : vector<16x1xi32> to vector<16xi32>
          %gather3A_765 = tpu.dynamic_gather %add3A_364[%gather3A_764] in [0] : vector<16xf32>, vector<16xi32> -> vector<16xf32>
          %mul3A_766 = arith.mulf %mul3A_671, %gather3A_765 : vector<16xf32>
          %add3A_767 = arith.addf %add3A_364, %mul3A_766 : vector<16xf32>
          %broadcast_in_dim3A_768 = vector.shape_cast %xor3A_4 : vector<16xi32> to vector<16x1xi32>
          %gather3A_769 = vector.shape_cast %broadcast_in_dim3A_768 : vector<16x1xi32> to vector<16xi32>
          %gather3A_770 = tpu.dynamic_gather %add3A_364[%gather3A_769] in [0] : vector<16xf32>, vector<16xi32> -> vector<16xf32>
          %mul3A_771 = arith.mulf %mul3A_672, %gather3A_770 : vector<16xf32>
          %add3A_772 = arith.addf %add3A_767, %mul3A_771 : vector<16xf32>
          %broadcast_in_dim3A_773 = vector.shape_cast %xor3A_7 : vector<16xi32> to vector<16x1xi32>
          %gather3A_774 = vector.shape_cast %broadcast_in_dim3A_773 : vector<16x1xi32> to vector<16xi32>
          %gather3A_775 = tpu.dynamic_gather %add3A_364[%gather3A_774] in [0] : vector<16xf32>, vector<16xi32> -> vector<16xf32>
          %mul3A_776 = arith.mulf %mul3A_673, %gather3A_775 : vector<16xf32>
          %add3A_777 = arith.addf %add3A_772, %mul3A_776 : vector<16xf32>
          %broadcast_in_dim3A_778 = vector.shape_cast %xor3A_10 : vector<16xi32> to vector<16x1xi32>
          %gather3A_779 = vector.shape_cast %broadcast_in_dim3A_778 : vector<16x1xi32> to vector<16xi32>
          %gather3A_780 = tpu.dynamic_gather %add3A_364[%gather3A_779] in [0] : vector<16xf32>, vector<16xi32> -> vector<16xf32>
          %mul3A_781 = arith.mulf %mul3A_674, %gather3A_780 : vector<16xf32>
          %add3A_782 = arith.addf %add3A_777, %mul3A_781 : vector<16xf32>
          %mul3A_783 = arith.mulf %gather3A_667, %add3A_274 : vector<16xf32>
          %add3A_784 = arith.addf %add3A_782, %mul3A_783 : vector<16xf32>
          %broadcast_in_dim3A_785 = vector.shape_cast %xor3A_1 : vector<16xi32> to vector<16x1xi32>
          %gather3A_786 = vector.shape_cast %broadcast_in_dim3A_785 : vector<16x1xi32> to vector<16xi32>
          %gather3A_787 = tpu.dynamic_gather %add3A_388[%gather3A_786] in [0] : vector<16xf32>, vector<16xi32> -> vector<16xf32>
          %mul3A_788 = arith.mulf %mul3A_671, %gather3A_787 : vector<16xf32>
          %add3A_789 = arith.addf %add3A_388, %mul3A_788 : vector<16xf32>
          %broadcast_in_dim3A_790 = vector.shape_cast %xor3A_4 : vector<16xi32> to vector<16x1xi32>
          %gather3A_791 = vector.shape_cast %broadcast_in_dim3A_790 : vector<16x1xi32> to vector<16xi32>
          %gather3A_792 = tpu.dynamic_gather %add3A_388[%gather3A_791] in [0] : vector<16xf32>, vector<16xi32> -> vector<16xf32>
          %mul3A_793 = arith.mulf %mul3A_672, %gather3A_792 : vector<16xf32>
          %add3A_794 = arith.addf %add3A_789, %mul3A_793 : vector<16xf32>
          %broadcast_in_dim3A_795 = vector.shape_cast %xor3A_7 : vector<16xi32> to vector<16x1xi32>
          %gather3A_796 = vector.shape_cast %broadcast_in_dim3A_795 : vector<16x1xi32> to vector<16xi32>
          %gather3A_797 = tpu.dynamic_gather %add3A_388[%gather3A_796] in [0] : vector<16xf32>, vector<16xi32> -> vector<16xf32>
          %mul3A_798 = arith.mulf %mul3A_673, %gather3A_797 : vector<16xf32>
          %add3A_799 = arith.addf %add3A_794, %mul3A_798 : vector<16xf32>
          %broadcast_in_dim3A_800 = vector.shape_cast %xor3A_10 : vector<16xi32> to vector<16x1xi32>
          %gather3A_801 = vector.shape_cast %broadcast_in_dim3A_800 : vector<16x1xi32> to vector<16xi32>
          %gather3A_802 = tpu.dynamic_gather %add3A_388[%gather3A_801] in [0] : vector<16xf32>, vector<16xi32> -> vector<16xf32>
          %mul3A_803 = arith.mulf %mul3A_674, %gather3A_802 : vector<16xf32>
          %add3A_804 = arith.addf %add3A_799, %mul3A_803 : vector<16xf32>
          %mul3A_805 = arith.mulf %gather3A_661, %add3A_364 : vector<16xf32>
          %add3A_806 = arith.addf %add3A_804, %mul3A_805 : vector<16xf32>
          %mul3A_807 = arith.mulf %gather3A_667, %add3A_296 : vector<16xf32>
          %add3A_808 = arith.addf %add3A_806, %mul3A_807 : vector<16xf32>
          %broadcast_in_dim3A_809 = vector.shape_cast %xor3A_1 : vector<16xi32> to vector<16x1xi32>
          %gather3A_810 = vector.shape_cast %broadcast_in_dim3A_809 : vector<16x1xi32> to vector<16xi32>
          %gather3A_811 = tpu.dynamic_gather %add3A_412[%gather3A_810] in [0] : vector<16xf32>, vector<16xi32> -> vector<16xf32>
          %mul3A_812 = arith.mulf %mul3A_671, %gather3A_811 : vector<16xf32>
          %add3A_813 = arith.addf %add3A_412, %mul3A_812 : vector<16xf32>
          %broadcast_in_dim3A_814 = vector.shape_cast %xor3A_4 : vector<16xi32> to vector<16x1xi32>
          %gather3A_815 = vector.shape_cast %broadcast_in_dim3A_814 : vector<16x1xi32> to vector<16xi32>
          %gather3A_816 = tpu.dynamic_gather %add3A_412[%gather3A_815] in [0] : vector<16xf32>, vector<16xi32> -> vector<16xf32>
          %mul3A_817 = arith.mulf %mul3A_672, %gather3A_816 : vector<16xf32>
          %add3A_818 = arith.addf %add3A_813, %mul3A_817 : vector<16xf32>
          %broadcast_in_dim3A_819 = vector.shape_cast %xor3A_7 : vector<16xi32> to vector<16x1xi32>
          %gather3A_820 = vector.shape_cast %broadcast_in_dim3A_819 : vector<16x1xi32> to vector<16xi32>
          %gather3A_821 = tpu.dynamic_gather %add3A_412[%gather3A_820] in [0] : vector<16xf32>, vector<16xi32> -> vector<16xf32>
          %mul3A_822 = arith.mulf %mul3A_673, %gather3A_821 : vector<16xf32>
          %add3A_823 = arith.addf %add3A_818, %mul3A_822 : vector<16xf32>
          %broadcast_in_dim3A_824 = vector.shape_cast %xor3A_10 : vector<16xi32> to vector<16x1xi32>
          %gather3A_825 = vector.shape_cast %broadcast_in_dim3A_824 : vector<16x1xi32> to vector<16xi32>
          %gather3A_826 = tpu.dynamic_gather %add3A_412[%gather3A_825] in [0] : vector<16xf32>, vector<16xi32> -> vector<16xf32>
          %mul3A_827 = arith.mulf %mul3A_674, %gather3A_826 : vector<16xf32>
          %add3A_828 = arith.addf %add3A_823, %mul3A_827 : vector<16xf32>
          %mul3A_829 = arith.mulf %gather3A_664, %add3A_364 : vector<16xf32>
          %add3A_830 = arith.addf %add3A_828, %mul3A_829 : vector<16xf32>
          %mul3A_831 = arith.mulf %gather3A_667, %add3A_318 : vector<16xf32>
          %add3A_832 = arith.addf %add3A_830, %mul3A_831 : vector<16xf32>
          %broadcast_in_dim3A_833 = vector.shape_cast %xor3A_1 : vector<16xi32> to vector<16x1xi32>
          %gather3A_834 = vector.shape_cast %broadcast_in_dim3A_833 : vector<16x1xi32> to vector<16xi32>
          %gather3A_835 = tpu.dynamic_gather %add3A_438[%gather3A_834] in [0] : vector<16xf32>, vector<16xi32> -> vector<16xf32>
          %mul3A_836 = arith.mulf %mul3A_671, %gather3A_835 : vector<16xf32>
          %add3A_837 = arith.addf %add3A_438, %mul3A_836 : vector<16xf32>
          %broadcast_in_dim3A_838 = vector.shape_cast %xor3A_4 : vector<16xi32> to vector<16x1xi32>
          %gather3A_839 = vector.shape_cast %broadcast_in_dim3A_838 : vector<16x1xi32> to vector<16xi32>
          %gather3A_840 = tpu.dynamic_gather %add3A_438[%gather3A_839] in [0] : vector<16xf32>, vector<16xi32> -> vector<16xf32>
          %mul3A_841 = arith.mulf %mul3A_672, %gather3A_840 : vector<16xf32>
          %add3A_842 = arith.addf %add3A_837, %mul3A_841 : vector<16xf32>
          %broadcast_in_dim3A_843 = vector.shape_cast %xor3A_7 : vector<16xi32> to vector<16x1xi32>
          %gather3A_844 = vector.shape_cast %broadcast_in_dim3A_843 : vector<16x1xi32> to vector<16xi32>
          %gather3A_845 = tpu.dynamic_gather %add3A_438[%gather3A_844] in [0] : vector<16xf32>, vector<16xi32> -> vector<16xf32>
          %mul3A_846 = arith.mulf %mul3A_673, %gather3A_845 : vector<16xf32>
          %add3A_847 = arith.addf %add3A_842, %mul3A_846 : vector<16xf32>
          %broadcast_in_dim3A_848 = vector.shape_cast %xor3A_10 : vector<16xi32> to vector<16x1xi32>
          %gather3A_849 = vector.shape_cast %broadcast_in_dim3A_848 : vector<16x1xi32> to vector<16xi32>
          %gather3A_850 = tpu.dynamic_gather %add3A_438[%gather3A_849] in [0] : vector<16xf32>, vector<16xi32> -> vector<16xf32>
          %mul3A_851 = arith.mulf %mul3A_674, %gather3A_850 : vector<16xf32>
          %add3A_852 = arith.addf %add3A_847, %mul3A_851 : vector<16xf32>
          %mul3A_853 = arith.mulf %gather3A_661, %add3A_412 : vector<16xf32>
          %add3A_854 = arith.addf %add3A_852, %mul3A_853 : vector<16xf32>
          %mul3A_855 = arith.mulf %gather3A_664, %add3A_388 : vector<16xf32>
          %add3A_856 = arith.addf %add3A_854, %mul3A_855 : vector<16xf32>
          %mul3A_857 = arith.mulf %gather3A_667, %add3A_342 : vector<16xf32>
          %add3A_858 = arith.addf %add3A_856, %mul3A_857 : vector<16xf32>
          %broadcast_in_dim3A_859 = vector.shape_cast %xor3A_1 : vector<16xi32> to vector<16x1xi32>
          %gather3A_860 = vector.shape_cast %broadcast_in_dim3A_859 : vector<16x1xi32> to vector<16xi32>
          %gather3A_861 = tpu.dynamic_gather %add3A_460[%gather3A_860] in [0] : vector<16xf32>, vector<16xi32> -> vector<16xf32>
          %mul3A_862 = arith.mulf %mul3A_671, %gather3A_861 : vector<16xf32>
          %add3A_863 = arith.addf %add3A_460, %mul3A_862 : vector<16xf32>
          %broadcast_in_dim3A_864 = vector.shape_cast %xor3A_4 : vector<16xi32> to vector<16x1xi32>
          %gather3A_865 = vector.shape_cast %broadcast_in_dim3A_864 : vector<16x1xi32> to vector<16xi32>
          %gather3A_866 = tpu.dynamic_gather %add3A_460[%gather3A_865] in [0] : vector<16xf32>, vector<16xi32> -> vector<16xf32>
          %mul3A_867 = arith.mulf %mul3A_672, %gather3A_866 : vector<16xf32>
          %add3A_868 = arith.addf %add3A_863, %mul3A_867 : vector<16xf32>
          %broadcast_in_dim3A_869 = vector.shape_cast %xor3A_7 : vector<16xi32> to vector<16x1xi32>
          %gather3A_870 = vector.shape_cast %broadcast_in_dim3A_869 : vector<16x1xi32> to vector<16xi32>
          %gather3A_871 = tpu.dynamic_gather %add3A_460[%gather3A_870] in [0] : vector<16xf32>, vector<16xi32> -> vector<16xf32>
          %mul3A_872 = arith.mulf %mul3A_673, %gather3A_871 : vector<16xf32>
          %add3A_873 = arith.addf %add3A_868, %mul3A_872 : vector<16xf32>
          %broadcast_in_dim3A_874 = vector.shape_cast %xor3A_10 : vector<16xi32> to vector<16x1xi32>
          %gather3A_875 = vector.shape_cast %broadcast_in_dim3A_874 : vector<16x1xi32> to vector<16xi32>
          %gather3A_876 = tpu.dynamic_gather %add3A_460[%gather3A_875] in [0] : vector<16xf32>, vector<16xi32> -> vector<16xf32>
          %mul3A_877 = arith.mulf %mul3A_674, %gather3A_876 : vector<16xf32>
          %add3A_878 = arith.addf %add3A_873, %mul3A_877 : vector<16xf32>
          %mul3A_879 = arith.mulf %gather3A_670, %add3A_274 : vector<16xf32>
          %add3A_880 = arith.addf %add3A_878, %mul3A_879 : vector<16xf32>
          %broadcast_in_dim3A_881 = vector.shape_cast %xor3A_1 : vector<16xi32> to vector<16x1xi32>
          %gather3A_882 = vector.shape_cast %broadcast_in_dim3A_881 : vector<16x1xi32> to vector<16xi32>
          %gather3A_883 = tpu.dynamic_gather %add3A_484[%gather3A_882] in [0] : vector<16xf32>, vector<16xi32> -> vector<16xf32>
          %mul3A_884 = arith.mulf %mul3A_671, %gather3A_883 : vector<16xf32>
          %add3A_885 = arith.addf %add3A_484, %mul3A_884 : vector<16xf32>
          %broadcast_in_dim3A_886 = vector.shape_cast %xor3A_4 : vector<16xi32> to vector<16x1xi32>
          %gather3A_887 = vector.shape_cast %broadcast_in_dim3A_886 : vector<16x1xi32> to vector<16xi32>
          %gather3A_888 = tpu.dynamic_gather %add3A_484[%gather3A_887] in [0] : vector<16xf32>, vector<16xi32> -> vector<16xf32>
          %mul3A_889 = arith.mulf %mul3A_672, %gather3A_888 : vector<16xf32>
          %add3A_890 = arith.addf %add3A_885, %mul3A_889 : vector<16xf32>
          %broadcast_in_dim3A_891 = vector.shape_cast %xor3A_7 : vector<16xi32> to vector<16x1xi32>
          %gather3A_892 = vector.shape_cast %broadcast_in_dim3A_891 : vector<16x1xi32> to vector<16xi32>
          %gather3A_893 = tpu.dynamic_gather %add3A_484[%gather3A_892] in [0] : vector<16xf32>, vector<16xi32> -> vector<16xf32>
          %mul3A_894 = arith.mulf %mul3A_673, %gather3A_893 : vector<16xf32>
          %add3A_895 = arith.addf %add3A_890, %mul3A_894 : vector<16xf32>
          %broadcast_in_dim3A_896 = vector.shape_cast %xor3A_10 : vector<16xi32> to vector<16x1xi32>
          %gather3A_897 = vector.shape_cast %broadcast_in_dim3A_896 : vector<16x1xi32> to vector<16xi32>
          %gather3A_898 = tpu.dynamic_gather %add3A_484[%gather3A_897] in [0] : vector<16xf32>, vector<16xi32> -> vector<16xf32>
          %mul3A_899 = arith.mulf %mul3A_674, %gather3A_898 : vector<16xf32>
          %add3A_900 = arith.addf %add3A_895, %mul3A_899 : vector<16xf32>
          %mul3A_901 = arith.mulf %gather3A_661, %add3A_460 : vector<16xf32>
          %add3A_902 = arith.addf %add3A_900, %mul3A_901 : vector<16xf32>
          %mul3A_903 = arith.mulf %gather3A_670, %add3A_296 : vector<16xf32>
          %add3A_904 = arith.addf %add3A_902, %mul3A_903 : vector<16xf32>
          %broadcast_in_dim3A_905 = vector.shape_cast %xor3A_1 : vector<16xi32> to vector<16x1xi32>
          %gather3A_906 = vector.shape_cast %broadcast_in_dim3A_905 : vector<16x1xi32> to vector<16xi32>
          %gather3A_907 = tpu.dynamic_gather %add3A_508[%gather3A_906] in [0] : vector<16xf32>, vector<16xi32> -> vector<16xf32>
          %mul3A_908 = arith.mulf %mul3A_671, %gather3A_907 : vector<16xf32>
          %add3A_909 = arith.addf %add3A_508, %mul3A_908 : vector<16xf32>
          %broadcast_in_dim3A_910 = vector.shape_cast %xor3A_4 : vector<16xi32> to vector<16x1xi32>
          %gather3A_911 = vector.shape_cast %broadcast_in_dim3A_910 : vector<16x1xi32> to vector<16xi32>
          %gather3A_912 = tpu.dynamic_gather %add3A_508[%gather3A_911] in [0] : vector<16xf32>, vector<16xi32> -> vector<16xf32>
          %mul3A_913 = arith.mulf %mul3A_672, %gather3A_912 : vector<16xf32>
          %add3A_914 = arith.addf %add3A_909, %mul3A_913 : vector<16xf32>
          %broadcast_in_dim3A_915 = vector.shape_cast %xor3A_7 : vector<16xi32> to vector<16x1xi32>
          %gather3A_916 = vector.shape_cast %broadcast_in_dim3A_915 : vector<16x1xi32> to vector<16xi32>
          %gather3A_917 = tpu.dynamic_gather %add3A_508[%gather3A_916] in [0] : vector<16xf32>, vector<16xi32> -> vector<16xf32>
          %mul3A_918 = arith.mulf %mul3A_673, %gather3A_917 : vector<16xf32>
          %add3A_919 = arith.addf %add3A_914, %mul3A_918 : vector<16xf32>
          %broadcast_in_dim3A_920 = vector.shape_cast %xor3A_10 : vector<16xi32> to vector<16x1xi32>
          %gather3A_921 = vector.shape_cast %broadcast_in_dim3A_920 : vector<16x1xi32> to vector<16xi32>
          %gather3A_922 = tpu.dynamic_gather %add3A_508[%gather3A_921] in [0] : vector<16xf32>, vector<16xi32> -> vector<16xf32>
          %mul3A_923 = arith.mulf %mul3A_674, %gather3A_922 : vector<16xf32>
          %add3A_924 = arith.addf %add3A_919, %mul3A_923 : vector<16xf32>
          %mul3A_925 = arith.mulf %gather3A_664, %add3A_460 : vector<16xf32>
          %add3A_926 = arith.addf %add3A_924, %mul3A_925 : vector<16xf32>
          %mul3A_927 = arith.mulf %gather3A_670, %add3A_318 : vector<16xf32>
          %add3A_928 = arith.addf %add3A_926, %mul3A_927 : vector<16xf32>
          %broadcast_in_dim3A_929 = vector.shape_cast %xor3A_1 : vector<16xi32> to vector<16x1xi32>
          %gather3A_930 = vector.shape_cast %broadcast_in_dim3A_929 : vector<16x1xi32> to vector<16xi32>
          %gather3A_931 = tpu.dynamic_gather %add3A_534[%gather3A_930] in [0] : vector<16xf32>, vector<16xi32> -> vector<16xf32>
          %mul3A_932 = arith.mulf %mul3A_671, %gather3A_931 : vector<16xf32>
          %add3A_933 = arith.addf %add3A_534, %mul3A_932 : vector<16xf32>
          %broadcast_in_dim3A_934 = vector.shape_cast %xor3A_4 : vector<16xi32> to vector<16x1xi32>
          %gather3A_935 = vector.shape_cast %broadcast_in_dim3A_934 : vector<16x1xi32> to vector<16xi32>
          %gather3A_936 = tpu.dynamic_gather %add3A_534[%gather3A_935] in [0] : vector<16xf32>, vector<16xi32> -> vector<16xf32>
          %mul3A_937 = arith.mulf %mul3A_672, %gather3A_936 : vector<16xf32>
          %add3A_938 = arith.addf %add3A_933, %mul3A_937 : vector<16xf32>
          %broadcast_in_dim3A_939 = vector.shape_cast %xor3A_7 : vector<16xi32> to vector<16x1xi32>
          %gather3A_940 = vector.shape_cast %broadcast_in_dim3A_939 : vector<16x1xi32> to vector<16xi32>
          %gather3A_941 = tpu.dynamic_gather %add3A_534[%gather3A_940] in [0] : vector<16xf32>, vector<16xi32> -> vector<16xf32>
          %mul3A_942 = arith.mulf %mul3A_673, %gather3A_941 : vector<16xf32>
          %add3A_943 = arith.addf %add3A_938, %mul3A_942 : vector<16xf32>
          %broadcast_in_dim3A_944 = vector.shape_cast %xor3A_10 : vector<16xi32> to vector<16x1xi32>
          %gather3A_945 = vector.shape_cast %broadcast_in_dim3A_944 : vector<16x1xi32> to vector<16xi32>
          %gather3A_946 = tpu.dynamic_gather %add3A_534[%gather3A_945] in [0] : vector<16xf32>, vector<16xi32> -> vector<16xf32>
          %mul3A_947 = arith.mulf %mul3A_674, %gather3A_946 : vector<16xf32>
          %add3A_948 = arith.addf %add3A_943, %mul3A_947 : vector<16xf32>
          %mul3A_949 = arith.mulf %gather3A_661, %add3A_508 : vector<16xf32>
          %add3A_950 = arith.addf %add3A_948, %mul3A_949 : vector<16xf32>
          %mul3A_951 = arith.mulf %gather3A_664, %add3A_484 : vector<16xf32>
          %add3A_952 = arith.addf %add3A_950, %mul3A_951 : vector<16xf32>
          %mul3A_953 = arith.mulf %gather3A_670, %add3A_342 : vector<16xf32>
          %add3A_954 = arith.addf %add3A_952, %mul3A_953 : vector<16xf32>
          %broadcast_in_dim3A_955 = vector.shape_cast %xor3A_1 : vector<16xi32> to vector<16x1xi32>
          %gather3A_956 = vector.shape_cast %broadcast_in_dim3A_955 : vector<16x1xi32> to vector<16xi32>
          %gather3A_957 = tpu.dynamic_gather %add3A_558[%gather3A_956] in [0] : vector<16xf32>, vector<16xi32> -> vector<16xf32>
          %mul3A_958 = arith.mulf %mul3A_671, %gather3A_957 : vector<16xf32>
          %add3A_959 = arith.addf %add3A_558, %mul3A_958 : vector<16xf32>
          %broadcast_in_dim3A_960 = vector.shape_cast %xor3A_4 : vector<16xi32> to vector<16x1xi32>
          %gather3A_961 = vector.shape_cast %broadcast_in_dim3A_960 : vector<16x1xi32> to vector<16xi32>
          %gather3A_962 = tpu.dynamic_gather %add3A_558[%gather3A_961] in [0] : vector<16xf32>, vector<16xi32> -> vector<16xf32>
          %mul3A_963 = arith.mulf %mul3A_672, %gather3A_962 : vector<16xf32>
          %add3A_964 = arith.addf %add3A_959, %mul3A_963 : vector<16xf32>
          %broadcast_in_dim3A_965 = vector.shape_cast %xor3A_7 : vector<16xi32> to vector<16x1xi32>
          %gather3A_966 = vector.shape_cast %broadcast_in_dim3A_965 : vector<16x1xi32> to vector<16xi32>
          %gather3A_967 = tpu.dynamic_gather %add3A_558[%gather3A_966] in [0] : vector<16xf32>, vector<16xi32> -> vector<16xf32>
          %mul3A_968 = arith.mulf %mul3A_673, %gather3A_967 : vector<16xf32>
          %add3A_969 = arith.addf %add3A_964, %mul3A_968 : vector<16xf32>
          %broadcast_in_dim3A_970 = vector.shape_cast %xor3A_10 : vector<16xi32> to vector<16x1xi32>
          %gather3A_971 = vector.shape_cast %broadcast_in_dim3A_970 : vector<16x1xi32> to vector<16xi32>
          %gather3A_972 = tpu.dynamic_gather %add3A_558[%gather3A_971] in [0] : vector<16xf32>, vector<16xi32> -> vector<16xf32>
          %mul3A_973 = arith.mulf %mul3A_674, %gather3A_972 : vector<16xf32>
          %add3A_974 = arith.addf %add3A_969, %mul3A_973 : vector<16xf32>
          %mul3A_975 = arith.mulf %gather3A_667, %add3A_460 : vector<16xf32>
          %add3A_976 = arith.addf %add3A_974, %mul3A_975 : vector<16xf32>
          %mul3A_977 = arith.mulf %gather3A_670, %add3A_364 : vector<16xf32>
          %add3A_978 = arith.addf %add3A_976, %mul3A_977 : vector<16xf32>
          %broadcast_in_dim3A_979 = vector.shape_cast %xor3A_1 : vector<16xi32> to vector<16x1xi32>
          %gather3A_980 = vector.shape_cast %broadcast_in_dim3A_979 : vector<16x1xi32> to vector<16xi32>
          %gather3A_981 = tpu.dynamic_gather %add3A_584[%gather3A_980] in [0] : vector<16xf32>, vector<16xi32> -> vector<16xf32>
          %mul3A_982 = arith.mulf %mul3A_671, %gather3A_981 : vector<16xf32>
          %add3A_983 = arith.addf %add3A_584, %mul3A_982 : vector<16xf32>
          %broadcast_in_dim3A_984 = vector.shape_cast %xor3A_4 : vector<16xi32> to vector<16x1xi32>
          %gather3A_985 = vector.shape_cast %broadcast_in_dim3A_984 : vector<16x1xi32> to vector<16xi32>
          %gather3A_986 = tpu.dynamic_gather %add3A_584[%gather3A_985] in [0] : vector<16xf32>, vector<16xi32> -> vector<16xf32>
          %mul3A_987 = arith.mulf %mul3A_672, %gather3A_986 : vector<16xf32>
          %add3A_988 = arith.addf %add3A_983, %mul3A_987 : vector<16xf32>
          %broadcast_in_dim3A_989 = vector.shape_cast %xor3A_7 : vector<16xi32> to vector<16x1xi32>
          %gather3A_990 = vector.shape_cast %broadcast_in_dim3A_989 : vector<16x1xi32> to vector<16xi32>
          %gather3A_991 = tpu.dynamic_gather %add3A_584[%gather3A_990] in [0] : vector<16xf32>, vector<16xi32> -> vector<16xf32>
          %mul3A_992 = arith.mulf %mul3A_673, %gather3A_991 : vector<16xf32>
          %add3A_993 = arith.addf %add3A_988, %mul3A_992 : vector<16xf32>
          %broadcast_in_dim3A_994 = vector.shape_cast %xor3A_10 : vector<16xi32> to vector<16x1xi32>
          %gather3A_995 = vector.shape_cast %broadcast_in_dim3A_994 : vector<16x1xi32> to vector<16xi32>
          %gather3A_996 = tpu.dynamic_gather %add3A_584[%gather3A_995] in [0] : vector<16xf32>, vector<16xi32> -> vector<16xf32>
          %mul3A_997 = arith.mulf %mul3A_674, %gather3A_996 : vector<16xf32>
          %add3A_998 = arith.addf %add3A_993, %mul3A_997 : vector<16xf32>
          %mul3A_999 = arith.mulf %gather3A_661, %add3A_558 : vector<16xf32>
          %add3A_1000 = arith.addf %add3A_998, %mul3A_999 : vector<16xf32>
          %mul3A_1001 = arith.mulf %gather3A_667, %add3A_484 : vector<16xf32>
          %add3A_1002 = arith.addf %add3A_1000, %mul3A_1001 : vector<16xf32>
          %mul3A_1003 = arith.mulf %gather3A_670, %add3A_388 : vector<16xf32>
          %add3A_1004 = arith.addf %add3A_1002, %mul3A_1003 : vector<16xf32>
          %broadcast_in_dim3A_1005 = vector.shape_cast %xor3A_1 : vector<16xi32> to vector<16x1xi32>
          %gather3A_1006 = vector.shape_cast %broadcast_in_dim3A_1005 : vector<16x1xi32> to vector<16xi32>
          %gather3A_1007 = tpu.dynamic_gather %add3A_610[%gather3A_1006] in [0] : vector<16xf32>, vector<16xi32> -> vector<16xf32>
          %mul3A_1008 = arith.mulf %mul3A_671, %gather3A_1007 : vector<16xf32>
          %add3A_1009 = arith.addf %add3A_610, %mul3A_1008 : vector<16xf32>
          %broadcast_in_dim3A_1010 = vector.shape_cast %xor3A_4 : vector<16xi32> to vector<16x1xi32>
          %gather3A_1011 = vector.shape_cast %broadcast_in_dim3A_1010 : vector<16x1xi32> to vector<16xi32>
          %gather3A_1012 = tpu.dynamic_gather %add3A_610[%gather3A_1011] in [0] : vector<16xf32>, vector<16xi32> -> vector<16xf32>
          %mul3A_1013 = arith.mulf %mul3A_672, %gather3A_1012 : vector<16xf32>
          %add3A_1014 = arith.addf %add3A_1009, %mul3A_1013 : vector<16xf32>
          %broadcast_in_dim3A_1015 = vector.shape_cast %xor3A_7 : vector<16xi32> to vector<16x1xi32>
          %gather3A_1016 = vector.shape_cast %broadcast_in_dim3A_1015 : vector<16x1xi32> to vector<16xi32>
          %gather3A_1017 = tpu.dynamic_gather %add3A_610[%gather3A_1016] in [0] : vector<16xf32>, vector<16xi32> -> vector<16xf32>
          %mul3A_1018 = arith.mulf %mul3A_673, %gather3A_1017 : vector<16xf32>
          %add3A_1019 = arith.addf %add3A_1014, %mul3A_1018 : vector<16xf32>
          %broadcast_in_dim3A_1020 = vector.shape_cast %xor3A_10 : vector<16xi32> to vector<16x1xi32>
          %gather3A_1021 = vector.shape_cast %broadcast_in_dim3A_1020 : vector<16x1xi32> to vector<16xi32>
          %gather3A_1022 = tpu.dynamic_gather %add3A_610[%gather3A_1021] in [0] : vector<16xf32>, vector<16xi32> -> vector<16xf32>
          %mul3A_1023 = arith.mulf %mul3A_674, %gather3A_1022 : vector<16xf32>
          %add3A_1024 = arith.addf %add3A_1019, %mul3A_1023 : vector<16xf32>
          %mul3A_1025 = arith.mulf %gather3A_664, %add3A_558 : vector<16xf32>
          %add3A_1026 = arith.addf %add3A_1024, %mul3A_1025 : vector<16xf32>
          %mul3A_1027 = arith.mulf %gather3A_667, %add3A_508 : vector<16xf32>
          %add3A_1028 = arith.addf %add3A_1026, %mul3A_1027 : vector<16xf32>
          %mul3A_1029 = arith.mulf %gather3A_670, %add3A_412 : vector<16xf32>
          %add3A_1030 = arith.addf %add3A_1028, %mul3A_1029 : vector<16xf32>
          %broadcast_in_dim3A_1031 = vector.shape_cast %xor3A_1 : vector<16xi32> to vector<16x1xi32>
          %gather3A_1032 = vector.shape_cast %broadcast_in_dim3A_1031 : vector<16x1xi32> to vector<16xi32>
          %gather3A_1033 = tpu.dynamic_gather %add3A_638[%gather3A_1032] in [0] : vector<16xf32>, vector<16xi32> -> vector<16xf32>
          %mul3A_1034 = arith.mulf %mul3A_671, %gather3A_1033 : vector<16xf32>
          %add3A_1035 = arith.addf %add3A_638, %mul3A_1034 : vector<16xf32>
          %broadcast_in_dim3A_1036 = vector.shape_cast %xor3A_4 : vector<16xi32> to vector<16x1xi32>
          %gather3A_1037 = vector.shape_cast %broadcast_in_dim3A_1036 : vector<16x1xi32> to vector<16xi32>
          %gather3A_1038 = tpu.dynamic_gather %add3A_638[%gather3A_1037] in [0] : vector<16xf32>, vector<16xi32> -> vector<16xf32>
          %mul3A_1039 = arith.mulf %mul3A_672, %gather3A_1038 : vector<16xf32>
          %add3A_1040 = arith.addf %add3A_1035, %mul3A_1039 : vector<16xf32>
          %broadcast_in_dim3A_1041 = vector.shape_cast %xor3A_7 : vector<16xi32> to vector<16x1xi32>
          %gather3A_1042 = vector.shape_cast %broadcast_in_dim3A_1041 : vector<16x1xi32> to vector<16xi32>
          %gather3A_1043 = tpu.dynamic_gather %add3A_638[%gather3A_1042] in [0] : vector<16xf32>, vector<16xi32> -> vector<16xf32>
          %mul3A_1044 = arith.mulf %mul3A_673, %gather3A_1043 : vector<16xf32>
          %add3A_1045 = arith.addf %add3A_1040, %mul3A_1044 : vector<16xf32>
          %broadcast_in_dim3A_1046 = vector.shape_cast %xor3A_10 : vector<16xi32> to vector<16x1xi32>
          %gather3A_1047 = vector.shape_cast %broadcast_in_dim3A_1046 : vector<16x1xi32> to vector<16xi32>
          %gather3A_1048 = tpu.dynamic_gather %add3A_638[%gather3A_1047] in [0] : vector<16xf32>, vector<16xi32> -> vector<16xf32>
          %mul3A_1049 = arith.mulf %mul3A_674, %gather3A_1048 : vector<16xf32>
          %add3A_1050 = arith.addf %add3A_1045, %mul3A_1049 : vector<16xf32>
          %mul3A_1051 = arith.mulf %gather3A_661, %add3A_610 : vector<16xf32>
          %add3A_1052 = arith.addf %add3A_1050, %mul3A_1051 : vector<16xf32>
          %mul3A_1053 = arith.mulf %gather3A_664, %add3A_584 : vector<16xf32>
          %add3A_1054 = arith.addf %add3A_1052, %mul3A_1053 : vector<16xf32>
          %mul3A_1055 = arith.mulf %gather3A_667, %add3A_534 : vector<16xf32>
          %add3A_1056 = arith.addf %add3A_1054, %mul3A_1055 : vector<16xf32>
          %mul3A_1057 = arith.mulf %gather3A_670, %add3A_438 : vector<16xf32>
          %add3A_1058 = arith.addf %add3A_1056, %mul3A_1057 : vector<16xf32>
          %mul3A_1059 = arith.constant 4 : i32
          %mul3A_1060 = arith.muli %mul3A_1059, %while3A_204 : i32
          %add3A_1061 = arith.constant 2 : i32
          %add3A_1062 = arith.addi %mul3A_1060, %add3A_1061 : i32
          %get3A_1063 = arith.index_cast %add3A_1062 : i32 to index
          %get3A_1064 = arith.constant 0 : index
          %get3A_1065 = tpu.vector_load %arg5[%get3A_1063, %get3A_1064] {strides = array<i32>} : memref<257x16xf32, #tpu.memory_space<vmem>>, vector<16xf32>,
          %exp3A_1066 = math.exp %get3A_1065 : vector<16xf32>
          %broadcast_in_dim3A_1067 = vector.shape_cast %broadcast_in_dim3A_36 : vector<16xi32> to vector<16x1xi32>
          %gather3A_1068 = vector.shape_cast %broadcast_in_dim3A_1067 : vector<16x1xi32> to vector<16xi32>
          %gather3A_1069 = tpu.dynamic_gather %exp3A_1066[%gather3A_1068] in [0] : vector<16xf32>, vector<16xi32> -> vector<16xf32>
          %broadcast_in_dim3A_1070 = vector.shape_cast %broadcast_in_dim3A_38 : vector<16xi32> to vector<16x1xi32>
          %gather3A_1071 = vector.shape_cast %broadcast_in_dim3A_1070 : vector<16x1xi32> to vector<16xi32>
          %gather3A_1072 = tpu.dynamic_gather %exp3A_1066[%gather3A_1071] in [0] : vector<16xf32>, vector<16xi32> -> vector<16xf32>
          %broadcast_in_dim3A_1073 = vector.shape_cast %broadcast_in_dim3A_40 : vector<16xi32> to vector<16x1xi32>
          %gather3A_1074 = vector.shape_cast %broadcast_in_dim3A_1073 : vector<16x1xi32> to vector<16xi32>
          %gather3A_1075 = tpu.dynamic_gather %exp3A_1066[%gather3A_1074] in [0] : vector<16xf32>, vector<16xi32> -> vector<16xf32>
          %broadcast_in_dim3A_1076 = vector.shape_cast %broadcast_in_dim3A_42 : vector<16xi32> to vector<16x1xi32>
          %gather3A_1077 = vector.shape_cast %broadcast_in_dim3A_1076 : vector<16x1xi32> to vector<16xi32>
          %gather3A_1078 = tpu.dynamic_gather %exp3A_1066[%gather3A_1077] in [0] : vector<16xf32>, vector<16xi32> -> vector<16xf32>
          %broadcast_in_dim3A_1079 = vector.shape_cast %broadcast_in_dim3A_44 : vector<16xi32> to vector<16x1xi32>
          %gather3A_1080 = vector.shape_cast %broadcast_in_dim3A_1079 : vector<16x1xi32> to vector<16xi32>
          %gather3A_1081 = tpu.dynamic_gather %exp3A_1066[%gather3A_1080] in [0] : vector<16xf32>, vector<16xi32> -> vector<16xf32>
          %broadcast_in_dim3A_1082 = vector.shape_cast %broadcast_in_dim3A_46 : vector<16xi32> to vector<16x1xi32>
          %gather3A_1083 = vector.shape_cast %broadcast_in_dim3A_1082 : vector<16x1xi32> to vector<16xi32>
          %gather3A_1084 = tpu.dynamic_gather %exp3A_1066[%gather3A_1083] in [0] : vector<16xf32>, vector<16xi32> -> vector<16xf32>
          %broadcast_in_dim3A_1085 = vector.shape_cast %broadcast_in_dim3A_48 : vector<16xi32> to vector<16x1xi32>
          %gather3A_1086 = vector.shape_cast %broadcast_in_dim3A_1085 : vector<16x1xi32> to vector<16xi32>
          %gather3A_1087 = tpu.dynamic_gather %exp3A_1066[%gather3A_1086] in [0] : vector<16xf32>, vector<16xi32> -> vector<16xf32>
          %broadcast_in_dim3A_1088 = vector.shape_cast %broadcast_in_dim3A_50 : vector<16xi32> to vector<16x1xi32>
          %gather3A_1089 = vector.shape_cast %broadcast_in_dim3A_1088 : vector<16x1xi32> to vector<16xi32>
          %gather3A_1090 = tpu.dynamic_gather %exp3A_1066[%gather3A_1089] in [0] : vector<16xf32>, vector<16xi32> -> vector<16xf32>
          %mul3A_1091 = arith.mulf %gather3A_1069, %convert_element_type3A : vector<16xf32>
          %mul3A_1092 = arith.mulf %gather3A_1072, %convert_element_type3A_21 : vector<16xf32>
          %mul3A_1093 = arith.mulf %gather3A_1075, %convert_element_type3A_28 : vector<16xf32>
          %mul3A_1094 = arith.mulf %gather3A_1078, %convert_element_type3A_35 : vector<16xf32>
          %broadcast_in_dim3A_1095 = vector.shape_cast %xor3A_1 : vector<16xi32> to vector<16x1xi32>
          %gather3A_1096 = vector.shape_cast %broadcast_in_dim3A_1095 : vector<16x1xi32> to vector<16xi32>
          %gather3A_1097 = tpu.dynamic_gather %add3A_694[%gather3A_1096] in [0] : vector<16xf32>, vector<16xi32> -> vector<16xf32>
          %mul3A_1098 = arith.mulf %mul3A_1091, %gather3A_1097 : vector<16xf32>
          %add3A_1099 = arith.addf %add3A_694, %mul3A_1098 : vector<16xf32>
          %broadcast_in_dim3A_1100 = vector.shape_cast %xor3A_4 : vector<16xi32> to vector<16x1xi32>
          %gather3A_1101 = vector.shape_cast %broadcast_in_dim3A_1100 : vector<16x1xi32> to vector<16xi32>
          %gather3A_1102 = tpu.dynamic_gather %add3A_694[%gather3A_1101] in [0] : vector<16xf32>, vector<16xi32> -> vector<16xf32>
          %mul3A_1103 = arith.mulf %mul3A_1092, %gather3A_1102 : vector<16xf32>
          %add3A_1104 = arith.addf %add3A_1099, %mul3A_1103 : vector<16xf32>
          %broadcast_in_dim3A_1105 = vector.shape_cast %xor3A_7 : vector<16xi32> to vector<16x1xi32>
          %gather3A_1106 = vector.shape_cast %broadcast_in_dim3A_1105 : vector<16x1xi32> to vector<16xi32>
          %gather3A_1107 = tpu.dynamic_gather %add3A_694[%gather3A_1106] in [0] : vector<16xf32>, vector<16xi32> -> vector<16xf32>
          %mul3A_1108 = arith.mulf %mul3A_1093, %gather3A_1107 : vector<16xf32>
          %add3A_1109 = arith.addf %add3A_1104, %mul3A_1108 : vector<16xf32>
          %broadcast_in_dim3A_1110 = vector.shape_cast %xor3A_10 : vector<16xi32> to vector<16x1xi32>
          %gather3A_1111 = vector.shape_cast %broadcast_in_dim3A_1110 : vector<16x1xi32> to vector<16xi32>
          %gather3A_1112 = tpu.dynamic_gather %add3A_694[%gather3A_1111] in [0] : vector<16xf32>, vector<16xi32> -> vector<16xf32>
          %mul3A_1113 = arith.mulf %mul3A_1094, %gather3A_1112 : vector<16xf32>
          %add3A_1114 = arith.addf %add3A_1109, %mul3A_1113 : vector<16xf32>
          %broadcast_in_dim3A_1115 = vector.shape_cast %xor3A_1 : vector<16xi32> to vector<16x1xi32>
          %gather3A_1116 = vector.shape_cast %broadcast_in_dim3A_1115 : vector<16x1xi32> to vector<16xi32>
          %gather3A_1117 = tpu.dynamic_gather %add3A_716[%gather3A_1116] in [0] : vector<16xf32>, vector<16xi32> -> vector<16xf32>
          %mul3A_1118 = arith.mulf %mul3A_1091, %gather3A_1117 : vector<16xf32>
          %add3A_1119 = arith.addf %add3A_716, %mul3A_1118 : vector<16xf32>
          %broadcast_in_dim3A_1120 = vector.shape_cast %xor3A_4 : vector<16xi32> to vector<16x1xi32>
          %gather3A_1121 = vector.shape_cast %broadcast_in_dim3A_1120 : vector<16x1xi32> to vector<16xi32>
          %gather3A_1122 = tpu.dynamic_gather %add3A_716[%gather3A_1121] in [0] : vector<16xf32>, vector<16xi32> -> vector<16xf32>
          %mul3A_1123 = arith.mulf %mul3A_1092, %gather3A_1122 : vector<16xf32>
          %add3A_1124 = arith.addf %add3A_1119, %mul3A_1123 : vector<16xf32>
          %broadcast_in_dim3A_1125 = vector.shape_cast %xor3A_7 : vector<16xi32> to vector<16x1xi32>
          %gather3A_1126 = vector.shape_cast %broadcast_in_dim3A_1125 : vector<16x1xi32> to vector<16xi32>
          %gather3A_1127 = tpu.dynamic_gather %add3A_716[%gather3A_1126] in [0] : vector<16xf32>, vector<16xi32> -> vector<16xf32>
          %mul3A_1128 = arith.mulf %mul3A_1093, %gather3A_1127 : vector<16xf32>
          %add3A_1129 = arith.addf %add3A_1124, %mul3A_1128 : vector<16xf32>
          %broadcast_in_dim3A_1130 = vector.shape_cast %xor3A_10 : vector<16xi32> to vector<16x1xi32>
          %gather3A_1131 = vector.shape_cast %broadcast_in_dim3A_1130 : vector<16x1xi32> to vector<16xi32>
          %gather3A_1132 = tpu.dynamic_gather %add3A_716[%gather3A_1131] in [0] : vector<16xf32>, vector<16xi32> -> vector<16xf32>
          %mul3A_1133 = arith.mulf %mul3A_1094, %gather3A_1132 : vector<16xf32>
          %add3A_1134 = arith.addf %add3A_1129, %mul3A_1133 : vector<16xf32>
          %mul3A_1135 = arith.mulf %gather3A_1081, %add3A_694 : vector<16xf32>
          %add3A_1136 = arith.addf %add3A_1134, %mul3A_1135 : vector<16xf32>
          %broadcast_in_dim3A_1137 = vector.shape_cast %xor3A_1 : vector<16xi32> to vector<16x1xi32>
          %gather3A_1138 = vector.shape_cast %broadcast_in_dim3A_1137 : vector<16x1xi32> to vector<16xi32>
          %gather3A_1139 = tpu.dynamic_gather %add3A_738[%gather3A_1138] in [0] : vector<16xf32>, vector<16xi32> -> vector<16xf32>
          %mul3A_1140 = arith.mulf %mul3A_1091, %gather3A_1139 : vector<16xf32>
          %add3A_1141 = arith.addf %add3A_738, %mul3A_1140 : vector<16xf32>
          %broadcast_in_dim3A_1142 = vector.shape_cast %xor3A_4 : vector<16xi32> to vector<16x1xi32>
          %gather3A_1143 = vector.shape_cast %broadcast_in_dim3A_1142 : vector<16x1xi32> to vector<16xi32>
          %gather3A_1144 = tpu.dynamic_gather %add3A_738[%gather3A_1143] in [0] : vector<16xf32>, vector<16xi32> -> vector<16xf32>
          %mul3A_1145 = arith.mulf %mul3A_1092, %gather3A_1144 : vector<16xf32>
          %add3A_1146 = arith.addf %add3A_1141, %mul3A_1145 : vector<16xf32>
          %broadcast_in_dim3A_1147 = vector.shape_cast %xor3A_7 : vector<16xi32> to vector<16x1xi32>
          %gather3A_1148 = vector.shape_cast %broadcast_in_dim3A_1147 : vector<16x1xi32> to vector<16xi32>
          %gather3A_1149 = tpu.dynamic_gather %add3A_738[%gather3A_1148] in [0] : vector<16xf32>, vector<16xi32> -> vector<16xf32>
          %mul3A_1150 = arith.mulf %mul3A_1093, %gather3A_1149 : vector<16xf32>
          %add3A_1151 = arith.addf %add3A_1146, %mul3A_1150 : vector<16xf32>
          %broadcast_in_dim3A_1152 = vector.shape_cast %xor3A_10 : vector<16xi32> to vector<16x1xi32>
          %gather3A_1153 = vector.shape_cast %broadcast_in_dim3A_1152 : vector<16x1xi32> to vector<16xi32>
          %gather3A_1154 = tpu.dynamic_gather %add3A_738[%gather3A_1153] in [0] : vector<16xf32>, vector<16xi32> -> vector<16xf32>
          %mul3A_1155 = arith.mulf %mul3A_1094, %gather3A_1154 : vector<16xf32>
          %add3A_1156 = arith.addf %add3A_1151, %mul3A_1155 : vector<16xf32>
          %mul3A_1157 = arith.mulf %gather3A_1084, %add3A_694 : vector<16xf32>
          %add3A_1158 = arith.addf %add3A_1156, %mul3A_1157 : vector<16xf32>
          %broadcast_in_dim3A_1159 = vector.shape_cast %xor3A_1 : vector<16xi32> to vector<16x1xi32>
          %gather3A_1160 = vector.shape_cast %broadcast_in_dim3A_1159 : vector<16x1xi32> to vector<16xi32>
          %gather3A_1161 = tpu.dynamic_gather %add3A_762[%gather3A_1160] in [0] : vector<16xf32>, vector<16xi32> -> vector<16xf32>
          %mul3A_1162 = arith.mulf %mul3A_1091, %gather3A_1161 : vector<16xf32>
          %add3A_1163 = arith.addf %add3A_762, %mul3A_1162 : vector<16xf32>
          %broadcast_in_dim3A_1164 = vector.shape_cast %xor3A_4 : vector<16xi32> to vector<16x1xi32>
          %gather3A_1165 = vector.shape_cast %broadcast_in_dim3A_1164 : vector<16x1xi32> to vector<16xi32>
          %gather3A_1166 = tpu.dynamic_gather %add3A_762[%gather3A_1165] in [0] : vector<16xf32>, vector<16xi32> -> vector<16xf32>
          %mul3A_1167 = arith.mulf %mul3A_1092, %gather3A_1166 : vector<16xf32>
          %add3A_1168 = arith.addf %add3A_1163, %mul3A_1167 : vector<16xf32>
          %broadcast_in_dim3A_1169 = vector.shape_cast %xor3A_7 : vector<16xi32> to vector<16x1xi32>
          %gather3A_1170 = vector.shape_cast %broadcast_in_dim3A_1169 : vector<16x1xi32> to vector<16xi32>
          %gather3A_1171 = tpu.dynamic_gather %add3A_762[%gather3A_1170] in [0] : vector<16xf32>, vector<16xi32> -> vector<16xf32>
          %mul3A_1172 = arith.mulf %mul3A_1093, %gather3A_1171 : vector<16xf32>
          %add3A_1173 = arith.addf %add3A_1168, %mul3A_1172 : vector<16xf32>
          %broadcast_in_dim3A_1174 = vector.shape_cast %xor3A_10 : vector<16xi32> to vector<16x1xi32>
          %gather3A_1175 = vector.shape_cast %broadcast_in_dim3A_1174 : vector<16x1xi32> to vector<16xi32>
          %gather3A_1176 = tpu.dynamic_gather %add3A_762[%gather3A_1175] in [0] : vector<16xf32>, vector<16xi32> -> vector<16xf32>
          %mul3A_1177 = arith.mulf %mul3A_1094, %gather3A_1176 : vector<16xf32>
          %add3A_1178 = arith.addf %add3A_1173, %mul3A_1177 : vector<16xf32>
          %mul3A_1179 = arith.mulf %gather3A_1081, %add3A_738 : vector<16xf32>
          %add3A_1180 = arith.addf %add3A_1178, %mul3A_1179 : vector<16xf32>
          %mul3A_1181 = arith.mulf %gather3A_1084, %add3A_716 : vector<16xf32>
          %add3A_1182 = arith.addf %add3A_1180, %mul3A_1181 : vector<16xf32>
          %broadcast_in_dim3A_1183 = vector.shape_cast %xor3A_1 : vector<16xi32> to vector<16x1xi32>
          %gather3A_1184 = vector.shape_cast %broadcast_in_dim3A_1183 : vector<16x1xi32> to vector<16xi32>
          %gather3A_1185 = tpu.dynamic_gather %add3A_784[%gather3A_1184] in [0] : vector<16xf32>, vector<16xi32> -> vector<16xf32>
          %mul3A_1186 = arith.mulf %mul3A_1091, %gather3A_1185 : vector<16xf32>
          %add3A_1187 = arith.addf %add3A_784, %mul3A_1186 : vector<16xf32>
          %broadcast_in_dim3A_1188 = vector.shape_cast %xor3A_4 : vector<16xi32> to vector<16x1xi32>
          %gather3A_1189 = vector.shape_cast %broadcast_in_dim3A_1188 : vector<16x1xi32> to vector<16xi32>
          %gather3A_1190 = tpu.dynamic_gather %add3A_784[%gather3A_1189] in [0] : vector<16xf32>, vector<16xi32> -> vector<16xf32>
          %mul3A_1191 = arith.mulf %mul3A_1092, %gather3A_1190 : vector<16xf32>
          %add3A_1192 = arith.addf %add3A_1187, %mul3A_1191 : vector<16xf32>
          %broadcast_in_dim3A_1193 = vector.shape_cast %xor3A_7 : vector<16xi32> to vector<16x1xi32>
          %gather3A_1194 = vector.shape_cast %broadcast_in_dim3A_1193 : vector<16x1xi32> to vector<16xi32>
          %gather3A_1195 = tpu.dynamic_gather %add3A_784[%gather3A_1194] in [0] : vector<16xf32>, vector<16xi32> -> vector<16xf32>
          %mul3A_1196 = arith.mulf %mul3A_1093, %gather3A_1195 : vector<16xf32>
          %add3A_1197 = arith.addf %add3A_1192, %mul3A_1196 : vector<16xf32>
          %broadcast_in_dim3A_1198 = vector.shape_cast %xor3A_10 : vector<16xi32> to vector<16x1xi32>
          %gather3A_1199 = vector.shape_cast %broadcast_in_dim3A_1198 : vector<16x1xi32> to vector<16xi32>
          %gather3A_1200 = tpu.dynamic_gather %add3A_784[%gather3A_1199] in [0] : vector<16xf32>, vector<16xi32> -> vector<16xf32>
          %mul3A_1201 = arith.mulf %mul3A_1094, %gather3A_1200 : vector<16xf32>
          %add3A_1202 = arith.addf %add3A_1197, %mul3A_1201 : vector<16xf32>
          %mul3A_1203 = arith.mulf %gather3A_1087, %add3A_694 : vector<16xf32>
          %add3A_1204 = arith.addf %add3A_1202, %mul3A_1203 : vector<16xf32>
          %broadcast_in_dim3A_1205 = vector.shape_cast %xor3A_1 : vector<16xi32> to vector<16x1xi32>
          %gather3A_1206 = vector.shape_cast %broadcast_in_dim3A_1205 : vector<16x1xi32> to vector<16xi32>
          %gather3A_1207 = tpu.dynamic_gather %add3A_808[%gather3A_1206] in [0] : vector<16xf32>, vector<16xi32> -> vector<16xf32>
          %mul3A_1208 = arith.mulf %mul3A_1091, %gather3A_1207 : vector<16xf32>
          %add3A_1209 = arith.addf %add3A_808, %mul3A_1208 : vector<16xf32>
          %broadcast_in_dim3A_1210 = vector.shape_cast %xor3A_4 : vector<16xi32> to vector<16x1xi32>
          %gather3A_1211 = vector.shape_cast %broadcast_in_dim3A_1210 : vector<16x1xi32> to vector<16xi32>
          %gather3A_1212 = tpu.dynamic_gather %add3A_808[%gather3A_1211] in [0] : vector<16xf32>, vector<16xi32> -> vector<16xf32>
          %mul3A_1213 = arith.mulf %mul3A_1092, %gather3A_1212 : vector<16xf32>
          %add3A_1214 = arith.addf %add3A_1209, %mul3A_1213 : vector<16xf32>
          %broadcast_in_dim3A_1215 = vector.shape_cast %xor3A_7 : vector<16xi32> to vector<16x1xi32>
          %gather3A_1216 = vector.shape_cast %broadcast_in_dim3A_1215 : vector<16x1xi32> to vector<16xi32>
          %gather3A_1217 = tpu.dynamic_gather %add3A_808[%gather3A_1216] in [0] : vector<16xf32>, vector<16xi32> -> vector<16xf32>
          %mul3A_1218 = arith.mulf %mul3A_1093, %gather3A_1217 : vector<16xf32>
          %add3A_1219 = arith.addf %add3A_1214, %mul3A_1218 : vector<16xf32>
          %broadcast_in_dim3A_1220 = vector.shape_cast %xor3A_10 : vector<16xi32> to vector<16x1xi32>
          %gather3A_1221 = vector.shape_cast %broadcast_in_dim3A_1220 : vector<16x1xi32> to vector<16xi32>
          %gather3A_1222 = tpu.dynamic_gather %add3A_808[%gather3A_1221] in [0] : vector<16xf32>, vector<16xi32> -> vector<16xf32>
          %mul3A_1223 = arith.mulf %mul3A_1094, %gather3A_1222 : vector<16xf32>
          %add3A_1224 = arith.addf %add3A_1219, %mul3A_1223 : vector<16xf32>
          %mul3A_1225 = arith.mulf %gather3A_1081, %add3A_784 : vector<16xf32>
          %add3A_1226 = arith.addf %add3A_1224, %mul3A_1225 : vector<16xf32>
          %mul3A_1227 = arith.mulf %gather3A_1087, %add3A_716 : vector<16xf32>
          %add3A_1228 = arith.addf %add3A_1226, %mul3A_1227 : vector<16xf32>
          %broadcast_in_dim3A_1229 = vector.shape_cast %xor3A_1 : vector<16xi32> to vector<16x1xi32>
          %gather3A_1230 = vector.shape_cast %broadcast_in_dim3A_1229 : vector<16x1xi32> to vector<16xi32>
          %gather3A_1231 = tpu.dynamic_gather %add3A_832[%gather3A_1230] in [0] : vector<16xf32>, vector<16xi32> -> vector<16xf32>
          %mul3A_1232 = arith.mulf %mul3A_1091, %gather3A_1231 : vector<16xf32>
          %add3A_1233 = arith.addf %add3A_832, %mul3A_1232 : vector<16xf32>
          %broadcast_in_dim3A_1234 = vector.shape_cast %xor3A_4 : vector<16xi32> to vector<16x1xi32>
          %gather3A_1235 = vector.shape_cast %broadcast_in_dim3A_1234 : vector<16x1xi32> to vector<16xi32>
          %gather3A_1236 = tpu.dynamic_gather %add3A_832[%gather3A_1235] in [0] : vector<16xf32>, vector<16xi32> -> vector<16xf32>
          %mul3A_1237 = arith.mulf %mul3A_1092, %gather3A_1236 : vector<16xf32>
          %add3A_1238 = arith.addf %add3A_1233, %mul3A_1237 : vector<16xf32>
          %broadcast_in_dim3A_1239 = vector.shape_cast %xor3A_7 : vector<16xi32> to vector<16x1xi32>
          %gather3A_1240 = vector.shape_cast %broadcast_in_dim3A_1239 : vector<16x1xi32> to vector<16xi32>
          %gather3A_1241 = tpu.dynamic_gather %add3A_832[%gather3A_1240] in [0] : vector<16xf32>, vector<16xi32> -> vector<16xf32>
          %mul3A_1242 = arith.mulf %mul3A_1093, %gather3A_1241 : vector<16xf32>
          %add3A_1243 = arith.addf %add3A_1238, %mul3A_1242 : vector<16xf32>
          %broadcast_in_dim3A_1244 = vector.shape_cast %xor3A_10 : vector<16xi32> to vector<16x1xi32>
          %gather3A_1245 = vector.shape_cast %broadcast_in_dim3A_1244 : vector<16x1xi32> to vector<16xi32>
          %gather3A_1246 = tpu.dynamic_gather %add3A_832[%gather3A_1245] in [0] : vector<16xf32>, vector<16xi32> -> vector<16xf32>
          %mul3A_1247 = arith.mulf %mul3A_1094, %gather3A_1246 : vector<16xf32>
          %add3A_1248 = arith.addf %add3A_1243, %mul3A_1247 : vector<16xf32>
          %mul3A_1249 = arith.mulf %gather3A_1084, %add3A_784 : vector<16xf32>
          %add3A_1250 = arith.addf %add3A_1248, %mul3A_1249 : vector<16xf32>
          %mul3A_1251 = arith.mulf %gather3A_1087, %add3A_738 : vector<16xf32>
          %add3A_1252 = arith.addf %add3A_1250, %mul3A_1251 : vector<16xf32>
          %broadcast_in_dim3A_1253 = vector.shape_cast %xor3A_1 : vector<16xi32> to vector<16x1xi32>
          %gather3A_1254 = vector.shape_cast %broadcast_in_dim3A_1253 : vector<16x1xi32> to vector<16xi32>
          %gather3A_1255 = tpu.dynamic_gather %add3A_858[%gather3A_1254] in [0] : vector<16xf32>, vector<16xi32> -> vector<16xf32>
          %mul3A_1256 = arith.mulf %mul3A_1091, %gather3A_1255 : vector<16xf32>
          %add3A_1257 = arith.addf %add3A_858, %mul3A_1256 : vector<16xf32>
          %broadcast_in_dim3A_1258 = vector.shape_cast %xor3A_4 : vector<16xi32> to vector<16x1xi32>
          %gather3A_1259 = vector.shape_cast %broadcast_in_dim3A_1258 : vector<16x1xi32> to vector<16xi32>
          %gather3A_1260 = tpu.dynamic_gather %add3A_858[%gather3A_1259] in [0] : vector<16xf32>, vector<16xi32> -> vector<16xf32>
          %mul3A_1261 = arith.mulf %mul3A_1092, %gather3A_1260 : vector<16xf32>
          %add3A_1262 = arith.addf %add3A_1257, %mul3A_1261 : vector<16xf32>
          %broadcast_in_dim3A_1263 = vector.shape_cast %xor3A_7 : vector<16xi32> to vector<16x1xi32>
          %gather3A_1264 = vector.shape_cast %broadcast_in_dim3A_1263 : vector<16x1xi32> to vector<16xi32>
          %gather3A_1265 = tpu.dynamic_gather %add3A_858[%gather3A_1264] in [0] : vector<16xf32>, vector<16xi32> -> vector<16xf32>
          %mul3A_1266 = arith.mulf %mul3A_1093, %gather3A_1265 : vector<16xf32>
          %add3A_1267 = arith.addf %add3A_1262, %mul3A_1266 : vector<16xf32>
          %broadcast_in_dim3A_1268 = vector.shape_cast %xor3A_10 : vector<16xi32> to vector<16x1xi32>
          %gather3A_1269 = vector.shape_cast %broadcast_in_dim3A_1268 : vector<16x1xi32> to vector<16xi32>
          %gather3A_1270 = tpu.dynamic_gather %add3A_858[%gather3A_1269] in [0] : vector<16xf32>, vector<16xi32> -> vector<16xf32>
          %mul3A_1271 = arith.mulf %mul3A_1094, %gather3A_1270 : vector<16xf32>
          %add3A_1272 = arith.addf %add3A_1267, %mul3A_1271 : vector<16xf32>
          %mul3A_1273 = arith.mulf %gather3A_1081, %add3A_832 : vector<16xf32>
          %add3A_1274 = arith.addf %add3A_1272, %mul3A_1273 : vector<16xf32>
          %mul3A_1275 = arith.mulf %gather3A_1084, %add3A_808 : vector<16xf32>
          %add3A_1276 = arith.addf %add3A_1274, %mul3A_1275 : vector<16xf32>
          %mul3A_1277 = arith.mulf %gather3A_1087, %add3A_762 : vector<16xf32>
          %add3A_1278 = arith.addf %add3A_1276, %mul3A_1277 : vector<16xf32>
          %broadcast_in_dim3A_1279 = vector.shape_cast %xor3A_1 : vector<16xi32> to vector<16x1xi32>
          %gather3A_1280 = vector.shape_cast %broadcast_in_dim3A_1279 : vector<16x1xi32> to vector<16xi32>
          %gather3A_1281 = tpu.dynamic_gather %add3A_880[%gather3A_1280] in [0] : vector<16xf32>, vector<16xi32> -> vector<16xf32>
          %mul3A_1282 = arith.mulf %mul3A_1091, %gather3A_1281 : vector<16xf32>
          %add3A_1283 = arith.addf %add3A_880, %mul3A_1282 : vector<16xf32>
          %broadcast_in_dim3A_1284 = vector.shape_cast %xor3A_4 : vector<16xi32> to vector<16x1xi32>
          %gather3A_1285 = vector.shape_cast %broadcast_in_dim3A_1284 : vector<16x1xi32> to vector<16xi32>
          %gather3A_1286 = tpu.dynamic_gather %add3A_880[%gather3A_1285] in [0] : vector<16xf32>, vector<16xi32> -> vector<16xf32>
          %mul3A_1287 = arith.mulf %mul3A_1092, %gather3A_1286 : vector<16xf32>
          %add3A_1288 = arith.addf %add3A_1283, %mul3A_1287 : vector<16xf32>
          %broadcast_in_dim3A_1289 = vector.shape_cast %xor3A_7 : vector<16xi32> to vector<16x1xi32>
          %gather3A_1290 = vector.shape_cast %broadcast_in_dim3A_1289 : vector<16x1xi32> to vector<16xi32>
          %gather3A_1291 = tpu.dynamic_gather %add3A_880[%gather3A_1290] in [0] : vector<16xf32>, vector<16xi32> -> vector<16xf32>
          %mul3A_1292 = arith.mulf %mul3A_1093, %gather3A_1291 : vector<16xf32>
          %add3A_1293 = arith.addf %add3A_1288, %mul3A_1292 : vector<16xf32>
          %broadcast_in_dim3A_1294 = vector.shape_cast %xor3A_10 : vector<16xi32> to vector<16x1xi32>
          %gather3A_1295 = vector.shape_cast %broadcast_in_dim3A_1294 : vector<16x1xi32> to vector<16xi32>
          %gather3A_1296 = tpu.dynamic_gather %add3A_880[%gather3A_1295] in [0] : vector<16xf32>, vector<16xi32> -> vector<16xf32>
          %mul3A_1297 = arith.mulf %mul3A_1094, %gather3A_1296 : vector<16xf32>
          %add3A_1298 = arith.addf %add3A_1293, %mul3A_1297 : vector<16xf32>
          %mul3A_1299 = arith.mulf %gather3A_1090, %add3A_694 : vector<16xf32>
          %add3A_1300 = arith.addf %add3A_1298, %mul3A_1299 : vector<16xf32>
          %broadcast_in_dim3A_1301 = vector.shape_cast %xor3A_1 : vector<16xi32> to vector<16x1xi32>
          %gather3A_1302 = vector.shape_cast %broadcast_in_dim3A_1301 : vector<16x1xi32> to vector<16xi32>
          %gather3A_1303 = tpu.dynamic_gather %add3A_904[%gather3A_1302] in [0] : vector<16xf32>, vector<16xi32> -> vector<16xf32>
          %mul3A_1304 = arith.mulf %mul3A_1091, %gather3A_1303 : vector<16xf32>
          %add3A_1305 = arith.addf %add3A_904, %mul3A_1304 : vector<16xf32>
          %broadcast_in_dim3A_1306 = vector.shape_cast %xor3A_4 : vector<16xi32> to vector<16x1xi32>
          %gather3A_1307 = vector.shape_cast %broadcast_in_dim3A_1306 : vector<16x1xi32> to vector<16xi32>
          %gather3A_1308 = tpu.dynamic_gather %add3A_904[%gather3A_1307] in [0] : vector<16xf32>, vector<16xi32> -> vector<16xf32>
          %mul3A_1309 = arith.mulf %mul3A_1092, %gather3A_1308 : vector<16xf32>
          %add3A_1310 = arith.addf %add3A_1305, %mul3A_1309 : vector<16xf32>
          %broadcast_in_dim3A_1311 = vector.shape_cast %xor3A_7 : vector<16xi32> to vector<16x1xi32>
          %gather3A_1312 = vector.shape_cast %broadcast_in_dim3A_1311 : vector<16x1xi32> to vector<16xi32>
          %gather3A_1313 = tpu.dynamic_gather %add3A_904[%gather3A_1312] in [0] : vector<16xf32>, vector<16xi32> -> vector<16xf32>
          %mul3A_1314 = arith.mulf %mul3A_1093, %gather3A_1313 : vector<16xf32>
          %add3A_1315 = arith.addf %add3A_1310, %mul3A_1314 : vector<16xf32>
          %broadcast_in_dim3A_1316 = vector.shape_cast %xor3A_10 : vector<16xi32> to vector<16x1xi32>
          %gather3A_1317 = vector.shape_cast %broadcast_in_dim3A_1316 : vector<16x1xi32> to vector<16xi32>
          %gather3A_1318 = tpu.dynamic_gather %add3A_904[%gather3A_1317] in [0] : vector<16xf32>, vector<16xi32> -> vector<16xf32>
          %mul3A_1319 = arith.mulf %mul3A_1094, %gather3A_1318 : vector<16xf32>
          %add3A_1320 = arith.addf %add3A_1315, %mul3A_1319 : vector<16xf32>
          %mul3A_1321 = arith.mulf %gather3A_1081, %add3A_880 : vector<16xf32>
          %add3A_1322 = arith.addf %add3A_1320, %mul3A_1321 : vector<16xf32>
          %mul3A_1323 = arith.mulf %gather3A_1090, %add3A_716 : vector<16xf32>
          %add3A_1324 = arith.addf %add3A_1322, %mul3A_1323 : vector<16xf32>
          %broadcast_in_dim3A_1325 = vector.shape_cast %xor3A_1 : vector<16xi32> to vector<16x1xi32>
          %gather3A_1326 = vector.shape_cast %broadcast_in_dim3A_1325 : vector<16x1xi32> to vector<16xi32>
          %gather3A_1327 = tpu.dynamic_gather %add3A_928[%gather3A_1326] in [0] : vector<16xf32>, vector<16xi32> -> vector<16xf32>
          %mul3A_1328 = arith.mulf %mul3A_1091, %gather3A_1327 : vector<16xf32>
          %add3A_1329 = arith.addf %add3A_928, %mul3A_1328 : vector<16xf32>
          %broadcast_in_dim3A_1330 = vector.shape_cast %xor3A_4 : vector<16xi32> to vector<16x1xi32>
          %gather3A_1331 = vector.shape_cast %broadcast_in_dim3A_1330 : vector<16x1xi32> to vector<16xi32>
          %gather3A_1332 = tpu.dynamic_gather %add3A_928[%gather3A_1331] in [0] : vector<16xf32>, vector<16xi32> -> vector<16xf32>
          %mul3A_1333 = arith.mulf %mul3A_1092, %gather3A_1332 : vector<16xf32>
          %add3A_1334 = arith.addf %add3A_1329, %mul3A_1333 : vector<16xf32>
          %broadcast_in_dim3A_1335 = vector.shape_cast %xor3A_7 : vector<16xi32> to vector<16x1xi32>
          %gather3A_1336 = vector.shape_cast %broadcast_in_dim3A_1335 : vector<16x1xi32> to vector<16xi32>
          %gather3A_1337 = tpu.dynamic_gather %add3A_928[%gather3A_1336] in [0] : vector<16xf32>, vector<16xi32> -> vector<16xf32>
          %mul3A_1338 = arith.mulf %mul3A_1093, %gather3A_1337 : vector<16xf32>
          %add3A_1339 = arith.addf %add3A_1334, %mul3A_1338 : vector<16xf32>
          %broadcast_in_dim3A_1340 = vector.shape_cast %xor3A_10 : vector<16xi32> to vector<16x1xi32>
          %gather3A_1341 = vector.shape_cast %broadcast_in_dim3A_1340 : vector<16x1xi32> to vector<16xi32>
          %gather3A_1342 = tpu.dynamic_gather %add3A_928[%gather3A_1341] in [0] : vector<16xf32>, vector<16xi32> -> vector<16xf32>
          %mul3A_1343 = arith.mulf %mul3A_1094, %gather3A_1342 : vector<16xf32>
          %add3A_1344 = arith.addf %add3A_1339, %mul3A_1343 : vector<16xf32>
          %mul3A_1345 = arith.mulf %gather3A_1084, %add3A_880 : vector<16xf32>
          %add3A_1346 = arith.addf %add3A_1344, %mul3A_1345 : vector<16xf32>
          %mul3A_1347 = arith.mulf %gather3A_1090, %add3A_738 : vector<16xf32>
          %add3A_1348 = arith.addf %add3A_1346, %mul3A_1347 : vector<16xf32>
          %broadcast_in_dim3A_1349 = vector.shape_cast %xor3A_1 : vector<16xi32> to vector<16x1xi32>
          %gather3A_1350 = vector.shape_cast %broadcast_in_dim3A_1349 : vector<16x1xi32> to vector<16xi32>
          %gather3A_1351 = tpu.dynamic_gather %add3A_954[%gather3A_1350] in [0] : vector<16xf32>, vector<16xi32> -> vector<16xf32>
          %mul3A_1352 = arith.mulf %mul3A_1091, %gather3A_1351 : vector<16xf32>
          %add3A_1353 = arith.addf %add3A_954, %mul3A_1352 : vector<16xf32>
          %broadcast_in_dim3A_1354 = vector.shape_cast %xor3A_4 : vector<16xi32> to vector<16x1xi32>
          %gather3A_1355 = vector.shape_cast %broadcast_in_dim3A_1354 : vector<16x1xi32> to vector<16xi32>
          %gather3A_1356 = tpu.dynamic_gather %add3A_954[%gather3A_1355] in [0] : vector<16xf32>, vector<16xi32> -> vector<16xf32>
          %mul3A_1357 = arith.mulf %mul3A_1092, %gather3A_1356 : vector<16xf32>
          %add3A_1358 = arith.addf %add3A_1353, %mul3A_1357 : vector<16xf32>
          %broadcast_in_dim3A_1359 = vector.shape_cast %xor3A_7 : vector<16xi32> to vector<16x1xi32>
          %gather3A_1360 = vector.shape_cast %broadcast_in_dim3A_1359 : vector<16x1xi32> to vector<16xi32>
          %gather3A_1361 = tpu.dynamic_gather %add3A_954[%gather3A_1360] in [0] : vector<16xf32>, vector<16xi32> -> vector<16xf32>
          %mul3A_1362 = arith.mulf %mul3A_1093, %gather3A_1361 : vector<16xf32>
          %add3A_1363 = arith.addf %add3A_1358, %mul3A_1362 : vector<16xf32>
          %broadcast_in_dim3A_1364 = vector.shape_cast %xor3A_10 : vector<16xi32> to vector<16x1xi32>
          %gather3A_1365 = vector.shape_cast %broadcast_in_dim3A_1364 : vector<16x1xi32> to vector<16xi32>
          %gather3A_1366 = tpu.dynamic_gather %add3A_954[%gather3A_1365] in [0] : vector<16xf32>, vector<16xi32> -> vector<16xf32>
          %mul3A_1367 = arith.mulf %mul3A_1094, %gather3A_1366 : vector<16xf32>
          %add3A_1368 = arith.addf %add3A_1363, %mul3A_1367 : vector<16xf32>
          %mul3A_1369 = arith.mulf %gather3A_1081, %add3A_928 : vector<16xf32>
          %add3A_1370 = arith.addf %add3A_1368, %mul3A_1369 : vector<16xf32>
          %mul3A_1371 = arith.mulf %gather3A_1084, %add3A_904 : vector<16xf32>
          %add3A_1372 = arith.addf %add3A_1370, %mul3A_1371 : vector<16xf32>
          %mul3A_1373 = arith.mulf %gather3A_1090, %add3A_762 : vector<16xf32>
          %add3A_1374 = arith.addf %add3A_1372, %mul3A_1373 : vector<16xf32>
          %broadcast_in_dim3A_1375 = vector.shape_cast %xor3A_1 : vector<16xi32> to vector<16x1xi32>
          %gather3A_1376 = vector.shape_cast %broadcast_in_dim3A_1375 : vector<16x1xi32> to vector<16xi32>
          %gather3A_1377 = tpu.dynamic_gather %add3A_978[%gather3A_1376] in [0] : vector<16xf32>, vector<16xi32> -> vector<16xf32>
          %mul3A_1378 = arith.mulf %mul3A_1091, %gather3A_1377 : vector<16xf32>
          %add3A_1379 = arith.addf %add3A_978, %mul3A_1378 : vector<16xf32>
          %broadcast_in_dim3A_1380 = vector.shape_cast %xor3A_4 : vector<16xi32> to vector<16x1xi32>
          %gather3A_1381 = vector.shape_cast %broadcast_in_dim3A_1380 : vector<16x1xi32> to vector<16xi32>
          %gather3A_1382 = tpu.dynamic_gather %add3A_978[%gather3A_1381] in [0] : vector<16xf32>, vector<16xi32> -> vector<16xf32>
          %mul3A_1383 = arith.mulf %mul3A_1092, %gather3A_1382 : vector<16xf32>
          %add3A_1384 = arith.addf %add3A_1379, %mul3A_1383 : vector<16xf32>
          %broadcast_in_dim3A_1385 = vector.shape_cast %xor3A_7 : vector<16xi32> to vector<16x1xi32>
          %gather3A_1386 = vector.shape_cast %broadcast_in_dim3A_1385 : vector<16x1xi32> to vector<16xi32>
          %gather3A_1387 = tpu.dynamic_gather %add3A_978[%gather3A_1386] in [0] : vector<16xf32>, vector<16xi32> -> vector<16xf32>
          %mul3A_1388 = arith.mulf %mul3A_1093, %gather3A_1387 : vector<16xf32>
          %add3A_1389 = arith.addf %add3A_1384, %mul3A_1388 : vector<16xf32>
          %broadcast_in_dim3A_1390 = vector.shape_cast %xor3A_10 : vector<16xi32> to vector<16x1xi32>
          %gather3A_1391 = vector.shape_cast %broadcast_in_dim3A_1390 : vector<16x1xi32> to vector<16xi32>
          %gather3A_1392 = tpu.dynamic_gather %add3A_978[%gather3A_1391] in [0] : vector<16xf32>, vector<16xi32> -> vector<16xf32>
          %mul3A_1393 = arith.mulf %mul3A_1094, %gather3A_1392 : vector<16xf32>
          %add3A_1394 = arith.addf %add3A_1389, %mul3A_1393 : vector<16xf32>
          %mul3A_1395 = arith.mulf %gather3A_1087, %add3A_880 : vector<16xf32>
          %add3A_1396 = arith.addf %add3A_1394, %mul3A_1395 : vector<16xf32>
          %mul3A_1397 = arith.mulf %gather3A_1090, %add3A_784 : vector<16xf32>
          %add3A_1398 = arith.addf %add3A_1396, %mul3A_1397 : vector<16xf32>
          %broadcast_in_dim3A_1399 = vector.shape_cast %xor3A_1 : vector<16xi32> to vector<16x1xi32>
          %gather3A_1400 = vector.shape_cast %broadcast_in_dim3A_1399 : vector<16x1xi32> to vector<16xi32>
          %gather3A_1401 = tpu.dynamic_gather %add3A_1004[%gather3A_1400] in [0] : vector<16xf32>, vector<16xi32> -> vector<16xf32>
          %mul3A_1402 = arith.mulf %mul3A_1091, %gather3A_1401 : vector<16xf32>
          %add3A_1403 = arith.addf %add3A_1004, %mul3A_1402 : vector<16xf32>
          %broadcast_in_dim3A_1404 = vector.shape_cast %xor3A_4 : vector<16xi32> to vector<16x1xi32>
          %gather3A_1405 = vector.shape_cast %broadcast_in_dim3A_1404 : vector<16x1xi32> to vector<16xi32>
          %gather3A_1406 = tpu.dynamic_gather %add3A_1004[%gather3A_1405] in [0] : vector<16xf32>, vector<16xi32> -> vector<16xf32>
          %mul3A_1407 = arith.mulf %mul3A_1092, %gather3A_1406 : vector<16xf32>
          %add3A_1408 = arith.addf %add3A_1403, %mul3A_1407 : vector<16xf32>
          %broadcast_in_dim3A_1409 = vector.shape_cast %xor3A_7 : vector<16xi32> to vector<16x1xi32>
          %gather3A_1410 = vector.shape_cast %broadcast_in_dim3A_1409 : vector<16x1xi32> to vector<16xi32>
          %gather3A_1411 = tpu.dynamic_gather %add3A_1004[%gather3A_1410] in [0] : vector<16xf32>, vector<16xi32> -> vector<16xf32>
          %mul3A_1412 = arith.mulf %mul3A_1093, %gather3A_1411 : vector<16xf32>
          %add3A_1413 = arith.addf %add3A_1408, %mul3A_1412 : vector<16xf32>
          %broadcast_in_dim3A_1414 = vector.shape_cast %xor3A_10 : vector<16xi32> to vector<16x1xi32>
          %gather3A_1415 = vector.shape_cast %broadcast_in_dim3A_1414 : vector<16x1xi32> to vector<16xi32>
          %gather3A_1416 = tpu.dynamic_gather %add3A_1004[%gather3A_1415] in [0] : vector<16xf32>, vector<16xi32> -> vector<16xf32>
          %mul3A_1417 = arith.mulf %mul3A_1094, %gather3A_1416 : vector<16xf32>
          %add3A_1418 = arith.addf %add3A_1413, %mul3A_1417 : vector<16xf32>
          %mul3A_1419 = arith.mulf %gather3A_1081, %add3A_978 : vector<16xf32>
          %add3A_1420 = arith.addf %add3A_1418, %mul3A_1419 : vector<16xf32>
          %mul3A_1421 = arith.mulf %gather3A_1087, %add3A_904 : vector<16xf32>
          %add3A_1422 = arith.addf %add3A_1420, %mul3A_1421 : vector<16xf32>
          %mul3A_1423 = arith.mulf %gather3A_1090, %add3A_808 : vector<16xf32>
          %add3A_1424 = arith.addf %add3A_1422, %mul3A_1423 : vector<16xf32>
          %broadcast_in_dim3A_1425 = vector.shape_cast %xor3A_1 : vector<16xi32> to vector<16x1xi32>
          %gather3A_1426 = vector.shape_cast %broadcast_in_dim3A_1425 : vector<16x1xi32> to vector<16xi32>
          %gather3A_1427 = tpu.dynamic_gather %add3A_1030[%gather3A_1426] in [0] : vector<16xf32>, vector<16xi32> -> vector<16xf32>
          %mul3A_1428 = arith.mulf %mul3A_1091, %gather3A_1427 : vector<16xf32>
          %add3A_1429 = arith.addf %add3A_1030, %mul3A_1428 : vector<16xf32>
          %broadcast_in_dim3A_1430 = vector.shape_cast %xor3A_4 : vector<16xi32> to vector<16x1xi32>
          %gather3A_1431 = vector.shape_cast %broadcast_in_dim3A_1430 : vector<16x1xi32> to vector<16xi32>
          %gather3A_1432 = tpu.dynamic_gather %add3A_1030[%gather3A_1431] in [0] : vector<16xf32>, vector<16xi32> -> vector<16xf32>
          %mul3A_1433 = arith.mulf %mul3A_1092, %gather3A_1432 : vector<16xf32>
          %add3A_1434 = arith.addf %add3A_1429, %mul3A_1433 : vector<16xf32>
          %broadcast_in_dim3A_1435 = vector.shape_cast %xor3A_7 : vector<16xi32> to vector<16x1xi32>
          %gather3A_1436 = vector.shape_cast %broadcast_in_dim3A_1435 : vector<16x1xi32> to vector<16xi32>
          %gather3A_1437 = tpu.dynamic_gather %add3A_1030[%gather3A_1436] in [0] : vector<16xf32>, vector<16xi32> -> vector<16xf32>
          %mul3A_1438 = arith.mulf %mul3A_1093, %gather3A_1437 : vector<16xf32>
          %add3A_1439 = arith.addf %add3A_1434, %mul3A_1438 : vector<16xf32>
          %broadcast_in_dim3A_1440 = vector.shape_cast %xor3A_10 : vector<16xi32> to vector<16x1xi32>
          %gather3A_1441 = vector.shape_cast %broadcast_in_dim3A_1440 : vector<16x1xi32> to vector<16xi32>
          %gather3A_1442 = tpu.dynamic_gather %add3A_1030[%gather3A_1441] in [0] : vector<16xf32>, vector<16xi32> -> vector<16xf32>
          %mul3A_1443 = arith.mulf %mul3A_1094, %gather3A_1442 : vector<16xf32>
          %add3A_1444 = arith.addf %add3A_1439, %mul3A_1443 : vector<16xf32>
          %mul3A_1445 = arith.mulf %gather3A_1084, %add3A_978 : vector<16xf32>
          %add3A_1446 = arith.addf %add3A_1444, %mul3A_1445 : vector<16xf32>
          %mul3A_1447 = arith.mulf %gather3A_1087, %add3A_928 : vector<16xf32>
          %add3A_1448 = arith.addf %add3A_1446, %mul3A_1447 : vector<16xf32>
          %mul3A_1449 = arith.mulf %gather3A_1090, %add3A_832 : vector<16xf32>
          %add3A_1450 = arith.addf %add3A_1448, %mul3A_1449 : vector<16xf32>
          %broadcast_in_dim3A_1451 = vector.shape_cast %xor3A_1 : vector<16xi32> to vector<16x1xi32>
          %gather3A_1452 = vector.shape_cast %broadcast_in_dim3A_1451 : vector<16x1xi32> to vector<16xi32>
          %gather3A_1453 = tpu.dynamic_gather %add3A_1058[%gather3A_1452] in [0] : vector<16xf32>, vector<16xi32> -> vector<16xf32>
          %mul3A_1454 = arith.mulf %mul3A_1091, %gather3A_1453 : vector<16xf32>
          %add3A_1455 = arith.addf %add3A_1058, %mul3A_1454 : vector<16xf32>
          %broadcast_in_dim3A_1456 = vector.shape_cast %xor3A_4 : vector<16xi32> to vector<16x1xi32>
          %gather3A_1457 = vector.shape_cast %broadcast_in_dim3A_1456 : vector<16x1xi32> to vector<16xi32>
          %gather3A_1458 = tpu.dynamic_gather %add3A_1058[%gather3A_1457] in [0] : vector<16xf32>, vector<16xi32> -> vector<16xf32>
          %mul3A_1459 = arith.mulf %mul3A_1092, %gather3A_1458 : vector<16xf32>
          %add3A_1460 = arith.addf %add3A_1455, %mul3A_1459 : vector<16xf32>
          %broadcast_in_dim3A_1461 = vector.shape_cast %xor3A_7 : vector<16xi32> to vector<16x1xi32>
          %gather3A_1462 = vector.shape_cast %broadcast_in_dim3A_1461 : vector<16x1xi32> to vector<16xi32>
          %gather3A_1463 = tpu.dynamic_gather %add3A_1058[%gather3A_1462] in [0] : vector<16xf32>, vector<16xi32> -> vector<16xf32>
          %mul3A_1464 = arith.mulf %mul3A_1093, %gather3A_1463 : vector<16xf32>
          %add3A_1465 = arith.addf %add3A_1460, %mul3A_1464 : vector<16xf32>
          %broadcast_in_dim3A_1466 = vector.shape_cast %xor3A_10 : vector<16xi32> to vector<16x1xi32>
          %gather3A_1467 = vector.shape_cast %broadcast_in_dim3A_1466 : vector<16x1xi32> to vector<16xi32>
          %gather3A_1468 = tpu.dynamic_gather %add3A_1058[%gather3A_1467] in [0] : vector<16xf32>, vector<16xi32> -> vector<16xf32>
          %mul3A_1469 = arith.mulf %mul3A_1094, %gather3A_1468 : vector<16xf32>
          %add3A_1470 = arith.addf %add3A_1465, %mul3A_1469 : vector<16xf32>
          %mul3A_1471 = arith.mulf %gather3A_1081, %add3A_1030 : vector<16xf32>
          %add3A_1472 = arith.addf %add3A_1470, %mul3A_1471 : vector<16xf32>
          %mul3A_1473 = arith.mulf %gather3A_1084, %add3A_1004 : vector<16xf32>
          %add3A_1474 = arith.addf %add3A_1472, %mul3A_1473 : vector<16xf32>
          %mul3A_1475 = arith.mulf %gather3A_1087, %add3A_954 : vector<16xf32>
          %add3A_1476 = arith.addf %add3A_1474, %mul3A_1475 : vector<16xf32>
          %mul3A_1477 = arith.mulf %gather3A_1090, %add3A_858 : vector<16xf32>
          %add3A_1478 = arith.addf %add3A_1476, %mul3A_1477 : vector<16xf32>
          %mul3A_1479 = arith.constant 4 : i32
          %mul3A_1480 = arith.muli %mul3A_1479, %while3A_204 : i32
          %add3A_1481 = arith.constant 3 : i32
          %add3A_1482 = arith.addi %mul3A_1480, %add3A_1481 : i32
          %get3A_1483 = arith.index_cast %add3A_1482 : i32 to index
          %get3A_1484 = arith.constant 0 : index
          %get3A_1485 = tpu.vector_load %arg5[%get3A_1483, %get3A_1484] {strides = array<i32>} : memref<257x16xf32, #tpu.memory_space<vmem>>, vector<16xf32>,
          %exp3A_1486 = math.exp %get3A_1485 : vector<16xf32>
          %broadcast_in_dim3A_1487 = vector.shape_cast %broadcast_in_dim3A_36 : vector<16xi32> to vector<16x1xi32>
          %gather3A_1488 = vector.shape_cast %broadcast_in_dim3A_1487 : vector<16x1xi32> to vector<16xi32>
          %gather3A_1489 = tpu.dynamic_gather %exp3A_1486[%gather3A_1488] in [0] : vector<16xf32>, vector<16xi32> -> vector<16xf32>
          %broadcast_in_dim3A_1490 = vector.shape_cast %broadcast_in_dim3A_38 : vector<16xi32> to vector<16x1xi32>
          %gather3A_1491 = vector.shape_cast %broadcast_in_dim3A_1490 : vector<16x1xi32> to vector<16xi32>
          %gather3A_1492 = tpu.dynamic_gather %exp3A_1486[%gather3A_1491] in [0] : vector<16xf32>, vector<16xi32> -> vector<16xf32>
          %broadcast_in_dim3A_1493 = vector.shape_cast %broadcast_in_dim3A_40 : vector<16xi32> to vector<16x1xi32>
          %gather3A_1494 = vector.shape_cast %broadcast_in_dim3A_1493 : vector<16x1xi32> to vector<16xi32>
          %gather3A_1495 = tpu.dynamic_gather %exp3A_1486[%gather3A_1494] in [0] : vector<16xf32>, vector<16xi32> -> vector<16xf32>
          %broadcast_in_dim3A_1496 = vector.shape_cast %broadcast_in_dim3A_42 : vector<16xi32> to vector<16x1xi32>
          %gather3A_1497 = vector.shape_cast %broadcast_in_dim3A_1496 : vector<16x1xi32> to vector<16xi32>
          %gather3A_1498 = tpu.dynamic_gather %exp3A_1486[%gather3A_1497] in [0] : vector<16xf32>, vector<16xi32> -> vector<16xf32>
          %broadcast_in_dim3A_1499 = vector.shape_cast %broadcast_in_dim3A_44 : vector<16xi32> to vector<16x1xi32>
          %gather3A_1500 = vector.shape_cast %broadcast_in_dim3A_1499 : vector<16x1xi32> to vector<16xi32>
          %gather3A_1501 = tpu.dynamic_gather %exp3A_1486[%gather3A_1500] in [0] : vector<16xf32>, vector<16xi32> -> vector<16xf32>
          %broadcast_in_dim3A_1502 = vector.shape_cast %broadcast_in_dim3A_46 : vector<16xi32> to vector<16x1xi32>
          %gather3A_1503 = vector.shape_cast %broadcast_in_dim3A_1502 : vector<16x1xi32> to vector<16xi32>
          %gather3A_1504 = tpu.dynamic_gather %exp3A_1486[%gather3A_1503] in [0] : vector<16xf32>, vector<16xi32> -> vector<16xf32>
          %broadcast_in_dim3A_1505 = vector.shape_cast %broadcast_in_dim3A_48 : vector<16xi32> to vector<16x1xi32>
          %gather3A_1506 = vector.shape_cast %broadcast_in_dim3A_1505 : vector<16x1xi32> to vector<16xi32>
          %gather3A_1507 = tpu.dynamic_gather %exp3A_1486[%gather3A_1506] in [0] : vector<16xf32>, vector<16xi32> -> vector<16xf32>
          %broadcast_in_dim3A_1508 = vector.shape_cast %broadcast_in_dim3A_50 : vector<16xi32> to vector<16x1xi32>
          %gather3A_1509 = vector.shape_cast %broadcast_in_dim3A_1508 : vector<16x1xi32> to vector<16xi32>
          %gather3A_1510 = tpu.dynamic_gather %exp3A_1486[%gather3A_1509] in [0] : vector<16xf32>, vector<16xi32> -> vector<16xf32>
          %mul3A_1511 = arith.mulf %gather3A_1489, %convert_element_type3A : vector<16xf32>
          %mul3A_1512 = arith.mulf %gather3A_1492, %convert_element_type3A_21 : vector<16xf32>
          %mul3A_1513 = arith.mulf %gather3A_1495, %convert_element_type3A_28 : vector<16xf32>
          %mul3A_1514 = arith.mulf %gather3A_1498, %convert_element_type3A_35 : vector<16xf32>
          %broadcast_in_dim3A_1515 = vector.shape_cast %xor3A_1 : vector<16xi32> to vector<16x1xi32>
          %gather3A_1516 = vector.shape_cast %broadcast_in_dim3A_1515 : vector<16x1xi32> to vector<16xi32>
          %gather3A_1517 = tpu.dynamic_gather %add3A_1114[%gather3A_1516] in [0] : vector<16xf32>, vector<16xi32> -> vector<16xf32>
          %mul3A_1518 = arith.mulf %mul3A_1511, %gather3A_1517 : vector<16xf32>
          %add3A_1519 = arith.addf %add3A_1114, %mul3A_1518 : vector<16xf32>
          %broadcast_in_dim3A_1520 = vector.shape_cast %xor3A_4 : vector<16xi32> to vector<16x1xi32>
          %gather3A_1521 = vector.shape_cast %broadcast_in_dim3A_1520 : vector<16x1xi32> to vector<16xi32>
          %gather3A_1522 = tpu.dynamic_gather %add3A_1114[%gather3A_1521] in [0] : vector<16xf32>, vector<16xi32> -> vector<16xf32>
          %mul3A_1523 = arith.mulf %mul3A_1512, %gather3A_1522 : vector<16xf32>
          %add3A_1524 = arith.addf %add3A_1519, %mul3A_1523 : vector<16xf32>
          %broadcast_in_dim3A_1525 = vector.shape_cast %xor3A_7 : vector<16xi32> to vector<16x1xi32>
          %gather3A_1526 = vector.shape_cast %broadcast_in_dim3A_1525 : vector<16x1xi32> to vector<16xi32>
          %gather3A_1527 = tpu.dynamic_gather %add3A_1114[%gather3A_1526] in [0] : vector<16xf32>, vector<16xi32> -> vector<16xf32>
          %mul3A_1528 = arith.mulf %mul3A_1513, %gather3A_1527 : vector<16xf32>
          %add3A_1529 = arith.addf %add3A_1524, %mul3A_1528 : vector<16xf32>
          %broadcast_in_dim3A_1530 = vector.shape_cast %xor3A_10 : vector<16xi32> to vector<16x1xi32>
          %gather3A_1531 = vector.shape_cast %broadcast_in_dim3A_1530 : vector<16x1xi32> to vector<16xi32>
          %gather3A_1532 = tpu.dynamic_gather %add3A_1114[%gather3A_1531] in [0] : vector<16xf32>, vector<16xi32> -> vector<16xf32>
          %mul3A_1533 = arith.mulf %mul3A_1514, %gather3A_1532 : vector<16xf32>
          %add3A_1534 = arith.addf %add3A_1529, %mul3A_1533 : vector<16xf32>
          %broadcast_in_dim3A_1535 = vector.shape_cast %xor3A_1 : vector<16xi32> to vector<16x1xi32>
          %gather3A_1536 = vector.shape_cast %broadcast_in_dim3A_1535 : vector<16x1xi32> to vector<16xi32>
          %gather3A_1537 = tpu.dynamic_gather %add3A_1136[%gather3A_1536] in [0] : vector<16xf32>, vector<16xi32> -> vector<16xf32>
          %mul3A_1538 = arith.mulf %mul3A_1511, %gather3A_1537 : vector<16xf32>
          %add3A_1539 = arith.addf %add3A_1136, %mul3A_1538 : vector<16xf32>
          %broadcast_in_dim3A_1540 = vector.shape_cast %xor3A_4 : vector<16xi32> to vector<16x1xi32>
          %gather3A_1541 = vector.shape_cast %broadcast_in_dim3A_1540 : vector<16x1xi32> to vector<16xi32>
          %gather3A_1542 = tpu.dynamic_gather %add3A_1136[%gather3A_1541] in [0] : vector<16xf32>, vector<16xi32> -> vector<16xf32>
          %mul3A_1543 = arith.mulf %mul3A_1512, %gather3A_1542 : vector<16xf32>
          %add3A_1544 = arith.addf %add3A_1539, %mul3A_1543 : vector<16xf32>
          %broadcast_in_dim3A_1545 = vector.shape_cast %xor3A_7 : vector<16xi32> to vector<16x1xi32>
          %gather3A_1546 = vector.shape_cast %broadcast_in_dim3A_1545 : vector<16x1xi32> to vector<16xi32>
          %gather3A_1547 = tpu.dynamic_gather %add3A_1136[%gather3A_1546] in [0] : vector<16xf32>, vector<16xi32> -> vector<16xf32>
          %mul3A_1548 = arith.mulf %mul3A_1513, %gather3A_1547 : vector<16xf32>
          %add3A_1549 = arith.addf %add3A_1544, %mul3A_1548 : vector<16xf32>
          %broadcast_in_dim3A_1550 = vector.shape_cast %xor3A_10 : vector<16xi32> to vector<16x1xi32>
          %gather3A_1551 = vector.shape_cast %broadcast_in_dim3A_1550 : vector<16x1xi32> to vector<16xi32>
          %gather3A_1552 = tpu.dynamic_gather %add3A_1136[%gather3A_1551] in [0] : vector<16xf32>, vector<16xi32> -> vector<16xf32>
          %mul3A_1553 = arith.mulf %mul3A_1514, %gather3A_1552 : vector<16xf32>
          %add3A_1554 = arith.addf %add3A_1549, %mul3A_1553 : vector<16xf32>
          %mul3A_1555 = arith.mulf %gather3A_1501, %add3A_1114 : vector<16xf32>
          %add3A_1556 = arith.addf %add3A_1554, %mul3A_1555 : vector<16xf32>
          %broadcast_in_dim3A_1557 = vector.shape_cast %xor3A_1 : vector<16xi32> to vector<16x1xi32>
          %gather3A_1558 = vector.shape_cast %broadcast_in_dim3A_1557 : vector<16x1xi32> to vector<16xi32>
          %gather3A_1559 = tpu.dynamic_gather %add3A_1158[%gather3A_1558] in [0] : vector<16xf32>, vector<16xi32> -> vector<16xf32>
          %mul3A_1560 = arith.mulf %mul3A_1511, %gather3A_1559 : vector<16xf32>
          %add3A_1561 = arith.addf %add3A_1158, %mul3A_1560 : vector<16xf32>
          %broadcast_in_dim3A_1562 = vector.shape_cast %xor3A_4 : vector<16xi32> to vector<16x1xi32>
          %gather3A_1563 = vector.shape_cast %broadcast_in_dim3A_1562 : vector<16x1xi32> to vector<16xi32>
          %gather3A_1564 = tpu.dynamic_gather %add3A_1158[%gather3A_1563] in [0] : vector<16xf32>, vector<16xi32> -> vector<16xf32>
          %mul3A_1565 = arith.mulf %mul3A_1512, %gather3A_1564 : vector<16xf32>
          %add3A_1566 = arith.addf %add3A_1561, %mul3A_1565 : vector<16xf32>
          %broadcast_in_dim3A_1567 = vector.shape_cast %xor3A_7 : vector<16xi32> to vector<16x1xi32>
          %gather3A_1568 = vector.shape_cast %broadcast_in_dim3A_1567 : vector<16x1xi32> to vector<16xi32>
          %gather3A_1569 = tpu.dynamic_gather %add3A_1158[%gather3A_1568] in [0] : vector<16xf32>, vector<16xi32> -> vector<16xf32>
          %mul3A_1570 = arith.mulf %mul3A_1513, %gather3A_1569 : vector<16xf32>
          %add3A_1571 = arith.addf %add3A_1566, %mul3A_1570 : vector<16xf32>
          %broadcast_in_dim3A_1572 = vector.shape_cast %xor3A_10 : vector<16xi32> to vector<16x1xi32>
          %gather3A_1573 = vector.shape_cast %broadcast_in_dim3A_1572 : vector<16x1xi32> to vector<16xi32>
          %gather3A_1574 = tpu.dynamic_gather %add3A_1158[%gather3A_1573] in [0] : vector<16xf32>, vector<16xi32> -> vector<16xf32>
          %mul3A_1575 = arith.mulf %mul3A_1514, %gather3A_1574 : vector<16xf32>
          %add3A_1576 = arith.addf %add3A_1571, %mul3A_1575 : vector<16xf32>
          %mul3A_1577 = arith.mulf %gather3A_1504, %add3A_1114 : vector<16xf32>
          %add3A_1578 = arith.addf %add3A_1576, %mul3A_1577 : vector<16xf32>
          %broadcast_in_dim3A_1579 = vector.shape_cast %xor3A_1 : vector<16xi32> to vector<16x1xi32>
          %gather3A_1580 = vector.shape_cast %broadcast_in_dim3A_1579 : vector<16x1xi32> to vector<16xi32>
          %gather3A_1581 = tpu.dynamic_gather %add3A_1182[%gather3A_1580] in [0] : vector<16xf32>, vector<16xi32> -> vector<16xf32>
          %mul3A_1582 = arith.mulf %mul3A_1511, %gather3A_1581 : vector<16xf32>
          %add3A_1583 = arith.addf %add3A_1182, %mul3A_1582 : vector<16xf32>
          %broadcast_in_dim3A_1584 = vector.shape_cast %xor3A_4 : vector<16xi32> to vector<16x1xi32>
          %gather3A_1585 = vector.shape_cast %broadcast_in_dim3A_1584 : vector<16x1xi32> to vector<16xi32>
          %gather3A_1586 = tpu.dynamic_gather %add3A_1182[%gather3A_1585] in [0] : vector<16xf32>, vector<16xi32> -> vector<16xf32>
          %mul3A_1587 = arith.mulf %mul3A_1512, %gather3A_1586 : vector<16xf32>
          %add3A_1588 = arith.addf %add3A_1583, %mul3A_1587 : vector<16xf32>
          %broadcast_in_dim3A_1589 = vector.shape_cast %xor3A_7 : vector<16xi32> to vector<16x1xi32>
          %gather3A_1590 = vector.shape_cast %broadcast_in_dim3A_1589 : vector<16x1xi32> to vector<16xi32>
          %gather3A_1591 = tpu.dynamic_gather %add3A_1182[%gather3A_1590] in [0] : vector<16xf32>, vector<16xi32> -> vector<16xf32>
          %mul3A_1592 = arith.mulf %mul3A_1513, %gather3A_1591 : vector<16xf32>
          %add3A_1593 = arith.addf %add3A_1588, %mul3A_1592 : vector<16xf32>
          %broadcast_in_dim3A_1594 = vector.shape_cast %xor3A_10 : vector<16xi32> to vector<16x1xi32>
          %gather3A_1595 = vector.shape_cast %broadcast_in_dim3A_1594 : vector<16x1xi32> to vector<16xi32>
          %gather3A_1596 = tpu.dynamic_gather %add3A_1182[%gather3A_1595] in [0] : vector<16xf32>, vector<16xi32> -> vector<16xf32>
          %mul3A_1597 = arith.mulf %mul3A_1514, %gather3A_1596 : vector<16xf32>
          %add3A_1598 = arith.addf %add3A_1593, %mul3A_1597 : vector<16xf32>
          %mul3A_1599 = arith.mulf %gather3A_1501, %add3A_1158 : vector<16xf32>
          %add3A_1600 = arith.addf %add3A_1598, %mul3A_1599 : vector<16xf32>
          %mul3A_1601 = arith.mulf %gather3A_1504, %add3A_1136 : vector<16xf32>
          %add3A_1602 = arith.addf %add3A_1600, %mul3A_1601 : vector<16xf32>
          %broadcast_in_dim3A_1603 = vector.shape_cast %xor3A_1 : vector<16xi32> to vector<16x1xi32>
          %gather3A_1604 = vector.shape_cast %broadcast_in_dim3A_1603 : vector<16x1xi32> to vector<16xi32>
          %gather3A_1605 = tpu.dynamic_gather %add3A_1204[%gather3A_1604] in [0] : vector<16xf32>, vector<16xi32> -> vector<16xf32>
          %mul3A_1606 = arith.mulf %mul3A_1511, %gather3A_1605 : vector<16xf32>
          %add3A_1607 = arith.addf %add3A_1204, %mul3A_1606 : vector<16xf32>
          %broadcast_in_dim3A_1608 = vector.shape_cast %xor3A_4 : vector<16xi32> to vector<16x1xi32>
          %gather3A_1609 = vector.shape_cast %broadcast_in_dim3A_1608 : vector<16x1xi32> to vector<16xi32>
          %gather3A_1610 = tpu.dynamic_gather %add3A_1204[%gather3A_1609] in [0] : vector<16xf32>, vector<16xi32> -> vector<16xf32>
          %mul3A_1611 = arith.mulf %mul3A_1512, %gather3A_1610 : vector<16xf32>
          %add3A_1612 = arith.addf %add3A_1607, %mul3A_1611 : vector<16xf32>
          %broadcast_in_dim3A_1613 = vector.shape_cast %xor3A_7 : vector<16xi32> to vector<16x1xi32>
          %gather3A_1614 = vector.shape_cast %broadcast_in_dim3A_1613 : vector<16x1xi32> to vector<16xi32>
          %gather3A_1615 = tpu.dynamic_gather %add3A_1204[%gather3A_1614] in [0] : vector<16xf32>, vector<16xi32> -> vector<16xf32>
          %mul3A_1616 = arith.mulf %mul3A_1513, %gather3A_1615 : vector<16xf32>
          %add3A_1617 = arith.addf %add3A_1612, %mul3A_1616 : vector<16xf32>
          %broadcast_in_dim3A_1618 = vector.shape_cast %xor3A_10 : vector<16xi32> to vector<16x1xi32>
          %gather3A_1619 = vector.shape_cast %broadcast_in_dim3A_1618 : vector<16x1xi32> to vector<16xi32>
          %gather3A_1620 = tpu.dynamic_gather %add3A_1204[%gather3A_1619] in [0] : vector<16xf32>, vector<16xi32> -> vector<16xf32>
          %mul3A_1621 = arith.mulf %mul3A_1514, %gather3A_1620 : vector<16xf32>
          %add3A_1622 = arith.addf %add3A_1617, %mul3A_1621 : vector<16xf32>
          %mul3A_1623 = arith.mulf %gather3A_1507, %add3A_1114 : vector<16xf32>
          %add3A_1624 = arith.addf %add3A_1622, %mul3A_1623 : vector<16xf32>
          %broadcast_in_dim3A_1625 = vector.shape_cast %xor3A_1 : vector<16xi32> to vector<16x1xi32>
          %gather3A_1626 = vector.shape_cast %broadcast_in_dim3A_1625 : vector<16x1xi32> to vector<16xi32>
          %gather3A_1627 = tpu.dynamic_gather %add3A_1228[%gather3A_1626] in [0] : vector<16xf32>, vector<16xi32> -> vector<16xf32>
          %mul3A_1628 = arith.mulf %mul3A_1511, %gather3A_1627 : vector<16xf32>
          %add3A_1629 = arith.addf %add3A_1228, %mul3A_1628 : vector<16xf32>
          %broadcast_in_dim3A_1630 = vector.shape_cast %xor3A_4 : vector<16xi32> to vector<16x1xi32>
          %gather3A_1631 = vector.shape_cast %broadcast_in_dim3A_1630 : vector<16x1xi32> to vector<16xi32>
          %gather3A_1632 = tpu.dynamic_gather %add3A_1228[%gather3A_1631] in [0] : vector<16xf32>, vector<16xi32> -> vector<16xf32>
          %mul3A_1633 = arith.mulf %mul3A_1512, %gather3A_1632 : vector<16xf32>
          %add3A_1634 = arith.addf %add3A_1629, %mul3A_1633 : vector<16xf32>
          %broadcast_in_dim3A_1635 = vector.shape_cast %xor3A_7 : vector<16xi32> to vector<16x1xi32>
          %gather3A_1636 = vector.shape_cast %broadcast_in_dim3A_1635 : vector<16x1xi32> to vector<16xi32>
          %gather3A_1637 = tpu.dynamic_gather %add3A_1228[%gather3A_1636] in [0] : vector<16xf32>, vector<16xi32> -> vector<16xf32>
          %mul3A_1638 = arith.mulf %mul3A_1513, %gather3A_1637 : vector<16xf32>
          %add3A_1639 = arith.addf %add3A_1634, %mul3A_1638 : vector<16xf32>
          %broadcast_in_dim3A_1640 = vector.shape_cast %xor3A_10 : vector<16xi32> to vector<16x1xi32>
          %gather3A_1641 = vector.shape_cast %broadcast_in_dim3A_1640 : vector<16x1xi32> to vector<16xi32>
          %gather3A_1642 = tpu.dynamic_gather %add3A_1228[%gather3A_1641] in [0] : vector<16xf32>, vector<16xi32> -> vector<16xf32>
          %mul3A_1643 = arith.mulf %mul3A_1514, %gather3A_1642 : vector<16xf32>
          %add3A_1644 = arith.addf %add3A_1639, %mul3A_1643 : vector<16xf32>
          %mul3A_1645 = arith.mulf %gather3A_1501, %add3A_1204 : vector<16xf32>
          %add3A_1646 = arith.addf %add3A_1644, %mul3A_1645 : vector<16xf32>
          %mul3A_1647 = arith.mulf %gather3A_1507, %add3A_1136 : vector<16xf32>
          %add3A_1648 = arith.addf %add3A_1646, %mul3A_1647 : vector<16xf32>
          %broadcast_in_dim3A_1649 = vector.shape_cast %xor3A_1 : vector<16xi32> to vector<16x1xi32>
          %gather3A_1650 = vector.shape_cast %broadcast_in_dim3A_1649 : vector<16x1xi32> to vector<16xi32>
          %gather3A_1651 = tpu.dynamic_gather %add3A_1252[%gather3A_1650] in [0] : vector<16xf32>, vector<16xi32> -> vector<16xf32>
          %mul3A_1652 = arith.mulf %mul3A_1511, %gather3A_1651 : vector<16xf32>
          %add3A_1653 = arith.addf %add3A_1252, %mul3A_1652 : vector<16xf32>
          %broadcast_in_dim3A_1654 = vector.shape_cast %xor3A_4 : vector<16xi32> to vector<16x1xi32>
          %gather3A_1655 = vector.shape_cast %broadcast_in_dim3A_1654 : vector<16x1xi32> to vector<16xi32>
          %gather3A_1656 = tpu.dynamic_gather %add3A_1252[%gather3A_1655] in [0] : vector<16xf32>, vector<16xi32> -> vector<16xf32>
          %mul3A_1657 = arith.mulf %mul3A_1512, %gather3A_1656 : vector<16xf32>
          %add3A_1658 = arith.addf %add3A_1653, %mul3A_1657 : vector<16xf32>
          %broadcast_in_dim3A_1659 = vector.shape_cast %xor3A_7 : vector<16xi32> to vector<16x1xi32>
          %gather3A_1660 = vector.shape_cast %broadcast_in_dim3A_1659 : vector<16x1xi32> to vector<16xi32>
          %gather3A_1661 = tpu.dynamic_gather %add3A_1252[%gather3A_1660] in [0] : vector<16xf32>, vector<16xi32> -> vector<16xf32>
          %mul3A_1662 = arith.mulf %mul3A_1513, %gather3A_1661 : vector<16xf32>
          %add3A_1663 = arith.addf %add3A_1658, %mul3A_1662 : vector<16xf32>
          %broadcast_in_dim3A_1664 = vector.shape_cast %xor3A_10 : vector<16xi32> to vector<16x1xi32>
          %gather3A_1665 = vector.shape_cast %broadcast_in_dim3A_1664 : vector<16x1xi32> to vector<16xi32>
          %gather3A_1666 = tpu.dynamic_gather %add3A_1252[%gather3A_1665] in [0] : vector<16xf32>, vector<16xi32> -> vector<16xf32>
          %mul3A_1667 = arith.mulf %mul3A_1514, %gather3A_1666 : vector<16xf32>
          %add3A_1668 = arith.addf %add3A_1663, %mul3A_1667 : vector<16xf32>
          %mul3A_1669 = arith.mulf %gather3A_1504, %add3A_1204 : vector<16xf32>
          %add3A_1670 = arith.addf %add3A_1668, %mul3A_1669 : vector<16xf32>
          %mul3A_1671 = arith.mulf %gather3A_1507, %add3A_1158 : vector<16xf32>
          %add3A_1672 = arith.addf %add3A_1670, %mul3A_1671 : vector<16xf32>
          %broadcast_in_dim3A_1673 = vector.shape_cast %xor3A_1 : vector<16xi32> to vector<16x1xi32>
          %gather3A_1674 = vector.shape_cast %broadcast_in_dim3A_1673 : vector<16x1xi32> to vector<16xi32>
          %gather3A_1675 = tpu.dynamic_gather %add3A_1278[%gather3A_1674] in [0] : vector<16xf32>, vector<16xi32> -> vector<16xf32>
          %mul3A_1676 = arith.mulf %mul3A_1511, %gather3A_1675 : vector<16xf32>
          %add3A_1677 = arith.addf %add3A_1278, %mul3A_1676 : vector<16xf32>
          %broadcast_in_dim3A_1678 = vector.shape_cast %xor3A_4 : vector<16xi32> to vector<16x1xi32>
          %gather3A_1679 = vector.shape_cast %broadcast_in_dim3A_1678 : vector<16x1xi32> to vector<16xi32>
          %gather3A_1680 = tpu.dynamic_gather %add3A_1278[%gather3A_1679] in [0] : vector<16xf32>, vector<16xi32> -> vector<16xf32>
          %mul3A_1681 = arith.mulf %mul3A_1512, %gather3A_1680 : vector<16xf32>
          %add3A_1682 = arith.addf %add3A_1677, %mul3A_1681 : vector<16xf32>
          %broadcast_in_dim3A_1683 = vector.shape_cast %xor3A_7 : vector<16xi32> to vector<16x1xi32>
          %gather3A_1684 = vector.shape_cast %broadcast_in_dim3A_1683 : vector<16x1xi32> to vector<16xi32>
          %gather3A_1685 = tpu.dynamic_gather %add3A_1278[%gather3A_1684] in [0] : vector<16xf32>, vector<16xi32> -> vector<16xf32>
          %mul3A_1686 = arith.mulf %mul3A_1513, %gather3A_1685 : vector<16xf32>
          %add3A_1687 = arith.addf %add3A_1682, %mul3A_1686 : vector<16xf32>
          %broadcast_in_dim3A_1688 = vector.shape_cast %xor3A_10 : vector<16xi32> to vector<16x1xi32>
          %gather3A_1689 = vector.shape_cast %broadcast_in_dim3A_1688 : vector<16x1xi32> to vector<16xi32>
          %gather3A_1690 = tpu.dynamic_gather %add3A_1278[%gather3A_1689] in [0] : vector<16xf32>, vector<16xi32> -> vector<16xf32>
          %mul3A_1691 = arith.mulf %mul3A_1514, %gather3A_1690 : vector<16xf32>
          %add3A_1692 = arith.addf %add3A_1687, %mul3A_1691 : vector<16xf32>
          %mul3A_1693 = arith.mulf %gather3A_1501, %add3A_1252 : vector<16xf32>
          %add3A_1694 = arith.addf %add3A_1692, %mul3A_1693 : vector<16xf32>
          %mul3A_1695 = arith.mulf %gather3A_1504, %add3A_1228 : vector<16xf32>
          %add3A_1696 = arith.addf %add3A_1694, %mul3A_1695 : vector<16xf32>
          %mul3A_1697 = arith.mulf %gather3A_1507, %add3A_1182 : vector<16xf32>
          %add3A_1698 = arith.addf %add3A_1696, %mul3A_1697 : vector<16xf32>
          %broadcast_in_dim3A_1699 = vector.shape_cast %xor3A_1 : vector<16xi32> to vector<16x1xi32>
          %gather3A_1700 = vector.shape_cast %broadcast_in_dim3A_1699 : vector<16x1xi32> to vector<16xi32>
          %gather3A_1701 = tpu.dynamic_gather %add3A_1300[%gather3A_1700] in [0] : vector<16xf32>, vector<16xi32> -> vector<16xf32>
          %mul3A_1702 = arith.mulf %mul3A_1511, %gather3A_1701 : vector<16xf32>
          %add3A_1703 = arith.addf %add3A_1300, %mul3A_1702 : vector<16xf32>
          %broadcast_in_dim3A_1704 = vector.shape_cast %xor3A_4 : vector<16xi32> to vector<16x1xi32>
          %gather3A_1705 = vector.shape_cast %broadcast_in_dim3A_1704 : vector<16x1xi32> to vector<16xi32>
          %gather3A_1706 = tpu.dynamic_gather %add3A_1300[%gather3A_1705] in [0] : vector<16xf32>, vector<16xi32> -> vector<16xf32>
          %mul3A_1707 = arith.mulf %mul3A_1512, %gather3A_1706 : vector<16xf32>
          %add3A_1708 = arith.addf %add3A_1703, %mul3A_1707 : vector<16xf32>
          %broadcast_in_dim3A_1709 = vector.shape_cast %xor3A_7 : vector<16xi32> to vector<16x1xi32>
          %gather3A_1710 = vector.shape_cast %broadcast_in_dim3A_1709 : vector<16x1xi32> to vector<16xi32>
          %gather3A_1711 = tpu.dynamic_gather %add3A_1300[%gather3A_1710] in [0] : vector<16xf32>, vector<16xi32> -> vector<16xf32>
          %mul3A_1712 = arith.mulf %mul3A_1513, %gather3A_1711 : vector<16xf32>
          %add3A_1713 = arith.addf %add3A_1708, %mul3A_1712 : vector<16xf32>
          %broadcast_in_dim3A_1714 = vector.shape_cast %xor3A_10 : vector<16xi32> to vector<16x1xi32>
          %gather3A_1715 = vector.shape_cast %broadcast_in_dim3A_1714 : vector<16x1xi32> to vector<16xi32>
          %gather3A_1716 = tpu.dynamic_gather %add3A_1300[%gather3A_1715] in [0] : vector<16xf32>, vector<16xi32> -> vector<16xf32>
          %mul3A_1717 = arith.mulf %mul3A_1514, %gather3A_1716 : vector<16xf32>
          %add3A_1718 = arith.addf %add3A_1713, %mul3A_1717 : vector<16xf32>
          %mul3A_1719 = arith.mulf %gather3A_1510, %add3A_1114 : vector<16xf32>
          %add3A_1720 = arith.addf %add3A_1718, %mul3A_1719 : vector<16xf32>
          %broadcast_in_dim3A_1721 = vector.shape_cast %xor3A_1 : vector<16xi32> to vector<16x1xi32>
          %gather3A_1722 = vector.shape_cast %broadcast_in_dim3A_1721 : vector<16x1xi32> to vector<16xi32>
          %gather3A_1723 = tpu.dynamic_gather %add3A_1324[%gather3A_1722] in [0] : vector<16xf32>, vector<16xi32> -> vector<16xf32>
          %mul3A_1724 = arith.mulf %mul3A_1511, %gather3A_1723 : vector<16xf32>
          %add3A_1725 = arith.addf %add3A_1324, %mul3A_1724 : vector<16xf32>
          %broadcast_in_dim3A_1726 = vector.shape_cast %xor3A_4 : vector<16xi32> to vector<16x1xi32>
          %gather3A_1727 = vector.shape_cast %broadcast_in_dim3A_1726 : vector<16x1xi32> to vector<16xi32>
          %gather3A_1728 = tpu.dynamic_gather %add3A_1324[%gather3A_1727] in [0] : vector<16xf32>, vector<16xi32> -> vector<16xf32>
          %mul3A_1729 = arith.mulf %mul3A_1512, %gather3A_1728 : vector<16xf32>
          %add3A_1730 = arith.addf %add3A_1725, %mul3A_1729 : vector<16xf32>
          %broadcast_in_dim3A_1731 = vector.shape_cast %xor3A_7 : vector<16xi32> to vector<16x1xi32>
          %gather3A_1732 = vector.shape_cast %broadcast_in_dim3A_1731 : vector<16x1xi32> to vector<16xi32>
          %gather3A_1733 = tpu.dynamic_gather %add3A_1324[%gather3A_1732] in [0] : vector<16xf32>, vector<16xi32> -> vector<16xf32>
          %mul3A_1734 = arith.mulf %mul3A_1513, %gather3A_1733 : vector<16xf32>
          %add3A_1735 = arith.addf %add3A_1730, %mul3A_1734 : vector<16xf32>
          %broadcast_in_dim3A_1736 = vector.shape_cast %xor3A_10 : vector<16xi32> to vector<16x1xi32>
          %gather3A_1737 = vector.shape_cast %broadcast_in_dim3A_1736 : vector<16x1xi32> to vector<16xi32>
          %gather3A_1738 = tpu.dynamic_gather %add3A_1324[%gather3A_1737] in [0] : vector<16xf32>, vector<16xi32> -> vector<16xf32>
          %mul3A_1739 = arith.mulf %mul3A_1514, %gather3A_1738 : vector<16xf32>
          %add3A_1740 = arith.addf %add3A_1735, %mul3A_1739 : vector<16xf32>
          %mul3A_1741 = arith.mulf %gather3A_1501, %add3A_1300 : vector<16xf32>
          %add3A_1742 = arith.addf %add3A_1740, %mul3A_1741 : vector<16xf32>
          %mul3A_1743 = arith.mulf %gather3A_1510, %add3A_1136 : vector<16xf32>
          %add3A_1744 = arith.addf %add3A_1742, %mul3A_1743 : vector<16xf32>
          %broadcast_in_dim3A_1745 = vector.shape_cast %xor3A_1 : vector<16xi32> to vector<16x1xi32>
          %gather3A_1746 = vector.shape_cast %broadcast_in_dim3A_1745 : vector<16x1xi32> to vector<16xi32>
          %gather3A_1747 = tpu.dynamic_gather %add3A_1348[%gather3A_1746] in [0] : vector<16xf32>, vector<16xi32> -> vector<16xf32>
          %mul3A_1748 = arith.mulf %mul3A_1511, %gather3A_1747 : vector<16xf32>
          %add3A_1749 = arith.addf %add3A_1348, %mul3A_1748 : vector<16xf32>
          %broadcast_in_dim3A_1750 = vector.shape_cast %xor3A_4 : vector<16xi32> to vector<16x1xi32>
          %gather3A_1751 = vector.shape_cast %broadcast_in_dim3A_1750 : vector<16x1xi32> to vector<16xi32>
          %gather3A_1752 = tpu.dynamic_gather %add3A_1348[%gather3A_1751] in [0] : vector<16xf32>, vector<16xi32> -> vector<16xf32>
          %mul3A_1753 = arith.mulf %mul3A_1512, %gather3A_1752 : vector<16xf32>
          %add3A_1754 = arith.addf %add3A_1749, %mul3A_1753 : vector<16xf32>
          %broadcast_in_dim3A_1755 = vector.shape_cast %xor3A_7 : vector<16xi32> to vector<16x1xi32>
          %gather3A_1756 = vector.shape_cast %broadcast_in_dim3A_1755 : vector<16x1xi32> to vector<16xi32>
          %gather3A_1757 = tpu.dynamic_gather %add3A_1348[%gather3A_1756] in [0] : vector<16xf32>, vector<16xi32> -> vector<16xf32>
          %mul3A_1758 = arith.mulf %mul3A_1513, %gather3A_1757 : vector<16xf32>
          %add3A_1759 = arith.addf %add3A_1754, %mul3A_1758 : vector<16xf32>
          %broadcast_in_dim3A_1760 = vector.shape_cast %xor3A_10 : vector<16xi32> to vector<16x1xi32>
          %gather3A_1761 = vector.shape_cast %broadcast_in_dim3A_1760 : vector<16x1xi32> to vector<16xi32>
          %gather3A_1762 = tpu.dynamic_gather %add3A_1348[%gather3A_1761] in [0] : vector<16xf32>, vector<16xi32> -> vector<16xf32>
          %mul3A_1763 = arith.mulf %mul3A_1514, %gather3A_1762 : vector<16xf32>
          %add3A_1764 = arith.addf %add3A_1759, %mul3A_1763 : vector<16xf32>
          %mul3A_1765 = arith.mulf %gather3A_1504, %add3A_1300 : vector<16xf32>
          %add3A_1766 = arith.addf %add3A_1764, %mul3A_1765 : vector<16xf32>
          %mul3A_1767 = arith.mulf %gather3A_1510, %add3A_1158 : vector<16xf32>
          %add3A_1768 = arith.addf %add3A_1766, %mul3A_1767 : vector<16xf32>
          %broadcast_in_dim3A_1769 = vector.shape_cast %xor3A_1 : vector<16xi32> to vector<16x1xi32>
          %gather3A_1770 = vector.shape_cast %broadcast_in_dim3A_1769 : vector<16x1xi32> to vector<16xi32>
          %gather3A_1771 = tpu.dynamic_gather %add3A_1374[%gather3A_1770] in [0] : vector<16xf32>, vector<16xi32> -> vector<16xf32>
          %mul3A_1772 = arith.mulf %mul3A_1511, %gather3A_1771 : vector<16xf32>
          %add3A_1773 = arith.addf %add3A_1374, %mul3A_1772 : vector<16xf32>
          %broadcast_in_dim3A_1774 = vector.shape_cast %xor3A_4 : vector<16xi32> to vector<16x1xi32>
          %gather3A_1775 = vector.shape_cast %broadcast_in_dim3A_1774 : vector<16x1xi32> to vector<16xi32>
          %gather3A_1776 = tpu.dynamic_gather %add3A_1374[%gather3A_1775] in [0] : vector<16xf32>, vector<16xi32> -> vector<16xf32>
          %mul3A_1777 = arith.mulf %mul3A_1512, %gather3A_1776 : vector<16xf32>
          %add3A_1778 = arith.addf %add3A_1773, %mul3A_1777 : vector<16xf32>
          %broadcast_in_dim3A_1779 = vector.shape_cast %xor3A_7 : vector<16xi32> to vector<16x1xi32>
          %gather3A_1780 = vector.shape_cast %broadcast_in_dim3A_1779 : vector<16x1xi32> to vector<16xi32>
          %gather3A_1781 = tpu.dynamic_gather %add3A_1374[%gather3A_1780] in [0] : vector<16xf32>, vector<16xi32> -> vector<16xf32>
          %mul3A_1782 = arith.mulf %mul3A_1513, %gather3A_1781 : vector<16xf32>
          %add3A_1783 = arith.addf %add3A_1778, %mul3A_1782 : vector<16xf32>
          %broadcast_in_dim3A_1784 = vector.shape_cast %xor3A_10 : vector<16xi32> to vector<16x1xi32>
          %gather3A_1785 = vector.shape_cast %broadcast_in_dim3A_1784 : vector<16x1xi32> to vector<16xi32>
          %gather3A_1786 = tpu.dynamic_gather %add3A_1374[%gather3A_1785] in [0] : vector<16xf32>, vector<16xi32> -> vector<16xf32>
          %mul3A_1787 = arith.mulf %mul3A_1514, %gather3A_1786 : vector<16xf32>
          %add3A_1788 = arith.addf %add3A_1783, %mul3A_1787 : vector<16xf32>
          %mul3A_1789 = arith.mulf %gather3A_1501, %add3A_1348 : vector<16xf32>
          %add3A_1790 = arith.addf %add3A_1788, %mul3A_1789 : vector<16xf32>
          %mul3A_1791 = arith.mulf %gather3A_1504, %add3A_1324 : vector<16xf32>
          %add3A_1792 = arith.addf %add3A_1790, %mul3A_1791 : vector<16xf32>
          %mul3A_1793 = arith.mulf %gather3A_1510, %add3A_1182 : vector<16xf32>
          %add3A_1794 = arith.addf %add3A_1792, %mul3A_1793 : vector<16xf32>
          %broadcast_in_dim3A_1795 = vector.shape_cast %xor3A_1 : vector<16xi32> to vector<16x1xi32>
          %gather3A_1796 = vector.shape_cast %broadcast_in_dim3A_1795 : vector<16x1xi32> to vector<16xi32>
          %gather3A_1797 = tpu.dynamic_gather %add3A_1398[%gather3A_1796] in [0] : vector<16xf32>, vector<16xi32> -> vector<16xf32>
          %mul3A_1798 = arith.mulf %mul3A_1511, %gather3A_1797 : vector<16xf32>
          %add3A_1799 = arith.addf %add3A_1398, %mul3A_1798 : vector<16xf32>
          %broadcast_in_dim3A_1800 = vector.shape_cast %xor3A_4 : vector<16xi32> to vector<16x1xi32>
          %gather3A_1801 = vector.shape_cast %broadcast_in_dim3A_1800 : vector<16x1xi32> to vector<16xi32>
          %gather3A_1802 = tpu.dynamic_gather %add3A_1398[%gather3A_1801] in [0] : vector<16xf32>, vector<16xi32> -> vector<16xf32>
          %mul3A_1803 = arith.mulf %mul3A_1512, %gather3A_1802 : vector<16xf32>
          %add3A_1804 = arith.addf %add3A_1799, %mul3A_1803 : vector<16xf32>
          %broadcast_in_dim3A_1805 = vector.shape_cast %xor3A_7 : vector<16xi32> to vector<16x1xi32>
          %gather3A_1806 = vector.shape_cast %broadcast_in_dim3A_1805 : vector<16x1xi32> to vector<16xi32>
          %gather3A_1807 = tpu.dynamic_gather %add3A_1398[%gather3A_1806] in [0] : vector<16xf32>, vector<16xi32> -> vector<16xf32>
          %mul3A_1808 = arith.mulf %mul3A_1513, %gather3A_1807 : vector<16xf32>
          %add3A_1809 = arith.addf %add3A_1804, %mul3A_1808 : vector<16xf32>
          %broadcast_in_dim3A_1810 = vector.shape_cast %xor3A_10 : vector<16xi32> to vector<16x1xi32>
          %gather3A_1811 = vector.shape_cast %broadcast_in_dim3A_1810 : vector<16x1xi32> to vector<16xi32>
          %gather3A_1812 = tpu.dynamic_gather %add3A_1398[%gather3A_1811] in [0] : vector<16xf32>, vector<16xi32> -> vector<16xf32>
          %mul3A_1813 = arith.mulf %mul3A_1514, %gather3A_1812 : vector<16xf32>
          %add3A_1814 = arith.addf %add3A_1809, %mul3A_1813 : vector<16xf32>
          %mul3A_1815 = arith.mulf %gather3A_1507, %add3A_1300 : vector<16xf32>
          %add3A_1816 = arith.addf %add3A_1814, %mul3A_1815 : vector<16xf32>
          %mul3A_1817 = arith.mulf %gather3A_1510, %add3A_1204 : vector<16xf32>
          %add3A_1818 = arith.addf %add3A_1816, %mul3A_1817 : vector<16xf32>
          %broadcast_in_dim3A_1819 = vector.shape_cast %xor3A_1 : vector<16xi32> to vector<16x1xi32>
          %gather3A_1820 = vector.shape_cast %broadcast_in_dim3A_1819 : vector<16x1xi32> to vector<16xi32>
          %gather3A_1821 = tpu.dynamic_gather %add3A_1424[%gather3A_1820] in [0] : vector<16xf32>, vector<16xi32> -> vector<16xf32>
          %mul3A_1822 = arith.mulf %mul3A_1511, %gather3A_1821 : vector<16xf32>
          %add3A_1823 = arith.addf %add3A_1424, %mul3A_1822 : vector<16xf32>
          %broadcast_in_dim3A_1824 = vector.shape_cast %xor3A_4 : vector<16xi32> to vector<16x1xi32>
          %gather3A_1825 = vector.shape_cast %broadcast_in_dim3A_1824 : vector<16x1xi32> to vector<16xi32>
          %gather3A_1826 = tpu.dynamic_gather %add3A_1424[%gather3A_1825] in [0] : vector<16xf32>, vector<16xi32> -> vector<16xf32>
          %mul3A_1827 = arith.mulf %mul3A_1512, %gather3A_1826 : vector<16xf32>
          %add3A_1828 = arith.addf %add3A_1823, %mul3A_1827 : vector<16xf32>
          %broadcast_in_dim3A_1829 = vector.shape_cast %xor3A_7 : vector<16xi32> to vector<16x1xi32>
          %gather3A_1830 = vector.shape_cast %broadcast_in_dim3A_1829 : vector<16x1xi32> to vector<16xi32>
          %gather3A_1831 = tpu.dynamic_gather %add3A_1424[%gather3A_1830] in [0] : vector<16xf32>, vector<16xi32> -> vector<16xf32>
          %mul3A_1832 = arith.mulf %mul3A_1513, %gather3A_1831 : vector<16xf32>
          %add3A_1833 = arith.addf %add3A_1828, %mul3A_1832 : vector<16xf32>
          %broadcast_in_dim3A_1834 = vector.shape_cast %xor3A_10 : vector<16xi32> to vector<16x1xi32>
          %gather3A_1835 = vector.shape_cast %broadcast_in_dim3A_1834 : vector<16x1xi32> to vector<16xi32>
          %gather3A_1836 = tpu.dynamic_gather %add3A_1424[%gather3A_1835] in [0] : vector<16xf32>, vector<16xi32> -> vector<16xf32>
          %mul3A_1837 = arith.mulf %mul3A_1514, %gather3A_1836 : vector<16xf32>
          %add3A_1838 = arith.addf %add3A_1833, %mul3A_1837 : vector<16xf32>
          %mul3A_1839 = arith.mulf %gather3A_1501, %add3A_1398 : vector<16xf32>
          %add3A_1840 = arith.addf %add3A_1838, %mul3A_1839 : vector<16xf32>
          %mul3A_1841 = arith.mulf %gather3A_1507, %add3A_1324 : vector<16xf32>
          %add3A_1842 = arith.addf %add3A_1840, %mul3A_1841 : vector<16xf32>
          %mul3A_1843 = arith.mulf %gather3A_1510, %add3A_1228 : vector<16xf32>
          %add3A_1844 = arith.addf %add3A_1842, %mul3A_1843 : vector<16xf32>
          %broadcast_in_dim3A_1845 = vector.shape_cast %xor3A_1 : vector<16xi32> to vector<16x1xi32>
          %gather3A_1846 = vector.shape_cast %broadcast_in_dim3A_1845 : vector<16x1xi32> to vector<16xi32>
          %gather3A_1847 = tpu.dynamic_gather %add3A_1450[%gather3A_1846] in [0] : vector<16xf32>, vector<16xi32> -> vector<16xf32>
          %mul3A_1848 = arith.mulf %mul3A_1511, %gather3A_1847 : vector<16xf32>
          %add3A_1849 = arith.addf %add3A_1450, %mul3A_1848 : vector<16xf32>
          %broadcast_in_dim3A_1850 = vector.shape_cast %xor3A_4 : vector<16xi32> to vector<16x1xi32>
          %gather3A_1851 = vector.shape_cast %broadcast_in_dim3A_1850 : vector<16x1xi32> to vector<16xi32>
          %gather3A_1852 = tpu.dynamic_gather %add3A_1450[%gather3A_1851] in [0] : vector<16xf32>, vector<16xi32> -> vector<16xf32>
          %mul3A_1853 = arith.mulf %mul3A_1512, %gather3A_1852 : vector<16xf32>
          %add3A_1854 = arith.addf %add3A_1849, %mul3A_1853 : vector<16xf32>
          %broadcast_in_dim3A_1855 = vector.shape_cast %xor3A_7 : vector<16xi32> to vector<16x1xi32>
          %gather3A_1856 = vector.shape_cast %broadcast_in_dim3A_1855 : vector<16x1xi32> to vector<16xi32>
          %gather3A_1857 = tpu.dynamic_gather %add3A_1450[%gather3A_1856] in [0] : vector<16xf32>, vector<16xi32> -> vector<16xf32>
          %mul3A_1858 = arith.mulf %mul3A_1513, %gather3A_1857 : vector<16xf32>
          %add3A_1859 = arith.addf %add3A_1854, %mul3A_1858 : vector<16xf32>
          %broadcast_in_dim3A_1860 = vector.shape_cast %xor3A_10 : vector<16xi32> to vector<16x1xi32>
          %gather3A_1861 = vector.shape_cast %broadcast_in_dim3A_1860 : vector<16x1xi32> to vector<16xi32>
          %gather3A_1862 = tpu.dynamic_gather %add3A_1450[%gather3A_1861] in [0] : vector<16xf32>, vector<16xi32> -> vector<16xf32>
          %mul3A_1863 = arith.mulf %mul3A_1514, %gather3A_1862 : vector<16xf32>
          %add3A_1864 = arith.addf %add3A_1859, %mul3A_1863 : vector<16xf32>
          %mul3A_1865 = arith.mulf %gather3A_1504, %add3A_1398 : vector<16xf32>
          %add3A_1866 = arith.addf %add3A_1864, %mul3A_1865 : vector<16xf32>
          %mul3A_1867 = arith.mulf %gather3A_1507, %add3A_1348 : vector<16xf32>
          %add3A_1868 = arith.addf %add3A_1866, %mul3A_1867 : vector<16xf32>
          %mul3A_1869 = arith.mulf %gather3A_1510, %add3A_1252 : vector<16xf32>
          %add3A_1870 = arith.addf %add3A_1868, %mul3A_1869 : vector<16xf32>
          %broadcast_in_dim3A_1871 = vector.shape_cast %xor3A_1 : vector<16xi32> to vector<16x1xi32>
          %gather3A_1872 = vector.shape_cast %broadcast_in_dim3A_1871 : vector<16x1xi32> to vector<16xi32>
          %gather3A_1873 = tpu.dynamic_gather %add3A_1478[%gather3A_1872] in [0] : vector<16xf32>, vector<16xi32> -> vector<16xf32>
          %mul3A_1874 = arith.mulf %mul3A_1511, %gather3A_1873 : vector<16xf32>
          %add3A_1875 = arith.addf %add3A_1478, %mul3A_1874 : vector<16xf32>
          %broadcast_in_dim3A_1876 = vector.shape_cast %xor3A_4 : vector<16xi32> to vector<16x1xi32>
          %gather3A_1877 = vector.shape_cast %broadcast_in_dim3A_1876 : vector<16x1xi32> to vector<16xi32>
          %gather3A_1878 = tpu.dynamic_gather %add3A_1478[%gather3A_1877] in [0] : vector<16xf32>, vector<16xi32> -> vector<16xf32>
          %mul3A_1879 = arith.mulf %mul3A_1512, %gather3A_1878 : vector<16xf32>
          %add3A_1880 = arith.addf %add3A_1875, %mul3A_1879 : vector<16xf32>
          %broadcast_in_dim3A_1881 = vector.shape_cast %xor3A_7 : vector<16xi32> to vector<16x1xi32>
          %gather3A_1882 = vector.shape_cast %broadcast_in_dim3A_1881 : vector<16x1xi32> to vector<16xi32>
          %gather3A_1883 = tpu.dynamic_gather %add3A_1478[%gather3A_1882] in [0] : vector<16xf32>, vector<16xi32> -> vector<16xf32>
          %mul3A_1884 = arith.mulf %mul3A_1513, %gather3A_1883 : vector<16xf32>
          %add3A_1885 = arith.addf %add3A_1880, %mul3A_1884 : vector<16xf32>
          %broadcast_in_dim3A_1886 = vector.shape_cast %xor3A_10 : vector<16xi32> to vector<16x1xi32>
          %gather3A_1887 = vector.shape_cast %broadcast_in_dim3A_1886 : vector<16x1xi32> to vector<16xi32>
          %gather3A_1888 = tpu.dynamic_gather %add3A_1478[%gather3A_1887] in [0] : vector<16xf32>, vector<16xi32> -> vector<16xf32>
          %mul3A_1889 = arith.mulf %mul3A_1514, %gather3A_1888 : vector<16xf32>
          %add3A_1890 = arith.addf %add3A_1885, %mul3A_1889 : vector<16xf32>
          %mul3A_1891 = arith.mulf %gather3A_1501, %add3A_1450 : vector<16xf32>
          %add3A_1892 = arith.addf %add3A_1890, %mul3A_1891 : vector<16xf32>
          %mul3A_1893 = arith.mulf %gather3A_1504, %add3A_1424 : vector<16xf32>
          %add3A_1894 = arith.addf %add3A_1892, %mul3A_1893 : vector<16xf32>
          %mul3A_1895 = arith.mulf %gather3A_1507, %add3A_1374 : vector<16xf32>
          %add3A_1896 = arith.addf %add3A_1894, %mul3A_1895 : vector<16xf32>
          %mul3A_1897 = arith.mulf %gather3A_1510, %add3A_1278 : vector<16xf32>
          %add3A_1898 = arith.addf %add3A_1896, %mul3A_1897 : vector<16xf32>
          scf.yield %add3A_1534, %add3A_1556, %add3A_1578, %add3A_1602, %add3A_1624, %add3A_1648, %add3A_1672, %add3A_1698, %add3A_1720, %add3A_1744, %add3A_1768, %add3A_1794, %add3A_1818, %add3A_1844, %add3A_1870, %add3A_1898 : vector<16xf32>, vector<16xf32>, vector<16xf32>, vector<16xf32>, vector<16xf32>, vector<16xf32>, vector<16xf32>, vector<16xf32>, vector<16xf32>, vector<16xf32>, vector<16xf32>, vector<16xf32>, vector<16xf32>, vector<16xf32>, vector<16xf32>, vector<16xf32>
        }
        %max3A = arith.maximumf %while3A_143#0, %while3A_143#1 : vector<16xf32>
        %max3A_144 = arith.maximumf %max3A, %while3A_143#2 : vector<16xf32>
        %max3A_145 = arith.maximumf %max3A_144, %while3A_143#3 : vector<16xf32>
        %max3A_146 = arith.maximumf %max3A_145, %while3A_143#4 : vector<16xf32>
        %max3A_147 = arith.maximumf %max3A_146, %while3A_143#5 : vector<16xf32>
        %max3A_148 = arith.maximumf %max3A_147, %while3A_143#6 : vector<16xf32>
        %max3A_149 = arith.maximumf %max3A_148, %while3A_143#7 : vector<16xf32>
        %max3A_150 = arith.maximumf %max3A_149, %while3A_143#8 : vector<16xf32>
        %max3A_151 = arith.maximumf %max3A_150, %while3A_143#9 : vector<16xf32>
        %max3A_152 = arith.maximumf %max3A_151, %while3A_143#10 : vector<16xf32>
        %max3A_153 = arith.maximumf %max3A_152, %while3A_143#11 : vector<16xf32>
        %max3A_154 = arith.maximumf %max3A_153, %while3A_143#12 : vector<16xf32>
        %max3A_155 = arith.maximumf %max3A_154, %while3A_143#13 : vector<16xf32>
        %max3A_156 = arith.maximumf %max3A_155, %while3A_143#14 : vector<16xf32>
        %max3A_157 = arith.maximumf %max3A_156, %while3A_143#15 : vector<16xf32>
        %broadcast_in_dim3A_158 = vector.shape_cast %xor3A_1 : vector<16xi32> to vector<16x1xi32>
        %gather3A = vector.shape_cast %broadcast_in_dim3A_158 : vector<16x1xi32> to vector<16xi32>
        %gather3A_159 = tpu.dynamic_gather %max3A_157[%gather3A] in [0] : vector<16xf32>, vector<16xi32> -> vector<16xf32>
        %max3A_160 = arith.maximumf %max3A_157, %gather3A_159 : vector<16xf32>
        %broadcast_in_dim3A_161 = vector.shape_cast %xor3A_4 : vector<16xi32> to vector<16x1xi32>
        %gather3A_162 = vector.shape_cast %broadcast_in_dim3A_161 : vector<16x1xi32> to vector<16xi32>
        %gather3A_163 = tpu.dynamic_gather %max3A_160[%gather3A_162] in [0] : vector<16xf32>, vector<16xi32> -> vector<16xf32>
        %max3A_164 = arith.maximumf %max3A_160, %gather3A_163 : vector<16xf32>
        %broadcast_in_dim3A_165 = vector.shape_cast %xor3A_7 : vector<16xi32> to vector<16x1xi32>
        %gather3A_166 = vector.shape_cast %broadcast_in_dim3A_165 : vector<16x1xi32> to vector<16xi32>
        %gather3A_167 = tpu.dynamic_gather %max3A_164[%gather3A_166] in [0] : vector<16xf32>, vector<16xi32> -> vector<16xf32>
        %max3A_168 = arith.maximumf %max3A_164, %gather3A_167 : vector<16xf32>
        %broadcast_in_dim3A_169 = vector.shape_cast %xor3A_10 : vector<16xi32> to vector<16x1xi32>
        %gather3A_170 = vector.shape_cast %broadcast_in_dim3A_169 : vector<16x1xi32> to vector<16xi32>
        %gather3A_171 = tpu.dynamic_gather %max3A_168[%gather3A_170] in [0] : vector<16xf32>, vector<16xi32> -> vector<16xf32>
        %max3A_172 = arith.maximumf %max3A_168, %gather3A_171 : vector<16xf32>
        %bitcast3A = vector.bitcast %max3A_172 : vector<16xf32> to vector<16xi32>
        %shift_right_arithmetic3A_173 = arith.constant 23 : i32
        %shift_right_arithmetic3A_174 = vector.broadcast %shift_right_arithmetic3A_173 : i32 to vector<16xi32>
        %shift_right_arithmetic3A_175 = arith.shrsi %bitcast3A, %shift_right_arithmetic3A_174 : vector<16xi32>
        %and3A_176 = arith.constant 255 : i32
        %and3A_177 = vector.broadcast %and3A_176 : i32 to vector<16xi32>
        %and3A_178 = arith.andi %shift_right_arithmetic3A_175, %and3A_177 : vector<16xi32>
        %sub3A = arith.constant 254 : i32
        %sub3A_179 = vector.broadcast %sub3A : i32 to vector<16xi32>
        %sub3A_180 = arith.subi %sub3A_179, %and3A_178 : vector<16xi32>
        %shift_left3A = arith.constant 23 : i32
        %shift_left3A_181 = vector.broadcast %shift_left3A : i32 to vector<16xi32>
        %shift_left3A_182 = arith.shli %sub3A_180, %shift_left3A_181 : vector<16xi32>
        %bitcast3A_183 = vector.bitcast %shift_left3A_182 : vector<16xi32> to vector<16xf32>
        %mul3A_184 = arith.mulf %while3A_143#0, %bitcast3A_183 : vector<16xf32>
        %mul3A_185 = arith.mulf %while3A_143#1, %bitcast3A_183 : vector<16xf32>
        %mul3A_186 = arith.mulf %while3A_143#2, %bitcast3A_183 : vector<16xf32>
        %mul3A_187 = arith.mulf %while3A_143#3, %bitcast3A_183 : vector<16xf32>
        %mul3A_188 = arith.mulf %while3A_143#4, %bitcast3A_183 : vector<16xf32>
        %mul3A_189 = arith.mulf %while3A_143#5, %bitcast3A_183 : vector<16xf32>
        %mul3A_190 = arith.mulf %while3A_143#6, %bitcast3A_183 : vector<16xf32>
        %mul3A_191 = arith.mulf %while3A_143#7, %bitcast3A_183 : vector<16xf32>
        %mul3A_192 = arith.mulf %while3A_143#8, %bitcast3A_183 : vector<16xf32>
        %mul3A_193 = arith.mulf %while3A_143#9, %bitcast3A_183 : vector<16xf32>
        %mul3A_194 = arith.mulf %while3A_143#10, %bitcast3A_183 : vector<16xf32>
        %mul3A_195 = arith.mulf %while3A_143#11, %bitcast3A_183 : vector<16xf32>
        %mul3A_196 = arith.mulf %while3A_143#12, %bitcast3A_183 : vector<16xf32>
        %mul3A_197 = arith.mulf %while3A_143#13, %bitcast3A_183 : vector<16xf32>
        %mul3A_198 = arith.mulf %while3A_143#14, %bitcast3A_183 : vector<16xf32>
        %mul3A_199 = arith.mulf %while3A_143#15, %bitcast3A_183 : vector<16xf32>
        %sub3A_200 = arith.constant 127 : i32
        %sub3A_201 = vector.broadcast %sub3A_200 : i32 to vector<16xi32>
        %sub3A_202 = arith.subi %and3A_178, %sub3A_201 : vector<16xi32>
        %add3A_203 = arith.addi %sub3A_202, %scan3A_130 : vector<16xi32>
        scf.yield %mul3A_184, %mul3A_185, %mul3A_186, %mul3A_187, %mul3A_188, %mul3A_189, %mul3A_190, %mul3A_191, %mul3A_192, %mul3A_193, %mul3A_194, %mul3A_195, %mul3A_196, %mul3A_197, %mul3A_198, %mul3A_199, %add3A_203 : vector<16xf32>, vector<16xf32>, vector<16xf32>, vector<16xf32>, vector<16xf32>, vector<16xf32>, vector<16xf32>, vector<16xf32>, vector<16xf32>, vector<16xf32>, vector<16xf32>, vector<16xf32>, vector<16xf32>, vector<16xf32>, vector<16xf32>, vector<16xf32>, vector<16xi32>
      }
      %scan3A_102 = arith.constant 32 : i32
      %eq3A_103 = arith.constant 0 : i32
      %eq3A_104 = arith.cmpi eq, %arg1, %eq3A_103 : i32
      %convert_element_type3A_105 = arith.extui %eq3A_104 : i1 to i32
      %cond3A_106 = arith.constant 0 : i32
      %cond3A_107 = arith.cmpi ne, %convert_element_type3A_105, %cond3A_106 : i32
      scf.if %cond3A_107 {
        %get3A = arith.constant 256 : i32
        %get3A_113 = arith.index_cast %get3A : i32 to index
        %get3A_114 = arith.constant 0 : index
        %get3A_115 = tpu.vector_load %arg5[%get3A_113, %get3A_114] {strides = array<i32>} : memref<257x16xf32, #tpu.memory_space<vmem>>, vector<16xf32>,
        %exp3A = math.exp %get3A_115 : vector<16xf32>
        %broadcast_in_dim3A_116 = vector.shape_cast %broadcast_in_dim3A_36 : vector<16xi32> to vector<16x1xi32>
        %gather3A = vector.shape_cast %broadcast_in_dim3A_116 : vector<16x1xi32> to vector<16xi32>
        %gather3A_117 = tpu.dynamic_gather %exp3A[%gather3A] in [0] : vector<16xf32>, vector<16xi32> -> vector<16xf32>
        %broadcast_in_dim3A_118 = vector.shape_cast %broadcast_in_dim3A_38 : vector<16xi32> to vector<16x1xi32>
        %gather3A_119 = vector.shape_cast %broadcast_in_dim3A_118 : vector<16x1xi32> to vector<16xi32>
        %gather3A_120 = tpu.dynamic_gather %exp3A[%gather3A_119] in [0] : vector<16xf32>, vector<16xi32> -> vector<16xf32>
        %broadcast_in_dim3A_121 = vector.shape_cast %broadcast_in_dim3A_40 : vector<16xi32> to vector<16x1xi32>
        %gather3A_122 = vector.shape_cast %broadcast_in_dim3A_121 : vector<16x1xi32> to vector<16xi32>
        %gather3A_123 = tpu.dynamic_gather %exp3A[%gather3A_122] in [0] : vector<16xf32>, vector<16xi32> -> vector<16xf32>
        %broadcast_in_dim3A_124 = vector.shape_cast %broadcast_in_dim3A_42 : vector<16xi32> to vector<16x1xi32>
        %gather3A_125 = vector.shape_cast %broadcast_in_dim3A_124 : vector<16x1xi32> to vector<16xi32>
        %gather3A_126 = tpu.dynamic_gather %exp3A[%gather3A_125] in [0] : vector<16xf32>, vector<16xi32> -> vector<16xf32>
        %broadcast_in_dim3A_127 = vector.shape_cast %broadcast_in_dim3A_44 : vector<16xi32> to vector<16x1xi32>
        %gather3A_128 = vector.shape_cast %broadcast_in_dim3A_127 : vector<16x1xi32> to vector<16xi32>
        %gather3A_129 = tpu.dynamic_gather %exp3A[%gather3A_128] in [0] : vector<16xf32>, vector<16xi32> -> vector<16xf32>
        %broadcast_in_dim3A_130 = vector.shape_cast %broadcast_in_dim3A_46 : vector<16xi32> to vector<16x1xi32>
        %gather3A_131 = vector.shape_cast %broadcast_in_dim3A_130 : vector<16x1xi32> to vector<16xi32>
        %gather3A_132 = tpu.dynamic_gather %exp3A[%gather3A_131] in [0] : vector<16xf32>, vector<16xi32> -> vector<16xf32>
        %broadcast_in_dim3A_133 = vector.shape_cast %broadcast_in_dim3A_48 : vector<16xi32> to vector<16x1xi32>
        %gather3A_134 = vector.shape_cast %broadcast_in_dim3A_133 : vector<16x1xi32> to vector<16xi32>
        %gather3A_135 = tpu.dynamic_gather %exp3A[%gather3A_134] in [0] : vector<16xf32>, vector<16xi32> -> vector<16xf32>
        %broadcast_in_dim3A_136 = vector.shape_cast %broadcast_in_dim3A_50 : vector<16xi32> to vector<16x1xi32>
        %gather3A_137 = vector.shape_cast %broadcast_in_dim3A_136 : vector<16x1xi32> to vector<16xi32>
        %gather3A_138 = tpu.dynamic_gather %exp3A[%gather3A_137] in [0] : vector<16xf32>, vector<16xi32> -> vector<16xf32>
        %mul3A = arith.mulf %gather3A_117, %convert_element_type3A : vector<16xf32>
        %mul3A_139 = arith.mulf %gather3A_120, %convert_element_type3A_21 : vector<16xf32>
        %mul3A_140 = arith.mulf %gather3A_123, %convert_element_type3A_28 : vector<16xf32>
        %mul3A_141 = arith.mulf %gather3A_126, %convert_element_type3A_35 : vector<16xf32>
        %broadcast_in_dim3A_142 = vector.shape_cast %xor3A_1 : vector<16xi32> to vector<16x1xi32>
        %gather3A_143 = vector.shape_cast %broadcast_in_dim3A_142 : vector<16x1xi32> to vector<16xi32>
        %gather3A_144 = tpu.dynamic_gather %scan3A_101#0[%gather3A_143] in [0] : vector<16xf32>, vector<16xi32> -> vector<16xf32>
        %mul3A_145 = arith.mulf %mul3A, %gather3A_144 : vector<16xf32>
        %add3A = arith.addf %scan3A_101#0, %mul3A_145 : vector<16xf32>
        %broadcast_in_dim3A_146 = vector.shape_cast %xor3A_4 : vector<16xi32> to vector<16x1xi32>
        %gather3A_147 = vector.shape_cast %broadcast_in_dim3A_146 : vector<16x1xi32> to vector<16xi32>
        %gather3A_148 = tpu.dynamic_gather %scan3A_101#0[%gather3A_147] in [0] : vector<16xf32>, vector<16xi32> -> vector<16xf32>
        %mul3A_149 = arith.mulf %mul3A_139, %gather3A_148 : vector<16xf32>
        %add3A_150 = arith.addf %add3A, %mul3A_149 : vector<16xf32>
        %broadcast_in_dim3A_151 = vector.shape_cast %xor3A_7 : vector<16xi32> to vector<16x1xi32>
        %gather3A_152 = vector.shape_cast %broadcast_in_dim3A_151 : vector<16x1xi32> to vector<16xi32>
        %gather3A_153 = tpu.dynamic_gather %scan3A_101#0[%gather3A_152] in [0] : vector<16xf32>, vector<16xi32> -> vector<16xf32>
        %mul3A_154 = arith.mulf %mul3A_140, %gather3A_153 : vector<16xf32>
        %add3A_155 = arith.addf %add3A_150, %mul3A_154 : vector<16xf32>
        %broadcast_in_dim3A_156 = vector.shape_cast %xor3A_10 : vector<16xi32> to vector<16x1xi32>
        %gather3A_157 = vector.shape_cast %broadcast_in_dim3A_156 : vector<16x1xi32> to vector<16xi32>
        %gather3A_158 = tpu.dynamic_gather %scan3A_101#0[%gather3A_157] in [0] : vector<16xf32>, vector<16xi32> -> vector<16xf32>
        %mul3A_159 = arith.mulf %mul3A_141, %gather3A_158 : vector<16xf32>
        %add3A_160 = arith.addf %add3A_155, %mul3A_159 : vector<16xf32>
        %broadcast_in_dim3A_161 = vector.shape_cast %xor3A_1 : vector<16xi32> to vector<16x1xi32>
        %gather3A_162 = vector.shape_cast %broadcast_in_dim3A_161 : vector<16x1xi32> to vector<16xi32>
        %gather3A_163 = tpu.dynamic_gather %scan3A_101#1[%gather3A_162] in [0] : vector<16xf32>, vector<16xi32> -> vector<16xf32>
        %mul3A_164 = arith.mulf %mul3A, %gather3A_163 : vector<16xf32>
        %add3A_165 = arith.addf %scan3A_101#1, %mul3A_164 : vector<16xf32>
        %broadcast_in_dim3A_166 = vector.shape_cast %xor3A_4 : vector<16xi32> to vector<16x1xi32>
        %gather3A_167 = vector.shape_cast %broadcast_in_dim3A_166 : vector<16x1xi32> to vector<16xi32>
        %gather3A_168 = tpu.dynamic_gather %scan3A_101#1[%gather3A_167] in [0] : vector<16xf32>, vector<16xi32> -> vector<16xf32>
        %mul3A_169 = arith.mulf %mul3A_139, %gather3A_168 : vector<16xf32>
        %add3A_170 = arith.addf %add3A_165, %mul3A_169 : vector<16xf32>
        %broadcast_in_dim3A_171 = vector.shape_cast %xor3A_7 : vector<16xi32> to vector<16x1xi32>
        %gather3A_172 = vector.shape_cast %broadcast_in_dim3A_171 : vector<16x1xi32> to vector<16xi32>
        %gather3A_173 = tpu.dynamic_gather %scan3A_101#1[%gather3A_172] in [0] : vector<16xf32>, vector<16xi32> -> vector<16xf32>
        %mul3A_174 = arith.mulf %mul3A_140, %gather3A_173 : vector<16xf32>
        %add3A_175 = arith.addf %add3A_170, %mul3A_174 : vector<16xf32>
        %broadcast_in_dim3A_176 = vector.shape_cast %xor3A_10 : vector<16xi32> to vector<16x1xi32>
        %gather3A_177 = vector.shape_cast %broadcast_in_dim3A_176 : vector<16x1xi32> to vector<16xi32>
        %gather3A_178 = tpu.dynamic_gather %scan3A_101#1[%gather3A_177] in [0] : vector<16xf32>, vector<16xi32> -> vector<16xf32>
        %mul3A_179 = arith.mulf %mul3A_141, %gather3A_178 : vector<16xf32>
        %add3A_180 = arith.addf %add3A_175, %mul3A_179 : vector<16xf32>
        %mul3A_181 = arith.mulf %gather3A_129, %scan3A_101#0 : vector<16xf32>
        %add3A_182 = arith.addf %add3A_180, %mul3A_181 : vector<16xf32>
        %broadcast_in_dim3A_183 = vector.shape_cast %xor3A_1 : vector<16xi32> to vector<16x1xi32>
        %gather3A_184 = vector.shape_cast %broadcast_in_dim3A_183 : vector<16x1xi32> to vector<16xi32>
        %gather3A_185 = tpu.dynamic_gather %scan3A_101#2[%gather3A_184] in [0] : vector<16xf32>, vector<16xi32> -> vector<16xf32>
        %mul3A_186 = arith.mulf %mul3A, %gather3A_185 : vector<16xf32>
        %add3A_187 = arith.addf %scan3A_101#2, %mul3A_186 : vector<16xf32>
        %broadcast_in_dim3A_188 = vector.shape_cast %xor3A_4 : vector<16xi32> to vector<16x1xi32>
        %gather3A_189 = vector.shape_cast %broadcast_in_dim3A_188 : vector<16x1xi32> to vector<16xi32>
        %gather3A_190 = tpu.dynamic_gather %scan3A_101#2[%gather3A_189] in [0] : vector<16xf32>, vector<16xi32> -> vector<16xf32>
        %mul3A_191 = arith.mulf %mul3A_139, %gather3A_190 : vector<16xf32>
        %add3A_192 = arith.addf %add3A_187, %mul3A_191 : vector<16xf32>
        %broadcast_in_dim3A_193 = vector.shape_cast %xor3A_7 : vector<16xi32> to vector<16x1xi32>
        %gather3A_194 = vector.shape_cast %broadcast_in_dim3A_193 : vector<16x1xi32> to vector<16xi32>
        %gather3A_195 = tpu.dynamic_gather %scan3A_101#2[%gather3A_194] in [0] : vector<16xf32>, vector<16xi32> -> vector<16xf32>
        %mul3A_196 = arith.mulf %mul3A_140, %gather3A_195 : vector<16xf32>
        %add3A_197 = arith.addf %add3A_192, %mul3A_196 : vector<16xf32>
        %broadcast_in_dim3A_198 = vector.shape_cast %xor3A_10 : vector<16xi32> to vector<16x1xi32>
        %gather3A_199 = vector.shape_cast %broadcast_in_dim3A_198 : vector<16x1xi32> to vector<16xi32>
        %gather3A_200 = tpu.dynamic_gather %scan3A_101#2[%gather3A_199] in [0] : vector<16xf32>, vector<16xi32> -> vector<16xf32>
        %mul3A_201 = arith.mulf %mul3A_141, %gather3A_200 : vector<16xf32>
        %add3A_202 = arith.addf %add3A_197, %mul3A_201 : vector<16xf32>
        %mul3A_203 = arith.mulf %gather3A_132, %scan3A_101#0 : vector<16xf32>
        %add3A_204 = arith.addf %add3A_202, %mul3A_203 : vector<16xf32>
        %broadcast_in_dim3A_205 = vector.shape_cast %xor3A_1 : vector<16xi32> to vector<16x1xi32>
        %gather3A_206 = vector.shape_cast %broadcast_in_dim3A_205 : vector<16x1xi32> to vector<16xi32>
        %gather3A_207 = tpu.dynamic_gather %scan3A_101#3[%gather3A_206] in [0] : vector<16xf32>, vector<16xi32> -> vector<16xf32>
        %mul3A_208 = arith.mulf %mul3A, %gather3A_207 : vector<16xf32>
        %add3A_209 = arith.addf %scan3A_101#3, %mul3A_208 : vector<16xf32>
        %broadcast_in_dim3A_210 = vector.shape_cast %xor3A_4 : vector<16xi32> to vector<16x1xi32>
        %gather3A_211 = vector.shape_cast %broadcast_in_dim3A_210 : vector<16x1xi32> to vector<16xi32>
        %gather3A_212 = tpu.dynamic_gather %scan3A_101#3[%gather3A_211] in [0] : vector<16xf32>, vector<16xi32> -> vector<16xf32>
        %mul3A_213 = arith.mulf %mul3A_139, %gather3A_212 : vector<16xf32>
        %add3A_214 = arith.addf %add3A_209, %mul3A_213 : vector<16xf32>
        %broadcast_in_dim3A_215 = vector.shape_cast %xor3A_7 : vector<16xi32> to vector<16x1xi32>
        %gather3A_216 = vector.shape_cast %broadcast_in_dim3A_215 : vector<16x1xi32> to vector<16xi32>
        %gather3A_217 = tpu.dynamic_gather %scan3A_101#3[%gather3A_216] in [0] : vector<16xf32>, vector<16xi32> -> vector<16xf32>
        %mul3A_218 = arith.mulf %mul3A_140, %gather3A_217 : vector<16xf32>
        %add3A_219 = arith.addf %add3A_214, %mul3A_218 : vector<16xf32>
        %broadcast_in_dim3A_220 = vector.shape_cast %xor3A_10 : vector<16xi32> to vector<16x1xi32>
        %gather3A_221 = vector.shape_cast %broadcast_in_dim3A_220 : vector<16x1xi32> to vector<16xi32>
        %gather3A_222 = tpu.dynamic_gather %scan3A_101#3[%gather3A_221] in [0] : vector<16xf32>, vector<16xi32> -> vector<16xf32>
        %mul3A_223 = arith.mulf %mul3A_141, %gather3A_222 : vector<16xf32>
        %add3A_224 = arith.addf %add3A_219, %mul3A_223 : vector<16xf32>
        %mul3A_225 = arith.mulf %gather3A_129, %scan3A_101#2 : vector<16xf32>
        %add3A_226 = arith.addf %add3A_224, %mul3A_225 : vector<16xf32>
        %mul3A_227 = arith.mulf %gather3A_132, %scan3A_101#1 : vector<16xf32>
        %add3A_228 = arith.addf %add3A_226, %mul3A_227 : vector<16xf32>
        %broadcast_in_dim3A_229 = vector.shape_cast %xor3A_1 : vector<16xi32> to vector<16x1xi32>
        %gather3A_230 = vector.shape_cast %broadcast_in_dim3A_229 : vector<16x1xi32> to vector<16xi32>
        %gather3A_231 = tpu.dynamic_gather %scan3A_101#4[%gather3A_230] in [0] : vector<16xf32>, vector<16xi32> -> vector<16xf32>
        %mul3A_232 = arith.mulf %mul3A, %gather3A_231 : vector<16xf32>
        %add3A_233 = arith.addf %scan3A_101#4, %mul3A_232 : vector<16xf32>
        %broadcast_in_dim3A_234 = vector.shape_cast %xor3A_4 : vector<16xi32> to vector<16x1xi32>
        %gather3A_235 = vector.shape_cast %broadcast_in_dim3A_234 : vector<16x1xi32> to vector<16xi32>
        %gather3A_236 = tpu.dynamic_gather %scan3A_101#4[%gather3A_235] in [0] : vector<16xf32>, vector<16xi32> -> vector<16xf32>
        %mul3A_237 = arith.mulf %mul3A_139, %gather3A_236 : vector<16xf32>
        %add3A_238 = arith.addf %add3A_233, %mul3A_237 : vector<16xf32>
        %broadcast_in_dim3A_239 = vector.shape_cast %xor3A_7 : vector<16xi32> to vector<16x1xi32>
        %gather3A_240 = vector.shape_cast %broadcast_in_dim3A_239 : vector<16x1xi32> to vector<16xi32>
        %gather3A_241 = tpu.dynamic_gather %scan3A_101#4[%gather3A_240] in [0] : vector<16xf32>, vector<16xi32> -> vector<16xf32>
        %mul3A_242 = arith.mulf %mul3A_140, %gather3A_241 : vector<16xf32>
        %add3A_243 = arith.addf %add3A_238, %mul3A_242 : vector<16xf32>
        %broadcast_in_dim3A_244 = vector.shape_cast %xor3A_10 : vector<16xi32> to vector<16x1xi32>
        %gather3A_245 = vector.shape_cast %broadcast_in_dim3A_244 : vector<16x1xi32> to vector<16xi32>
        %gather3A_246 = tpu.dynamic_gather %scan3A_101#4[%gather3A_245] in [0] : vector<16xf32>, vector<16xi32> -> vector<16xf32>
        %mul3A_247 = arith.mulf %mul3A_141, %gather3A_246 : vector<16xf32>
        %add3A_248 = arith.addf %add3A_243, %mul3A_247 : vector<16xf32>
        %mul3A_249 = arith.mulf %gather3A_135, %scan3A_101#0 : vector<16xf32>
        %add3A_250 = arith.addf %add3A_248, %mul3A_249 : vector<16xf32>
        %broadcast_in_dim3A_251 = vector.shape_cast %xor3A_1 : vector<16xi32> to vector<16x1xi32>
        %gather3A_252 = vector.shape_cast %broadcast_in_dim3A_251 : vector<16x1xi32> to vector<16xi32>
        %gather3A_253 = tpu.dynamic_gather %scan3A_101#5[%gather3A_252] in [0] : vector<16xf32>, vector<16xi32> -> vector<16xf32>
        %mul3A_254 = arith.mulf %mul3A, %gather3A_253 : vector<16xf32>
        %add3A_255 = arith.addf %scan3A_101#5, %mul3A_254 : vector<16xf32>
        %broadcast_in_dim3A_256 = vector.shape_cast %xor3A_4 : vector<16xi32> to vector<16x1xi32>
        %gather3A_257 = vector.shape_cast %broadcast_in_dim3A_256 : vector<16x1xi32> to vector<16xi32>
        %gather3A_258 = tpu.dynamic_gather %scan3A_101#5[%gather3A_257] in [0] : vector<16xf32>, vector<16xi32> -> vector<16xf32>
        %mul3A_259 = arith.mulf %mul3A_139, %gather3A_258 : vector<16xf32>
        %add3A_260 = arith.addf %add3A_255, %mul3A_259 : vector<16xf32>
        %broadcast_in_dim3A_261 = vector.shape_cast %xor3A_7 : vector<16xi32> to vector<16x1xi32>
        %gather3A_262 = vector.shape_cast %broadcast_in_dim3A_261 : vector<16x1xi32> to vector<16xi32>
        %gather3A_263 = tpu.dynamic_gather %scan3A_101#5[%gather3A_262] in [0] : vector<16xf32>, vector<16xi32> -> vector<16xf32>
        %mul3A_264 = arith.mulf %mul3A_140, %gather3A_263 : vector<16xf32>
        %add3A_265 = arith.addf %add3A_260, %mul3A_264 : vector<16xf32>
        %broadcast_in_dim3A_266 = vector.shape_cast %xor3A_10 : vector<16xi32> to vector<16x1xi32>
        %gather3A_267 = vector.shape_cast %broadcast_in_dim3A_266 : vector<16x1xi32> to vector<16xi32>
        %gather3A_268 = tpu.dynamic_gather %scan3A_101#5[%gather3A_267] in [0] : vector<16xf32>, vector<16xi32> -> vector<16xf32>
        %mul3A_269 = arith.mulf %mul3A_141, %gather3A_268 : vector<16xf32>
        %add3A_270 = arith.addf %add3A_265, %mul3A_269 : vector<16xf32>
        %mul3A_271 = arith.mulf %gather3A_129, %scan3A_101#4 : vector<16xf32>
        %add3A_272 = arith.addf %add3A_270, %mul3A_271 : vector<16xf32>
        %mul3A_273 = arith.mulf %gather3A_135, %scan3A_101#1 : vector<16xf32>
        %add3A_274 = arith.addf %add3A_272, %mul3A_273 : vector<16xf32>
        %broadcast_in_dim3A_275 = vector.shape_cast %xor3A_1 : vector<16xi32> to vector<16x1xi32>
        %gather3A_276 = vector.shape_cast %broadcast_in_dim3A_275 : vector<16x1xi32> to vector<16xi32>
        %gather3A_277 = tpu.dynamic_gather %scan3A_101#6[%gather3A_276] in [0] : vector<16xf32>, vector<16xi32> -> vector<16xf32>
        %mul3A_278 = arith.mulf %mul3A, %gather3A_277 : vector<16xf32>
        %add3A_279 = arith.addf %scan3A_101#6, %mul3A_278 : vector<16xf32>
        %broadcast_in_dim3A_280 = vector.shape_cast %xor3A_4 : vector<16xi32> to vector<16x1xi32>
        %gather3A_281 = vector.shape_cast %broadcast_in_dim3A_280 : vector<16x1xi32> to vector<16xi32>
        %gather3A_282 = tpu.dynamic_gather %scan3A_101#6[%gather3A_281] in [0] : vector<16xf32>, vector<16xi32> -> vector<16xf32>
        %mul3A_283 = arith.mulf %mul3A_139, %gather3A_282 : vector<16xf32>
        %add3A_284 = arith.addf %add3A_279, %mul3A_283 : vector<16xf32>
        %broadcast_in_dim3A_285 = vector.shape_cast %xor3A_7 : vector<16xi32> to vector<16x1xi32>
        %gather3A_286 = vector.shape_cast %broadcast_in_dim3A_285 : vector<16x1xi32> to vector<16xi32>
        %gather3A_287 = tpu.dynamic_gather %scan3A_101#6[%gather3A_286] in [0] : vector<16xf32>, vector<16xi32> -> vector<16xf32>
        %mul3A_288 = arith.mulf %mul3A_140, %gather3A_287 : vector<16xf32>
        %add3A_289 = arith.addf %add3A_284, %mul3A_288 : vector<16xf32>
        %broadcast_in_dim3A_290 = vector.shape_cast %xor3A_10 : vector<16xi32> to vector<16x1xi32>
        %gather3A_291 = vector.shape_cast %broadcast_in_dim3A_290 : vector<16x1xi32> to vector<16xi32>
        %gather3A_292 = tpu.dynamic_gather %scan3A_101#6[%gather3A_291] in [0] : vector<16xf32>, vector<16xi32> -> vector<16xf32>
        %mul3A_293 = arith.mulf %mul3A_141, %gather3A_292 : vector<16xf32>
        %add3A_294 = arith.addf %add3A_289, %mul3A_293 : vector<16xf32>
        %mul3A_295 = arith.mulf %gather3A_132, %scan3A_101#4 : vector<16xf32>
        %add3A_296 = arith.addf %add3A_294, %mul3A_295 : vector<16xf32>
        %mul3A_297 = arith.mulf %gather3A_135, %scan3A_101#2 : vector<16xf32>
        %add3A_298 = arith.addf %add3A_296, %mul3A_297 : vector<16xf32>
        %broadcast_in_dim3A_299 = vector.shape_cast %xor3A_1 : vector<16xi32> to vector<16x1xi32>
        %gather3A_300 = vector.shape_cast %broadcast_in_dim3A_299 : vector<16x1xi32> to vector<16xi32>
        %gather3A_301 = tpu.dynamic_gather %scan3A_101#7[%gather3A_300] in [0] : vector<16xf32>, vector<16xi32> -> vector<16xf32>
        %mul3A_302 = arith.mulf %mul3A, %gather3A_301 : vector<16xf32>
        %add3A_303 = arith.addf %scan3A_101#7, %mul3A_302 : vector<16xf32>
        %broadcast_in_dim3A_304 = vector.shape_cast %xor3A_4 : vector<16xi32> to vector<16x1xi32>
        %gather3A_305 = vector.shape_cast %broadcast_in_dim3A_304 : vector<16x1xi32> to vector<16xi32>
        %gather3A_306 = tpu.dynamic_gather %scan3A_101#7[%gather3A_305] in [0] : vector<16xf32>, vector<16xi32> -> vector<16xf32>
        %mul3A_307 = arith.mulf %mul3A_139, %gather3A_306 : vector<16xf32>
        %add3A_308 = arith.addf %add3A_303, %mul3A_307 : vector<16xf32>
        %broadcast_in_dim3A_309 = vector.shape_cast %xor3A_7 : vector<16xi32> to vector<16x1xi32>
        %gather3A_310 = vector.shape_cast %broadcast_in_dim3A_309 : vector<16x1xi32> to vector<16xi32>
        %gather3A_311 = tpu.dynamic_gather %scan3A_101#7[%gather3A_310] in [0] : vector<16xf32>, vector<16xi32> -> vector<16xf32>
        %mul3A_312 = arith.mulf %mul3A_140, %gather3A_311 : vector<16xf32>
        %add3A_313 = arith.addf %add3A_308, %mul3A_312 : vector<16xf32>
        %broadcast_in_dim3A_314 = vector.shape_cast %xor3A_10 : vector<16xi32> to vector<16x1xi32>
        %gather3A_315 = vector.shape_cast %broadcast_in_dim3A_314 : vector<16x1xi32> to vector<16xi32>
        %gather3A_316 = tpu.dynamic_gather %scan3A_101#7[%gather3A_315] in [0] : vector<16xf32>, vector<16xi32> -> vector<16xf32>
        %mul3A_317 = arith.mulf %mul3A_141, %gather3A_316 : vector<16xf32>
        %add3A_318 = arith.addf %add3A_313, %mul3A_317 : vector<16xf32>
        %mul3A_319 = arith.mulf %gather3A_129, %scan3A_101#6 : vector<16xf32>
        %add3A_320 = arith.addf %add3A_318, %mul3A_319 : vector<16xf32>
        %mul3A_321 = arith.mulf %gather3A_132, %scan3A_101#5 : vector<16xf32>
        %add3A_322 = arith.addf %add3A_320, %mul3A_321 : vector<16xf32>
        %mul3A_323 = arith.mulf %gather3A_135, %scan3A_101#3 : vector<16xf32>
        %add3A_324 = arith.addf %add3A_322, %mul3A_323 : vector<16xf32>
        %broadcast_in_dim3A_325 = vector.shape_cast %xor3A_1 : vector<16xi32> to vector<16x1xi32>
        %gather3A_326 = vector.shape_cast %broadcast_in_dim3A_325 : vector<16x1xi32> to vector<16xi32>
        %gather3A_327 = tpu.dynamic_gather %scan3A_101#8[%gather3A_326] in [0] : vector<16xf32>, vector<16xi32> -> vector<16xf32>
        %mul3A_328 = arith.mulf %mul3A, %gather3A_327 : vector<16xf32>
        %add3A_329 = arith.addf %scan3A_101#8, %mul3A_328 : vector<16xf32>
        %broadcast_in_dim3A_330 = vector.shape_cast %xor3A_4 : vector<16xi32> to vector<16x1xi32>
        %gather3A_331 = vector.shape_cast %broadcast_in_dim3A_330 : vector<16x1xi32> to vector<16xi32>
        %gather3A_332 = tpu.dynamic_gather %scan3A_101#8[%gather3A_331] in [0] : vector<16xf32>, vector<16xi32> -> vector<16xf32>
        %mul3A_333 = arith.mulf %mul3A_139, %gather3A_332 : vector<16xf32>
        %add3A_334 = arith.addf %add3A_329, %mul3A_333 : vector<16xf32>
        %broadcast_in_dim3A_335 = vector.shape_cast %xor3A_7 : vector<16xi32> to vector<16x1xi32>
        %gather3A_336 = vector.shape_cast %broadcast_in_dim3A_335 : vector<16x1xi32> to vector<16xi32>
        %gather3A_337 = tpu.dynamic_gather %scan3A_101#8[%gather3A_336] in [0] : vector<16xf32>, vector<16xi32> -> vector<16xf32>
        %mul3A_338 = arith.mulf %mul3A_140, %gather3A_337 : vector<16xf32>
        %add3A_339 = arith.addf %add3A_334, %mul3A_338 : vector<16xf32>
        %broadcast_in_dim3A_340 = vector.shape_cast %xor3A_10 : vector<16xi32> to vector<16x1xi32>
        %gather3A_341 = vector.shape_cast %broadcast_in_dim3A_340 : vector<16x1xi32> to vector<16xi32>
        %gather3A_342 = tpu.dynamic_gather %scan3A_101#8[%gather3A_341] in [0] : vector<16xf32>, vector<16xi32> -> vector<16xf32>
        %mul3A_343 = arith.mulf %mul3A_141, %gather3A_342 : vector<16xf32>
        %add3A_344 = arith.addf %add3A_339, %mul3A_343 : vector<16xf32>
        %mul3A_345 = arith.mulf %gather3A_138, %scan3A_101#0 : vector<16xf32>
        %add3A_346 = arith.addf %add3A_344, %mul3A_345 : vector<16xf32>
        %broadcast_in_dim3A_347 = vector.shape_cast %xor3A_1 : vector<16xi32> to vector<16x1xi32>
        %gather3A_348 = vector.shape_cast %broadcast_in_dim3A_347 : vector<16x1xi32> to vector<16xi32>
        %gather3A_349 = tpu.dynamic_gather %scan3A_101#9[%gather3A_348] in [0] : vector<16xf32>, vector<16xi32> -> vector<16xf32>
        %mul3A_350 = arith.mulf %mul3A, %gather3A_349 : vector<16xf32>
        %add3A_351 = arith.addf %scan3A_101#9, %mul3A_350 : vector<16xf32>
        %broadcast_in_dim3A_352 = vector.shape_cast %xor3A_4 : vector<16xi32> to vector<16x1xi32>
        %gather3A_353 = vector.shape_cast %broadcast_in_dim3A_352 : vector<16x1xi32> to vector<16xi32>
        %gather3A_354 = tpu.dynamic_gather %scan3A_101#9[%gather3A_353] in [0] : vector<16xf32>, vector<16xi32> -> vector<16xf32>
        %mul3A_355 = arith.mulf %mul3A_139, %gather3A_354 : vector<16xf32>
        %add3A_356 = arith.addf %add3A_351, %mul3A_355 : vector<16xf32>
        %broadcast_in_dim3A_357 = vector.shape_cast %xor3A_7 : vector<16xi32> to vector<16x1xi32>
        %gather3A_358 = vector.shape_cast %broadcast_in_dim3A_357 : vector<16x1xi32> to vector<16xi32>
        %gather3A_359 = tpu.dynamic_gather %scan3A_101#9[%gather3A_358] in [0] : vector<16xf32>, vector<16xi32> -> vector<16xf32>
        %mul3A_360 = arith.mulf %mul3A_140, %gather3A_359 : vector<16xf32>
        %add3A_361 = arith.addf %add3A_356, %mul3A_360 : vector<16xf32>
        %broadcast_in_dim3A_362 = vector.shape_cast %xor3A_10 : vector<16xi32> to vector<16x1xi32>
        %gather3A_363 = vector.shape_cast %broadcast_in_dim3A_362 : vector<16x1xi32> to vector<16xi32>
        %gather3A_364 = tpu.dynamic_gather %scan3A_101#9[%gather3A_363] in [0] : vector<16xf32>, vector<16xi32> -> vector<16xf32>
        %mul3A_365 = arith.mulf %mul3A_141, %gather3A_364 : vector<16xf32>
        %add3A_366 = arith.addf %add3A_361, %mul3A_365 : vector<16xf32>
        %mul3A_367 = arith.mulf %gather3A_129, %scan3A_101#8 : vector<16xf32>
        %add3A_368 = arith.addf %add3A_366, %mul3A_367 : vector<16xf32>
        %mul3A_369 = arith.mulf %gather3A_138, %scan3A_101#1 : vector<16xf32>
        %add3A_370 = arith.addf %add3A_368, %mul3A_369 : vector<16xf32>
        %broadcast_in_dim3A_371 = vector.shape_cast %xor3A_1 : vector<16xi32> to vector<16x1xi32>
        %gather3A_372 = vector.shape_cast %broadcast_in_dim3A_371 : vector<16x1xi32> to vector<16xi32>
        %gather3A_373 = tpu.dynamic_gather %scan3A_101#10[%gather3A_372] in [0] : vector<16xf32>, vector<16xi32> -> vector<16xf32>
        %mul3A_374 = arith.mulf %mul3A, %gather3A_373 : vector<16xf32>
        %add3A_375 = arith.addf %scan3A_101#10, %mul3A_374 : vector<16xf32>
        %broadcast_in_dim3A_376 = vector.shape_cast %xor3A_4 : vector<16xi32> to vector<16x1xi32>
        %gather3A_377 = vector.shape_cast %broadcast_in_dim3A_376 : vector<16x1xi32> to vector<16xi32>
        %gather3A_378 = tpu.dynamic_gather %scan3A_101#10[%gather3A_377] in [0] : vector<16xf32>, vector<16xi32> -> vector<16xf32>
        %mul3A_379 = arith.mulf %mul3A_139, %gather3A_378 : vector<16xf32>
        %add3A_380 = arith.addf %add3A_375, %mul3A_379 : vector<16xf32>
        %broadcast_in_dim3A_381 = vector.shape_cast %xor3A_7 : vector<16xi32> to vector<16x1xi32>
        %gather3A_382 = vector.shape_cast %broadcast_in_dim3A_381 : vector<16x1xi32> to vector<16xi32>
        %gather3A_383 = tpu.dynamic_gather %scan3A_101#10[%gather3A_382] in [0] : vector<16xf32>, vector<16xi32> -> vector<16xf32>
        %mul3A_384 = arith.mulf %mul3A_140, %gather3A_383 : vector<16xf32>
        %add3A_385 = arith.addf %add3A_380, %mul3A_384 : vector<16xf32>
        %broadcast_in_dim3A_386 = vector.shape_cast %xor3A_10 : vector<16xi32> to vector<16x1xi32>
        %gather3A_387 = vector.shape_cast %broadcast_in_dim3A_386 : vector<16x1xi32> to vector<16xi32>
        %gather3A_388 = tpu.dynamic_gather %scan3A_101#10[%gather3A_387] in [0] : vector<16xf32>, vector<16xi32> -> vector<16xf32>
        %mul3A_389 = arith.mulf %mul3A_141, %gather3A_388 : vector<16xf32>
        %add3A_390 = arith.addf %add3A_385, %mul3A_389 : vector<16xf32>
        %mul3A_391 = arith.mulf %gather3A_132, %scan3A_101#8 : vector<16xf32>
        %add3A_392 = arith.addf %add3A_390, %mul3A_391 : vector<16xf32>
        %mul3A_393 = arith.mulf %gather3A_138, %scan3A_101#2 : vector<16xf32>
        %add3A_394 = arith.addf %add3A_392, %mul3A_393 : vector<16xf32>
        %broadcast_in_dim3A_395 = vector.shape_cast %xor3A_1 : vector<16xi32> to vector<16x1xi32>
        %gather3A_396 = vector.shape_cast %broadcast_in_dim3A_395 : vector<16x1xi32> to vector<16xi32>
        %gather3A_397 = tpu.dynamic_gather %scan3A_101#11[%gather3A_396] in [0] : vector<16xf32>, vector<16xi32> -> vector<16xf32>
        %mul3A_398 = arith.mulf %mul3A, %gather3A_397 : vector<16xf32>
        %add3A_399 = arith.addf %scan3A_101#11, %mul3A_398 : vector<16xf32>
        %broadcast_in_dim3A_400 = vector.shape_cast %xor3A_4 : vector<16xi32> to vector<16x1xi32>
        %gather3A_401 = vector.shape_cast %broadcast_in_dim3A_400 : vector<16x1xi32> to vector<16xi32>
        %gather3A_402 = tpu.dynamic_gather %scan3A_101#11[%gather3A_401] in [0] : vector<16xf32>, vector<16xi32> -> vector<16xf32>
        %mul3A_403 = arith.mulf %mul3A_139, %gather3A_402 : vector<16xf32>
        %add3A_404 = arith.addf %add3A_399, %mul3A_403 : vector<16xf32>
        %broadcast_in_dim3A_405 = vector.shape_cast %xor3A_7 : vector<16xi32> to vector<16x1xi32>
        %gather3A_406 = vector.shape_cast %broadcast_in_dim3A_405 : vector<16x1xi32> to vector<16xi32>
        %gather3A_407 = tpu.dynamic_gather %scan3A_101#11[%gather3A_406] in [0] : vector<16xf32>, vector<16xi32> -> vector<16xf32>
        %mul3A_408 = arith.mulf %mul3A_140, %gather3A_407 : vector<16xf32>
        %add3A_409 = arith.addf %add3A_404, %mul3A_408 : vector<16xf32>
        %broadcast_in_dim3A_410 = vector.shape_cast %xor3A_10 : vector<16xi32> to vector<16x1xi32>
        %gather3A_411 = vector.shape_cast %broadcast_in_dim3A_410 : vector<16x1xi32> to vector<16xi32>
        %gather3A_412 = tpu.dynamic_gather %scan3A_101#11[%gather3A_411] in [0] : vector<16xf32>, vector<16xi32> -> vector<16xf32>
        %mul3A_413 = arith.mulf %mul3A_141, %gather3A_412 : vector<16xf32>
        %add3A_414 = arith.addf %add3A_409, %mul3A_413 : vector<16xf32>
        %mul3A_415 = arith.mulf %gather3A_129, %scan3A_101#10 : vector<16xf32>
        %add3A_416 = arith.addf %add3A_414, %mul3A_415 : vector<16xf32>
        %mul3A_417 = arith.mulf %gather3A_132, %scan3A_101#9 : vector<16xf32>
        %add3A_418 = arith.addf %add3A_416, %mul3A_417 : vector<16xf32>
        %mul3A_419 = arith.mulf %gather3A_138, %scan3A_101#3 : vector<16xf32>
        %add3A_420 = arith.addf %add3A_418, %mul3A_419 : vector<16xf32>
        %broadcast_in_dim3A_421 = vector.shape_cast %xor3A_1 : vector<16xi32> to vector<16x1xi32>
        %gather3A_422 = vector.shape_cast %broadcast_in_dim3A_421 : vector<16x1xi32> to vector<16xi32>
        %gather3A_423 = tpu.dynamic_gather %scan3A_101#12[%gather3A_422] in [0] : vector<16xf32>, vector<16xi32> -> vector<16xf32>
        %mul3A_424 = arith.mulf %mul3A, %gather3A_423 : vector<16xf32>
        %add3A_425 = arith.addf %scan3A_101#12, %mul3A_424 : vector<16xf32>
        %broadcast_in_dim3A_426 = vector.shape_cast %xor3A_4 : vector<16xi32> to vector<16x1xi32>
        %gather3A_427 = vector.shape_cast %broadcast_in_dim3A_426 : vector<16x1xi32> to vector<16xi32>
        %gather3A_428 = tpu.dynamic_gather %scan3A_101#12[%gather3A_427] in [0] : vector<16xf32>, vector<16xi32> -> vector<16xf32>
        %mul3A_429 = arith.mulf %mul3A_139, %gather3A_428 : vector<16xf32>
        %add3A_430 = arith.addf %add3A_425, %mul3A_429 : vector<16xf32>
        %broadcast_in_dim3A_431 = vector.shape_cast %xor3A_7 : vector<16xi32> to vector<16x1xi32>
        %gather3A_432 = vector.shape_cast %broadcast_in_dim3A_431 : vector<16x1xi32> to vector<16xi32>
        %gather3A_433 = tpu.dynamic_gather %scan3A_101#12[%gather3A_432] in [0] : vector<16xf32>, vector<16xi32> -> vector<16xf32>
        %mul3A_434 = arith.mulf %mul3A_140, %gather3A_433 : vector<16xf32>
        %add3A_435 = arith.addf %add3A_430, %mul3A_434 : vector<16xf32>
        %broadcast_in_dim3A_436 = vector.shape_cast %xor3A_10 : vector<16xi32> to vector<16x1xi32>
        %gather3A_437 = vector.shape_cast %broadcast_in_dim3A_436 : vector<16x1xi32> to vector<16xi32>
        %gather3A_438 = tpu.dynamic_gather %scan3A_101#12[%gather3A_437] in [0] : vector<16xf32>, vector<16xi32> -> vector<16xf32>
        %mul3A_439 = arith.mulf %mul3A_141, %gather3A_438 : vector<16xf32>
        %add3A_440 = arith.addf %add3A_435, %mul3A_439 : vector<16xf32>
        %mul3A_441 = arith.mulf %gather3A_135, %scan3A_101#8 : vector<16xf32>
        %add3A_442 = arith.addf %add3A_440, %mul3A_441 : vector<16xf32>
        %mul3A_443 = arith.mulf %gather3A_138, %scan3A_101#4 : vector<16xf32>
        %add3A_444 = arith.addf %add3A_442, %mul3A_443 : vector<16xf32>
        %broadcast_in_dim3A_445 = vector.shape_cast %xor3A_1 : vector<16xi32> to vector<16x1xi32>
        %gather3A_446 = vector.shape_cast %broadcast_in_dim3A_445 : vector<16x1xi32> to vector<16xi32>
        %gather3A_447 = tpu.dynamic_gather %scan3A_101#13[%gather3A_446] in [0] : vector<16xf32>, vector<16xi32> -> vector<16xf32>
        %mul3A_448 = arith.mulf %mul3A, %gather3A_447 : vector<16xf32>
        %add3A_449 = arith.addf %scan3A_101#13, %mul3A_448 : vector<16xf32>
        %broadcast_in_dim3A_450 = vector.shape_cast %xor3A_4 : vector<16xi32> to vector<16x1xi32>
        %gather3A_451 = vector.shape_cast %broadcast_in_dim3A_450 : vector<16x1xi32> to vector<16xi32>
        %gather3A_452 = tpu.dynamic_gather %scan3A_101#13[%gather3A_451] in [0] : vector<16xf32>, vector<16xi32> -> vector<16xf32>
        %mul3A_453 = arith.mulf %mul3A_139, %gather3A_452 : vector<16xf32>
        %add3A_454 = arith.addf %add3A_449, %mul3A_453 : vector<16xf32>
        %broadcast_in_dim3A_455 = vector.shape_cast %xor3A_7 : vector<16xi32> to vector<16x1xi32>
        %gather3A_456 = vector.shape_cast %broadcast_in_dim3A_455 : vector<16x1xi32> to vector<16xi32>
        %gather3A_457 = tpu.dynamic_gather %scan3A_101#13[%gather3A_456] in [0] : vector<16xf32>, vector<16xi32> -> vector<16xf32>
        %mul3A_458 = arith.mulf %mul3A_140, %gather3A_457 : vector<16xf32>
        %add3A_459 = arith.addf %add3A_454, %mul3A_458 : vector<16xf32>
        %broadcast_in_dim3A_460 = vector.shape_cast %xor3A_10 : vector<16xi32> to vector<16x1xi32>
        %gather3A_461 = vector.shape_cast %broadcast_in_dim3A_460 : vector<16x1xi32> to vector<16xi32>
        %gather3A_462 = tpu.dynamic_gather %scan3A_101#13[%gather3A_461] in [0] : vector<16xf32>, vector<16xi32> -> vector<16xf32>
        %mul3A_463 = arith.mulf %mul3A_141, %gather3A_462 : vector<16xf32>
        %add3A_464 = arith.addf %add3A_459, %mul3A_463 : vector<16xf32>
        %mul3A_465 = arith.mulf %gather3A_129, %scan3A_101#12 : vector<16xf32>
        %add3A_466 = arith.addf %add3A_464, %mul3A_465 : vector<16xf32>
        %mul3A_467 = arith.mulf %gather3A_135, %scan3A_101#9 : vector<16xf32>
        %add3A_468 = arith.addf %add3A_466, %mul3A_467 : vector<16xf32>
        %mul3A_469 = arith.mulf %gather3A_138, %scan3A_101#5 : vector<16xf32>
        %add3A_470 = arith.addf %add3A_468, %mul3A_469 : vector<16xf32>
        %broadcast_in_dim3A_471 = vector.shape_cast %xor3A_1 : vector<16xi32> to vector<16x1xi32>
        %gather3A_472 = vector.shape_cast %broadcast_in_dim3A_471 : vector<16x1xi32> to vector<16xi32>
        %gather3A_473 = tpu.dynamic_gather %scan3A_101#14[%gather3A_472] in [0] : vector<16xf32>, vector<16xi32> -> vector<16xf32>
        %mul3A_474 = arith.mulf %mul3A, %gather3A_473 : vector<16xf32>
        %add3A_475 = arith.addf %scan3A_101#14, %mul3A_474 : vector<16xf32>
        %broadcast_in_dim3A_476 = vector.shape_cast %xor3A_4 : vector<16xi32> to vector<16x1xi32>
        %gather3A_477 = vector.shape_cast %broadcast_in_dim3A_476 : vector<16x1xi32> to vector<16xi32>
        %gather3A_478 = tpu.dynamic_gather %scan3A_101#14[%gather3A_477] in [0] : vector<16xf32>, vector<16xi32> -> vector<16xf32>
        %mul3A_479 = arith.mulf %mul3A_139, %gather3A_478 : vector<16xf32>
        %add3A_480 = arith.addf %add3A_475, %mul3A_479 : vector<16xf32>
        %broadcast_in_dim3A_481 = vector.shape_cast %xor3A_7 : vector<16xi32> to vector<16x1xi32>
        %gather3A_482 = vector.shape_cast %broadcast_in_dim3A_481 : vector<16x1xi32> to vector<16xi32>
        %gather3A_483 = tpu.dynamic_gather %scan3A_101#14[%gather3A_482] in [0] : vector<16xf32>, vector<16xi32> -> vector<16xf32>
        %mul3A_484 = arith.mulf %mul3A_140, %gather3A_483 : vector<16xf32>
        %add3A_485 = arith.addf %add3A_480, %mul3A_484 : vector<16xf32>
        %broadcast_in_dim3A_486 = vector.shape_cast %xor3A_10 : vector<16xi32> to vector<16x1xi32>
        %gather3A_487 = vector.shape_cast %broadcast_in_dim3A_486 : vector<16x1xi32> to vector<16xi32>
        %gather3A_488 = tpu.dynamic_gather %scan3A_101#14[%gather3A_487] in [0] : vector<16xf32>, vector<16xi32> -> vector<16xf32>
        %mul3A_489 = arith.mulf %mul3A_141, %gather3A_488 : vector<16xf32>
        %add3A_490 = arith.addf %add3A_485, %mul3A_489 : vector<16xf32>
        %mul3A_491 = arith.mulf %gather3A_132, %scan3A_101#12 : vector<16xf32>
        %add3A_492 = arith.addf %add3A_490, %mul3A_491 : vector<16xf32>
        %mul3A_493 = arith.mulf %gather3A_135, %scan3A_101#10 : vector<16xf32>
        %add3A_494 = arith.addf %add3A_492, %mul3A_493 : vector<16xf32>
        %mul3A_495 = arith.mulf %gather3A_138, %scan3A_101#6 : vector<16xf32>
        %add3A_496 = arith.addf %add3A_494, %mul3A_495 : vector<16xf32>
        %broadcast_in_dim3A_497 = vector.shape_cast %xor3A_1 : vector<16xi32> to vector<16x1xi32>
        %gather3A_498 = vector.shape_cast %broadcast_in_dim3A_497 : vector<16x1xi32> to vector<16xi32>
        %gather3A_499 = tpu.dynamic_gather %scan3A_101#15[%gather3A_498] in [0] : vector<16xf32>, vector<16xi32> -> vector<16xf32>
        %mul3A_500 = arith.mulf %mul3A, %gather3A_499 : vector<16xf32>
        %add3A_501 = arith.addf %scan3A_101#15, %mul3A_500 : vector<16xf32>
        %broadcast_in_dim3A_502 = vector.shape_cast %xor3A_4 : vector<16xi32> to vector<16x1xi32>
        %gather3A_503 = vector.shape_cast %broadcast_in_dim3A_502 : vector<16x1xi32> to vector<16xi32>
        %gather3A_504 = tpu.dynamic_gather %scan3A_101#15[%gather3A_503] in [0] : vector<16xf32>, vector<16xi32> -> vector<16xf32>
        %mul3A_505 = arith.mulf %mul3A_139, %gather3A_504 : vector<16xf32>
        %add3A_506 = arith.addf %add3A_501, %mul3A_505 : vector<16xf32>
        %broadcast_in_dim3A_507 = vector.shape_cast %xor3A_7 : vector<16xi32> to vector<16x1xi32>
        %gather3A_508 = vector.shape_cast %broadcast_in_dim3A_507 : vector<16x1xi32> to vector<16xi32>
        %gather3A_509 = tpu.dynamic_gather %scan3A_101#15[%gather3A_508] in [0] : vector<16xf32>, vector<16xi32> -> vector<16xf32>
        %mul3A_510 = arith.mulf %mul3A_140, %gather3A_509 : vector<16xf32>
        %add3A_511 = arith.addf %add3A_506, %mul3A_510 : vector<16xf32>
        %broadcast_in_dim3A_512 = vector.shape_cast %xor3A_10 : vector<16xi32> to vector<16x1xi32>
        %gather3A_513 = vector.shape_cast %broadcast_in_dim3A_512 : vector<16x1xi32> to vector<16xi32>
        %gather3A_514 = tpu.dynamic_gather %scan3A_101#15[%gather3A_513] in [0] : vector<16xf32>, vector<16xi32> -> vector<16xf32>
        %mul3A_515 = arith.mulf %mul3A_141, %gather3A_514 : vector<16xf32>
        %add3A_516 = arith.addf %add3A_511, %mul3A_515 : vector<16xf32>
        %mul3A_517 = arith.mulf %gather3A_129, %scan3A_101#14 : vector<16xf32>
        %add3A_518 = arith.addf %add3A_516, %mul3A_517 : vector<16xf32>
        %mul3A_519 = arith.mulf %gather3A_132, %scan3A_101#13 : vector<16xf32>
        %add3A_520 = arith.addf %add3A_518, %mul3A_519 : vector<16xf32>
        %mul3A_521 = arith.mulf %gather3A_135, %scan3A_101#11 : vector<16xf32>
        %add3A_522 = arith.addf %add3A_520, %mul3A_521 : vector<16xf32>
        %mul3A_523 = arith.mulf %gather3A_138, %scan3A_101#7 : vector<16xf32>
        %add3A_524 = arith.addf %add3A_522, %mul3A_523 : vector<16xf32>
        %swap3A = arith.constant 0 : i32
        %swap3A_525 = arith.index_cast %swap3A : i32 to index
        %swap3A_526 = arith.constant 0 : index
        %swap3A_527 = tpu.vector_load %arg6[%swap3A_525, %swap3A_526] {strides = array<i32>} : memref<17x16xf32, #tpu.memory_space<vmem>>, vector<16xf32>,
        tpu.vector_store %arg6[%swap3A_525, %swap3A_526], %add3A_160 {strides = array<i32>} : memref<17x16xf32, #tpu.memory_space<vmem>>, vector<16xf32>,
        %swap3A_528 = arith.constant 1 : i32
        %swap3A_529 = arith.index_cast %swap3A_528 : i32 to index
        %swap3A_530 = arith.constant 0 : index
        %swap3A_531 = tpu.vector_load %arg6[%swap3A_529, %swap3A_530] {strides = array<i32>} : memref<17x16xf32, #tpu.memory_space<vmem>>, vector<16xf32>,
        tpu.vector_store %arg6[%swap3A_529, %swap3A_530], %add3A_182 {strides = array<i32>} : memref<17x16xf32, #tpu.memory_space<vmem>>, vector<16xf32>,
        %swap3A_532 = arith.constant 2 : i32
        %swap3A_533 = arith.index_cast %swap3A_532 : i32 to index
        %swap3A_534 = arith.constant 0 : index
        %swap3A_535 = tpu.vector_load %arg6[%swap3A_533, %swap3A_534] {strides = array<i32>} : memref<17x16xf32, #tpu.memory_space<vmem>>, vector<16xf32>,
        tpu.vector_store %arg6[%swap3A_533, %swap3A_534], %add3A_204 {strides = array<i32>} : memref<17x16xf32, #tpu.memory_space<vmem>>, vector<16xf32>,
        %swap3A_536 = arith.constant 3 : i32
        %swap3A_537 = arith.index_cast %swap3A_536 : i32 to index
        %swap3A_538 = arith.constant 0 : index
        %swap3A_539 = tpu.vector_load %arg6[%swap3A_537, %swap3A_538] {strides = array<i32>} : memref<17x16xf32, #tpu.memory_space<vmem>>, vector<16xf32>,
        tpu.vector_store %arg6[%swap3A_537, %swap3A_538], %add3A_228 {strides = array<i32>} : memref<17x16xf32, #tpu.memory_space<vmem>>, vector<16xf32>,
        %swap3A_540 = arith.constant 4 : i32
        %swap3A_541 = arith.index_cast %swap3A_540 : i32 to index
        %swap3A_542 = arith.constant 0 : index
        %swap3A_543 = tpu.vector_load %arg6[%swap3A_541, %swap3A_542] {strides = array<i32>} : memref<17x16xf32, #tpu.memory_space<vmem>>, vector<16xf32>,
        tpu.vector_store %arg6[%swap3A_541, %swap3A_542], %add3A_250 {strides = array<i32>} : memref<17x16xf32, #tpu.memory_space<vmem>>, vector<16xf32>,
        %swap3A_544 = arith.constant 5 : i32
        %swap3A_545 = arith.index_cast %swap3A_544 : i32 to index
        %swap3A_546 = arith.constant 0 : index
        %swap3A_547 = tpu.vector_load %arg6[%swap3A_545, %swap3A_546] {strides = array<i32>} : memref<17x16xf32, #tpu.memory_space<vmem>>, vector<16xf32>,
        tpu.vector_store %arg6[%swap3A_545, %swap3A_546], %add3A_274 {strides = array<i32>} : memref<17x16xf32, #tpu.memory_space<vmem>>, vector<16xf32>,
        %swap3A_548 = arith.constant 6 : i32
        %swap3A_549 = arith.index_cast %swap3A_548 : i32 to index
        %swap3A_550 = arith.constant 0 : index
        %swap3A_551 = tpu.vector_load %arg6[%swap3A_549, %swap3A_550] {strides = array<i32>} : memref<17x16xf32, #tpu.memory_space<vmem>>, vector<16xf32>,
        tpu.vector_store %arg6[%swap3A_549, %swap3A_550], %add3A_298 {strides = array<i32>} : memref<17x16xf32, #tpu.memory_space<vmem>>, vector<16xf32>,
        %swap3A_552 = arith.constant 7 : i32
        %swap3A_553 = arith.index_cast %swap3A_552 : i32 to index
        %swap3A_554 = arith.constant 0 : index
        %swap3A_555 = tpu.vector_load %arg6[%swap3A_553, %swap3A_554] {strides = array<i32>} : memref<17x16xf32, #tpu.memory_space<vmem>>, vector<16xf32>,
        tpu.vector_store %arg6[%swap3A_553, %swap3A_554], %add3A_324 {strides = array<i32>} : memref<17x16xf32, #tpu.memory_space<vmem>>, vector<16xf32>,
        %swap3A_556 = arith.constant 8 : i32
        %swap3A_557 = arith.index_cast %swap3A_556 : i32 to index
        %swap3A_558 = arith.constant 0 : index
        %swap3A_559 = tpu.vector_load %arg6[%swap3A_557, %swap3A_558] {strides = array<i32>} : memref<17x16xf32, #tpu.memory_space<vmem>>, vector<16xf32>,
        tpu.vector_store %arg6[%swap3A_557, %swap3A_558], %add3A_346 {strides = array<i32>} : memref<17x16xf32, #tpu.memory_space<vmem>>, vector<16xf32>,
        %swap3A_560 = arith.constant 9 : i32
        %swap3A_561 = arith.index_cast %swap3A_560 : i32 to index
        %swap3A_562 = arith.constant 0 : index
        %swap3A_563 = tpu.vector_load %arg6[%swap3A_561, %swap3A_562] {strides = array<i32>} : memref<17x16xf32, #tpu.memory_space<vmem>>, vector<16xf32>,
        tpu.vector_store %arg6[%swap3A_561, %swap3A_562], %add3A_370 {strides = array<i32>} : memref<17x16xf32, #tpu.memory_space<vmem>>, vector<16xf32>,
        %swap3A_564 = arith.constant 10 : i32
        %swap3A_565 = arith.index_cast %swap3A_564 : i32 to index
        %swap3A_566 = arith.constant 0 : index
        %swap3A_567 = tpu.vector_load %arg6[%swap3A_565, %swap3A_566] {strides = array<i32>} : memref<17x16xf32, #tpu.memory_space<vmem>>, vector<16xf32>,
        tpu.vector_store %arg6[%swap3A_565, %swap3A_566], %add3A_394 {strides = array<i32>} : memref<17x16xf32, #tpu.memory_space<vmem>>, vector<16xf32>,
        %swap3A_568 = arith.constant 11 : i32
        %swap3A_569 = arith.index_cast %swap3A_568 : i32 to index
        %swap3A_570 = arith.constant 0 : index
        %swap3A_571 = tpu.vector_load %arg6[%swap3A_569, %swap3A_570] {strides = array<i32>} : memref<17x16xf32, #tpu.memory_space<vmem>>, vector<16xf32>,
        tpu.vector_store %arg6[%swap3A_569, %swap3A_570], %add3A_420 {strides = array<i32>} : memref<17x16xf32, #tpu.memory_space<vmem>>, vector<16xf32>,
        %swap3A_572 = arith.constant 12 : i32
        %swap3A_573 = arith.index_cast %swap3A_572 : i32 to index
        %swap3A_574 = arith.constant 0 : index
        %swap3A_575 = tpu.vector_load %arg6[%swap3A_573, %swap3A_574] {strides = array<i32>} : memref<17x16xf32, #tpu.memory_space<vmem>>, vector<16xf32>,
        tpu.vector_store %arg6[%swap3A_573, %swap3A_574], %add3A_444 {strides = array<i32>} : memref<17x16xf32, #tpu.memory_space<vmem>>, vector<16xf32>,
        %swap3A_576 = arith.constant 13 : i32
        %swap3A_577 = arith.index_cast %swap3A_576 : i32 to index
        %swap3A_578 = arith.constant 0 : index
        %swap3A_579 = tpu.vector_load %arg6[%swap3A_577, %swap3A_578] {strides = array<i32>} : memref<17x16xf32, #tpu.memory_space<vmem>>, vector<16xf32>,
        tpu.vector_store %arg6[%swap3A_577, %swap3A_578], %add3A_470 {strides = array<i32>} : memref<17x16xf32, #tpu.memory_space<vmem>>, vector<16xf32>,
        %swap3A_580 = arith.constant 14 : i32
        %swap3A_581 = arith.index_cast %swap3A_580 : i32 to index
        %swap3A_582 = arith.constant 0 : index
        %swap3A_583 = tpu.vector_load %arg6[%swap3A_581, %swap3A_582] {strides = array<i32>} : memref<17x16xf32, #tpu.memory_space<vmem>>, vector<16xf32>,
        tpu.vector_store %arg6[%swap3A_581, %swap3A_582], %add3A_496 {strides = array<i32>} : memref<17x16xf32, #tpu.memory_space<vmem>>, vector<16xf32>,
        %swap3A_584 = arith.constant 15 : i32
        %swap3A_585 = arith.index_cast %swap3A_584 : i32 to index
        %swap3A_586 = arith.constant 0 : index
        %swap3A_587 = tpu.vector_load %arg6[%swap3A_585, %swap3A_586] {strides = array<i32>} : memref<17x16xf32, #tpu.memory_space<vmem>>, vector<16xf32>,
        tpu.vector_store %arg6[%swap3A_585, %swap3A_586], %add3A_524 {strides = array<i32>} : memref<17x16xf32, #tpu.memory_space<vmem>>, vector<16xf32>,
        %bitcast3A = vector.bitcast %scan3A_101#16 : vector<16xi32> to vector<16xf32>
        %swap3A_588 = arith.constant 16 : i32
        %swap3A_589 = arith.index_cast %swap3A_588 : i32 to index
        %swap3A_590 = arith.constant 0 : index
        %swap3A_591 = tpu.vector_load %arg6[%swap3A_589, %swap3A_590] {strides = array<i32>} : memref<17x16xf32, #tpu.memory_space<vmem>>, vector<16xf32>,
        tpu.vector_store %arg6[%swap3A_589, %swap3A_590], %bitcast3A {strides = array<i32>} : memref<17x16xf32, #tpu.memory_space<vmem>>, vector<16xf32>,
      } else {
      }
      %eq3A_108 = arith.constant 1 : i32
      %eq3A_109 = arith.cmpi eq, %arg1, %eq3A_108 : i32
      %convert_element_type3A_110 = arith.extui %eq3A_109 : i1 to i32
      %cond3A_111 = arith.constant 0 : i32
      %cond3A_112 = arith.cmpi ne, %convert_element_type3A_110, %cond3A_111 : i32
      scf.if %cond3A_112 {
        %swap3A = arith.constant 0 : i32
        %swap3A_113 = arith.index_cast %swap3A : i32 to index
        %swap3A_114 = arith.constant 0 : index
        %swap3A_115 = tpu.vector_load %arg6[%swap3A_113, %swap3A_114] {strides = array<i32>} : memref<17x16xf32, #tpu.memory_space<vmem>>, vector<16xf32>,
        tpu.vector_store %arg6[%swap3A_113, %swap3A_114], %scan3A_101#0 {strides = array<i32>} : memref<17x16xf32, #tpu.memory_space<vmem>>, vector<16xf32>,
        %swap3A_116 = arith.constant 1 : i32
        %swap3A_117 = arith.index_cast %swap3A_116 : i32 to index
        %swap3A_118 = arith.constant 0 : index
        %swap3A_119 = tpu.vector_load %arg6[%swap3A_117, %swap3A_118] {strides = array<i32>} : memref<17x16xf32, #tpu.memory_space<vmem>>, vector<16xf32>,
        tpu.vector_store %arg6[%swap3A_117, %swap3A_118], %scan3A_101#1 {strides = array<i32>} : memref<17x16xf32, #tpu.memory_space<vmem>>, vector<16xf32>,
        %swap3A_120 = arith.constant 2 : i32
        %swap3A_121 = arith.index_cast %swap3A_120 : i32 to index
        %swap3A_122 = arith.constant 0 : index
        %swap3A_123 = tpu.vector_load %arg6[%swap3A_121, %swap3A_122] {strides = array<i32>} : memref<17x16xf32, #tpu.memory_space<vmem>>, vector<16xf32>,
        tpu.vector_store %arg6[%swap3A_121, %swap3A_122], %scan3A_101#2 {strides = array<i32>} : memref<17x16xf32, #tpu.memory_space<vmem>>, vector<16xf32>,
        %swap3A_124 = arith.constant 3 : i32
        %swap3A_125 = arith.index_cast %swap3A_124 : i32 to index
        %swap3A_126 = arith.constant 0 : index
        %swap3A_127 = tpu.vector_load %arg6[%swap3A_125, %swap3A_126] {strides = array<i32>} : memref<17x16xf32, #tpu.memory_space<vmem>>, vector<16xf32>,
        tpu.vector_store %arg6[%swap3A_125, %swap3A_126], %scan3A_101#3 {strides = array<i32>} : memref<17x16xf32, #tpu.memory_space<vmem>>, vector<16xf32>,
        %swap3A_128 = arith.constant 4 : i32
        %swap3A_129 = arith.index_cast %swap3A_128 : i32 to index
        %swap3A_130 = arith.constant 0 : index
        %swap3A_131 = tpu.vector_load %arg6[%swap3A_129, %swap3A_130] {strides = array<i32>} : memref<17x16xf32, #tpu.memory_space<vmem>>, vector<16xf32>,
        tpu.vector_store %arg6[%swap3A_129, %swap3A_130], %scan3A_101#4 {strides = array<i32>} : memref<17x16xf32, #tpu.memory_space<vmem>>, vector<16xf32>,
        %swap3A_132 = arith.constant 5 : i32
        %swap3A_133 = arith.index_cast %swap3A_132 : i32 to index
        %swap3A_134 = arith.constant 0 : index
        %swap3A_135 = tpu.vector_load %arg6[%swap3A_133, %swap3A_134] {strides = array<i32>} : memref<17x16xf32, #tpu.memory_space<vmem>>, vector<16xf32>,
        tpu.vector_store %arg6[%swap3A_133, %swap3A_134], %scan3A_101#5 {strides = array<i32>} : memref<17x16xf32, #tpu.memory_space<vmem>>, vector<16xf32>,
        %swap3A_136 = arith.constant 6 : i32
        %swap3A_137 = arith.index_cast %swap3A_136 : i32 to index
        %swap3A_138 = arith.constant 0 : index
        %swap3A_139 = tpu.vector_load %arg6[%swap3A_137, %swap3A_138] {strides = array<i32>} : memref<17x16xf32, #tpu.memory_space<vmem>>, vector<16xf32>,
        tpu.vector_store %arg6[%swap3A_137, %swap3A_138], %scan3A_101#6 {strides = array<i32>} : memref<17x16xf32, #tpu.memory_space<vmem>>, vector<16xf32>,
        %swap3A_140 = arith.constant 7 : i32
        %swap3A_141 = arith.index_cast %swap3A_140 : i32 to index
        %swap3A_142 = arith.constant 0 : index
        %swap3A_143 = tpu.vector_load %arg6[%swap3A_141, %swap3A_142] {strides = array<i32>} : memref<17x16xf32, #tpu.memory_space<vmem>>, vector<16xf32>,
        tpu.vector_store %arg6[%swap3A_141, %swap3A_142], %scan3A_101#7 {strides = array<i32>} : memref<17x16xf32, #tpu.memory_space<vmem>>, vector<16xf32>,
        %swap3A_144 = arith.constant 8 : i32
        %swap3A_145 = arith.index_cast %swap3A_144 : i32 to index
        %swap3A_146 = arith.constant 0 : index
        %swap3A_147 = tpu.vector_load %arg6[%swap3A_145, %swap3A_146] {strides = array<i32>} : memref<17x16xf32, #tpu.memory_space<vmem>>, vector<16xf32>,
        tpu.vector_store %arg6[%swap3A_145, %swap3A_146], %scan3A_101#8 {strides = array<i32>} : memref<17x16xf32, #tpu.memory_space<vmem>>, vector<16xf32>,
        %swap3A_148 = arith.constant 9 : i32
        %swap3A_149 = arith.index_cast %swap3A_148 : i32 to index
        %swap3A_150 = arith.constant 0 : index
        %swap3A_151 = tpu.vector_load %arg6[%swap3A_149, %swap3A_150] {strides = array<i32>} : memref<17x16xf32, #tpu.memory_space<vmem>>, vector<16xf32>,
        tpu.vector_store %arg6[%swap3A_149, %swap3A_150], %scan3A_101#9 {strides = array<i32>} : memref<17x16xf32, #tpu.memory_space<vmem>>, vector<16xf32>,
        %swap3A_152 = arith.constant 10 : i32
        %swap3A_153 = arith.index_cast %swap3A_152 : i32 to index
        %swap3A_154 = arith.constant 0 : index
        %swap3A_155 = tpu.vector_load %arg6[%swap3A_153, %swap3A_154] {strides = array<i32>} : memref<17x16xf32, #tpu.memory_space<vmem>>, vector<16xf32>,
        tpu.vector_store %arg6[%swap3A_153, %swap3A_154], %scan3A_101#10 {strides = array<i32>} : memref<17x16xf32, #tpu.memory_space<vmem>>, vector<16xf32>,
        %swap3A_156 = arith.constant 11 : i32
        %swap3A_157 = arith.index_cast %swap3A_156 : i32 to index
        %swap3A_158 = arith.constant 0 : index
        %swap3A_159 = tpu.vector_load %arg6[%swap3A_157, %swap3A_158] {strides = array<i32>} : memref<17x16xf32, #tpu.memory_space<vmem>>, vector<16xf32>,
        tpu.vector_store %arg6[%swap3A_157, %swap3A_158], %scan3A_101#11 {strides = array<i32>} : memref<17x16xf32, #tpu.memory_space<vmem>>, vector<16xf32>,
        %swap3A_160 = arith.constant 12 : i32
        %swap3A_161 = arith.index_cast %swap3A_160 : i32 to index
        %swap3A_162 = arith.constant 0 : index
        %swap3A_163 = tpu.vector_load %arg6[%swap3A_161, %swap3A_162] {strides = array<i32>} : memref<17x16xf32, #tpu.memory_space<vmem>>, vector<16xf32>,
        tpu.vector_store %arg6[%swap3A_161, %swap3A_162], %scan3A_101#12 {strides = array<i32>} : memref<17x16xf32, #tpu.memory_space<vmem>>, vector<16xf32>,
        %swap3A_164 = arith.constant 13 : i32
        %swap3A_165 = arith.index_cast %swap3A_164 : i32 to index
        %swap3A_166 = arith.constant 0 : index
        %swap3A_167 = tpu.vector_load %arg6[%swap3A_165, %swap3A_166] {strides = array<i32>} : memref<17x16xf32, #tpu.memory_space<vmem>>, vector<16xf32>,
        tpu.vector_store %arg6[%swap3A_165, %swap3A_166], %scan3A_101#13 {strides = array<i32>} : memref<17x16xf32, #tpu.memory_space<vmem>>, vector<16xf32>,
        %swap3A_168 = arith.constant 14 : i32
        %swap3A_169 = arith.index_cast %swap3A_168 : i32 to index
        %swap3A_170 = arith.constant 0 : index
        %swap3A_171 = tpu.vector_load %arg6[%swap3A_169, %swap3A_170] {strides = array<i32>} : memref<17x16xf32, #tpu.memory_space<vmem>>, vector<16xf32>,
        tpu.vector_store %arg6[%swap3A_169, %swap3A_170], %scan3A_101#14 {strides = array<i32>} : memref<17x16xf32, #tpu.memory_space<vmem>>, vector<16xf32>,
        %swap3A_172 = arith.constant 15 : i32
        %swap3A_173 = arith.index_cast %swap3A_172 : i32 to index
        %swap3A_174 = arith.constant 0 : index
        %swap3A_175 = tpu.vector_load %arg6[%swap3A_173, %swap3A_174] {strides = array<i32>} : memref<17x16xf32, #tpu.memory_space<vmem>>, vector<16xf32>,
        tpu.vector_store %arg6[%swap3A_173, %swap3A_174], %scan3A_101#15 {strides = array<i32>} : memref<17x16xf32, #tpu.memory_space<vmem>>, vector<16xf32>,
        %bitcast3A = vector.bitcast %scan3A_101#16 : vector<16xi32> to vector<16xf32>
        %swap3A_176 = arith.constant 16 : i32
        %swap3A_177 = arith.index_cast %swap3A_176 : i32 to index
        %swap3A_178 = arith.constant 0 : index
        %swap3A_179 = tpu.vector_load %arg6[%swap3A_177, %swap3A_178] {strides = array<i32>} : memref<17x16xf32, #tpu.memory_space<vmem>>, vector<16xf32>,
        tpu.vector_store %arg6[%swap3A_177, %swap3A_178], %bitcast3A {strides = array<i32>} : memref<17x16xf32, #tpu.memory_space<vmem>>, vector<16xf32>,
      } else {
      }
    } else {
    }
    %eq3A_79 = arith.constant 1 : i32
    %eq3A_80 = arith.cmpi eq, %arg1, %eq3A_79 : i32
    %convert_element_type3A_81 = arith.extui %eq3A_80 : i1 to i32
    %cond3A_82 = arith.constant 0 : i32
    %cond3A_83 = arith.cmpi ne, %convert_element_type3A_81, %cond3A_82 : i32
    scf.if %cond3A_83 {
      "tpu.region"() ({
        %run_scoped3A = tpu.sem_alloc : memref<!tpu.dma_semaphore, #tpu.memory_space<semaphore_mem>>
        tpu.enqueue_dma source(%arg6 : memref<17x16xf32, #tpu.memory_space<vmem>>) target(%arg8 : memref<17x16xf32, #tpu.memory_space<vmem_shared>>) target_semaphore(%run_scoped3A : memref<!tpu.dma_semaphore, #tpu.memory_space<semaphore_mem>>)
        tpu.wait_dma2 semaphore(%run_scoped3A : memref<!tpu.dma_semaphore, #tpu.memory_space<semaphore_mem>>) src(%arg6 : memref<17x16xf32, #tpu.memory_space<vmem>>) dst(%arg8 : memref<17x16xf32, #tpu.memory_space<vmem_shared>>)
        tpu.yield
      }) : () -> ()
    } else {
    }
    %barrier3A = arith.constant 0 : index
    tpu.barrier barrier_id(%barrier3A)
    %eq3A_84 = arith.constant 0 : i32
    %eq3A_85 = arith.cmpi eq, %arg1, %eq3A_84 : i32
    %convert_element_type3A_86 = arith.extui %eq3A_85 : i1 to i32
    %cond3A_87 = arith.constant 0 : i32
    %cond3A_88 = arith.cmpi ne, %convert_element_type3A_86, %cond3A_87 : i32
    scf.if %cond3A_88 {
      "tpu.region"() ({
        %run_scoped3A = tpu.sem_alloc : memref<!tpu.dma_semaphore, #tpu.memory_space<semaphore_mem>>
        tpu.enqueue_dma source(%arg8 : memref<17x16xf32, #tpu.memory_space<vmem_shared>>) target(%arg7 : memref<17x16xf32, #tpu.memory_space<vmem>>) target_semaphore(%run_scoped3A : memref<!tpu.dma_semaphore, #tpu.memory_space<semaphore_mem>>)
        tpu.wait_dma2 semaphore(%run_scoped3A : memref<!tpu.dma_semaphore, #tpu.memory_space<semaphore_mem>>) src(%arg8 : memref<17x16xf32, #tpu.memory_space<vmem_shared>>) dst(%arg7 : memref<17x16xf32, #tpu.memory_space<vmem>>)
        tpu.yield
      }) : () -> ()
      %xor3A_89 = arith.constant 15 : i32
      %xor3A_90 = vector.broadcast %xor3A_89 : i32 to vector<16xi32>
      %xor3A_91 = arith.xori %iota3A, %xor3A_90 : vector<16xi32>
      %get3A = arith.constant 0 : i32
      %get3A_92 = arith.index_cast %get3A : i32 to index
      %get3A_93 = arith.constant 0 : index
      %get3A_94 = tpu.vector_load %arg6[%get3A_92, %get3A_93] {strides = array<i32>} : memref<17x16xf32, #tpu.memory_space<vmem>>, vector<16xf32>,
      %get3A_95 = arith.constant 15 : i32
      %get3A_96 = arith.index_cast %get3A_95 : i32 to index
      %get3A_97 = arith.constant 0 : index
      %get3A_98 = tpu.vector_load %arg7[%get3A_96, %get3A_97] {strides = array<i32>} : memref<17x16xf32, #tpu.memory_space<vmem>>, vector<16xf32>,
      %broadcast_in_dim3A_99 = vector.shape_cast %xor3A_91 : vector<16xi32> to vector<16x1xi32>
      %gather3A = vector.shape_cast %broadcast_in_dim3A_99 : vector<16x1xi32> to vector<16xi32>
      %gather3A_100 = tpu.dynamic_gather %get3A_98[%gather3A] in [0] : vector<16xf32>, vector<16xi32> -> vector<16xf32>
      %mul3A = arith.mulf %get3A_94, %gather3A_100 : vector<16xf32>
      %get3A_101 = arith.constant 1 : i32
      %get3A_102 = arith.index_cast %get3A_101 : i32 to index
      %get3A_103 = arith.constant 0 : index
      %get3A_104 = tpu.vector_load %arg6[%get3A_102, %get3A_103] {strides = array<i32>} : memref<17x16xf32, #tpu.memory_space<vmem>>, vector<16xf32>,
      %get3A_105 = arith.constant 14 : i32
      %get3A_106 = arith.index_cast %get3A_105 : i32 to index
      %get3A_107 = arith.constant 0 : index
      %get3A_108 = tpu.vector_load %arg7[%get3A_106, %get3A_107] {strides = array<i32>} : memref<17x16xf32, #tpu.memory_space<vmem>>, vector<16xf32>,
      %broadcast_in_dim3A_109 = vector.shape_cast %xor3A_91 : vector<16xi32> to vector<16x1xi32>
      %gather3A_110 = vector.shape_cast %broadcast_in_dim3A_109 : vector<16x1xi32> to vector<16xi32>
      %gather3A_111 = tpu.dynamic_gather %get3A_108[%gather3A_110] in [0] : vector<16xf32>, vector<16xi32> -> vector<16xf32>
      %mul3A_112 = arith.mulf %get3A_104, %gather3A_111 : vector<16xf32>
      %add3A = arith.addf %mul3A, %mul3A_112 : vector<16xf32>
      %get3A_113 = arith.constant 2 : i32
      %get3A_114 = arith.index_cast %get3A_113 : i32 to index
      %get3A_115 = arith.constant 0 : index
      %get3A_116 = tpu.vector_load %arg6[%get3A_114, %get3A_115] {strides = array<i32>} : memref<17x16xf32, #tpu.memory_space<vmem>>, vector<16xf32>,
      %get3A_117 = arith.constant 13 : i32
      %get3A_118 = arith.index_cast %get3A_117 : i32 to index
      %get3A_119 = arith.constant 0 : index
      %get3A_120 = tpu.vector_load %arg7[%get3A_118, %get3A_119] {strides = array<i32>} : memref<17x16xf32, #tpu.memory_space<vmem>>, vector<16xf32>,
      %broadcast_in_dim3A_121 = vector.shape_cast %xor3A_91 : vector<16xi32> to vector<16x1xi32>
      %gather3A_122 = vector.shape_cast %broadcast_in_dim3A_121 : vector<16x1xi32> to vector<16xi32>
      %gather3A_123 = tpu.dynamic_gather %get3A_120[%gather3A_122] in [0] : vector<16xf32>, vector<16xi32> -> vector<16xf32>
      %mul3A_124 = arith.mulf %get3A_116, %gather3A_123 : vector<16xf32>
      %add3A_125 = arith.addf %add3A, %mul3A_124 : vector<16xf32>
      %get3A_126 = arith.constant 3 : i32
      %get3A_127 = arith.index_cast %get3A_126 : i32 to index
      %get3A_128 = arith.constant 0 : index
      %get3A_129 = tpu.vector_load %arg6[%get3A_127, %get3A_128] {strides = array<i32>} : memref<17x16xf32, #tpu.memory_space<vmem>>, vector<16xf32>,
      %get3A_130 = arith.constant 12 : i32
      %get3A_131 = arith.index_cast %get3A_130 : i32 to index
      %get3A_132 = arith.constant 0 : index
      %get3A_133 = tpu.vector_load %arg7[%get3A_131, %get3A_132] {strides = array<i32>} : memref<17x16xf32, #tpu.memory_space<vmem>>, vector<16xf32>,
      %broadcast_in_dim3A_134 = vector.shape_cast %xor3A_91 : vector<16xi32> to vector<16x1xi32>
      %gather3A_135 = vector.shape_cast %broadcast_in_dim3A_134 : vector<16x1xi32> to vector<16xi32>
      %gather3A_136 = tpu.dynamic_gather %get3A_133[%gather3A_135] in [0] : vector<16xf32>, vector<16xi32> -> vector<16xf32>
      %mul3A_137 = arith.mulf %get3A_129, %gather3A_136 : vector<16xf32>
      %add3A_138 = arith.addf %add3A_125, %mul3A_137 : vector<16xf32>
      %get3A_139 = arith.constant 4 : i32
      %get3A_140 = arith.index_cast %get3A_139 : i32 to index
      %get3A_141 = arith.constant 0 : index
      %get3A_142 = tpu.vector_load %arg6[%get3A_140, %get3A_141] {strides = array<i32>} : memref<17x16xf32, #tpu.memory_space<vmem>>, vector<16xf32>,
      %get3A_143 = arith.constant 11 : i32
      %get3A_144 = arith.index_cast %get3A_143 : i32 to index
      %get3A_145 = arith.constant 0 : index
      %get3A_146 = tpu.vector_load %arg7[%get3A_144, %get3A_145] {strides = array<i32>} : memref<17x16xf32, #tpu.memory_space<vmem>>, vector<16xf32>,
      %broadcast_in_dim3A_147 = vector.shape_cast %xor3A_91 : vector<16xi32> to vector<16x1xi32>
      %gather3A_148 = vector.shape_cast %broadcast_in_dim3A_147 : vector<16x1xi32> to vector<16xi32>
      %gather3A_149 = tpu.dynamic_gather %get3A_146[%gather3A_148] in [0] : vector<16xf32>, vector<16xi32> -> vector<16xf32>
      %mul3A_150 = arith.mulf %get3A_142, %gather3A_149 : vector<16xf32>
      %add3A_151 = arith.addf %add3A_138, %mul3A_150 : vector<16xf32>
      %get3A_152 = arith.constant 5 : i32
      %get3A_153 = arith.index_cast %get3A_152 : i32 to index
      %get3A_154 = arith.constant 0 : index
      %get3A_155 = tpu.vector_load %arg6[%get3A_153, %get3A_154] {strides = array<i32>} : memref<17x16xf32, #tpu.memory_space<vmem>>, vector<16xf32>,
      %get3A_156 = arith.constant 10 : i32
      %get3A_157 = arith.index_cast %get3A_156 : i32 to index
      %get3A_158 = arith.constant 0 : index
      %get3A_159 = tpu.vector_load %arg7[%get3A_157, %get3A_158] {strides = array<i32>} : memref<17x16xf32, #tpu.memory_space<vmem>>, vector<16xf32>,
      %broadcast_in_dim3A_160 = vector.shape_cast %xor3A_91 : vector<16xi32> to vector<16x1xi32>
      %gather3A_161 = vector.shape_cast %broadcast_in_dim3A_160 : vector<16x1xi32> to vector<16xi32>
      %gather3A_162 = tpu.dynamic_gather %get3A_159[%gather3A_161] in [0] : vector<16xf32>, vector<16xi32> -> vector<16xf32>
      %mul3A_163 = arith.mulf %get3A_155, %gather3A_162 : vector<16xf32>
      %add3A_164 = arith.addf %add3A_151, %mul3A_163 : vector<16xf32>
      %get3A_165 = arith.constant 6 : i32
      %get3A_166 = arith.index_cast %get3A_165 : i32 to index
      %get3A_167 = arith.constant 0 : index
      %get3A_168 = tpu.vector_load %arg6[%get3A_166, %get3A_167] {strides = array<i32>} : memref<17x16xf32, #tpu.memory_space<vmem>>, vector<16xf32>,
      %get3A_169 = arith.constant 9 : i32
      %get3A_170 = arith.index_cast %get3A_169 : i32 to index
      %get3A_171 = arith.constant 0 : index
      %get3A_172 = tpu.vector_load %arg7[%get3A_170, %get3A_171] {strides = array<i32>} : memref<17x16xf32, #tpu.memory_space<vmem>>, vector<16xf32>,
      %broadcast_in_dim3A_173 = vector.shape_cast %xor3A_91 : vector<16xi32> to vector<16x1xi32>
      %gather3A_174 = vector.shape_cast %broadcast_in_dim3A_173 : vector<16x1xi32> to vector<16xi32>
      %gather3A_175 = tpu.dynamic_gather %get3A_172[%gather3A_174] in [0] : vector<16xf32>, vector<16xi32> -> vector<16xf32>
      %mul3A_176 = arith.mulf %get3A_168, %gather3A_175 : vector<16xf32>
      %add3A_177 = arith.addf %add3A_164, %mul3A_176 : vector<16xf32>
      %get3A_178 = arith.constant 7 : i32
      %get3A_179 = arith.index_cast %get3A_178 : i32 to index
      %get3A_180 = arith.constant 0 : index
      %get3A_181 = tpu.vector_load %arg6[%get3A_179, %get3A_180] {strides = array<i32>} : memref<17x16xf32, #tpu.memory_space<vmem>>, vector<16xf32>,
      %get3A_182 = arith.constant 8 : i32
      %get3A_183 = arith.index_cast %get3A_182 : i32 to index
      %get3A_184 = arith.constant 0 : index
      %get3A_185 = tpu.vector_load %arg7[%get3A_183, %get3A_184] {strides = array<i32>} : memref<17x16xf32, #tpu.memory_space<vmem>>, vector<16xf32>,
      %broadcast_in_dim3A_186 = vector.shape_cast %xor3A_91 : vector<16xi32> to vector<16x1xi32>
      %gather3A_187 = vector.shape_cast %broadcast_in_dim3A_186 : vector<16x1xi32> to vector<16xi32>
      %gather3A_188 = tpu.dynamic_gather %get3A_185[%gather3A_187] in [0] : vector<16xf32>, vector<16xi32> -> vector<16xf32>
      %mul3A_189 = arith.mulf %get3A_181, %gather3A_188 : vector<16xf32>
      %add3A_190 = arith.addf %add3A_177, %mul3A_189 : vector<16xf32>
      %get3A_191 = arith.constant 8 : i32
      %get3A_192 = arith.index_cast %get3A_191 : i32 to index
      %get3A_193 = arith.constant 0 : index
      %get3A_194 = tpu.vector_load %arg6[%get3A_192, %get3A_193] {strides = array<i32>} : memref<17x16xf32, #tpu.memory_space<vmem>>, vector<16xf32>,
      %get3A_195 = arith.constant 7 : i32
      %get3A_196 = arith.index_cast %get3A_195 : i32 to index
      %get3A_197 = arith.constant 0 : index
      %get3A_198 = tpu.vector_load %arg7[%get3A_196, %get3A_197] {strides = array<i32>} : memref<17x16xf32, #tpu.memory_space<vmem>>, vector<16xf32>,
      %broadcast_in_dim3A_199 = vector.shape_cast %xor3A_91 : vector<16xi32> to vector<16x1xi32>
      %gather3A_200 = vector.shape_cast %broadcast_in_dim3A_199 : vector<16x1xi32> to vector<16xi32>
      %gather3A_201 = tpu.dynamic_gather %get3A_198[%gather3A_200] in [0] : vector<16xf32>, vector<16xi32> -> vector<16xf32>
      %mul3A_202 = arith.mulf %get3A_194, %gather3A_201 : vector<16xf32>
      %add3A_203 = arith.addf %add3A_190, %mul3A_202 : vector<16xf32>
      %get3A_204 = arith.constant 9 : i32
      %get3A_205 = arith.index_cast %get3A_204 : i32 to index
      %get3A_206 = arith.constant 0 : index
      %get3A_207 = tpu.vector_load %arg6[%get3A_205, %get3A_206] {strides = array<i32>} : memref<17x16xf32, #tpu.memory_space<vmem>>, vector<16xf32>,
      %get3A_208 = arith.constant 6 : i32
      %get3A_209 = arith.index_cast %get3A_208 : i32 to index
      %get3A_210 = arith.constant 0 : index
      %get3A_211 = tpu.vector_load %arg7[%get3A_209, %get3A_210] {strides = array<i32>} : memref<17x16xf32, #tpu.memory_space<vmem>>, vector<16xf32>,
      %broadcast_in_dim3A_212 = vector.shape_cast %xor3A_91 : vector<16xi32> to vector<16x1xi32>
      %gather3A_213 = vector.shape_cast %broadcast_in_dim3A_212 : vector<16x1xi32> to vector<16xi32>
      %gather3A_214 = tpu.dynamic_gather %get3A_211[%gather3A_213] in [0] : vector<16xf32>, vector<16xi32> -> vector<16xf32>
      %mul3A_215 = arith.mulf %get3A_207, %gather3A_214 : vector<16xf32>
      %add3A_216 = arith.addf %add3A_203, %mul3A_215 : vector<16xf32>
      %get3A_217 = arith.constant 10 : i32
      %get3A_218 = arith.index_cast %get3A_217 : i32 to index
      %get3A_219 = arith.constant 0 : index
      %get3A_220 = tpu.vector_load %arg6[%get3A_218, %get3A_219] {strides = array<i32>} : memref<17x16xf32, #tpu.memory_space<vmem>>, vector<16xf32>,
      %get3A_221 = arith.constant 5 : i32
      %get3A_222 = arith.index_cast %get3A_221 : i32 to index
      %get3A_223 = arith.constant 0 : index
      %get3A_224 = tpu.vector_load %arg7[%get3A_222, %get3A_223] {strides = array<i32>} : memref<17x16xf32, #tpu.memory_space<vmem>>, vector<16xf32>,
      %broadcast_in_dim3A_225 = vector.shape_cast %xor3A_91 : vector<16xi32> to vector<16x1xi32>
      %gather3A_226 = vector.shape_cast %broadcast_in_dim3A_225 : vector<16x1xi32> to vector<16xi32>
      %gather3A_227 = tpu.dynamic_gather %get3A_224[%gather3A_226] in [0] : vector<16xf32>, vector<16xi32> -> vector<16xf32>
      %mul3A_228 = arith.mulf %get3A_220, %gather3A_227 : vector<16xf32>
      %add3A_229 = arith.addf %add3A_216, %mul3A_228 : vector<16xf32>
      %get3A_230 = arith.constant 11 : i32
      %get3A_231 = arith.index_cast %get3A_230 : i32 to index
      %get3A_232 = arith.constant 0 : index
      %get3A_233 = tpu.vector_load %arg6[%get3A_231, %get3A_232] {strides = array<i32>} : memref<17x16xf32, #tpu.memory_space<vmem>>, vector<16xf32>,
      %get3A_234 = arith.constant 4 : i32
      %get3A_235 = arith.index_cast %get3A_234 : i32 to index
      %get3A_236 = arith.constant 0 : index
      %get3A_237 = tpu.vector_load %arg7[%get3A_235, %get3A_236] {strides = array<i32>} : memref<17x16xf32, #tpu.memory_space<vmem>>, vector<16xf32>,
      %broadcast_in_dim3A_238 = vector.shape_cast %xor3A_91 : vector<16xi32> to vector<16x1xi32>
      %gather3A_239 = vector.shape_cast %broadcast_in_dim3A_238 : vector<16x1xi32> to vector<16xi32>
      %gather3A_240 = tpu.dynamic_gather %get3A_237[%gather3A_239] in [0] : vector<16xf32>, vector<16xi32> -> vector<16xf32>
      %mul3A_241 = arith.mulf %get3A_233, %gather3A_240 : vector<16xf32>
      %add3A_242 = arith.addf %add3A_229, %mul3A_241 : vector<16xf32>
      %get3A_243 = arith.constant 12 : i32
      %get3A_244 = arith.index_cast %get3A_243 : i32 to index
      %get3A_245 = arith.constant 0 : index
      %get3A_246 = tpu.vector_load %arg6[%get3A_244, %get3A_245] {strides = array<i32>} : memref<17x16xf32, #tpu.memory_space<vmem>>, vector<16xf32>,
      %get3A_247 = arith.constant 3 : i32
      %get3A_248 = arith.index_cast %get3A_247 : i32 to index
      %get3A_249 = arith.constant 0 : index
      %get3A_250 = tpu.vector_load %arg7[%get3A_248, %get3A_249] {strides = array<i32>} : memref<17x16xf32, #tpu.memory_space<vmem>>, vector<16xf32>,
      %broadcast_in_dim3A_251 = vector.shape_cast %xor3A_91 : vector<16xi32> to vector<16x1xi32>
      %gather3A_252 = vector.shape_cast %broadcast_in_dim3A_251 : vector<16x1xi32> to vector<16xi32>
      %gather3A_253 = tpu.dynamic_gather %get3A_250[%gather3A_252] in [0] : vector<16xf32>, vector<16xi32> -> vector<16xf32>
      %mul3A_254 = arith.mulf %get3A_246, %gather3A_253 : vector<16xf32>
      %add3A_255 = arith.addf %add3A_242, %mul3A_254 : vector<16xf32>
      %get3A_256 = arith.constant 13 : i32
      %get3A_257 = arith.index_cast %get3A_256 : i32 to index
      %get3A_258 = arith.constant 0 : index
      %get3A_259 = tpu.vector_load %arg6[%get3A_257, %get3A_258] {strides = array<i32>} : memref<17x16xf32, #tpu.memory_space<vmem>>, vector<16xf32>,
      %get3A_260 = arith.constant 2 : i32
      %get3A_261 = arith.index_cast %get3A_260 : i32 to index
      %get3A_262 = arith.constant 0 : index
      %get3A_263 = tpu.vector_load %arg7[%get3A_261, %get3A_262] {strides = array<i32>} : memref<17x16xf32, #tpu.memory_space<vmem>>, vector<16xf32>,
      %broadcast_in_dim3A_264 = vector.shape_cast %xor3A_91 : vector<16xi32> to vector<16x1xi32>
      %gather3A_265 = vector.shape_cast %broadcast_in_dim3A_264 : vector<16x1xi32> to vector<16xi32>
      %gather3A_266 = tpu.dynamic_gather %get3A_263[%gather3A_265] in [0] : vector<16xf32>, vector<16xi32> -> vector<16xf32>
      %mul3A_267 = arith.mulf %get3A_259, %gather3A_266 : vector<16xf32>
      %add3A_268 = arith.addf %add3A_255, %mul3A_267 : vector<16xf32>
      %get3A_269 = arith.constant 14 : i32
      %get3A_270 = arith.index_cast %get3A_269 : i32 to index
      %get3A_271 = arith.constant 0 : index
      %get3A_272 = tpu.vector_load %arg6[%get3A_270, %get3A_271] {strides = array<i32>} : memref<17x16xf32, #tpu.memory_space<vmem>>, vector<16xf32>,
      %get3A_273 = arith.constant 1 : i32
      %get3A_274 = arith.index_cast %get3A_273 : i32 to index
      %get3A_275 = arith.constant 0 : index
      %get3A_276 = tpu.vector_load %arg7[%get3A_274, %get3A_275] {strides = array<i32>} : memref<17x16xf32, #tpu.memory_space<vmem>>, vector<16xf32>,
      %broadcast_in_dim3A_277 = vector.shape_cast %xor3A_91 : vector<16xi32> to vector<16x1xi32>
      %gather3A_278 = vector.shape_cast %broadcast_in_dim3A_277 : vector<16x1xi32> to vector<16xi32>
      %gather3A_279 = tpu.dynamic_gather %get3A_276[%gather3A_278] in [0] : vector<16xf32>, vector<16xi32> -> vector<16xf32>
      %mul3A_280 = arith.mulf %get3A_272, %gather3A_279 : vector<16xf32>
      %add3A_281 = arith.addf %add3A_268, %mul3A_280 : vector<16xf32>
      %get3A_282 = arith.constant 15 : i32
      %get3A_283 = arith.index_cast %get3A_282 : i32 to index
      %get3A_284 = arith.constant 0 : index
      %get3A_285 = tpu.vector_load %arg6[%get3A_283, %get3A_284] {strides = array<i32>} : memref<17x16xf32, #tpu.memory_space<vmem>>, vector<16xf32>,
      %get3A_286 = arith.constant 0 : i32
      %get3A_287 = arith.index_cast %get3A_286 : i32 to index
      %get3A_288 = arith.constant 0 : index
      %get3A_289 = tpu.vector_load %arg7[%get3A_287, %get3A_288] {strides = array<i32>} : memref<17x16xf32, #tpu.memory_space<vmem>>, vector<16xf32>,
      %broadcast_in_dim3A_290 = vector.shape_cast %xor3A_91 : vector<16xi32> to vector<16x1xi32>
      %gather3A_291 = vector.shape_cast %broadcast_in_dim3A_290 : vector<16x1xi32> to vector<16xi32>
      %gather3A_292 = tpu.dynamic_gather %get3A_289[%gather3A_291] in [0] : vector<16xf32>, vector<16xi32> -> vector<16xf32>
      %mul3A_293 = arith.mulf %get3A_285, %gather3A_292 : vector<16xf32>
      %add3A_294 = arith.addf %add3A_281, %mul3A_293 : vector<16xf32>
      %broadcast_in_dim3A_295 = vector.shape_cast %xor3A_1 : vector<16xi32> to vector<16x1xi32>
      %gather3A_296 = vector.shape_cast %broadcast_in_dim3A_295 : vector<16x1xi32> to vector<16xi32>
      %gather3A_297 = tpu.dynamic_gather %add3A_294[%gather3A_296] in [0] : vector<16xf32>, vector<16xi32> -> vector<16xf32>
      %add3A_298 = arith.addf %add3A_294, %gather3A_297 : vector<16xf32>
      %broadcast_in_dim3A_299 = vector.shape_cast %xor3A_4 : vector<16xi32> to vector<16x1xi32>
      %gather3A_300 = vector.shape_cast %broadcast_in_dim3A_299 : vector<16x1xi32> to vector<16xi32>
      %gather3A_301 = tpu.dynamic_gather %add3A_298[%gather3A_300] in [0] : vector<16xf32>, vector<16xi32> -> vector<16xf32>
      %add3A_302 = arith.addf %add3A_298, %gather3A_301 : vector<16xf32>
      %broadcast_in_dim3A_303 = vector.shape_cast %xor3A_7 : vector<16xi32> to vector<16x1xi32>
      %gather3A_304 = vector.shape_cast %broadcast_in_dim3A_303 : vector<16x1xi32> to vector<16xi32>
      %gather3A_305 = tpu.dynamic_gather %add3A_302[%gather3A_304] in [0] : vector<16xf32>, vector<16xi32> -> vector<16xf32>
      %add3A_306 = arith.addf %add3A_302, %gather3A_305 : vector<16xf32>
      %broadcast_in_dim3A_307 = vector.shape_cast %xor3A_10 : vector<16xi32> to vector<16x1xi32>
      %gather3A_308 = vector.shape_cast %broadcast_in_dim3A_307 : vector<16x1xi32> to vector<16xi32>
      %gather3A_309 = tpu.dynamic_gather %add3A_306[%gather3A_308] in [0] : vector<16xf32>, vector<16xi32> -> vector<16xf32>
      %add3A_310 = arith.addf %add3A_306, %gather3A_309 : vector<16xf32>
      %get3A_311 = arith.constant 16 : i32
      %get3A_312 = arith.index_cast %get3A_311 : i32 to index
      %get3A_313 = arith.constant 0 : index
      %get3A_314 = tpu.vector_load %arg6[%get3A_312, %get3A_313] {strides = array<i32>} : memref<17x16xf32, #tpu.memory_space<vmem>>, vector<16xf32>,
      %bitcast3A = vector.bitcast %get3A_314 : vector<16xf32> to vector<16xi32>
      %get3A_315 = arith.constant 16 : i32
      %get3A_316 = arith.index_cast %get3A_315 : i32 to index
      %get3A_317 = arith.constant 0 : index
      %get3A_318 = tpu.vector_load %arg7[%get3A_316, %get3A_317] {strides = array<i32>} : memref<17x16xf32, #tpu.memory_space<vmem>>, vector<16xf32>,
      %bitcast3A_319 = vector.bitcast %get3A_318 : vector<16xf32> to vector<16xi32>
      %add3A_320 = arith.addi %bitcast3A, %bitcast3A_319 : vector<16xi32>
      %bitcast3A_321 = vector.bitcast %add3A_310 : vector<16xf32> to vector<16xi32>
      %shift_right_arithmetic3A_322 = arith.constant 23 : i32
      %shift_right_arithmetic3A_323 = vector.broadcast %shift_right_arithmetic3A_322 : i32 to vector<16xi32>
      %shift_right_arithmetic3A_324 = arith.shrsi %bitcast3A_321, %shift_right_arithmetic3A_323 : vector<16xi32>
      %and3A_325 = arith.constant 255 : i32
      %and3A_326 = vector.broadcast %and3A_325 : i32 to vector<16xi32>
      %and3A_327 = arith.andi %shift_right_arithmetic3A_324, %and3A_326 : vector<16xi32>
      %sub3A = arith.constant 254 : i32
      %sub3A_328 = vector.broadcast %sub3A : i32 to vector<16xi32>
      %sub3A_329 = arith.subi %sub3A_328, %and3A_327 : vector<16xi32>
      %shift_left3A = arith.constant 23 : i32
      %shift_left3A_330 = vector.broadcast %shift_left3A : i32 to vector<16xi32>
      %shift_left3A_331 = arith.shli %sub3A_329, %shift_left3A_330 : vector<16xi32>
      %bitcast3A_332 = vector.bitcast %shift_left3A_331 : vector<16xi32> to vector<16xf32>
      %mul3A_333 = arith.mulf %add3A_310, %bitcast3A_332 : vector<16xf32>
      %sub3A_334 = arith.constant 1.000000e+00 : f32
      %sub3A_335 = vector.broadcast %sub3A_334 : f32 to vector<16xf32>
      %sub3A_336 = arith.subf %mul3A_333, %sub3A_335 : vector<16xf32>
      %add3A_337 = arith.constant 1.000000e+00 : f32
      %add3A_338 = vector.broadcast %add3A_337 : f32 to vector<16xf32>
      %add3A_339 = arith.addf %mul3A_333, %add3A_338 : vector<16xf32>
      %div3A = arith.divf %sub3A_336, %add3A_339 : vector<16xf32>
      %mul3A_340 = arith.constant 2.000000e+00 : f32
      %mul3A_341 = vector.broadcast %mul3A_340 : f32 to vector<16xf32>
      %mul3A_342 = arith.mulf %mul3A_341, %div3A : vector<16xf32>
      %mul3A_343 = arith.constant 0.666666686 : f32
      %mul3A_344 = vector.broadcast %mul3A_343 : f32 to vector<16xf32>
      %mul3A_345 = arith.mulf %mul3A_344, %div3A : vector<16xf32>
      %mul3A_346 = arith.mulf %mul3A_345, %div3A : vector<16xf32>
      %mul3A_347 = arith.mulf %mul3A_346, %div3A : vector<16xf32>
      %add3A_348 = arith.addf %mul3A_342, %mul3A_347 : vector<16xf32>
      %neg3A = arith.constant 0.000000e+00 : f32
      %neg3A_349 = vector.broadcast %neg3A : f32 to vector<16xf32>
      %neg3A_350 = arith.subf %neg3A_349, %add3A_348 : vector<16xf32>
      %exp3A = math.exp %neg3A_350 : vector<16xf32>
      %mul3A_351 = arith.mulf %mul3A_333, %exp3A : vector<16xf32>
      %add3A_352 = arith.addf %add3A_348, %mul3A_351 : vector<16xf32>
      %sub3A_353 = arith.constant 1.000000e+00 : f32
      %sub3A_354 = vector.broadcast %sub3A_353 : f32 to vector<16xf32>
      %sub3A_355 = arith.subf %add3A_352, %sub3A_354 : vector<16xf32>
      %neg3A_356 = arith.constant 0.000000e+00 : f32
      %neg3A_357 = vector.broadcast %neg3A_356 : f32 to vector<16xf32>
      %neg3A_358 = arith.subf %neg3A_357, %sub3A_355 : vector<16xf32>
      %exp3A_359 = math.exp %neg3A_358 : vector<16xf32>
      %mul3A_360 = arith.mulf %mul3A_333, %exp3A_359 : vector<16xf32>
      %add3A_361 = arith.addf %sub3A_355, %mul3A_360 : vector<16xf32>
      %sub3A_362 = arith.constant 1.000000e+00 : f32
      %sub3A_363 = vector.broadcast %sub3A_362 : f32 to vector<16xf32>
      %sub3A_364 = arith.subf %add3A_361, %sub3A_363 : vector<16xf32>
      %sub3A_365 = arith.constant 127 : i32
      %sub3A_366 = vector.broadcast %sub3A_365 : i32 to vector<16xi32>
      %sub3A_367 = arith.subi %and3A_327, %sub3A_366 : vector<16xi32>
      %add3A_368 = arith.addi %sub3A_367, %add3A_320 : vector<16xi32>
      %convert_element_type3A_369 = arith.sitofp %add3A_368 : vector<16xi32> to vector<16xf32>
      %mul3A_370 = arith.constant 0.693147182 : f32
      %mul3A_371 = vector.broadcast %mul3A_370 : f32 to vector<16xf32>
      %mul3A_372 = arith.mulf %convert_element_type3A_369, %mul3A_371 : vector<16xf32>
      %add3A_373 = arith.addf %sub3A_364, %mul3A_372 : vector<16xf32>
      %swap3A = arith.constant 0 : index
      %swap3A_374 = tpu.vector_load %arg9[%swap3A] {strides = array<i32>} : memref<16xf32, #tpu.memory_space<vmem>>, vector<16xf32>,
      tpu.vector_store %arg9[%swap3A], %add3A_373 {strides = array<i32>} : memref<16xf32, #tpu.memory_space<vmem>>, vector<16xf32>,
      "tpu.region"() ({
        %run_scoped3A = tpu.sem_alloc : memref<!tpu.dma_semaphore, #tpu.memory_space<semaphore_mem>>
        tpu.enqueue_dma source(%arg9 : memref<16xf32, #tpu.memory_space<vmem>>) target(%arg4 : memref<16xf32, #tpu.memory_space<hbm>>) target_semaphore(%run_scoped3A : memref<!tpu.dma_semaphore, #tpu.memory_space<semaphore_mem>>)
        tpu.wait_dma2 semaphore(%run_scoped3A : memref<!tpu.dma_semaphore, #tpu.memory_space<semaphore_mem>>) src(%arg9 : memref<16xf32, #tpu.memory_space<vmem>>) dst(%arg4 : memref<16xf32, #tpu.memory_space<hbm>>)
        tpu.yield
      }) : () -> ()
    } else {
    }
    return
  }
}

</mosaic_0001>

<sc_bundles>
// kernel: _sc_forward.3.cloned.1.call-start
scs
__scs_entry_jumppad:
0x0: {  	(pc) =	sbr.rel $0x88, $3  }
0x1: {  	(tag) =	ssettag $0x0;
	lr =	simm.s32 $0x1  }
0x2: {  	[smem:$0x3F9F] =	sst lr;
	_ =	strace $0xD0000000  }
0x3: {  	_ = 	snop  }
0x4: {  	_ = 	snop  }
0x5: {  	_ = 	snop  }
0x6: {  	_ = 	snop  }
0x7: {  	_ = 	snop  }
__scs_overlays_trampoline_lowered:
0x8: {  	[smem:$0x3FAE] =	sst s0  }
0x9: {  	[smem:$0x3FAF] =	sst s1  }
0xa: {  	[smem:$0x3FB0] =	sst s2  }
0xb: {  	[smem:$0x3FB1] =	sst s3  }
0xc: {  	[smem:$0x3FB2] =	sst s4  }
0xd: {  	[smem:$0x3FB3] =	sst s5  }
0xe: {  	[smem:$0x3FB4] =	sst s6  }
0xf: {  	[smem:$0x3FB5] =	sst s7  }
0x10: {  	[smem:$0x3FB6] =	sst s8  }
0x11: {  	[smem:$0x3FB7] =	sst s9;
	s0 =	simm.s32 @!p0 $0x0  }
0x12: {  	s1 =	sld [smem:$0x3F9D];
	s0 =	simm.s32 @p0 $0x1  }
0x13: {  	[smem:$0x3FB8] =	sst s0;
	s0 =	simm.s32 @!p1 $0x0  }
0x14: {  	s2 =	sld [smem:$0x3F9C];
	s0 =	simm.s32 @p1 $0x1  }
0x15: {  	[smem:$0x3FB9] =	sst s0;
	s0 =	simm.s32 @!p2 $0x0  }
0x16: {  	s3 =	sld [smem:$0x3FDB];
	s0 =	simm.s32 @p2 $0x1  }
0x17: {  	s4 =	simm.s32 $0x1BF5;
	[smem:$0x3FBB] =	sst s0  }
0x18: {  	s0 =	sld [smem:$0x3F9E];
	_ =	swait.ge [sflag:s4], $0x0  }
0x19: {  	s7 =	sld [smem:$0x3F9F]  }
0x1a: {  	s8 =	sadd.s32 $0xFFFFE003, lr  }
0x1b: {  	s9 =	sadd.s32 $0xFFFFFEF7, lr;
	s5 =	simm.s32 $0xFFFFFFFF;
	p2 =	slt.u32 s8, $0xFFFFF086  }
0x1c: {  	p1 =	slt.u32 s9, $0xF7A;
	s5 =	simm.s32 @!p2 $0x0  }
0x1d: {  	s5 =	simm.s32 @p1 $0x1;
	p0 =	seq.s32 s7, s2  }
0x1e: {  	s7 =	smul.u32 @!p0 $0xF7A, s2;
	p2 =	seq.s32 @!p0 s5, $0x0  }
0x1f: {  	s9 =	smul.u32 $0xF7A, s1;
	s8 =	simm.s32 @!p0 $0x1BF5;
	p2 =	por !p2, p0  }
0x20: {  	[sflag:s8] =	ssyncset.s32 @!p0 $0xFFFFF086;
	s6 =	sadd.s32 @!p0 s3, s7;
	s7 =	simm.s32 @!p0 $0x108  }
0x21: {  	s3 =	sadd.s32 s3, s9;
	s6 =	sadd.s32 @!p0 $0x88, s6;
	s7 =	simm.s32 @p2 $0x1082  }
0x22: {  	[simem:s7], [sflag:s8] =	dma.local @!p0 [hbm:s6], $0xF7A  }
0x23: {  	s9 =	sor.u32 $0xD0000000, s2;
	s6 =	simm.s32 $0x108;
	_ =	swait.ge @!p0 [sflag:s8], $0x0  }
0x24: {  	s3 =	sadd.s32 $0x88, s3;
	s6 =	simm.s32 @!p1 $0x1082;
	[sflag:s4] =	ssyncset.s32 $0xFFFFF086  }
0x25: {  	[simem:s6], [sflag:s4] =	dma.local [hbm:s3], $0xF7A  }
0x26: {  	[smem:$0x3F9F] =	sst s1;
	(tag) =	ssettag s2;
	_ =	strace s9  }
0x27: {  	s1 =	sld [smem:$0x3FAF]  }
0x28: {  	s2 =	sld [smem:$0x3FB0]  }
0x29: {  	s4 =	sld [smem:$0x3FB2]  }
0x2a: {  	p0 =	seq.s32 s5, $0x0;
	s5 =	sld [smem:$0x3FB3]  }
0x2b: {  	s6 =	sld [smem:$0x3FB4]  }
0x2c: {  	s7 =	sld [smem:$0x3FB5]  }
0x2d: {  	s3 =	simm.s32 $0x108;
	s8 =	sld [smem:$0x3FB6]  }
0x2e: {  	s3 =	simm.s32 @!p0 $0x1082;
	s9 =	sld [smem:$0x3FB7]  }
0x2f: {  	lr =	sadd.s32 s0, s3;
	s0 =	sld [smem:$0x3FAE]  }
0x30: {  	s3 =	sld [smem:$0x3FB1]  }
0x31: {  	[smem:$0x3FBA] =	sst s10  }
0x32: {  	s10 =	sld [smem:$0x3FB8];
	_ =	sdelay $0x3  }
0x33: {  	p0 =	seq.s32 s10, $0x1;
	s10 =	sld [smem:$0x3FBA];
	_ =	sdelay $0x3  }
0x34: {  	[smem:$0x3FBA] =	sst s10  }
0x35: {  	s10 =	sld [smem:$0x3FB9];
	_ =	sdelay $0x3  }
0x36: {  	p1 =	seq.s32 s10, $0x1;
	s10 =	sld [smem:$0x3FBA];
	_ =	sdelay $0x3  }
0x37: {  	[smem:$0x3FBA] =	sst s10  }
0x38: {  	s10 =	sld [smem:$0x3FBB]  }
0x39: {  	_ = 	snop;
	(pc) =	sbr.ind lr, $3  }
0x3a: {  	_ = 	snop  }
0x3b: {  	_ = 	snop  }
0x3c: {  	p2 =	seq.s32 s10, $0x1;
	s10 =	sld [smem:$0x3FBA]  }
0x3d: {  	_ =	shalt  }
0x3e: {  	_ =	shalt  }
0x3f: {  	_ =	shalt  }
0x40: {  	_ =	shalt  }
0x41: {  	_ =	shalt  }
0x42: {  	_ =	shalt  }
0x43: {  	_ =	shalt  }
0x44: {  	_ =	shalt  }
0x45: {  	_ =	shalt  }
0x46: {  	_ =	shalt  }
0x47: {  	_ =	shalt  }
0x48: {  	_ =	shalt  }
0x49: {  	_ =	shalt  }
0x4a: {  	_ =	shalt  }
0x4b: {  	_ =	shalt  }
0x4c: {  	_ =	shalt  }
0x4d: {  	_ =	shalt  }
0x4e: {  	_ =	shalt  }
0x4f: {  	_ =	shalt  }
0x50: {  	_ =	shalt  }
0x51: {  	_ =	shalt  }
0x52: {  	_ =	shalt  }
0x53: {  	_ =	shalt  }
0x54: {  	_ =	shalt  }
0x55: {  	_ =	shalt  }
0x56: {  	_ =	shalt  }
0x57: {  	_ =	shalt  }
0x58: {  	_ =	shalt  }
0x59: {  	_ =	shalt  }
0x5a: {  	_ =	shalt  }
0x5b: {  	_ =	shalt  }
0x5c: {  	_ =	shalt  }
0x5d: {  	_ =	shalt  }
0x5e: {  	_ =	shalt  }
0x5f: {  	_ =	shalt  }
0x60: {  	_ =	shalt  }
0x61: {  	_ =	shalt  }
0x62: {  	_ =	shalt  }
0x63: {  	_ =	shalt  }
0x64: {  	_ =	shalt  }
0x65: {  	_ =	shalt  }
0x66: {  	_ =	shalt  }
0x67: {  	_ =	shalt  }
0x68: {  	_ =	shalt  }
0x69: {  	_ =	shalt  }
0x6a: {  	_ =	shalt  }
0x6b: {  	_ =	shalt  }
0x6c: {  	_ =	shalt  }
0x6d: {  	_ =	shalt  }
0x6e: {  	_ =	shalt  }
0x6f: {  	_ =	shalt  }
0x70: {  	_ =	shalt  }
0x71: {  	_ =	shalt  }
0x72: {  	_ =	shalt  }
0x73: {  	_ =	shalt  }
0x74: {  	_ =	shalt  }
0x75: {  	_ =	shalt  }
0x76: {  	_ =	shalt  }
0x77: {  	_ =	shalt  }
0x78: {  	_ =	shalt  }
0x79: {  	_ =	shalt  }
0x7a: {  	_ =	shalt  }
0x7b: {  	_ =	shalt  }
0x7c: {  	_ =	shalt  }
0x7d: {  	_ =	shalt  }
0x7e: {  	_ =	shalt  }
0x7f: {  	_ =	shalt  }
0x80: {  	_ =	shalt  }
0x81: {  	_ =	shalt  }
0x82: {  	_ =	shalt  }
0x83: {  	_ =	shalt  }
0x84: {  	_ =	shalt  }
0x85: {  	_ =	shalt  }
0x86: {  	_ =	shalt  }
0x87: {  	_ =	shalt  }
.Lfunc_end0:
.L_simem_size_0:
called_computation_lowered:
.L_overlay_start_0:
0x88: {  	s0 =	sld [smem:$0x3FD9]  }
0x89: {  	s1 =	sld [smem:$0x3FFE];
	_ =	sdelay $0x3  }
0x8a: {  	s0 =	sadd.s32 s1, s0  }
0x8b: {  	[smem:$0x3FC6] =	sst s0  }
0x8c: {  	_ = 	snop  }
0x8d: {  	s0 =	sld [smem:$0x3FD0];
	(tm) =	ssettm $0x1  }
0x8e: {  	s16 =	sld [smem:$0x3FFB];
	_ =	sdelay $0x3  }
0x8f: {  	_ =	strace s16  }
0x90: {  	s1 =	sld [smem:$0x3FFC];
	_ =	sdelay $0x3  }
0x91: {  	_ =	strace s1  }
0x92: {  	s1 =	sld [smem:$0x3FFD];
	_ =	sdelay $0x3  }
0x93: {  	_ =	strace s1  }
0x94: {  	_ =	strace $0x8FFFFFFF  }
0x95: {  	s17 =	sld [smem:$0x3FDB];
	_ =	sdelay $0x1  }
0x96: {  	s2 =	simm.s32 $_scs_section_size  }
0x97: {  	s3 =	simm.s32 $_size__tile_overlayer_lowered;
	s4 =	simm.s32 $_tile_overlayer_lowered  }
0x98: {  	s20 =	simm.s32 $0x1BFF;
	s19 =	sshll.u32 s4, $0x1;
	s1 =	sadd.s32 s2, s17  }
0x99: {  	s5 =	simm.s32 $0x0;
	s18 =	sshll.u32 s3, $0x1;
	s3 =	sadd.s32 s19, s1  }
0x9a: {  	[timem:s5], [sflag:s20] =	dma.local [hbm:s3], s18  }
0x9b: {  	_ =	swait.ge [sflag:s20], s18  }
0x9c: {  	s2 =	ssub.s32 $0x0, s18;
	[sflag:s20] =	ssyncset.done $0x0  }
0x9d: {  	[sflag:s20] =	ssyncadd.s32 s2;
	_ =	sdelay $0x1  }
0x9e: {  	s21 =	simm.s32 $0x1B8B  }
0x9f: {  	_ =	swait.ge [sflag:s21], $0x1  }
0xa0: {  	[sflag:s21] =	ssyncset.done $0x0  }
0xa1: {  	s23 =	simm.s32 $0x1B8E;
	s22 =	sld [smem:$0x3FFE];
	[sflag:s21] =	ssyncadd.s32 $0xFFFFFFFF  }
0xa2: {  	s24 =	simm.s32 $execute0_lowered;
	[smem:$0x3FD2] =	sst s23  }
0xa3: {  	s3 =	sshll.u32 s24, $0x1;
	_ =	strace $0x80000046;
	[dreg:$0x1] =	wrdreg $0xFFFFFFFF  }
0xa4: {  	s25 =	simm.s32 $_size_execute0_lowered;
	s1 =	sadd.s32 s1, s3;
	[dreg:$0x0] =	wrdreg $0x0  }
0xa5: {  	s3 =	sshll.u32 s25, $0x1;
	[dreg:$0x2] =	wrdreg s1  }
0xa6: {  	[dreg:$0x3] =	wrdreg s3  }
0xa7: {  	[dreg:$0x4] =	wrdreg $0xC0  }
0xa8: {  	_ =	task [dreg:s5], $0x5FFFF  }
0xa9: {  	[dreg:$0x1] =	wrdreg $0xFFFFFFFF  }
0xaa: {  	[dreg:$0x0] =	wrdreg $0x60  }
0xab: {  	[dreg:$0x2] =	wrdreg s22  }
0xac: {  	[dreg:$0x3] =	wrdreg s0  }
0xad: {  	[dreg:$0x4] =	wrdreg $0x9C000  }
0xae: {  	[dreg:$0x5] =	wrdreg $0x9  }
0xaf: {  	_ =	task.clear_ibuf [dreg:s5], $0x6FFFF;
	_ =	strace $0x90000046  }
0xb0: {  	s26 =	simm.s32 $0x9;
	_ =	strace $0x80000048  }
0xb1: {  	_ =	swait.ge [sflag:s26], $0x1  }
0xb2: {  	[sflag:s26] =	ssyncadd.s32 $0xFFFFFFFF  }
0xb3: {  	_ =	strace $0x90000048  }
0xb4: {  	_ =	sfence  }
0xb5: {  	s28 =	sld [smem:$0x0];
	_ =	sdelay $0x1  }
0xb6: {  	s29 =	srdreg.scid  }
0xb7: {  	s30 =	sshll.u32 s29, $0xD;
	s31 =	sshrl.u32 s29, $0x2  }
0xb8: {  	s2 =	sand.u32 $0x4000, s30;
	s1 =	sand.u32 $0x1, s29;
	s0 =	sadd.s32 s31, s28  }
0xb9: {  	s1 =	sor.u32 s2, s1;
	s0 =	sshll.u32 s0, $0x11  }
0xba: {  	s0 =	sor.u32 s0, s1  }
0xbb: {  	s0 =	sadd.s32 $0x8F2B, s0  }
0xbc: {  	[sflag:s0] =	ssyncadd.remote.s32 $0x1  }
0xbd: {  	_ =	sfence.sel $0xFFFF  }
0xbe: {  	[dreg:$0x0] =	wrdreg $0xFFFFFFFF;
	(pc) =	sbr.abs _section_cstart, $3  }
0xbf: {  	[dreg:$0x1] =	wrdreg $0xFFFFFFFF  }
0xc0: {  	_ =	task.clear_ibuf [dreg:s5], $0x2FFFF;
	_ =	strace $0x9FFFFFFF  }
0xc1: {  	(tm) =	ssettm $0x7FFFFFFF  }
tec
execute0_lowered:
.L_overlay_start_1:
0x0: {  	(tag) =	ssettag $0x1  }
0x1: {  	s1 =	stileid.u32  }
0x2: {  	p0 =	seq.s32 s1, $0x1  }
.Ltmp0:
0x3: {  	_ = 	snop;
	(pc) =	sbr.rel @p0 .LBB2_4-.Ltmp0, $4  }
0x4: {  	s4 =	rddreg [dreg:$0x0]  }
0x5: {  	s2 =	rddreg [dreg:$0x1]  }
0x6: {  	s3 =	rddreg [dreg:$0x2]  }
0x7: {  	s0 =	rddreg [dreg:$0x3];
	_ =	strace $0x80000047  }
0x8: {  	p0 =	sne.s32 s1, $0x0  }
.Ltmp1:
0x9: {  	_ = 	snop;
	(pc) =	sbr.rel @p0 .LBB2_3-.Ltmp1, $1  }
0xa: {  	_ =	sdelay $0x3  }
0xb: {  	s4 =	sadd.s32 $0x1600, s4  }
.Ltmp2:
0xc: {  	s5 =	simm.s32 $0x0;
	s31 =	simm.s32 $0x1;
	(pc) =	sbr.rel .LBB2_5-.Ltmp2, $4  }
0xd: {  	[tilespmem:s5], [sflag:$0x1] =	stream.linear.gather [hbm4b:s4+s5], $0x8080, $0x38;
	[tilespmem:$0x9C98] =	vst v63  }
0xe: {  	_ =	swait.ge [sflag:s31], $0x8080  }
0xf: {  	[sflag:s31] =	ssyncset.done $0x0  }
0x10: {  	[sflag:s31] =	ssyncadd.s32 $0xFFFF7F80  }
.LBB2_4:
0x11: {  	s4 =	sadd.s32 $0x600, s4;
	s5 =	simm.s32 $0x0;
	s31 =	simm.s32 $0x1  }
0x12: {  	[tilespmem:s5], [sflag:$0x1] =	stream.linear.gather [hbm4b:s4+s5], $0x8000, $0x38;
	[tilespmem:$0x9C98] =	vst v63  }
0x13: {  	_ =	swait.ge [sflag:s31], $0x8000  }
0x14: {  	[sflag:s31] =	ssyncset.done $0x0  }
0x15: {  	[sflag:s31] =	ssyncadd.s32 $0xFFFF8000  }
.LBB2_5:
0x16: {  	v28 =	vimm.f32 $0.0e+00  }
0x17: {  	vm1 =	vcmask $0x300;
	v1 =	vimm.s32 $0x0;
	v2 =	vimm.s32 $0x1  }
0x18: {  	v3 =	vimm.s32 $0x2;
	v0 =	vimm.f32 $1.000000000e+00;
	v4 =	vimm.s32 $0x3  }
0x19: {  	vm7 =	vcmask $0xB08;
	v5 =	vimm.s32 $0x4;
	vm8 =	vcmask $0x1310  }
0x1a: {  	vm9 =	vcmask $0x1B18;
	vm10 =	vcmask $0x2320;
	vm11 =	vcmask $0x2B28  }
0x1b: {  	vm4 =	vcmask $0x3330;
	vm5 =	vcmask $0x700;
	vm6 =	vcmask $0x1710  }
0x1c: {  	vm2 =	vcmask $0x3B38;
	vm3 =	vcmask $0x2720;
	vm0 =	vcmask $0xF00  }
0x1d: {  	vm12 =	vcmask $0x3730;
	v12 =	vimm.s32 $0xEFCDAB89;
	v13 =	vimm.s32 $0x67452301  }
0x1e: {  	v14 =	vimm.s32 $0xDCFE98BA;
	vm13 =	vcmask $0x2F20;
	v15 =	vimm.s32 $0x54761032  }
0x1f: {  	v16 =	vimm.s32 $0xBA98FEDC;
	v17 =	vimm.s32 $0x32107654;
	v18 =	vimm.s32 $0xFEDCBA98  }
0x20: {  	v19 =	vimm.s32 $0x76543210;
	vm14 =	vcmask $0x1F00;
	v35 =	vimm.f32 $0.0e+00  }
0x21: {  	v33 =	vimm.f32 $0.0e+00;
	v36 =	vimm.f32 $0.0e+00;
	v26 =	vimm.f32 $0.0e+00  }
0x22: {  	v27 =	vimm.f32 $0.0e+00;
	v30 =	vimm.f32 $0.0e+00;
	v34 =	vimm.f32 $0.0e+00  }
0x23: {  	v21 =	vimm.f32 $0.0e+00;
	v22 =	vimm.f32 $0.0e+00;
	v23 =	vimm.f32 $0.0e+00  }
0x24: {  	v24 =	vimm.f32 $0.0e+00;
	v29 =	vimm.f32 $0.0e+00;
	v31 =	vimm.f32 $0.0e+00  }
0x25: {  	v32 =	vimm.f32 $0.0e+00;
	v25 =	vsel vm1, $0x3F800000, v28;
	v6 =	vsel vm1, $0x0, v0  }
0x26: {  	v10 =	vsel vm5, $0x0, v0;
	v11 =	vsel vm0, $0x0, v0;
	v12 =	vunpack.c.l.s4.s8 v12  }
0x27: {  	v13 =	vunpack.c.l.s4.s8 v13;
	v14 =	vunpack.c.l.s4.s8 v14;
	v15 =	vunpack.c.l.s4.s8 v15  }
0x28: {  	v16 =	vunpack.c.l.s4.s8 v16;
	v17 =	vunpack.c.l.s4.s8 v17;
	v18 =	vunpack.c.l.s4.s8 v18  }
0x29: {  	v19 =	vunpack.c.l.s4.s8 v19;
	v7 =	vsel vm7, $0x0, v6;
	v6 =	vimm.s32 $0x5  }
0x2a: {  	v10 =	vsel vm6, $0x0, v10;
	v11 =	vsel vm13, $0x0, v11;
	v8 =	vsel vm8, $0x0, v7  }
0x2b: {  	v7 =	vimm.s32 $0x6;
	v10 =	vsel vm3, $0x0, v10;
	v12 =	vunpack.c.0.s8.s32 v12  }
0x2c: {  	v13 =	vunpack.c.0.s8.s32 v13;
	v14 =	vunpack.c.0.s8.s32 v14;
	v15 =	vunpack.c.0.s8.s32 v15  }
0x2d: {  	v16 =	vunpack.c.0.s8.s32 v16;
	v17 =	vunpack.c.0.s8.s32 v17;
	v18 =	vunpack.c.0.s8.s32 v18  }
0x2e: {  	v19 =	vunpack.c.0.s8.s32 v19;
	v9 =	vsel vm9, $0x0, v8;
	v8 =	vimm.s32 $0x7  }
0x2f: {  	v10 =	vsel vm12, $0x0, v10;
	v9 =	vsel vm10, $0x0, v9;
	v12 =	vcombine.low v13, v12  }
0x30: {  	v13 =	vcombine.low v15, v14;
	v15 =	vsel vm14, $0x0, v0;
	v0 =	vand.u32 $0xF, v18  }
0x31: {  	v14 =	vcombine.low v17, v16;
	v9 =	vsel vm11, $0x0, v9;
	v19 =	vcombine.low v0, v19  }
0x32: {  	v0 =	vimm.s32 $0x0;
	v9 =	vsel vm4, $0x0, v9;
	v16 =	vand.u32 $0xF, v12  }
0x33: {  	s4 =	simm.s32 $0x0;
	s5 =	simm.s32 $0x100;
	v17 =	vand.u32 $0xF, v13;
	v18 =	vand.u32 $0xF, v14;
	v9 =	vsel vm2, $0x0, v9  }
.LBB2_6:
0x34: {  	v20 =	vmov s5;
	_ =	sdelay $0x2  }
0x35: {  	s6 =	simm.s32 $0x0  }
.LBB2_7:
0x36: {  	s7 =	sshra.s32 s6, $0x2  }
0x37: {  	v37 =	vld.idx.msk [tilespmem:v20+s7+$0xFFFFFF00 ss:$0x1], $0xffff;
	_ =	sdelay $0x4  }
0x38: {  	v37 =	vmul.f32 $1.442695020e+00, v37;
	_ =	sdelay $0x1  }
0x39: {  	(erf) = vpow2.f32 v37;
	_ =	sdelay $0x3  }
0x3a: {  	v47 =	vperm.xlane v25, v16;
	v48 =	vperm.xlane v25, v17  }
0x3b: {  	v57 =	vperm.xlane v32, v16;
	v58 =	vperm.xlane v32, v17  }
0x3c: {  	v59 =	vperm.xlane v25, v18;
	v42 =	vperm.xlane v25, v19  }
0x3d: {  	v43 =	vperm.xlane v32, v18;
	v44 =	vperm.xlane v32, v19  }
0x3e: {  	v62 =	vperm.xlane v29, v16;
	v63 =	vperm.xlane v31, v16  }
0x3f: {  	v45 =	vperm.xlane v29, v18;
	v46 =	vperm.xlane v31, v18;
	v37 =	vpop (erf)  }
0x40: {  	v38 =	vperm.xlane v37, v1;
	v39 =	vperm.xlane v37, v2  }
0x41: {  	v40 =	vperm.xlane v37, v3;
	v41 =	vperm.xlane v37, v4  }
0x42: {  	v52 =	vperm.xlane v37, v5;
	v50 =	vperm.xlane v37, v6  }
0x43: {  	v51 =	vperm.xlane v37, v7;
	v49 =	vperm.xlane v37, v8  }
0x44: {  	v56 =	vmul.f32 v9, v38;
	v55 =	vmul.f32 v10, v39  }
0x45: {  	v53 =	vmul.f32 v11, v40;
	v54 =	vmul.f32 v15, v41  }
0x46: {  	v37 =	vmul.f32 v47, v56;
	v38 =	vmul.f32 v48, v55  }
0x47: {  	v39 =	vmul.f32 v57, v56;
	v40 =	vmul.f32 v58, v55  }
0x48: {  	v41 =	vmul.f32 v59, v53;
	v42 =	vmul.f32 v42, v54  }
0x49: {  	v60 =	vmul.f32 v43, v53;
	v61 =	vmul.f32 v44, v54  }
0x4a: {  	v48 =	vmul.f32 v62, v56;
	v57 =	vperm.xlane v29, v17;
	v39 =	vadd.f32 v39, v32  }
0x4b: {  	v58 =	vmul.f32 v63, v56;
	v59 =	vperm.xlane v31, v17;
	v37 =	vadd.f32 v37, v25  }
0x4c: {  	v45 =	vmul.f32 v45, v53;
	v47 =	vperm.xlane v29, v19;
	v39 =	vadd.f32 v40, v39  }
0x4d: {  	v43 =	vmul.f32 v57, v55;
	v44 =	vmul.f32 v59, v55;
	v37 =	vadd.f32 v38, v37  }
0x4e: {  	v63 =	vmul.f32 v47, v54;
	v57 =	vmul.f32 v52, v31;
	v39 =	vadd.f32 v60, v39  }
0x4f: {  	v59 =	vperm.xlane v24, v17;
	v37 =	vadd.f32 v41, v37;
	v41 =	vadd.f32 v48, v29  }
0x50: {  	v40 =	vmul.f32 v52, v25;
	v38 =	vadd.f32 v61, v39;
	v39 =	vadd.f32 v58, v31  }
0x51: {  	v60 =	vmul.f32 v46, v53;
	v41 =	vadd.f32 v43, v41;
	v61 =	vperm.xlane v31, v19  }
0x52: {  	v48 =	vmul.f32 v50, v25;
	v43 =	vadd.f32 v42, v37;
	v39 =	vadd.f32 v44, v39  }
0x53: {  	v58 =	vperm.xlane v24, v16;
	v62 =	vadd.f32 v45, v41;
	v47 =	vmul.f32 v61, v54  }
0x54: {  	v61 =	vperm.xlane v23, v16;
	v44 =	vmul.f32 v59, v55;
	v45 =	vadd.f32 v60, v39  }
0x55: {  	v37 =	vadd.f32 v63, v62;
	v60 =	vmul.f32 v50, v32;
	v39 =	vmul.f32 v58, v56  }
0x56: {  	v42 =	vadd.f32 v38, v40;
	v62 =	vmul.f32 v61, v56;
	v63 =	vperm.xlane v23, v17  }
0x57: {  	v58 =	vperm.xlane v23, v18;
	v38 =	vadd.f32 v47, v45;
	v37 =	vadd.f32 v37, v57  }
0x58: {  	v39 =	vadd.f32 v39, v24;
	v57 =	vperm.xlane v24, v19;
	v41 =	vmul.f32 v63, v55  }
0x59: {  	v61 =	vmul.f32 v58, v53;
	v63 =	vperm.xlane v21, v16;
	v40 =	vadd.f32 v38, v48  }
0x5a: {  	v38 =	vadd.f32 v37, v60;
	v48 =	vperm.xlane v24, v18;
	v60 =	vperm.xlane v23, v19  }
0x5b: {  	v37 =	vadd.f32 v62, v23;
	v46 =	vmul.f32 v57, v54;
	v45 =	vmul.f32 v63, v56  }
0x5c: {  	v39 =	vadd.f32 v44, v39;
	v57 =	vperm.xlane v21, v17;
	v63 =	vperm.xlane v22, v19  }
0x5d: {  	v59 =	vmul.f32 v48, v53;
	v37 =	vadd.f32 v41, v37;
	v48 =	vperm.xlane v22, v16  }
0x5e: {  	v62 =	vmul.f32 v60, v54;
	v41 =	vmul.f32 v52, v24;
	v45 =	vadd.f32 v45, v21  }
0x5f: {  	v39 =	vadd.f32 v59, v39;
	v58 =	vmul.f32 v48, v56;
	v59 =	vperm.xlane v22, v17  }
0x60: {  	v37 =	vadd.f32 v61, v37;
	v48 =	vperm.xlane v21, v18;
	v61 =	vperm.xlane v21, v19  }
0x61: {  	v21 =	vmul.f32 v49, v21;
	v39 =	vadd.f32 v46, v39;
	v46 =	vmul.f32 v57, v55  }
0x62: {  	v47 =	vmul.f32 v59, v55;
	v57 =	vperm.xlane v22, v18  }
0x63: {  	v44 =	vadd.f32 v58, v22;
	v60 =	vmul.f32 v48, v53;
	v58 =	vmul.f32 v51, v25  }
0x64: {  	v37 =	vadd.f32 v62, v37;
	v59 =	vmul.f32 v61, v54;
	v61 =	vmul.f32 v63, v54  }
0x65: {  	v45 =	vadd.f32 v46, v45;
	v44 =	vadd.f32 v47, v44;
	v62 =	vmul.f32 v57, v53  }
0x66: {  	v63 =	vmul.f32 v52, v22;
	v25 =	vmul.f32 v49, v25  }
0x67: {  	v22 =	vmul.f32 v49, v22;
	v45 =	vadd.f32 v60, v45;
	v60 =	vadd.f32 v62, v44  }
0x68: {  	v62 =	vmul.f32 v51, v32;
	v44 =	vadd.f32 v39, v58;
	v58 =	vmul.f32 v50, v24  }
0x69: {  	v37 =	vadd.f32 v37, v41;
	v32 =	vmul.f32 v49, v32;
	v24 =	vmul.f32 v49, v24  }
0x6a: {  	v45 =	vadd.f32 v59, v45;
	v57 =	vadd.f32 v61, v60;
	v60 =	vmul.f32 v50, v23  }
0x6b: {  	v41 =	vadd.f32 v37, v62;
	v61 =	vmul.f32 v51, v31;
	v62 =	vperm.xlane v34, v16  }
0x6c: {  	v31 =	vmul.f32 v49, v31;
	v59 =	vadd.f32 v45, v63;
	v63 =	vmul.f32 v51, v29  }
0x6d: {  	v39 =	vadd.f32 v57, v58;
	v57 =	vperm.xlane v30, v16;
	v58 =	vmul.f32 v62, v56  }
0x6e: {  	v62 =	vperm.xlane v34, v18;
	v37 =	vadd.f32 v59, v60;
	v59 =	vperm.xlane v34, v17  }
0x6f: {  	v39 =	vadd.f32 v39, v61;
	v60 =	vmul.f32 v57, v56;
	v61 =	vperm.xlane v30, v17  }
0x70: {  	v46 =	vadd.f32 v58, v34;
	v37 =	vadd.f32 v37, v63;
	v47 =	vmul.f32 v59, v55  }
0x71: {  	v45 =	vadd.f32 v60, v30;
	v48 =	vmul.f32 v61, v55;
	v63 =	vperm.xlane v30, v18  }
0x72: {  	v60 =	vmul.f32 v62, v53;
	v61 =	vperm.xlane v34, v19;
	v46 =	vadd.f32 v47, v46  }
0x73: {  	v45 =	vadd.f32 v48, v45;
	v62 =	vmul.f32 v63, v53;
	v63 =	vperm.xlane v30, v19  }
0x74: {  	v23 =	vmul.f32 v49, v23;
	v46 =	vadd.f32 v60, v46;
	v60 =	vmul.f32 v61, v54  }
0x75: {  	v57 =	vmul.f32 v52, v34;
	v45 =	vadd.f32 v62, v45;
	v61 =	vmul.f32 v63, v54  }
0x76: {  	v58 =	vperm.xlane v26, v18;
	v62 =	vperm.xlane v26, v16;
	v46 =	vadd.f32 v60, v46  }
0x77: {  	v59 =	vperm.xlane v27, v18;
	v63 =	vperm.xlane v27, v16;
	v45 =	vadd.f32 v61, v45  }
0x78: {  	v61 =	vperm.xlane v26, v17;
	v46 =	vadd.f32 v46, v25;
	v25 =	vmul.f32 v62, v56  }
0x79: {  	v60 =	vperm.xlane v27, v17;
	v48 =	vmul.f32 v63, v56  }
0x7a: {  	v58 =	vmul.f32 v58, v53;
	v47 =	vmul.f32 v61, v55;
	v25 =	vadd.f32 v25, v26  }
0x7b: {  	v45 =	vadd.f32 v45, v57;
	v57 =	vmul.f32 v60, v55;
	v48 =	vadd.f32 v48, v27  }
0x7c: {  	v60 =	vperm.xlane v27, v19;
	v61 =	vperm.xlane v26, v19;
	v25 =	vadd.f32 v47, v25  }
0x7d: {  	v29 =	vmul.f32 v49, v29;
	v63 =	vmul.f32 v59, v53;
	v62 =	vadd.f32 v57, v48  }
0x7e: {  	v60 =	vmul.f32 v60, v54;
	v61 =	vmul.f32 v61, v54;
	v25 =	vadd.f32 v58, v25  }
0x7f: {  	v47 =	vadd.f32 v45, v32;
	v32 =	vadd.f32 v63, v62;
	v63 =	vperm.xlane v36, v16  }
0x80: {  	v59 =	vperm.xlane v36, v18;
	v62 =	vmul.f32 v52, v27;
	v25 =	vadd.f32 v61, v25  }
0x81: {  	v45 =	vmul.f32 v50, v34;
	v32 =	vadd.f32 v60, v32;
	v57 =	vmul.f32 v63, v56  }
0x82: {  	v60 =	vmul.f32 v50, v30;
	v61 =	vperm.xlane v36, v17;
	v25 =	vadd.f32 v25, v62  }
0x83: {  	v32 =	vadd.f32 v32, v45;
	v45 =	vperm.xlane v33, v16;
	v57 =	vadd.f32 v57, v36  }
0x84: {  	v62 =	vperm.xlane v33, v17;
	v25 =	vadd.f32 v25, v60;
	v60 =	vperm.xlane v36, v19  }
0x85: {  	v58 =	vmul.f32 v61, v55;
	v48 =	vadd.f32 v32, v31;
	v31 =	vmul.f32 v45, v56  }
0x86: {  	v32 =	vmul.f32 v62, v55;
	v45 =	vadd.f32 v25, v29;
	v29 =	vmul.f32 v60, v54;
	v60 =	vld.idx.msk [tilespmem:v20+s7+$0xFFFFFF80 ss:$0x1], $0xffff  }
0x87: {  	v31 =	vadd.f32 v31, v33;
	v25 =	vmul.f32 v59, v53;
	v59 =	vperm.xlane v33, v18  }
0x88: {  	v34 =	vmul.f32 v51, v34;
	v61 =	vperm.xlane v33, v19;
	v57 =	vadd.f32 v58, v57  }
0x89: {  	v30 =	vmul.f32 v51, v30;
	v31 =	vadd.f32 v32, v31;
	v63 =	vmul.f32 v59, v53  }
0x8a: {  	v58 =	vmul.f32 v61, v54;
	v62 =	vperm.xlane v35, v16;
	v25 =	vadd.f32 v25, v57  }
0x8b: {  	v61 =	vmul.f32 v52, v36;
	v31 =	vadd.f32 v63, v31;
	v63 =	vmul.f32 $1.442695020e+00, v60  }
0x8c: {  	v32 =	vmul.f32 v62, v56;
	v62 =	vperm.xlane v35, v19;
	v25 =	vadd.f32 v29, v25  }
0x8d: {  	v59 =	vmul.f32 v52, v35;
	v31 =	vadd.f32 v58, v31;
	(erf) = vpow2.f32 v63  }
0x8e: {  	v29 =	vperm.xlane v35, v18;
	v25 =	vadd.f32 v25, v34;
	v63 =	vperm.xlane v28, v16  }
0x8f: {  	v60 =	vperm.xlane v35, v17;
	v58 =	vmul.f32 v50, v36;
	v31 =	vadd.f32 v31, v61  }
0x90: {  	v36 =	vadd.f32 v25, v24;
	v25 =	vperm.xlane v28, v17;
	v24 =	vmul.f32 v63, v56  }
0x91: {  	v57 =	vperm.xlane v42, v19;
	v29 =	vmul.f32 v29, v53;
	v30 =	vadd.f32 v31, v30  }
0x92: {  	v61 =	vmul.f32 v60, v55;
	v25 =	vmul.f32 v25, v55;
	v24 =	vadd.f32 v24, v28  }
0x93: {  	v30 =	vadd.f32 v30, v23;
	v23 =	vmul.f32 v51, v27;
	v27 =	vperm.xlane v28, v18  }
0x94: {  	v32 =	vadd.f32 v32, v35;
	v60 =	vmul.f32 v50, v33;
	v28 =	vperm.xlane v28, v19  }
0x95: {  	v56 =	vperm.xlane v43, v17;
	v24 =	vadd.f32 v25, v24;
	v27 =	vmul.f32 v27, v53  }
0x96: {  	v25 =	vmul.f32 v28, v54;
	v28 =	vadd.f32 v61, v32;
	v61 =	vmul.f32 v51, v26;
	v26 =	vpop (erf)  }
0x97: {  	v31 =	vmul.f32 v62, v54;
	v24 =	vadd.f32 v27, v24;
	v62 =	vperm.xlane v26, v1  }
0x98: {  	v28 =	vadd.f32 v29, v28;
	v29 =	vperm.xlane v26, v2;
	v63 =	vperm.xlane v26, v3  }
0x99: {  	v27 =	vperm.xlane v26, v5;
	v33 =	vperm.xlane v26, v7;
	v24 =	vadd.f32 v25, v24  }
0x9a: {  	v25 =	vperm.xlane v26, v4;
	v31 =	vadd.f32 v31, v28;
	v28 =	vperm.xlane v26, v6  }
0x9b: {  	v26 =	vperm.xlane v26, v8;
	v53 =	vmul.f32 v9, v62  }
0x9c: {  	v50 =	vmul.f32 v10, v29;
	v35 =	vmul.f32 v11, v63  }
0x9d: {  	v29 =	vperm.xlane v43, v16;
	v62 =	vperm.xlane v38, v19  }
0x9e: {  	v63 =	vperm.xlane v40, v19;
	v24 =	vadd.f32 v24, v59;
	v51 =	vmul.f32 v15, v25  }
0x9f: {  	v31 =	vadd.f32 v31, v58;
	v25 =	vperm.xlane v42, v16;
	v58 =	vperm.xlane v40, v16  }
0xa0: {  	v59 =	vperm.xlane v40, v17;
	v29 =	vmul.f32 v29, v53;
	v24 =	vadd.f32 v24, v60  }
0xa1: {  	v23 =	vadd.f32 v31, v23;
	v31 =	vmul.f32 v56, v50;
	v60 =	vperm.xlane v38, v18  }
0xa2: {  	v32 =	vmul.f32 v59, v50;
	v59 =	vperm.xlane v41, v16;
	v29 =	vadd.f32 v29, v43  }
0xa3: {  	v52 =	vadd.f32 v23, v22;
	v22 =	vmul.f32 v25, v53;
	v23 =	vperm.xlane v42, v17  }
0xa4: {  	v24 =	vadd.f32 v24, v61;
	v25 =	vperm.xlane v42, v18;
	v61 =	vperm.xlane v40, v18  }
0xa5: {  	v34 =	vmul.f32 v60, v35;
	v22 =	vadd.f32 v22, v42;
	v23 =	vmul.f32 v23, v50  }
0xa6: {  	v60 =	vperm.xlane v41, v17;
	v54 =	vadd.f32 v24, v21;
	v21 =	vperm.xlane v43, v18  }
0xa7: {  	v24 =	vperm.xlane v43, v19;
	v22 =	vadd.f32 v23, v22;
	v23 =	vmul.f32 v25, v35  }
0xa8: {  	v21 =	vmul.f32 v21, v35;
	v25 =	vadd.f32 v31, v29;
	v31 =	vperm.xlane v38, v16  }
0xa9: {  	v49 =	vmul.f32 v61, v35;
	v29 =	vmul.f32 v57, v51;
	v22 =	vadd.f32 v23, v22  }
0xaa: {  	v21 =	vadd.f32 v21, v25;
	v25 =	vmul.f32 v31, v53;
	v31 =	vperm.xlane v38, v17  }
0xab: {  	v61 =	vperm.xlane v44, v18;
	v22 =	vadd.f32 v29, v22;
	v29 =	vmul.f32 v58, v53  }
0xac: {  	v24 =	vmul.f32 v24, v51;
	v25 =	vadd.f32 v25, v38;
	v31 =	vmul.f32 v31, v50  }
0xad: {  	v57 =	vperm.xlane v44, v17;
	v23 =	vmul.f32 v27, v43;
	v29 =	vadd.f32 v29, v40  }
0xae: {  	v58 =	vmul.f32 v28, v42;
	v25 =	vadd.f32 v31, v25;
	v31 =	vadd.f32 v24, v21  }
0xaf: {  	v24 =	vmul.f32 v62, v51;
	v62 =	vperm.xlane v44, v19;
	v32 =	vadd.f32 v32, v29  }
0xb0: {  	v21 =	vadd.f32 v34, v25;
	v29 =	vadd.f32 v22, v23;
	v23 =	vmul.f32 v63, v51  }
0xb1: {  	v25 =	vmul.f32 v28, v43;
	v63 =	vperm.xlane v41, v18;
	v22 =	vadd.f32 v49, v32  }
0xb2: {  	v21 =	vadd.f32 v24, v21;
	v24 =	vmul.f32 v27, v40;
	v49 =	vmul.f32 v62, v51  }
0xb3: {  	v62 =	vperm.xlane v39, v17;
	v22 =	vadd.f32 v23, v22;
	v23 =	vperm.xlane v44, v16  }
0xb4: {  	v32 =	vmul.f32 v60, v50;
	v60 =	vperm.xlane v39, v16;
	v21 =	vadd.f32 v21, v24  }
0xb5: {  	v55 =	vmul.f32 v62, v50;
	v24 =	vadd.f32 v22, v25;
	v23 =	vmul.f32 v23, v53  }
0xb6: {  	v25 =	vmul.f32 v57, v50;
	v22 =	vadd.f32 v21, v58;
	v21 =	vmul.f32 v59, v53  }
0xb7: {  	v57 =	vperm.xlane v41, v19;
	v59 =	vperm.xlane v37, v16;
	v23 =	vadd.f32 v23, v44  }
0xb8: {  	v58 =	vmul.f32 v63, v35;
	v63 =	vperm.xlane v37, v18;
	v21 =	vadd.f32 v21, v41  }
0xb9: {  	v34 =	vmul.f32 v59, v53;
	v23 =	vadd.f32 v25, v23;
	v25 =	vmul.f32 v61, v35  }
0xba: {  	v59 =	vmul.f32 v28, v44;
	v21 =	vadd.f32 v32, v21;
	v32 =	vmul.f32 v27, v44  }
0xbb: {  	v61 =	vperm.xlane v37, v17;
	v34 =	vadd.f32 v34, v37;
	v23 =	vadd.f32 v25, v23  }
0xbc: {  	v44 =	vmul.f32 v26, v44;
	v25 =	vmul.f32 v57, v51;
	v21 =	vadd.f32 v58, v21  }
0xbd: {  	v57 =	vmul.f32 v27, v39;
	v58 =	vperm.xlane v45, v18;
	v23 =	vadd.f32 v49, v23  }
0xbe: {  	v21 =	vadd.f32 v25, v21;
	v25 =	vmul.f32 v60, v53;
	v49 =	vmul.f32 v61, v50  }
0xbf: {  	v60 =	vperm.xlane v39, v18;
	v61 =	vperm.xlane v37, v19  }
0xc0: {  	v58 =	vmul.f32 v58, v35;
	v34 =	vadd.f32 v49, v34;
	v49 =	vmul.f32 v63, v35  }
0xc1: {  	v25 =	vadd.f32 v25, v39;
	v62 =	vmul.f32 v60, v35;
	v63 =	vperm.xlane v39, v19  }
0xc2: {  	v60 =	vmul.f32 v33, v43;
	v61 =	vmul.f32 v61, v51  }
0xc3: {  	v21 =	vadd.f32 v21, v32;
	v43 =	vmul.f32 v26, v43;
	v25 =	vadd.f32 v55, v25  }
0xc4: {  	v39 =	vmul.f32 v26, v39;
	v34 =	vadd.f32 v49, v34;
	v32 =	vadd.f32 v23, v60  }
0xc5: {  	v60 =	vmul.f32 v28, v41;
	v25 =	vadd.f32 v62, v25;
	v62 =	vmul.f32 v63, v51  }
0xc6: {  	v41 =	vmul.f32 v26, v41;
	v63 =	vmul.f32 v33, v42;
	v34 =	vadd.f32 v61, v34  }
0xc7: {  	v61 =	vmul.f32 v33, v40;
	v40 =	vmul.f32 v26, v40;
	v23 =	vadd.f32 v62, v25  }
0xc8: {  	v25 =	vadd.f32 v21, v63;
	v21 =	vadd.f32 v34, v57;
	v62 =	vperm.xlane v46, v16  }
0xc9: {  	v63 =	vmul.f32 v33, v38;
	v57 =	vmul.f32 v27, v46;
	v23 =	vadd.f32 v23, v59  }
0xca: {  	v38 =	vmul.f32 v26, v38;
	v21 =	vadd.f32 v21, v60;
	v60 =	vperm.xlane v47, v16  }
0xcb: {  	v23 =	vadd.f32 v23, v61;
	v61 =	vmul.f32 v62, v53;
	v62 =	vperm.xlane v46, v17  }
0xcc: {  	v59 =	vperm.xlane v48, v18;
	v21 =	vadd.f32 v21, v63;
	v63 =	vmul.f32 v60, v53  }
0xcd: {  	v60 =	vperm.xlane v47, v17;
	v55 =	vmul.f32 v62, v50  }
0xce: {  	v49 =	vadd.f32 v61, v46;
	v61 =	vperm.xlane v46, v18;
	v62 =	vperm.xlane v47, v18  }
0xcf: {  	v34 =	vadd.f32 v63, v47;
	v56 =	vmul.f32 v60, v50;
	v60 =	vperm.xlane v46, v19  }
0xd0: {  	v49 =	vadd.f32 v55, v49;
	v63 =	vmul.f32 v61, v35;
	v61 =	vmul.f32 v62, v35  }
0xd1: {  	v34 =	vadd.f32 v56, v34;
	v62 =	vperm.xlane v47, v19;
	v55 =	vmul.f32 v26, v42  }
0xd2: {  	v26 =	vmul.f32 v26, v37;
	v49 =	vadd.f32 v63, v49;
	v63 =	vmul.f32 v60, v51  }
0xd3: {  	v34 =	vadd.f32 v61, v34;
	v60 =	vmul.f32 v62, v51;
	v61 =	vperm.xlane v45, v16  }
0xd4: {  	v62 =	vperm.xlane v48, v16;
	v49 =	vadd.f32 v63, v49;
	v63 =	vperm.xlane v48, v17  }
0xd5: {  	v34 =	vadd.f32 v60, v34;
	v60 =	vmul.f32 v61, v53;
	v61 =	vperm.xlane v45, v17  }
0xd6: {  	v56 =	vmul.f32 v62, v53;
	v62 =	vmul.f32 v59, v35;
	v42 =	vadd.f32 v49, v43  }
0xd7: {  	v34 =	vadd.f32 v34, v57;
	v43 =	vadd.f32 v60, v45;
	v49 =	vmul.f32 v61, v50  }
0xd8: {  	v57 =	vmul.f32 v63, v50;
	v56 =	vadd.f32 v56, v48;
	v60 =	vperm.xlane v48, v19  }
0xd9: {  	v59 =	vperm.xlane v36, v18;
	v61 =	vperm.xlane v45, v19;
	v49 =	vadd.f32 v49, v43  }
0xda: {  	v43 =	vadd.f32 v34, v55;
	v34 =	vadd.f32 v57, v56;
	v63 =	vmul.f32 v60, v51  }
0xdb: {  	v60 =	vmul.f32 v61, v51;
	v55 =	vmul.f32 v28, v46;
	v49 =	vadd.f32 v58, v49  }
0xdc: {  	v61 =	vmul.f32 v27, v48;
	v46 =	vmul.f32 v33, v46;
	v34 =	vadd.f32 v62, v34  }
0xdd: {  	v62 =	vperm.xlane v36, v16;
	v58 =	vperm.xlane v30, v16;
	v49 =	vadd.f32 v60, v49  }
0xde: {  	v34 =	vadd.f32 v63, v34;
	v63 =	vmul.f32 v28, v47;
	v60 =	vperm.xlane v36, v17  }
0xdf: {  	v57 =	vmul.f32 v62, v53;
	v62 =	vperm.xlane v30, v17  }
0xe0: {  	v49 =	vadd.f32 v49, v61;
	v34 =	vadd.f32 v34, v55;
	v55 =	vmul.f32 v60, v50  }
0xe1: {  	v61 =	vmul.f32 v58, v53;
	v58 =	vmul.f32 v62, v50  }
0xe2: {  	v57 =	vadd.f32 v57, v36;
	v62 =	vperm.xlane v52, v16;
	v56 =	vadd.f32 v49, v63  }
0xe3: {  	v60 =	vperm.xlane v36, v19;
	v49 =	vadd.f32 v34, v40;
	v40 =	vadd.f32 v61, v30  }
0xe4: {  	v61 =	vperm.xlane v30, v19;
	v55 =	vadd.f32 v55, v57;
	v57 =	vmul.f32 v62, v53  }
0xe5: {  	v62 =	vperm.xlane v52, v19;
	v34 =	vadd.f32 v56, v38;
	v56 =	vmul.f32 v60, v51;
	v60 =	vld.idx.msk [tilespmem:v20+s7+$0x0 ss:$0x1], $0xffff  }
0xe6: {  	v38 =	vmul.f32 v59, v35;
	v59 =	vperm.xlane v30, v18  }
0xe7: {  	v47 =	vmul.f32 v33, v47;
	v61 =	vmul.f32 v61, v51  }
0xe8: {  	v40 =	vadd.f32 v58, v40;
	v58 =	vmul.f32 v62, v51;
	v63 =	vmul.f32 v59, v35  }
0xe9: {  	v59 =	vmul.f32 v27, v36;
	v38 =	vadd.f32 v38, v55;
	v36 =	vmul.f32 v28, v36  }
0xea: {  	v27 =	vmul.f32 v27, v52;
	v40 =	vadd.f32 v63, v40;
	v63 =	vmul.f32 $1.442695020e+00, v60  }
0xeb: {  	v28 =	vmul.f32 v28, v30;
	v38 =	vadd.f32 v56, v38;
	v60 =	vperm.xlane v52, v17  }
0xec: {  	v40 =	vadd.f32 v61, v40;
	v61 =	vperm.xlane v52, v18;
	(erf) = vpow2.f32 v63  }
0xed: {  	v62 =	vadd.f32 v57, v52;
	v55 =	vmul.f32 v60, v50;
	v63 =	vperm.xlane v54, v16  }
0xee: {  	v38 =	vadd.f32 v38, v46;
	v60 =	vperm.xlane v54, v18;
	v56 =	vmul.f32 v61, v35  }
0xef: {  	v40 =	vadd.f32 v40, v59;
	v59 =	vperm.xlane v54, v17;
	v53 =	vmul.f32 v63, v53  }
0xf0: {  	v46 =	vadd.f32 v38, v44;
	v61 =	vperm.xlane v54, v19;
	v55 =	vadd.f32 v55, v62  }
0xf1: {  	v40 =	vadd.f32 v40, v47;
	v47 =	vmul.f32 v59, v50;
	v38 =	vadd.f32 v53, v54  }
0xf2: {  	v30 =	vmul.f32 v33, v45;
	v35 =	vmul.f32 v60, v35  }
0xf3: {  	v63 =	vmul.f32 v61, v51;
	v60 =	vadd.f32 v56, v55;
	v38 =	vadd.f32 v47, v38  }
0xf4: {  	v44 =	vadd.f32 v40, v41;
	v40 =	vmul.f32 v33, v48;
	v41 =	vperm.xlane v22, v16  }
0xf5: {  	v35 =	vadd.f32 v35, v38;
	v38 =	vadd.f32 v58, v60;
	v58 =	vperm.xlane v31, v17;
	v57 =	vpop (erf)  }
0xf6: {  	v59 =	vperm.xlane v57, v1;
	v61 =	vperm.xlane v57, v2  }
0xf7: {  	v62 =	vperm.xlane v57, v3;
	v35 =	vadd.f32 v63, v35;
	v63 =	vperm.xlane v57, v4  }
0xf8: {  	v47 =	vperm.xlane v57, v5;
	v48 =	vperm.xlane v57, v6  }
0xf9: {  	v50 =	vperm.xlane v57, v7;
	v45 =	vperm.xlane v57, v8  }
0xfa: {  	v55 =	vmul.f32 v9, v59;
	v52 =	vmul.f32 v10, v61  }
0xfb: {  	v57 =	vadd.f32 v38, v36;
	v51 =	vmul.f32 v11, v62;
	v53 =	vmul.f32 v15, v63  }
0xfc: {  	v27 =	vadd.f32 v35, v27;
	v59 =	vperm.xlane v29, v16;
	v61 =	vperm.xlane v29, v17  }
0xfd: {  	v33 =	vadd.f32 v57, v40;
	v62 =	vperm.xlane v29, v18;
	v63 =	vperm.xlane v29, v19  }
0xfe: {  	v57 =	vperm.xlane v24, v16;
	v27 =	vadd.f32 v27, v28;
	v28 =	vperm.xlane v31, v16  }
0xff: {  	v60 =	vmul.f32 v59, v55;
	v35 =	vmul.f32 v61, v52  }
0x100: {  	v54 =	vadd.f32 v33, v39;
	v40 =	vmul.f32 v62, v51;
	v59 =	vperm.xlane v24, v17  }
0x101: {  	v61 =	vperm.xlane v24, v18;
	v27 =	vadd.f32 v27, v30;
	v28 =	vmul.f32 v28, v55  }
0x102: {  	v30 =	vmul.f32 v58, v52;
	v33 =	vadd.f32 v60, v29;
	v58 =	vperm.xlane v22, v17  }
0x103: {  	v56 =	vadd.f32 v27, v26;
	v26 =	vperm.xlane v31, v18;
	v28 =	vadd.f32 v28, v31  }
0x104: {  	v60 =	vperm.xlane v22, v18;
	v37 =	vmul.f32 v59, v52;
	v33 =	vadd.f32 v35, v33  }
0x105: {  	v39 =	vmul.f32 v61, v51;
	v26 =	vmul.f32 v26, v51;
	v28 =	vadd.f32 v30, v28  }
0x106: {  	v61 =	vperm.xlane v32, v16;
	v30 =	vmul.f32 v63, v53;
	v33 =	vadd.f32 v40, v33  }
0x107: {  	v27 =	vperm.xlane v31, v19;
	v26 =	vadd.f32 v26, v28;
	v28 =	vmul.f32 v41, v55  }
0x108: {  	v35 =	vmul.f32 v47, v31;
	v33 =	vadd.f32 v30, v33;
	v30 =	vmul.f32 v57, v55  }
0x109: {  	v36 =	vmul.f32 v58, v52;
	v62 =	vmul.f32 v60, v51;
	v28 =	vadd.f32 v28, v22  }
0x10a: {  	v60 =	vmul.f32 v48, v31;
	v27 =	vmul.f32 v27, v53;
	v30 =	vadd.f32 v30, v24  }
0x10b: {  	v63 =	vperm.xlane v22, v19;
	v57 =	vperm.xlane v24, v19;
	v28 =	vadd.f32 v36, v28  }
0x10c: {  	v41 =	vmul.f32 v61, v55;
	v61 =	vperm.xlane v25, v18;
	v37 =	vadd.f32 v37, v30  }
0x10d: {  	v30 =	vadd.f32 v27, v26;
	v27 =	vadd.f32 v62, v28;
	v28 =	vmul.f32 v63, v53  }
0x10e: {  	v59 =	vmul.f32 v57, v53;
	v58 =	vadd.f32 v39, v37;
	v62 =	vperm.xlane v32, v17  }
0x10f: {  	v26 =	vadd.f32 v33, v35;
	v27 =	vadd.f32 v28, v27;
	v28 =	vmul.f32 v47, v24  }
0x110: {  	v63 =	vperm.xlane v25, v16;
	v33 =	vadd.f32 v59, v58;
	v57 =	vmul.f32 v62, v52  }
0x111: {  	v58 =	vperm.xlane v25, v17;
	v59 =	vperm.xlane v32, v18;
	v27 =	vadd.f32 v27, v28  }
0x112: {  	v28 =	vmul.f32 v48, v29;
	v37 =	vadd.f32 v33, v60;
	v60 =	vperm.xlane v32, v19  }
0x113: {  	v36 =	vmul.f32 v58, v52;
	v62 =	vmul.f32 v59, v51  }
0x114: {  	v33 =	vadd.f32 v41, v32;
	v41 =	vmul.f32 v61, v51;
	v58 =	vperm.xlane v21, v16  }
0x115: {  	v59 =	vperm.xlane v23, v16;
	v27 =	vadd.f32 v27, v28;
	v28 =	vmul.f32 v63, v55  }
0x116: {  	v63 =	vperm.xlane v25, v19;
	v39 =	vmul.f32 v60, v53  }
0x117: {  	v33 =	vadd.f32 v57, v33;
	v38 =	vmul.f32 v58, v55;
	v60 =	vperm.xlane v21, v17  }
0x118: {  	v61 =	vmul.f32 v59, v55;
	v59 =	vmul.f32 v48, v32  }
0x119: {  	v58 =	vperm.xlane v34, v18;
	v28 =	vadd.f32 v28, v25;
	v33 =	vadd.f32 v62, v33  }
0x11a: {  	v57 =	vmul.f32 v63, v53;
	v62 =	vperm.xlane v23, v17;
	v38 =	vadd.f32 v38, v21  }
0x11b: {  	v63 =	vperm.xlane v21, v18;
	v35 =	vadd.f32 v61, v23;
	v61 =	vperm.xlane v21, v19  }
0x11c: {  	v21 =	vmul.f32 v45, v21;
	v28 =	vadd.f32 v36, v28;
	v36 =	vmul.f32 v47, v32  }
0x11d: {  	v33 =	vadd.f32 v39, v33;
	v39 =	vmul.f32 v60, v52;
	v60 =	vperm.xlane v23, v18  }
0x11e: {  	v40 =	vmul.f32 v62, v52;
	v61 =	vmul.f32 v61, v53;
	v28 =	vadd.f32 v41, v28  }
0x11f: {  	v38 =	vadd.f32 v39, v38;
	v39 =	vmul.f32 v63, v51;
	v62 =	vmul.f32 v60, v51  }
0x120: {  	v35 =	vadd.f32 v40, v35;
	v63 =	vperm.xlane v23, v19;
	v60 =	vmul.f32 v50, v31  }
0x121: {  	v31 =	vmul.f32 v45, v31;
	v28 =	vadd.f32 v57, v28;
	v38 =	vadd.f32 v39, v38  }
0x122: {  	v35 =	vadd.f32 v62, v35;
	v62 =	vmul.f32 v63, v53;
	v63 =	vmul.f32 v50, v29  }
0x123: {  	v57 =	vmul.f32 v47, v23;
	v33 =	vadd.f32 v33, v60;
	v38 =	vadd.f32 v61, v38  }
0x124: {  	v60 =	vmul.f32 v48, v25;
	v28 =	vadd.f32 v28, v36;
	v35 =	vadd.f32 v62, v35  }
0x125: {  	v29 =	vmul.f32 v45, v29;
	v61 =	vmul.f32 v50, v24;
	v38 =	vadd.f32 v38, v57  }
0x126: {  	v62 =	vperm.xlane v42, v16;
	v28 =	vadd.f32 v28, v63;
	v35 =	vadd.f32 v35, v59  }
0x127: {  	v63 =	vmul.f32 v50, v22;
	v38 =	vadd.f32 v38, v60;
	v60 =	vperm.xlane v43, v16  }
0x128: {  	v40 =	vmul.f32 v62, v55;
	v35 =	vadd.f32 v35, v61;
	v61 =	vperm.xlane v42, v17  }
0x129: {  	v36 =	vadd.f32 v38, v63;
	v62 =	vmul.f32 v60, v55;
	v63 =	vperm.xlane v43, v17  }
0x12a: {  	v40 =	vadd.f32 v40, v42;
	v60 =	vmul.f32 v61, v52;
	v61 =	vperm.xlane v42, v18  }
0x12b: {  	v38 =	vadd.f32 v62, v43;
	v39 =	vmul.f32 v63, v52;
	v62 =	vperm.xlane v43, v18  }
0x12c: {  	v40 =	vadd.f32 v60, v40;
	v63 =	vmul.f32 v61, v51;
	v60 =	vperm.xlane v42, v19  }
0x12d: {  	v38 =	vadd.f32 v39, v38;
	v61 =	vmul.f32 v62, v51;
	v62 =	vperm.xlane v43, v19  }
0x12e: {  	v25 =	vmul.f32 v45, v25;
	v40 =	vadd.f32 v63, v40;
	v63 =	vmul.f32 v60, v53  }
0x12f: {  	v23 =	vmul.f32 v45, v23;
	v38 =	vadd.f32 v61, v38;
	v60 =	vmul.f32 v62, v53  }
0x130: {  	v57 =	vmul.f32 v47, v42;
	v40 =	vadd.f32 v63, v40;
	v61 =	vperm.xlane v34, v16  }
0x131: {  	v59 =	vperm.xlane v49, v18;
	v62 =	vperm.xlane v49, v16;
	v39 =	vadd.f32 v60, v38  }
0x132: {  	v38 =	vadd.f32 v40, v31;
	v31 =	vmul.f32 v61, v55;
	v60 =	vperm.xlane v34, v17  }
0x133: {  	v63 =	vperm.xlane v49, v17;
	v61 =	vmul.f32 v62, v55  }
0x134: {  	v62 =	vperm.xlane v34, v19;
	v31 =	vadd.f32 v31, v34;
	v40 =	vmul.f32 v60, v52  }
0x135: {  	v39 =	vadd.f32 v39, v57;
	v57 =	vmul.f32 v63, v52;
	v41 =	vadd.f32 v61, v49  }
0x136: {  	v60 =	vperm.xlane v49, v19;
	v31 =	vadd.f32 v40, v31;
	v40 =	vmul.f32 v58, v51  }
0x137: {  	v63 =	vmul.f32 v59, v51;
	v39 =	vadd.f32 v39, v29;
	v29 =	vadd.f32 v57, v41  }
0x138: {  	v24 =	vmul.f32 v45, v24;
	v62 =	vmul.f32 v62, v53;
	v31 =	vadd.f32 v40, v31  }
0x139: {  	v22 =	vmul.f32 v45, v22;
	v61 =	vmul.f32 v60, v53;
	v29 =	vadd.f32 v63, v29  }
0x13a: {  	v34 =	vmul.f32 v50, v34;
	v63 =	vmul.f32 v47, v49;
	v31 =	vadd.f32 v62, v31  }
0x13b: {  	v41 =	vmul.f32 v48, v42;
	v60 =	vperm.xlane v46, v16;
	v29 =	vadd.f32 v61, v29  }
0x13c: {  	v57 =	vperm.xlane v46, v18;
	v61 =	vmul.f32 v48, v43;
	v31 =	vadd.f32 v31, v63  }
0x13d: {  	v58 =	vmul.f32 v60, v55;
	v29 =	vadd.f32 v29, v41;
	v41 =	vperm.xlane v44, v16  }
0x13e: {  	v60 =	vperm.xlane v46, v19;
	v62 =	vperm.xlane v46, v17;
	v31 =	vadd.f32 v31, v61  }
0x13f: {  	v40 =	vadd.f32 v29, v24;
	v24 =	vmul.f32 v41, v55;
	v29 =	vperm.xlane v44, v17  }
0x140: {  	v41 =	vadd.f32 v31, v22;
	v22 =	vmul.f32 v57, v51;
	v31 =	vmul.f32 v60, v53  }
0x141: {  	v24 =	vadd.f32 v24, v44;
	v29 =	vmul.f32 v29, v52;
	v57 =	vperm.xlane v44, v18;
	v60 =	vld.idx.msk [tilespmem:v20+s7+$0x80 ss:$0x1], $0xffff  }
0x142: {  	v58 =	vadd.f32 v58, v46;
	v59 =	vmul.f32 v62, v52;
	v61 =	vperm.xlane v44, v19  }
0x143: {  	v42 =	vmul.f32 v50, v42;
	v24 =	vadd.f32 v29, v24;
	v63 =	vmul.f32 v57, v51  }
0x144: {  	v62 =	vmul.f32 v61, v53;
	v29 =	vmul.f32 v45, v32;
	v57 =	vadd.f32 v59, v58  }
0x145: {  	v59 =	vmul.f32 v47, v46;
	v32 =	vmul.f32 v50, v43;
	v24 =	vadd.f32 v63, v24  }
0x146: {  	v63 =	vperm.xlane v54, v16;
	v22 =	vadd.f32 v22, v57;
	v61 =	vmul.f32 $1.442695020e+00, v60  }
0x147: {  	v60 =	vmul.f32 v48, v46;
	v48 =	vmul.f32 v48, v44;
	v24 =	vadd.f32 v62, v24  }
0x148: {  	v58 =	vmul.f32 v63, v55;
	v62 =	vperm.xlane v54, v17;
	v22 =	vadd.f32 v31, v22  }
0x149: {  	v31 =	vperm.xlane v54, v18;
	(erf) = vpow2.f32 v61;
	v24 =	vadd.f32 v24, v59  }
0x14a: {  	v63 =	vperm.xlane v54, v19;
	v22 =	vadd.f32 v22, v42;
	v59 =	vperm.xlane v56, v16  }
0x14b: {  	v57 =	vmul.f32 v62, v52;
	v31 =	vmul.f32 v31, v51;
	v24 =	vadd.f32 v24, v32  }
0x14c: {  	v32 =	vmul.f32 v63, v53;
	v42 =	vadd.f32 v22, v29;
	v22 =	vmul.f32 v59, v55  }
0x14d: {  	v29 =	vperm.xlane v56, v17;
	v55 =	vperm.xlane v56, v19;
	v43 =	vadd.f32 v24, v25  }
0x14e: {  	v25 =	vperm.xlane v56, v18;
	v22 =	vadd.f32 v22, v56;
	v56 =	vadd.f32 v58, v54  }
0x14f: {  	v24 =	vmul.f32 v50, v49;
	v29 =	vmul.f32 v29, v52  }
0x150: {  	v58 =	vmul.f32 v47, v54;
	v25 =	vmul.f32 v25, v51;
	v59 =	vadd.f32 v57, v56  }
0x151: {  	v22 =	vadd.f32 v29, v22;
	v29 =	vmul.f32 v55, v53;
	v56 =	vperm.xlane v30, v17  }
0x152: {  	v57 =	vperm.xlane v26, v19;
	v61 =	vpop (erf);
	v31 =	vadd.f32 v31, v59;
	v59 =	vperm.xlane v37, v17  }
0x153: {  	v22 =	vadd.f32 v25, v22;
	v25 =	vperm.xlane v61, v1;
	v62 =	vperm.xlane v61, v2  }
0x154: {  	v63 =	vperm.xlane v61, v3;
	v47 =	vperm.xlane v61, v5  }
0x155: {  	v46 =	vperm.xlane v61, v6;
	v45 =	vperm.xlane v61, v7  }
0x156: {  	v44 =	vperm.xlane v61, v8;
	v22 =	vadd.f32 v29, v22;
	v29 =	vperm.xlane v61, v4  }
0x157: {  	v31 =	vadd.f32 v32, v31;
	v61 =	vperm.xlane v37, v18;
	v52 =	vmul.f32 v9, v25  }
0x158: {  	v51 =	vmul.f32 v10, v62;
	v50 =	vmul.f32 v11, v63  }
0x159: {  	v62 =	vperm.xlane v27, v19;
	v63 =	vperm.xlane v37, v19;
	v25 =	vadd.f32 v31, v60  }
0x15a: {  	v55 =	vmul.f32 v45, v30;
	v22 =	vadd.f32 v22, v58;
	v31 =	vperm.xlane v30, v16  }
0x15b: {  	v58 =	vperm.xlane v37, v16;
	v24 =	vadd.f32 v25, v24;
	v25 =	vperm.xlane v26, v16  }
0x15c: {  	v60 =	vperm.xlane v27, v18;
	v22 =	vadd.f32 v22, v48;
	v48 =	vmul.f32 v15, v29  }
0x15d: {  	v49 =	vadd.f32 v24, v23;
	v23 =	vmul.f32 v25, v52;
	v24 =	vperm.xlane v26, v17  }
0x15e: {  	v29 =	vmul.f32 v31, v52;
	v31 =	vmul.f32 v56, v51;
	v22 =	vadd.f32 v22, v34  }
0x15f: {  	v25 =	vperm.xlane v26, v18;
	v23 =	vadd.f32 v23, v26;
	v24 =	vmul.f32 v24, v51  }
0x160: {  	v29 =	vadd.f32 v29, v30;
	v53 =	vadd.f32 v22, v21;
	v21 =	vperm.xlane v30, v18  }
0x161: {  	v32 =	vmul.f32 v59, v51;
	v23 =	vadd.f32 v24, v23;
	v24 =	vmul.f32 v25, v50  }
0x162: {  	v21 =	vmul.f32 v21, v50;
	v25 =	vadd.f32 v31, v29;
	v31 =	vperm.xlane v27, v16  }
0x163: {  	v54 =	vmul.f32 v61, v50;
	v29 =	vmul.f32 v57, v48;
	v23 =	vadd.f32 v24, v23  }
0x164: {  	v21 =	vadd.f32 v21, v25;
	v25 =	vmul.f32 v31, v52;
	v31 =	vperm.xlane v27, v17  }
0x165: {  	v61 =	vperm.xlane v33, v17;
	v23 =	vadd.f32 v29, v23;
	v29 =	vmul.f32 v58, v52  }
0x166: {  	v22 =	vperm.xlane v30, v19;
	v25 =	vadd.f32 v25, v27;
	v31 =	vmul.f32 v31, v51  }
0x167: {  	v59 =	vperm.xlane v28, v19;
	v56 =	vmul.f32 v45, v26;
	v29 =	vadd.f32 v29, v37  }
0x168: {  	v34 =	vmul.f32 v60, v50;
	v22 =	vmul.f32 v22, v48;
	v31 =	vadd.f32 v31, v25  }
0x169: {  	v60 =	vperm.xlane v28, v16;
	v24 =	vmul.f32 v47, v30;
	v29 =	vadd.f32 v32, v29  }
0x16a: {  	v25 =	vadd.f32 v22, v21;
	v22 =	vmul.f32 v62, v48;
	v21 =	vadd.f32 v34, v31  }
0x16b: {  	v32 =	vadd.f32 v23, v24;
	v24 =	vmul.f32 v63, v48;
	v23 =	vadd.f32 v54, v29  }
0x16c: {  	v57 =	vperm.xlane v33, v18;
	v21 =	vadd.f32 v22, v21;
	v22 =	vmul.f32 v47, v37  }
0x16d: {  	v58 =	vperm.xlane v33, v19;
	v29 =	vmul.f32 v46, v30;
	v23 =	vadd.f32 v24, v23  }
0x16e: {  	v24 =	vmul.f32 v46, v26;
	v21 =	vadd.f32 v21, v22;
	v22 =	vperm.xlane v33, v16  }
0x16f: {  	v62 =	vperm.xlane v28, v17;
	v31 =	vadd.f32 v23, v29;
	v23 =	vmul.f32 v60, v52  }
0x170: {  	v63 =	vperm.xlane v28, v18;
	v29 =	vadd.f32 v21, v24;
	v21 =	vmul.f32 v22, v52  }
0x171: {  	v30 =	vmul.f32 v44, v30;
	v24 =	vmul.f32 v62, v51;
	v23 =	vadd.f32 v23, v28  }
0x172: {  	v26 =	vmul.f32 v44, v26;
	v22 =	vmul.f32 v61, v51;
	v21 =	vadd.f32 v21, v33  }
0x173: {  	v61 =	vperm.xlane v35, v16;
	v23 =	vadd.f32 v24, v23;
	v24 =	vmul.f32 v63, v50  }
0x174: {  	v62 =	vperm.xlane v35, v17;
	v21 =	vadd.f32 v22, v21;
	v22 =	vmul.f32 v57, v50  }
0x175: {  	v60 =	vmul.f32 v58, v48;
	v23 =	vadd.f32 v24, v23;
	v24 =	vmul.f32 v59, v48  }
0x176: {  	v34 =	vmul.f32 v61, v52;
	v54 =	vmul.f32 v62, v51;
	v21 =	vadd.f32 v22, v21  }
0x177: {  	v22 =	vmul.f32 v47, v33;
	v23 =	vadd.f32 v24, v23;
	v24 =	vperm.xlane v36, v16  }
0x178: {  	v34 =	vadd.f32 v34, v35;
	v63 =	vperm.xlane v35, v18;
	v57 =	vperm.xlane v35, v19  }
0x179: {  	v22 =	vadd.f32 v23, v22;
	v23 =	vmul.f32 v24, v52;
	v24 =	vperm.xlane v36, v17  }
0x17a: {  	v34 =	vadd.f32 v54, v34;
	v21 =	vadd.f32 v60, v21;
	v60 =	vperm.xlane v36, v18  }
0x17b: {  	v54 =	vmul.f32 v63, v50;
	v23 =	vadd.f32 v23, v36;
	v24 =	vmul.f32 v24, v51  }
0x17c: {  	v58 =	vmul.f32 v60, v50;
	v60 =	vperm.xlane v36, v19  }
0x17d: {  	v61 =	vmul.f32 v57, v48;
	v63 =	vmul.f32 v46, v33;
	v59 =	vadd.f32 v24, v23  }
0x17e: {  	v62 =	vmul.f32 v60, v48;
	v24 =	vadd.f32 v21, v55;
	v21 =	vadd.f32 v54, v34  }
0x17f: {  	v60 =	vmul.f32 v47, v35;
	v23 =	vadd.f32 v22, v56;
	v22 =	vadd.f32 v58, v59  }
0x180: {  	v55 =	vmul.f32 v45, v37;
	v56 =	vmul.f32 v46, v28;
	v21 =	vadd.f32 v61, v21  }
0x181: {  	v34 =	vmul.f32 v45, v27;
	v61 =	vperm.xlane v39, v16;
	v22 =	vadd.f32 v62, v22  }
0x182: {  	v58 =	vperm.xlane v39, v18;
	v59 =	vperm.xlane v38, v18;
	v21 =	vadd.f32 v21, v63  }
0x183: {  	v62 =	vperm.xlane v38, v16;
	v63 =	vperm.xlane v38, v17;
	v54 =	vadd.f32 v22, v60  }
0x184: {  	v22 =	vadd.f32 v21, v55;
	v21 =	vmul.f32 v61, v52;
	v60 =	vperm.xlane v39, v17  }
0x185: {  	v58 =	vmul.f32 v58, v50;
	v61 =	vmul.f32 v62, v52  }
0x186: {  	v57 =	vmul.f32 v63, v51;
	v21 =	vadd.f32 v21, v39;
	v55 =	vmul.f32 v60, v51  }
0x187: {  	v62 =	vmul.f32 v59, v50;
	v54 =	vadd.f32 v54, v56;
	v56 =	vadd.f32 v61, v38  }
0x188: {  	v60 =	vperm.xlane v38, v19;
	v61 =	vperm.xlane v39, v19;
	v55 =	vadd.f32 v55, v21  }
0x189: {  	v59 =	vperm.xlane v40, v18;
	v21 =	vadd.f32 v54, v34;
	v34 =	vadd.f32 v57, v56  }
0x18a: {  	v56 =	vmul.f32 v60, v48;
	v63 =	vmul.f32 v61, v48;
	v55 =	vadd.f32 v58, v55  }
0x18b: {  	v60 =	vperm.xlane v40, v16;
	v61 =	vmul.f32 v47, v38  }
0x18c: {  	v34 =	vadd.f32 v62, v34;
	v62 =	vperm.xlane v41, v16;
	v55 =	vadd.f32 v63, v55  }
0x18d: {  	v54 =	vmul.f32 v60, v52;
	v63 =	vperm.xlane v40, v17  }
0x18e: {  	v60 =	vmul.f32 v62, v52;
	v55 =	vadd.f32 v55, v61;
	v61 =	vperm.xlane v41, v17  }
0x18f: {  	v34 =	vadd.f32 v56, v34;
	v54 =	vadd.f32 v54, v40;
	v56 =	vmul.f32 v63, v51  }
0x190: {  	v57 =	vadd.f32 v60, v41;
	v60 =	vperm.xlane v41, v18;
	v58 =	vmul.f32 v61, v51  }
0x191: {  	v54 =	vadd.f32 v56, v54;
	v56 =	vmul.f32 v59, v50;
	v59 =	vperm.xlane v40, v19  }
0x192: {  	v57 =	vadd.f32 v58, v57;
	v58 =	vmul.f32 v60, v50;
	v60 =	vperm.xlane v41, v19  }
0x193: {  	v33 =	vmul.f32 v44, v33;
	v54 =	vadd.f32 v56, v54;
	v62 =	vmul.f32 v59, v48  }
0x194: {  	v34 =	vadd.f32 v34, v30;
	v57 =	vadd.f32 v58, v57;
	v63 =	vmul.f32 v60, v48  }
0x195: {  	v30 =	vadd.f32 v55, v26;
	v26 =	vadd.f32 v62, v54;
	v60 =	vmul.f32 v46, v38  }
0x196: {  	v37 =	vmul.f32 v44, v37;
	v62 =	vmul.f32 v47, v40;
	v61 =	vadd.f32 v63, v57  }
0x197: {  	v56 =	vmul.f32 v44, v27;
	v26 =	vadd.f32 v26, v60;
	v60 =	vperm.xlane v42, v16  }
0x198: {  	v63 =	vmul.f32 v46, v39;
	v55 =	vadd.f32 v61, v62;
	v61 =	vperm.xlane v42, v17  }
0x199: {  	v27 =	vadd.f32 v26, v37;
	v26 =	vmul.f32 v60, v52;
	v62 =	vperm.xlane v42, v18  }
0x19a: {  	v54 =	vadd.f32 v55, v63;
	v55 =	vmul.f32 v61, v51;
	v63 =	vperm.xlane v43, v16  }
0x19b: {  	v60 =	vadd.f32 v26, v42;
	v37 =	vmul.f32 v62, v50;
	v61 =	vperm.xlane v42, v19  }
0x19c: {  	v26 =	vadd.f32 v54, v56;
	v62 =	vmul.f32 v63, v52;
	v63 =	vperm.xlane v43, v17  }
0x19d: {  	v55 =	vadd.f32 v55, v60;
	v57 =	vmul.f32 v61, v48;
	v60 =	vperm.xlane v43, v18  }
0x19e: {  	v61 =	vperm.xlane v43, v19;
	v54 =	vadd.f32 v62, v43;
	v56 =	vmul.f32 v63, v51  }
0x19f: {  	v37 =	vadd.f32 v37, v55;
	v55 =	vmul.f32 v60, v50;
	v62 =	vperm.xlane v53, v16  }
0x1a0: {  	v63 =	vperm.xlane v49, v16;
	v54 =	vadd.f32 v56, v54;
	v56 =	vmul.f32 v61, v48  }
0x1a1: {  	v60 =	vmul.f32 v62, v52;
	v61 =	vperm.xlane v53, v17  }
0x1a2: {  	v37 =	vadd.f32 v57, v37;
	v52 =	vmul.f32 v63, v52;
	v62 =	vperm.xlane v49, v17  }
0x1a3: {  	v63 =	vperm.xlane v53, v18;
	v57 =	vadd.f32 v60, v53;
	v58 =	vmul.f32 v61, v51  }
0x1a4: {  	v52 =	vadd.f32 v52, v49;
	v51 =	vmul.f32 v62, v51;
	v60 =	vperm.xlane v49, v18  }
0x1a5: {  	v61 =	vmul.f32 v63, v50;
	v53 =	vperm.xlane v53, v19;
	v57 =	vadd.f32 v58, v57  }
0x1a6: {  	v62 =	vperm.xlane v49, v19;
	v51 =	vadd.f32 v51, v52;
	v50 =	vmul.f32 v60, v50  }
0x1a7: {  	v41 =	vmul.f32 v45, v41;
	v53 =	vmul.f32 v53, v48;
	v63 =	vadd.f32 v61, v57  }
0x1a8: {  	v54 =	vadd.f32 v55, v54;
	v48 =	vmul.f32 v62, v48;
	v50 =	vadd.f32 v50, v51  }
0x1a9: {  	v57 =	vmul.f32 v47, v42;
	v47 =	vmul.f32 v47, v49;
	v58 =	vadd.f32 v53, v63  }
0x1aa: {  	v38 =	vmul.f32 v45, v38;
	v43 =	vmul.f32 v46, v43;
	v54 =	vadd.f32 v56, v54  }
0x1ab: {  	v42 =	vmul.f32 v46, v42;
	v59 =	vadd.f32 v48, v50;
	v47 =	vadd.f32 v58, v47  }
0x1ac: {  	p0 =	sne.s32 s6, $0x800;
	v39 =	vmul.f32 v45, v39;
	v37 =	vadd.f32 v37, v38;
	v60 =	vadd.f32 v54, v57  }
.Ltmp3:
0x1ad: {  	v40 =	vmul.f32 v45, v40;
	v38 =	vadd.f32 v59, v42;
	v61 =	vadd.f32 v47, v43;
	(pc) =	sbr.rel @p0 .LBB2_7-.Ltmp3, $4  }
0x1ae: {  	v35 =	vmul.f32 v44, v35;
	v28 =	vmul.f32 v44, v28;
	v39 =	vadd.f32 v60, v39  }
0x1af: {  	v63 =	vmul.f32 v44, v36;
	v38 =	vadd.f32 v38, v40;
	v62 =	vadd.f32 v61, v41  }
0x1b0: {  	v36 =	vadd.f32 v37, v33;
	v33 =	vadd.f32 v39, v28  }
0x1b1: {  	s6 =	sadd.s32 $0x800, s6;
	v35 =	vadd.f32 v38, v35;
	v28 =	vadd.f32 v62, v63  }
0x1b2: {  	v20 =	vmax.f32 v25, v32  }
0x1b3: {  	v20 =	vmax.f32 v20, v31  }
0x1b4: {  	v20 =	vmax.f32 v20, v29  }
0x1b5: {  	v20 =	vmax.f32 v20, v24  }
0x1b6: {  	v20 =	vmax.f32 v20, v23  }
0x1b7: {  	v20 =	vmax.f32 v20, v22  }
0x1b8: {  	v20 =	vmax.f32 v20, v21  }
0x1b9: {  	v20 =	vmax.f32 v20, v34  }
0x1ba: {  	v20 =	vmax.f32 v20, v30  }
0x1bb: {  	v20 =	vmax.f32 v20, v27  }
0x1bc: {  	v20 =	vmax.f32 v20, v26  }
0x1bd: {  	v20 =	vmax.f32 v20, v36  }
0x1be: {  	v20 =	vmax.f32 v20, v33  }
0x1bf: {  	v20 =	vmax.f32 v20, v35  }
0x1c0: {  	v20 =	vmax.f32 v20, v28  }
0x1c1: {  	v37 =	vperm.xlane v20, v12;
	_ =	sdelay $0x1  }
0x1c2: {  	v20 =	vmax.f32 v20, v37  }
0x1c3: {  	v37 =	vperm.xlane v20, v13;
	_ =	sdelay $0x1  }
0x1c4: {  	v20 =	vmax.f32 v20, v37  }
0x1c5: {  	v37 =	vperm.xlane v20, v14;
	_ =	sdelay $0x1  }
0x1c6: {  	v20 =	vmax.f32 v20, v37  }
0x1c7: {  	v37 =	vperm.xlane v20, v19;
	_ =	sdelay $0x1  }
0x1c8: {  	v20 =	vmax.f32 v20, v37  }
0x1c9: {  	v20 =	vshrl.u32 v20, $0x17  }
0x1ca: {  	v20 =	vand.u32 $0xFF, v20  }
0x1cb: {  	v63 =	vshll.u32 v20, $0x17  }
0x1cc: {  	v37 =	vsub.s32 $0x7F000000, v63  }
0x1cd: {  	v25 =	vmul.f32 v37, v25;
	v32 =	vmul.f32 v37, v32  }
0x1ce: {  	s4 =	sadd.s32 $0x1, s4;
	v31 =	vmul.f32 v37, v31;
	v29 =	vmul.f32 v37, v29  }
0x1cf: {  	p0 =	sne.s32 s4, $0x20;
	v24 =	vmul.f32 v37, v24;
	v23 =	vmul.f32 v37, v23  }
.Ltmp4:
0x1d0: {  	v22 =	vmul.f32 v37, v22;
	v21 =	vmul.f32 v37, v21;
	(pc) =	sbr.rel @p0 .LBB2_6-.Ltmp4, $4  }
0x1d1: {  	v34 =	vmul.f32 v37, v34;
	v30 =	vmul.f32 v37, v30  }
0x1d2: {  	v27 =	vmul.f32 v37, v27;
	v26 =	vmul.f32 v37, v26  }
0x1d3: {  	v0 =	vadd.s32 v20, v0;
	v36 =	vmul.f32 v37, v36;
	v33 =	vmul.f32 v37, v33  }
0x1d4: {  	s5 =	sadd.s32 $0x400, s5;
	v0 =	vadd.s32 $0xFFFFFF81, v0;
	v35 =	vmul.f32 v37, v35;
	v28 =	vmul.f32 v37, v28  }
0x1d5: {  	p0 =	sne.s32 s1, $0x0  }
.Ltmp5:
0x1d6: {  	_ = 	snop;
	(pc) =	sbr.rel @!p0 .LBB2_10-.Ltmp5, $1  }
0x1d7: {  	_ =	sdelay $0x3  }
0x1d8: {  	[tilespmem:$0x8400] =	vst v25  }
0x1d9: {  	[tilespmem:$0x8480] =	vst v32  }
0x1da: {  	[tilespmem:$0x8500] =	vst v31  }
0x1db: {  	[tilespmem:$0x8580] =	vst v29  }
0x1dc: {  	[tilespmem:$0x8600] =	vst v24  }
0x1dd: {  	[tilespmem:$0x8680] =	vst v23  }
0x1de: {  	[tilespmem:$0x8700] =	vst v22  }
0x1df: {  	[tilespmem:$0x8780] =	vst v21  }
0x1e0: {  	[tilespmem:$0x8800] =	vst v34  }
0x1e1: {  	[tilespmem:$0x8880] =	vst v30  }
0x1e2: {  	[tilespmem:$0x8900] =	vst v27  }
0x1e3: {  	[tilespmem:$0x8980] =	vst v26  }
0x1e4: {  	[tilespmem:$0x8A00] =	vst v36  }
0x1e5: {  	[tilespmem:$0x8A80] =	vst v33  }
0x1e6: {  	[tilespmem:$0x8B00] =	vst v35  }
0x1e7: {  	[tilespmem:$0x8B80] =	vst v28  }
0x1e8: {  	[tilespmem:$0x8C00] =	vst v0;
	s2 =	simm.s32 $0x8400;
	s31 =	simm.s32 $0x1  }
0x1e9: {  	[spmem:s3] =	stream.linear.scatter [tilespmem:s2], [sflag:$0x1], $0x880, $0x38;
	[tilespmem:$0x9C98] =	vst v63  }
.Ltmp6:
0x1ea: {  	_ =	swait.ge [sflag:s31], $0x880;
	(pc) =	sbr.rel .LBB2_12-.Ltmp6, $3  }
0x1eb: {  	[sflag:s31] =	ssyncset.done $0x0  }
0x1ec: {  	[sflag:s31] =	ssyncadd.s32 $0xFFFFF780  }
0x1ed: {  	[bflag:$0x0] =	sbarrier.arrive $0xFFFF;
	_ =	sdelay $0x1  }
.LBB2_3:
.Ltmp7:
0x1ee: {  	(pc) =	sbr.rel .LBB2_12-.Ltmp7, $2  }
0x1ef: {  	_ =	sdelay $0x1  }
0x1f0: {  	[bflag:$0x0] =	sbarrier.arrive $0xFFFF;
	_ =	sdelay $0x1  }
.LBB2_10:
0x1f1: {  	v1 =	vld [tilespmem:$0x8000];
	_ =	sdelay $0x4  }
0x1f2: {  	v54 =	vimm.s32 $0x0;
	v1 =	vmul.f32 $1.442695020e+00, v1  }
0x1f3: {  	v2 =	vimm.f32 $1.000000000e+00;
	v4 =	vimm.s32 $0x1;
	v5 =	vimm.s32 $0x2  }
0x1f4: {  	v55 =	vimm.s32 $0x3;
	v6 =	vimm.s32 $0x4;
	(erf) = vpow2.f32 v1  }
0x1f5: {  	v56 =	vimm.s32 $0x5;
	v9 =	vimm.s32 $0x6;
	v10 =	vimm.s32 $0xEFCDAB89  }
0x1f6: {  	v12 =	vimm.s32 $0x67452301;
	v14 =	vimm.s32 $0x7;
	v60 =	vimm.s32 $0xDCFE98BA  }
0x1f7: {  	v61 =	vimm.s32 $0x54761032;
	v18 =	vimm.s32 $0xBA98FEDC;
	v19 =	vimm.s32 $0x32107654  }
0x1f8: {  	v3 =	vsel vm1, $0x0, v2;
	v10 =	vunpack.c.l.s4.s8 v10;
	v12 =	vunpack.c.l.s4.s8 v12  }
0x1f9: {  	v20 =	vimm.s32 $0xFEDCBA98;
	v37 =	vimm.s32 $0x76543210;
	v3 =	vsel vm7, $0x0, v3  }
0x1fa: {  	v3 =	vsel vm8, $0x0, v3;
	v15 =	vunpack.c.0.s8.s32 v10;
	v16 =	vunpack.c.0.s8.s32 v12  }
0x1fb: {  	v57 =	vsel vm5, $0x0, v2;
	v58 =	vsel vm0, $0x0, v2;
	v3 =	vsel vm9, $0x0, v3  }
0x1fc: {  	v3 =	vsel vm10, $0x0, v3;
	v59 =	vcombine.low v16, v15;
	v15 =	vunpack.c.l.s4.s8 v19  }
0x1fd: {  	v2 =	vsel vm14, $0x0, v2;
	v62 =	vunpack.c.l.s4.s8 v61;
	v3 =	vsel vm11, $0x0, v3;
	v11 =	vpop (erf)  }
0x1fe: {  	v3 =	vsel vm4, $0x0, v3;
	v15 =	vunpack.c.0.s8.s32 v15;
	v1 =	vperm.xlane v11, v54  }
0x1ff: {  	v3 =	vsel vm2, $0x0, v3;
	v4 =	vperm.xlane v11, v4;
	v8 =	vperm.xlane v11, v5  }
0x200: {  	v13 =	vperm.xlane v11, v55;
	v5 =	vperm.xlane v11, v9;
	v9 =	vsel vm6, $0x0, v57  }
0x201: {  	v7 =	vperm.xlane v11, v6;
	v6 =	vperm.xlane v11, v56;
	v9 =	vsel vm3, $0x0, v9  }
0x202: {  	v11 =	vperm.xlane v11, v14;
	v9 =	vsel vm12, $0x0, v9;
	v12 =	vmul.f32 v3, v1  }
0x203: {  	v1 =	vsel vm13, $0x0, v58;
	v3 =	vunpack.c.0.s8.s32 v62;
	v56 =	vmul.f32 v7, v25  }
0x204: {  	v10 =	vmul.f32 v9, v4;
	v9 =	vmul.f32 v1, v8;
	v1 =	vand.u32 $0xF, v59  }
0x205: {  	v4 =	vunpack.c.l.s4.s8 v60;
	v8 =	vmul.f32 v2, v13;
	v63 =	vperm.xlane v25, v1  }
0x206: {  	v13 =	vunpack.c.l.s4.s8 v18;
	v18 =	vperm.xlane v32, v1;
	v55 =	vperm.xlane v31, v1  }
0x207: {  	v57 =	vperm.xlane v29, v1;
	v4 =	vunpack.c.0.s8.s32 v4;
	v17 =	vmul.f32 v63, v12  }
0x208: {  	v13 =	vunpack.c.0.s8.s32 v13;
	v41 =	vmul.f32 v18, v12;
	v58 =	vmul.f32 v55, v12  }
0x209: {  	v16 =	vunpack.c.l.s4.s8 v20;
	v60 =	vmul.f32 v57, v12;
	v57 =	vperm.xlane v22, v1  }
0x20a: {  	v3 =	vcombine.low v3, v4;
	v4 =	vunpack.c.l.s4.s8 v37;
	v38 =	vcombine.low v15, v13  }
0x20b: {  	v43 =	vadd.f32 v41, v32;
	v15 =	vadd.f32 v58, v31;
	v41 =	vmul.f32 v6, v25  }
0x20c: {  	v58 =	vmul.f32 v7, v24;
	v2 =	vand.u32 $0xF, v3;
	v39 =	vunpack.c.0.s8.s32 v4  }
0x20d: {  	v4 =	vand.u32 $0xF, v38;
	v42 =	vperm.xlane v32, v2;
	v19 =	vperm.xlane v25, v2  }
0x20e: {  	v16 =	vunpack.c.0.s8.s32 v16;
	v45 =	vperm.xlane v32, v4;
	v47 =	vperm.xlane v25, v4  }
0x20f: {  	v59 =	vperm.xlane v31, v2;
	v61 =	vperm.xlane v29, v2  }
0x210: {  	v40 =	vand.u32 $0xF, v16;
	v62 =	vperm.xlane v31, v4;
	v20 =	vperm.xlane v29, v4  }
0x211: {  	v3 =	vcombine.low v40, v39;
	v44 =	vmul.f32 v42, v10  }
0x212: {  	v46 =	vmul.f32 v19, v10;
	v48 =	vmul.f32 v45, v9  }
0x213: {  	v50 =	vmul.f32 v47, v9;
	v16 =	vmul.f32 v59, v10  }
0x214: {  	v18 =	vmul.f32 v61, v10;
	v63 =	vmul.f32 v62, v9  }
0x215: {  	v38 =	vmul.f32 v20, v9;
	v45 =	vperm.xlane v24, v1  }
0x216: {  	v47 =	vperm.xlane v23, v2;
	v59 =	vperm.xlane v21, v1  }
0x217: {  	v61 =	vperm.xlane v22, v2;
	v49 =	vperm.xlane v32, v3  }
0x218: {  	v51 =	vperm.xlane v25, v3;
	v37 =	vperm.xlane v31, v3  }
0x219: {  	v39 =	vperm.xlane v29, v3;
	v13 =	vadd.f32 v44, v43;
	v43 =	vmul.f32 v7, v31  }
0x21a: {  	v17 =	vadd.f32 v17, v25;
	v44 =	vmul.f32 v6, v32;
	v62 =	vmul.f32 v59, v12  }
0x21b: {  	v52 =	vmul.f32 v49, v8;
	v54 =	vmul.f32 v51, v8  }
0x21c: {  	v17 =	vadd.f32 v46, v17;
	v40 =	vmul.f32 v37, v8;
	v42 =	vmul.f32 v39, v8  }
0x21d: {  	v15 =	vadd.f32 v16, v15;
	v37 =	vperm.xlane v23, v1;
	v49 =	vperm.xlane v23, v4  }
0x21e: {  	v39 =	vperm.xlane v24, v4;
	v51 =	vperm.xlane v23, v3;
	v13 =	vadd.f32 v48, v13  }
0x21f: {  	v53 =	vadd.f32 v50, v17;
	v17 =	vadd.f32 v60, v29;
	v60 =	vmul.f32 v57, v12  }
0x220: {  	v15 =	vadd.f32 v63, v15;
	v63 =	vperm.xlane v21, v2;
	v57 =	vmul.f32 v5, v29  }
0x221: {  	v46 =	vmul.f32 v37, v12;
	v37 =	vmul.f32 v47, v10  }
0x222: {  	v50 =	vmul.f32 v49, v9;
	v55 =	vmul.f32 v51, v8;
	v14 =	vadd.f32 v52, v13  }
0x223: {  	v13 =	vadd.f32 v54, v53;
	v17 =	vadd.f32 v18, v17;
	v18 =	vmul.f32 v45, v12  }
0x224: {  	v15 =	vadd.f32 v40, v15;
	v40 =	vperm.xlane v24, v3;
	v53 =	vmul.f32 v39, v9  }
0x225: {  	v20 =	vadd.f32 v60, v22;
	v39 =	vmul.f32 v63, v10;
	v60 =	vperm.xlane v30, v2  }
0x226: {  	v63 =	vperm.xlane v30, v4;
	v19 =	vadd.f32 v46, v23;
	v46 =	vperm.xlane v22, v3  }
0x227: {  	v14 =	vadd.f32 v14, v56;
	v17 =	vadd.f32 v38, v17;
	v38 =	vperm.xlane v24, v2  }
0x228: {  	v15 =	vadd.f32 v15, v41;
	v54 =	vmul.f32 v40, v8;
	v56 =	vmul.f32 v5, v25  }
0x229: {  	v18 =	vadd.f32 v18, v24;
	v41 =	vperm.xlane v21, v4;
	v40 =	vmul.f32 v60, v10  }
0x22a: {  	v60 =	vperm.xlane v26, v3;
	v19 =	vadd.f32 v37, v19;
	v49 =	vmul.f32 v46, v8  }
0x22b: {  	v37 =	vadd.f32 v62, v21;
	v62 =	vperm.xlane v34, v2;
	v46 =	vperm.xlane v30, v3  }
0x22c: {  	v17 =	vadd.f32 v42, v17;
	v48 =	vmul.f32 v38, v10;
	v38 =	vmul.f32 v61, v10  }
0x22d: {  	v47 =	vmul.f32 v41, v9;
	v42 =	vmul.f32 v5, v32;
	v19 =	vadd.f32 v50, v19  }
0x22e: {  	v37 =	vadd.f32 v39, v37;
	v41 =	vmul.f32 v62, v10;
	v17 =	vadd.f32 v17, v43  }
0x22f: {  	v62 =	vperm.xlane v27, v3;
	v52 =	vadd.f32 v48, v18;
	v20 =	vadd.f32 v38, v20  }
0x230: {  	v48 =	vperm.xlane v21, v3;
	v43 =	vperm.xlane v34, v4;
	v19 =	vadd.f32 v55, v19  }
0x231: {  	v55 =	vmul.f32 v6, v23;
	v16 =	vadd.f32 v17, v44;
	v44 =	vperm.xlane v22, v4  }
0x232: {  	v17 =	vadd.f32 v53, v52;
	v50 =	vmul.f32 v48, v8;
	v52 =	vmul.f32 v6, v24  }
0x233: {  	v37 =	vadd.f32 v47, v37;
	v53 =	vmul.f32 v5, v31;
	v47 =	vmul.f32 v43, v9  }
0x234: {  	v48 =	vperm.xlane v34, v3;
	v19 =	vadd.f32 v19, v58;
	v58 =	vperm.xlane v34, v1  }
0x235: {  	v17 =	vadd.f32 v54, v17;
	v45 =	vmul.f32 v44, v9;
	v54 =	vmul.f32 v7, v22  }
0x236: {  	v37 =	vadd.f32 v50, v37;
	v50 =	vmul.f32 v48, v8;
	v44 =	vperm.xlane v27, v4  }
0x237: {  	v61 =	vmul.f32 v58, v12;
	v58 =	vperm.xlane v26, v4  }
0x238: {  	v20 =	vadd.f32 v45, v20;
	v18 =	vadd.f32 v17, v56;
	v56 =	vperm.xlane v30, v1  }
0x239: {  	v17 =	vadd.f32 v19, v42;
	v37 =	vadd.f32 v37, v54;
	v45 =	vmul.f32 v63, v9  }
0x23a: {  	v63 =	vmul.f32 v11, v25;
	v51 =	vadd.f32 v49, v20;
	v59 =	vmul.f32 v56, v12  }
0x23b: {  	v20 =	vadd.f32 v37, v55;
	v49 =	vmul.f32 v46, v8;
	v55 =	vperm.xlane v26, v2  }
0x23c: {  	v37 =	vadd.f32 v61, v34;
	v61 =	vmul.f32 v44, v9;
	v46 =	vmul.f32 v11, v32  }
0x23d: {  	v19 =	vadd.f32 v51, v52;
	v38 =	vadd.f32 v59, v30;
	v51 =	vperm.xlane v26, v1  }
0x23e: {  	v20 =	vadd.f32 v20, v57;
	v52 =	vmul.f32 v7, v34;
	v57 =	vperm.xlane v27, v2  }
0x23f: {  	v37 =	vadd.f32 v41, v37;
	v41 =	vmul.f32 v55, v10;
	v59 =	vmul.f32 v58, v9  }
0x240: {  	v55 =	vperm.xlane v36, v2;
	v19 =	vadd.f32 v19, v53;
	v53 =	vperm.xlane v27, v1  }
0x241: {  	v38 =	vadd.f32 v40, v38;
	v54 =	vmul.f32 v51, v12;
	v42 =	vmul.f32 v57, v10  }
0x242: {  	v37 =	vadd.f32 v47, v37;
	v47 =	vmul.f32 v62, v8;
	v51 =	vmul.f32 v6, v34  }
0x243: {  	v57 =	vperm.xlane v33, v1;
	v62 =	vperm.xlane v36, v4  }
0x244: {  	v38 =	vadd.f32 v45, v38;
	v37 =	vadd.f32 v50, v37;
	v56 =	vmul.f32 v53, v12  }
0x245: {  	v40 =	vadd.f32 v54, v26;
	v45 =	vmul.f32 v60, v8;
	v53 =	vmul.f32 v6, v30  }
0x246: {  	v54 =	vperm.xlane v36, v1;
	v60 =	vmul.f32 v57, v12;
	v38 =	vadd.f32 v49, v38  }
0x247: {  	v57 =	vmul.f32 v5, v34;
	v39 =	vadd.f32 v56, v27;
	v40 =	vadd.f32 v41, v40  }
0x248: {  	v25 =	vadd.f32 v37, v63;
	v49 =	vmul.f32 v7, v27;
	v56 =	vmul.f32 v11, v29  }
0x249: {  	v58 =	vmul.f32 v54, v12;
	v63 =	vperm.xlane v36, v3;
	v38 =	vadd.f32 v38, v52  }
0x24a: {  	v39 =	vadd.f32 v42, v39;
	v40 =	vadd.f32 v59, v40;
	v52 =	vmul.f32 v11, v31  }
0x24b: {  	v59 =	vmul.f32 v55, v10;
	v42 =	vmul.f32 v63, v8  }
0x24c: {  	v39 =	vadd.f32 v61, v39;
	v48 =	vadd.f32 v45, v40;
	v61 =	vperm.xlane v33, v2  }
0x24d: {  	v32 =	vadd.f32 v38, v46;
	v45 =	vperm.xlane v33, v4;
	v46 =	vmul.f32 v62, v9  }
0x24e: {  	v62 =	vmul.f32 v7, v36;
	v7 =	vmul.f32 v7, v35;
	v50 =	vadd.f32 v47, v39  }
0x24f: {  	v37 =	vadd.f32 v48, v49;
	v40 =	vmul.f32 v61, v10;
	v47 =	vperm.xlane v33, v3  }
0x250: {  	v48 =	vmul.f32 v45, v9;
	v61 =	vperm.xlane v35, v3;
	v38 =	vadd.f32 v50, v51  }
0x251: {  	v37 =	vadd.f32 v37, v53;
	v49 =	vmul.f32 v47, v8;
	v50 =	vperm.xlane v28, v1  }
0x252: {  	v51 =	vperm.xlane v35, v1;
	v53 =	vperm.xlane v28, v2;
	v31 =	vadd.f32 v38, v52  }
0x253: {  	v29 =	vadd.f32 v37, v56;
	v38 =	vadd.f32 v58, v36;
	v52 =	vperm.xlane v35, v2  }
0x254: {  	v37 =	vadd.f32 v60, v33;
	v41 =	vmul.f32 v50, v12;
	v12 =	vmul.f32 v51, v12  }
0x255: {  	v56 =	vperm.xlane v28, v4;
	v58 =	vperm.xlane v35, v4;
	v38 =	vadd.f32 v59, v38  }
0x256: {  	[tilespmem:$0x8C00] =	vst v0;
	v54 =	vmul.f32 v52, v10;
	v55 =	vadd.f32 v41, v28;
	v10 =	vmul.f32 v53, v10  }
0x257: {  	[tilespmem:$0x8400] =	vst v13;
	v60 =	vperm.xlane v28, v3;
	v37 =	vadd.f32 v40, v37;
	v12 =	vadd.f32 v12, v35  }
0x258: {  	[tilespmem:$0x8480] =	vst v14;
	v59 =	vmul.f32 v56, v9;
	v9 =	vmul.f32 v58, v9;
	v10 =	vadd.f32 v10, v55  }
0x259: {  	[tilespmem:$0x8500] =	vst v15;
	v63 =	vmul.f32 v60, v8;
	v37 =	vadd.f32 v48, v37;
	v12 =	vadd.f32 v54, v12  }
0x25a: {  	[tilespmem:$0x8580] =	vst v16;
	v8 =	vmul.f32 v61, v8;
	v38 =	vadd.f32 v46, v38;
	v10 =	vadd.f32 v59, v10  }
0x25b: {  	[tilespmem:$0x8600] =	vst v18;
	v35 =	vmul.f32 v5, v30;
	v37 =	vadd.f32 v49, v37;
	v9 =	vadd.f32 v9, v12  }
0x25c: {  	[tilespmem:$0x8680] =	vst v17;
	v40 =	vmul.f32 v5, v27;
	v38 =	vadd.f32 v42, v38;
	v10 =	vadd.f32 v63, v10  }
0x25d: {  	[tilespmem:$0x8780] =	vst v20;
	v34 =	vadd.f32 v37, v62;
	v8 =	vadd.f32 v8, v9;
	v37 =	vmul.f32 v6, v36  }
0x25e: {  	[tilespmem:$0x8700] =	vst v19;
	v41 =	vmul.f32 v11, v23;
	v6 =	vmul.f32 v6, v33;
	v7 =	vadd.f32 v10, v7  }
0x25f: {  	[tilespmem:$0x8800] =	vst v25;
	v28 =	vadd.f32 v38, v57;
	v38 =	vmul.f32 v11, v24;
	v8 =	vadd.f32 v8, v37  }
0x260: {  	[tilespmem:$0x8880] =	vst v32;
	v5 =	vmul.f32 v5, v26;
	v39 =	vadd.f32 v34, v35;
	v6 =	vadd.f32 v7, v6  }
0x261: {  	v43 =	vmul.f32 v11, v22;
	[tilespmem:$0x8900] =	vst v31;
	v42 =	vadd.f32 v28, v38;
	v8 =	vadd.f32 v8, v40  }
0x262: {  	v44 =	vmul.f32 v11, v21;
	[tilespmem:$0x8980] =	vst v29;
	v10 =	vadd.f32 v39, v41;
	v5 =	vadd.f32 v6, v5  }
0x263: {  	[tilespmem:$0x8A00] =	vst v42;
	v8 =	vadd.f32 v8, v43  }
0x264: {  	[tilespmem:$0x8A80] =	vst v10;
	v5 =	vadd.f32 v5, v44  }
0x265: {  	[tilespmem:$0x8B00] =	vst v8  }
0x266: {  	[tilespmem:$0x8B80] =	vst v5  }
0x267: {  	s4 =	simm.s32 $0x9000;
	s30 =	simm.s32 $0x1;
	[bflag:$0x0] =	sbarrier.arrive $0xFFFF  }
0x268: {  	[tilespmem:s4], [sflag:$0x1] =	stream.linear.gather [spmem:s3], $0x880, $0x38;
	[tilespmem:$0x9C98] =	vst v63  }
0x269: {  	_ =	swait.ge [sflag:s30], $0x880  }
0x26a: {  	[sflag:s30] =	ssyncset.done $0x0  }
0x26b: {  	[sflag:s30] =	ssyncadd.s32 $0xFFFFF780  }
0x26c: {  	v45 =	vld [tilespmem:$0x8400]  }
0x26d: {  	v46 =	vld [tilespmem:$0x9780]  }
0x26e: {  	v48 =	vld [tilespmem:$0x9700]  }
0x26f: {  	v47 =	vlaneseq.u32;
	v50 =	vld [tilespmem:$0x9680]  }
0x270: {  	v6 =	vmul.u32 $0xFFFFFFFF, v47;
	v49 =	vld [tilespmem:$0x8480]  }
0x271: {  	v51 =	vld [tilespmem:$0x8500]  }
0x272: {  	v6 =	vadd.s32 $0xF, v6;
	v52 =	vld [tilespmem:$0x9600]  }
0x273: {  	v53 =	vld [tilespmem:$0x8580];
	v5 =	vperm.xlane v46, v6;
	v7 =	vperm.xlane v48, v6  }
0x274: {  	v54 =	vld [tilespmem:$0x9580];
	v55 =	vperm.xlane v50, v6  }
0x275: {  	v56 =	vld [tilespmem:$0x8600];
	v0 =	vmul.f32 v5, v45;
	v7 =	vmul.f32 v7, v49  }
0x276: {  	v57 =	vld [tilespmem:$0x9500]  }
0x277: {  	v60 =	vld [tilespmem:$0x8680];
	v59 =	vperm.xlane v52, v6;
	v58 =	vmul.f32 v55, v51;
	v0 =	vadd.f32 v7, v0  }
0x278: {  	v61 =	vld [tilespmem:$0x9480]  }
0x279: {  	v63 =	vld [tilespmem:$0x8700];
	v62 =	vmul.f32 v59, v53;
	v5 =	vperm.xlane v54, v6;
	v0 =	vadd.f32 v58, v0  }
0x27a: {  	v16 =	vld [tilespmem:$0x9400]  }
0x27b: {  	v18 =	vld [tilespmem:$0x8780];
	v17 =	vperm.xlane v57, v6;
	v5 =	vmul.f32 v5, v56;
	v0 =	vadd.f32 v62, v0  }
0x27c: {  	v19 =	vld [tilespmem:$0x9380]  }
0x27d: {  	v22 =	vld [tilespmem:$0x8800];
	v21 =	vperm.xlane v61, v6;
	v20 =	vmul.f32 v17, v60;
	v0 =	vadd.f32 v5, v0  }
0x27e: {  	v23 =	vld [tilespmem:$0x9300]  }
0x27f: {  	v26 =	vld [tilespmem:$0x8880];
	v25 =	vperm.xlane v16, v6;
	v24 =	vmul.f32 v21, v63;
	v0 =	vadd.f32 v20, v0  }
0x280: {  	v27 =	vld [tilespmem:$0x9280]  }
0x281: {  	v30 =	vld [tilespmem:$0x8900];
	v29 =	vperm.xlane v19, v6;
	v28 =	vmul.f32 v25, v18;
	v0 =	vadd.f32 v24, v0  }
0x282: {  	v31 =	vld [tilespmem:$0x9200]  }
0x283: {  	v34 =	vld [tilespmem:$0x8980];
	v33 =	vperm.xlane v23, v6;
	v32 =	vmul.f32 v29, v22;
	v0 =	vadd.f32 v28, v0  }
0x284: {  	v35 =	vld [tilespmem:$0x9180]  }
0x285: {  	v38 =	vld [tilespmem:$0x8A00];
	v37 =	vperm.xlane v27, v6;
	v36 =	vmul.f32 v33, v26;
	v0 =	vadd.f32 v32, v0  }
0x286: {  	v39 =	vld [tilespmem:$0x9100]  }
0x287: {  	v42 =	vld [tilespmem:$0x8A80];
	v41 =	vperm.xlane v31, v6;
	v40 =	vmul.f32 v37, v30;
	v0 =	vadd.f32 v36, v0  }
0x288: {  	v43 =	vld [tilespmem:$0x9080]  }
0x289: {  	v47 =	vld [tilespmem:$0x9000];
	v44 =	vmul.f32 v41, v34;
	v45 =	vperm.xlane v35, v6;
	v0 =	vadd.f32 v40, v0  }
0x28a: {  	v46 =	vld [tilespmem:$0x8B00]  }
0x28b: {  	v49 =	vperm.xlane v39, v6;
	v48 =	vmul.f32 v45, v38;
	v0 =	vadd.f32 v44, v0  }
0x28c: {  	v50 =	vld [tilespmem:$0x8B80]  }
0x28d: {  	v52 =	vperm.xlane v43, v6;
	v51 =	vmul.f32 v49, v42;
	v0 =	vadd.f32 v48, v0;
	_ =	sdelay $0x1  }
0x28e: {  	v6 =	vperm.xlane v47, v6;
	v53 =	vmul.f32 v52, v46;
	v0 =	vadd.f32 v51, v0;
	_ =	sdelay $0x1  }
0x28f: {  	v54 =	vmul.f32 v6, v50;
	v0 =	vadd.f32 v53, v0;
	_ =	sdelay $0x1  }
0x290: {  	v0 =	vadd.f32 v54, v0;
	_ =	sdelay $0x1  }
0x291: {  	v1 =	vperm.xlane v0, v1;
	_ =	sdelay $0x1  }
0x292: {  	v0 =	vadd.f32 v0, v1;
	_ =	sdelay $0x1  }
0x293: {  	v1 =	vperm.xlane v0, v2;
	_ =	sdelay $0x1  }
0x294: {  	v0 =	vadd.f32 v0, v1;
	_ =	sdelay $0x1  }
0x295: {  	v1 =	vperm.xlane v0, v4;
	_ =	sdelay $0x1  }
0x296: {  	v0 =	vadd.f32 v0, v1;
	_ =	sdelay $0x1  }
0x297: {  	v1 =	vperm.xlane v0, v3;
	_ =	sdelay $0x1  }
0x298: {  	v0 =	vadd.f32 v0, v1;
	_ =	sdelay $0x1  }
0x299: {  	v1 =	vshrl.u32 v0, $0x17  }
0x29a: {  	v1 =	vand.u32 $0xFF, v1  }
0x29b: {  	v55 =	vshll.u32 v1, $0x17  }
0x29c: {  	v2 =	vsub.s32 $0x7F000000, v55  }
0x29d: {  	v0 =	vmul.f32 v2, v0;
	_ =	sdelay $0x1  }
0x29e: {  	v2 =	vadd.f32 $1.000000000e+00, v0;
	_ =	sdelay $0x1  }
0x29f: {  	(erf) = vrcp.f32 v2;
	_ =	sdelay $0x7  }
0x2a0: {  	v56 =	vadd.f32 $-1.000000000e+00, v0  }
0x2a1: {  	v57 =	vpop (erf)  }
0x2a2: {  	v2 =	vmul.f32 v57, v56;
	_ =	sdelay $0x1  }
0x2a3: {  	v3 =	vmul.f32 $6.666666860e-01, v2;
	_ =	sdelay $0x1  }
0x2a4: {  	v3 =	vmul.f32 v3, v2;
	_ =	sdelay $0x1  }
0x2a5: {  	v58 =	vadd.f32 v2, v2;
	v2 =	vmul.f32 v3, v2;
	_ =	sdelay $0x1  }
0x2a6: {  	v2 =	vadd.f32 v2, v58;
	_ =	sdelay $0x1  }
0x2a7: {  	v59 =	vsub.f32 $0.0e+00, v2;
	_ =	sdelay $0x1  }
0x2a8: {  	v3 =	vmul.f32 $1.442695020e+00, v59;
	_ =	sdelay $0x1  }
0x2a9: {  	(erf) = vpow2.f32 v3;
	_ =	sdelay $0x8  }
0x2aa: {  	v3 =	vpop (erf)  }
0x2ab: {  	v3 =	vmul.f32 v3, v0;
	_ =	sdelay $0x1  }
0x2ac: {  	v2 =	vadd.f32 v3, v2;
	_ =	sdelay $0x1  }
0x2ad: {  	v2 =	vadd.f32 $-1.000000000e+00, v2;
	_ =	sdelay $0x1  }
0x2ae: {  	v60 =	vsub.f32 $0.0e+00, v2;
	_ =	sdelay $0x1  }
0x2af: {  	v3 =	vmul.f32 $1.442695020e+00, v60;
	_ =	sdelay $0x1  }
0x2b0: {  	(erf) = vpow2.f32 v3;
	_ =	sdelay $0x2  }
0x2b1: {  	v61 =	vld [tilespmem:$0x8C00]  }
0x2b2: {  	v62 =	vld [tilespmem:$0x9800];
	_ =	sdelay $0x4  }
0x2b3: {  	v3 =	vadd.s32 v62, v61;
	v63 =	vpop (erf)  }
0x2b4: {  	v1 =	vadd.s32 v1, v3;
	v0 =	vmul.f32 v63, v0  }
0x2b5: {  	v1 =	vadd.s32 $0xFFFFFF81, v1  }
0x2b6: {  	v1 =	vcvt.s32.f32 v1;
	v0 =	vadd.f32 v0, v2;
	_ =	sdelay $0x1  }
0x2b7: {  	v1 =	vmul.f32 $6.931471820e-01, v1;
	v0 =	vadd.f32 $-1.000000000e+00, v0;
	_ =	sdelay $0x1  }
0x2b8: {  	v0 =	vadd.f32 v0, v1;
	_ =	sdelay $0x1  }
0x2b9: {  	s31 =	simm.s32 $0x0;
	s5 =	simm.s32 $0x9C18;
	[tilespmem:$0x9C18] =	vst v0  }
0x2ba: {  	[hbm4b:s2+s31] =	stream.linear.scatter [tilespmem:s5], [sflag:$0x1], $0x80, $0x38;
	[tilespmem:$0x9C98] =	vst v63  }
0x2bb: {  	_ =	swait.ge [sflag:s30], $0x80  }
0x2bc: {  	[sflag:s30] =	ssyncset.done $0x0  }
0x2bd: {  	[sflag:s30] =	ssyncadd.s32 $0xFFFFFF80  }
.LBB2_12:
0x2be: {  	_ =	sfence.sel $0x180000  }
0x2bf: {  	[bflag:$0x0] =	sbarrier.arrive $0xFFFF  }
0x2c0: {  	p0 =	sne.s32 s1, $0x0;
	_ =	strace $0x90000047  }
0x2c1: {  	s0 =	sadd.s32 @!p0 $0x100000, s0;
	[bflag:$0x2] =	sbarrier.arrive $0xFFFF  }
0x2c2: {  	[sflag:s0] =	ssyncadd.tile.s32 @!p0 $0x1;
	_ =	shalt  }
.Lfunc_end2:
_tile_overlayer_lowered:
.L_overlay_start_2:
0x2c3: {  	(tag) =	ssettag $0x2  }
0x2c4: {  	s0 =	rddreg [dreg:$0x0];
	s2 =	stileid.u32  }
0x2c5: {  	s1 =	rddreg [dreg:$0x1];
	p0 =	sne.s32 s2, $0x0  }
0x2c6: {  	s3 =	rddreg [dreg:$0x2];
	[bflag:$0x3] =	sbarrier.arrive $0xFFFF;
	s2 =	simm.s32 @!p0 $0x1C01  }
0x2c7: {  	[timem:s3], [sflag:s2] =	dma.local @!p0 [hbm:s0], s1  }
0x2c8: {  	s0 =	simm.s32 @!p0 $0x1  }
0x2c9: {  	_ =	swait.ge @!p0 [sflag:s0], s1  }
0x2ca: {  	s1 =	ssub.s32 @!p0 $0x0, s1;
	[sflag:s0] =	ssyncset.done @!p0 $0x0  }
0x2cb: {  	[sflag:s0] =	ssyncadd.s32 @!p0 s1  }
0x2cc: {  	[bflag:$0x3] =	sbarrier.arrive $0xFFFF  }
0x2cd: {  	_ =	shalt  }

</sc_bundles>
